<compile_context>
chip_gen: v7x
topology: tpu7x:2x2x1
jax: 0.10.2.dev20260603
libtpu: 0.0.44.dev20260713+nightly
codegen_flags: <defaults>
</compile_context>

<pallas_src>
import functools

import numpy as np

import jax
import jax.numpy as jnp
from jax import lax
from jax.experimental import pallas as pl
from jax.experimental.pallas import tpu as pltpu
from jax.experimental.pallas import tpu_sc as plsc


W58 = 58
NQ = 3368
BASE = 64
SQ = 3496
OFF3 = [BASE - (W58 + 1) + dy * W58 + dx for dy in range(3) for dx in range(3)]
SLAB = 3432
ND = 3248
SD = 3376
_VQ_CHUNKS = [(0, 424), (424, 424), (848, 424), (1272, 424), (1696, 424),
              (2120, 424), (2544, 424), (2968, 400)]
NQP = 3392
NBIN = 528


def _rup(n, m):
    return (n + m - 1) // m * m


def _bf(x):
    return x.astype(jnp.bfloat16)


def _np_qmask(n):
    p = np.arange(n)
    y, x = p // W58, p % W58
    ok = (y >= 1) & (y <= 56) & (x >= 1) & (x <= 56)
    return ok.astype(np.float32)[:, None]


_MASKQ = _np_qmask(NQ)
_MASKD = ((np.arange(ND) % W58) < 56).astype(np.float32)[:, None]


def _np_l1mask():
    m = np.zeros((4, _rup(57 * W58, 8), 1), np.float32)
    for ph in range(4):
        r, s = ph // 2, ph % 2
        p = np.arange(m.shape[1])
        u, v = p // W58, p % W58
        ok = (u <= 56) & (v <= 56)
        ok &= (u >= 1) if r == 0 else (u <= 55)
        ok &= (v >= 1) if s == 0 else (v <= 55)
        m[ph, :, 0] = ok.astype(np.float32)
    return m


_MASKL1 = _np_l1mask()


def _taps(ref, offsets, w_ref, n):
    acc = jnp.zeros((n, w_ref.shape[-1]), jnp.float32)
    for t, off in enumerate(offsets):
        acc = acc + jnp.dot(_bf(ref[0, pl.ds(off, n), :]), _bf(w_ref[t]),
                            preferred_element_type=jnp.float32)
    return acc


def _staps(ref, offsets, w_ref, n):
    acc = jnp.zeros((n, w_ref.shape[-1]), jnp.float32)
    for t, off in enumerate(offsets):
        acc = acc + jnp.dot(_bf(ref[pl.ds(off, n), :]), _bf(w_ref[t]),
                            preferred_element_type=jnp.float32)
    return acc


def _staps_relu(ref, offsets, w_ref, n):
    acc = jnp.zeros((n, w_ref.shape[-1]), jnp.float32)
    for t, off in enumerate(offsets):
        xt = jnp.maximum(ref[pl.ds(off, n), :], 0.0)
        acc = acc + jnp.dot(_bf(xt), _bf(w_ref[t]),
                            preferred_element_type=jnp.float32)
    return acc


def _store_frame(sref, val, first):
    C = val.shape[-1]
    sref[pl.ds(BASE, NQ), :] = _bf(val)

    @pl.when(first)
    def _():
        sref[pl.ds(0, BASE), :] = jnp.zeros((BASE, C), jnp.bfloat16)
        sref[pl.ds(BASE + NQ, SQ - BASE - NQ), :] = jnp.zeros(
            (SQ - BASE - NQ, C), jnp.bfloat16)


def _w9(w):
    return jnp.stack([w[:, :, dy, dx].T for dy in range(3) for dx in range(3)])


def _sc_hist(idx_flat):
    N = idx_flat.shape[0]
    per = N // 32
    mesh = plsc.VectorSubcoreMesh(core_axis_name="c", subcore_axis_name="s")

    @functools.partial(
        pl.kernel, mesh=mesh,
        out_type=jax.ShapeDtypeStruct((32, NBIN), jnp.float32),
        compiler_params=pltpu.CompilerParams(needs_layout_passes=False),
        scratch_types=[
            pltpu.VMEM((per,), jnp.int32),
            pltpu.VMEM((NBIN,), jnp.float32),
        ],
    )
    def k(idx_hbm, out_hbm, idx_v, bins_v):
        wid = lax.axis_index("s") * 2 + lax.axis_index("c")
        base = wid * per
        pltpu.sync_copy(idx_hbm.at[pl.ds(base, per)], idx_v)
        zeros16 = jnp.zeros((16,), jnp.float32)
        for j in range(NBIN // 16):
            bins_v[pl.ds(j * 16, 16)] = zeros16
        ones16 = jnp.full((16,), 1.0, jnp.float32)
        for j in range(per // 16):
            v = idx_v[pl.ds(j * 16, 16)]
            plsc.addupdate_scatter(bins_v, [v], ones16)
        pltpu.sync_copy(bins_v, out_hbm.at[wid])

    return k(idx_flat)


def _perp_body(total, h_ref, o_ref):
    counts = jnp.sum(h_ref[...], axis=0, keepdims=True)[:, :512]
    avg = counts / total
    t = jnp.sum(avg * jnp.log(avg + 1e-10), axis=1, keepdims=True)
    o_ref[...] = jnp.exp(-t)


def _l1_body(p_ref, w_ref, b_ref, m_ref, o_ref):
    n = p_ref.shape[-1]
    for ph in range(4):
        acc = jax.lax.dot_general(
            p_ref[0, ph], _bf(w_ref[...]), (((0,), (0,)), ((), ())),
            preferred_element_type=jnp.float32) + b_ref[...]
        acc = jnp.maximum(acc, 0.0)
        acc = acc * m_ref[ph]
        o_ref[0, ph, pl.ds(BASE, n), :] = _bf(acc)
        o_ref[0, ph, pl.ds(0, BASE), :] = jnp.zeros((BASE, acc.shape[1]),
                                                    jnp.bfloat16)
        tail = SLAB - BASE - n
        o_ref[0, ph, pl.ds(BASE + n, tail), :] = jnp.zeros(
            (tail, acc.shape[1]), jnp.bfloat16)


def _l1_call(patches, w1, b1, B, C1):
    npr = patches.shape[3]
    return pl.pallas_call(
        _l1_body,
        grid=(B,),
        in_specs=[
            pl.BlockSpec((1, 4, 48, npr), lambda i: (i, 0, 0, 0)),
            pl.BlockSpec((48, C1), lambda i: (0, 0)),
            pl.BlockSpec((1, C1), lambda i: (0, 0)),
            pl.BlockSpec((4, npr, 1), lambda i: (0, 0, 0)),
        ],
        out_specs=pl.BlockSpec((1, 4, SLAB, C1), lambda i: (i, 0, 0, 0)),
        out_shape=jax.ShapeDtypeStruct((B, 4, SLAB, C1), jnp.bfloat16),
    )(patches, w1, b1.reshape(1, C1), jnp.asarray(_MASKL1))


def _enc_body(total, slab_ref, w2_ref, b2_ref, w3_ref, b3_ref,
              r1a_ref, r1ab_ref, r1b_ref, r1bb_ref,
              r2a_ref, r2ab_ref, r2b_ref, r2bb_ref,
              pw_ref, pb_ref, cbt_ref, nz_ref, mq_ref,
              qf_ref, idx_ref, s1, s2):
    i = pl.program_id(0)
    first = i == 0
    offs2 = [ph * SLAB + BASE - (W58 + 1) + a * W58 + bb
             for ph in range(4) for a in range(2) for bb in range(2)]
    maskq = mq_ref[...]

    a2 = jnp.maximum(_taps(slab_ref, offs2, w2_ref, NQ) + b2_ref[...], 0.0)
    _store_frame(s1, a2 * maskq, first)
    a3 = _staps(s1, OFF3, w3_ref, NQ) + b3_ref[...]
    _store_frame(s2, a3 * maskq, first)
    h = jnp.maximum(_staps_relu(s2, OFF3, r1a_ref, NQ) + r1ab_ref[...], 0.0)
    y = s2[pl.ds(BASE, NQ), :] + jnp.dot(
        _bf(h), _bf(r1b_ref[...]), preferred_element_type=jnp.float32) \
        + r1bb_ref[...]
    _store_frame(s1, y * maskq, first)
    h = jnp.maximum(_staps_relu(s1, OFF3, r2a_ref, NQ) + r2ab_ref[...], 0.0)
    y = s1[pl.ds(BASE, NQ), :] + jnp.dot(
        _bf(h), _bf(r2b_ref[...]), preferred_element_type=jnp.float32) \
        + r2bb_ref[...]
    y = jnp.maximum(y, 0.0)
    _store_frame(s2, y * maskq, first)

    K = cbt_ref.shape[1]
    cbsq = jnp.sum(cbt_ref[...] * cbt_ref[...], axis=0, keepdims=True)
    for st, sz in _VQ_CHUNKS:
        zf = jnp.dot(s2[pl.ds(BASE + st, sz), :], _bf(pw_ref[...]),
                     preferred_element_type=jnp.float32) + pb_ref[...]
        sc = jnp.dot(_bf(zf), _bf(cbt_ref[...]),
                     preferred_element_type=jnp.float32)
        d2 = cbsq - 2.0 * sc
        m = jnp.min(d2, axis=1, keepdims=True)
        ii = jax.lax.broadcasted_iota(jnp.int32, (sz, K), 1)
        idx = jnp.min(jnp.where(d2 == m, ii, K), axis=1, keepdims=True)
        zsq = jnp.sum(zf * zf, axis=1, keepdims=True)
        nr = jnp.sqrt(jnp.maximum(m + zsq, 0.0))
        nz = nz_ref[0, pl.ds(st, sz), :].astype(jnp.float32)
        nv = jnp.sqrt(jnp.sum(nz * nz, axis=1, keepdims=True))
        mk = mq_ref[pl.ds(st, sz), :]
        qf_ref[0, pl.ds(BASE + st, sz), :] = _bf(
            (zf + (nr / (nv + 1e-12)) * nz) * mk)
        idx_ref[0, pl.ds(st, sz), :] = jnp.where(mk > 0.0, idx, K)
    D = pw_ref.shape[1]
    qf_ref[0, pl.ds(0, BASE), :] = jnp.zeros((BASE, D), jnp.bfloat16)
    qf_ref[0, pl.ds(BASE + NQ, SQ - BASE - NQ), :] = jnp.zeros(
        (SQ - BASE - NQ, D), jnp.bfloat16)
    idx_ref[0, pl.ds(NQ, NQP - NQ), :] = jnp.full((NQP - NQ, 1), K, jnp.int32)


def _dec_body(qf_ref, w1_ref, b1_ref,
              r1a_ref, r1ab_ref, r1b_ref, r1bb_ref,
              r2a_ref, r2ab_ref, r2b_ref, r2bb_ref,
              t1_ref, t1b_ref, t2_ref, t2b_ref, mq_ref, md_ref,
              o_ref, s1, s2, s4):
    i = pl.program_id(0)
    first = i == 0
    maskq = mq_ref[...]

    h1 = _taps(qf_ref, OFF3, w1_ref, NQ) + b1_ref[...]
    _store_frame(s1, h1 * maskq, first)
    h = jnp.maximum(_staps_relu(s1, OFF3, r1a_ref, NQ) + r1ab_ref[...], 0.0)
    y = s1[pl.ds(BASE, NQ), :] + jnp.dot(
        _bf(h), _bf(r1b_ref[...]), preferred_element_type=jnp.float32) \
        + r1bb_ref[...]
    _store_frame(s2, y * maskq, first)
    h = jnp.maximum(_staps_relu(s2, OFF3, r2a_ref, NQ) + r2ab_ref[...], 0.0)
    y = s2[pl.ds(BASE, NQ), :] + jnp.dot(
        _bf(h), _bf(r2b_ref[...]), preferred_element_type=jnp.float32) \
        + r2bb_ref[...]
    y = jnp.maximum(y, 0.0)
    _store_frame(s1, y * maskq, first)

    offs_d = [BASE + al * W58 + ga for al in range(3) for ga in range(3)]
    d1 = jnp.maximum(_staps(s1, offs_d, t1_ref, ND) + t1b_ref[...], 0.0)
    d1 = d1 * md_ref[...]
    s4[pl.ds(BASE, ND), :] = _bf(d1)

    @pl.when(first)
    def _():
        C = d1.shape[1]
        s4[pl.ds(0, BASE), :] = jnp.zeros((BASE, C), jnp.bfloat16)
        s4[pl.ds(BASE + ND, SD - BASE - ND), :] = jnp.zeros(
            (SD - BASE - ND, C), jnp.bfloat16)

    offs_d2 = [BASE + (dm - 1) * W58 + (dn - 1)
               for dm in range(3) for dn in range(3)]
    o_ref[0] = _staps(s4, offs_d2, t2_ref, ND) + t2b_ref[...]


def _deconv1_taps(w):
    Cin, Cout = w.shape[0], w.shape[1]
    zero = jnp.zeros((Cin, Cout), jnp.float32)

    def blk(al, ga, r, s):
        if r == 0:
            if al > 1:
                return zero
            ky = 2 * al
        else:
            if al < 1:
                return zero
            ky = 2 * al - 1
        if s == 0:
            if ga > 1:
                return zero
            kx = 2 * ga
        else:
            if ga < 1:
                return zero
            kx = 2 * ga - 1
        return w[:, :, ky, kx]

    return jnp.stack([
        jnp.concatenate([blk(al, ga, r, s)
                         for r in range(2) for s in range(2)], axis=1)
        for al in range(3) for ga in range(3)])


def _deconv2_taps(w):
    Cin, Cout = w.shape[0], w.shape[1]
    W2 = jnp.zeros((9, 4 * Cin, 4 * 4 * Cout), jnp.float32)
    for rho in range(2):
        for sig in range(2):
            for r2 in range(2):
                for s2 in range(2):
                    col = ((rho * 2 + sig) * 4 + r2 * 2 + s2) * Cout
                    als = (0, 1) if r2 == 0 else (1, 2)
                    gas = (0, 1) if s2 == 0 else (1, 2)
                    for al in als:
                        ky = 2 * al if r2 == 0 else 2 * al - 1
                        dm = (rho + al - 1) // 2
                        r = (rho + al - 1) % 2
                        for ga in gas:
                            kx = 2 * ga if s2 == 0 else 2 * ga - 1
                            dn = (sig + ga - 1) // 2
                            s = (sig + ga - 1) % 2
                            t = (dm + 1) * 3 + (dn + 1)
                            rowb = (r * 2 + s) * Cin
                            W2 = W2.at[t, rowb:rowb + Cin,
                                       col:col + Cout].add(w[:, :, ky, kx])
    return W2


def kernel(x, noise, enc_w1, enc_b1, enc_w2, enc_b2, enc_w3, enc_b3,
           enc_r1_w1, enc_r1_b1, enc_r1_w2, enc_r1_b2,
           enc_r2_w1, enc_r2_b1, enc_r2_w2, enc_r2_b2,
           pre_w, pre_b, codebook,
           dec_w1, dec_b1, dec_r1_w1, dec_r1_b1, dec_r1_w2, dec_r1_b2,
           dec_r2_w1, dec_r2_b1, dec_r2_w2, dec_r2_b2,
           dec_tw1, dec_tb1, dec_tw2, dec_tb2):
    B = x.shape[0]
    C1 = enc_w1.shape[0]
    Hc = enc_w2.shape[0]
    D = pre_w.shape[0]
    K = codebook.shape[0]
    npr = _rup(57 * W58, 8)
    xp4 = jnp.pad(x, ((0, 0), (0, 0), (3, 5), (3, 5))).astype(jnp.bfloat16)
    xa = xp4.reshape(B, 3, 58, 4, 232).transpose(0, 1, 3, 4, 2)
    xc = xa.reshape(B, 3, 4, 58, 4, 58)
    phs = []
    for r in range(2):
        for s in range(2):
            planes = []
            for ky in range(4):
                oy = 2 * r + ky
                py, q0 = oy % 4, oy // 4
                for kx in range(4):
                    ox = 2 * s + kx
                    pc, cg0 = ox % 4, ox // 4
                    for c in range(3):
                        planes.append(
                            xc[:, c, py, cg0:cg0 + 57, pc, q0:q0 + 57])
            phs.append(jnp.stack(planes, axis=1))
    pat = jnp.stack(phs, axis=1)
    pat = pat.transpose(0, 1, 2, 4, 3)
    pat = jnp.pad(pat, ((0, 0), (0, 0), (0, 0), (0, 0), (0, 1)))
    patches = jnp.pad(pat.reshape(B, 4, 48, 57 * W58),
                      ((0, 0), (0, 0), (0, 0), (0, npr - 57 * W58)))
    w1 = jnp.transpose(enc_w1, (2, 3, 1, 0)).reshape(48, C1)
    slabs = _l1_call(patches, w1, enc_b1, B, C1)
    slabs = slabs.reshape(B, 4 * SLAB, C1)

    nz = noise.reshape(B, 56, 56, D).astype(jnp.bfloat16)
    nz = jnp.pad(nz, ((0, 0), (1, 1), (1, 1), (0, 0))).reshape(B, 58 * 58, D)
    nz = jnp.pad(nz, ((0, 0), (0, NQ - 58 * 58), (0, 0)))

    w2t = jnp.stack([enc_w2[:, :, 2 * a + r, 2 * bb + s].T
                     for r in range(2) for s in range(2)
                     for a in range(2) for bb in range(2)])
    total = float(B * 56 * 56)

    qf, idx_out = pl.pallas_call(
        lambda *refs: _enc_body(total, *refs),
        grid=(B,),
        in_specs=[
            pl.BlockSpec((1, 4 * SLAB, C1), lambda i: (i, 0, 0)),
            pl.BlockSpec((16, C1, Hc), lambda i: (0, 0, 0)),
            pl.BlockSpec((1, Hc), lambda i: (0, 0)),
            pl.BlockSpec((9, Hc, Hc), lambda i: (0, 0, 0)),
            pl.BlockSpec((1, Hc), lambda i: (0, 0)),
            pl.BlockSpec((9, Hc, 32), lambda i: (0, 0, 0)),
            pl.BlockSpec((1, 32), lambda i: (0, 0)),
            pl.BlockSpec((32, Hc), lambda i: (0, 0)),
            pl.BlockSpec((1, Hc), lambda i: (0, 0)),
            pl.BlockSpec((9, Hc, 32), lambda i: (0, 0, 0)),
            pl.BlockSpec((1, 32), lambda i: (0, 0)),
            pl.BlockSpec((32, Hc), lambda i: (0, 0)),
            pl.BlockSpec((1, Hc), lambda i: (0, 0)),
            pl.BlockSpec((Hc, D), lambda i: (0, 0)),
            pl.BlockSpec((1, D), lambda i: (0, 0)),
            pl.BlockSpec((D, K), lambda i: (0, 0)),
            pl.BlockSpec((1, NQ, D), lambda i: (i, 0, 0)),
            pl.BlockSpec((NQ, 1), lambda i: (0, 0)),
        ],
        out_specs=[
            pl.BlockSpec((1, SQ, D), lambda i: (i, 0, 0)),
            pl.BlockSpec((1, NQP, 1), lambda i: (i, 0, 0)),
        ],
        out_shape=[
            jax.ShapeDtypeStruct((B, SQ, D), jnp.bfloat16),
            jax.ShapeDtypeStruct((B, NQP, 1), jnp.int32),
        ],
        scratch_shapes=[
            pltpu.VMEM((SQ, Hc), jnp.bfloat16),
            pltpu.VMEM((SQ, Hc), jnp.bfloat16),
        ],
    )(slabs, w2t, enc_b2.reshape(1, Hc), _w9(enc_w3), enc_b3.reshape(1, Hc),
      _w9(enc_r1_w1), enc_r1_b1.reshape(1, 32),
      enc_r1_w2[:, :, 0, 0].T, enc_r1_b2.reshape(1, Hc),
      _w9(enc_r2_w1), enc_r2_b1.reshape(1, 32),
      enc_r2_w2[:, :, 0, 0].T, enc_r2_b2.reshape(1, Hc),
      pre_w[:, :, 0, 0].T, pre_b.reshape(1, D), codebook.T, nz,
      jnp.asarray(_MASKQ))

    parts = _sc_hist(idx_out.reshape(B * NQP))
    perp = pl.pallas_call(
        lambda h_ref, o_ref: _perp_body(total, h_ref, o_ref),
        grid=(1,),
        in_specs=[pl.BlockSpec((32, NBIN), lambda i: (0, 0))],
        out_specs=pl.BlockSpec((1, 1), lambda i: (0, 0)),
        out_shape=jax.ShapeDtypeStruct((1, 1), jnp.float32),
    )(parts)

    out = pl.pallas_call(
        _dec_body,
        grid=(B,),
        in_specs=[
            pl.BlockSpec((1, SQ, D), lambda i: (i, 0, 0)),
            pl.BlockSpec((9, D, Hc), lambda i: (0, 0, 0)),
            pl.BlockSpec((1, Hc), lambda i: (0, 0)),
            pl.BlockSpec((9, Hc, 32), lambda i: (0, 0, 0)),
            pl.BlockSpec((1, 32), lambda i: (0, 0)),
            pl.BlockSpec((32, Hc), lambda i: (0, 0)),
            pl.BlockSpec((1, Hc), lambda i: (0, 0)),
            pl.BlockSpec((9, Hc, 32), lambda i: (0, 0, 0)),
            pl.BlockSpec((1, 32), lambda i: (0, 0)),
            pl.BlockSpec((32, Hc), lambda i: (0, 0)),
            pl.BlockSpec((1, Hc), lambda i: (0, 0)),
            pl.BlockSpec((9, Hc, 4 * C1), lambda i: (0, 0, 0)),
            pl.BlockSpec((1, 4 * C1), lambda i: (0, 0)),
            pl.BlockSpec((9, 4 * C1, 48), lambda i: (0, 0, 0)),
            pl.BlockSpec((1, 48), lambda i: (0, 0)),
            pl.BlockSpec((NQ, 1), lambda i: (0, 0)),
            pl.BlockSpec((ND, 1), lambda i: (0, 0)),
        ],
        out_specs=pl.BlockSpec((1, ND, 48), lambda i: (i, 0, 0)),
        out_shape=jax.ShapeDtypeStruct((B, ND, 48), jnp.float32),
        scratch_shapes=[
            pltpu.VMEM((SQ, Hc), jnp.bfloat16),
            pltpu.VMEM((SQ, Hc), jnp.bfloat16),
            pltpu.VMEM((SD, 4 * C1), jnp.bfloat16),
        ],
    )(qf, _w9(dec_w1), dec_b1.reshape(1, Hc),
      _w9(dec_r1_w1), dec_r1_b1.reshape(1, 32),
      dec_r1_w2[:, :, 0, 0].T, dec_r1_b2.reshape(1, Hc),
      _w9(dec_r2_w1), dec_r2_b1.reshape(1, 32),
      dec_r2_w2[:, :, 0, 0].T, dec_r2_b2.reshape(1, Hc),
      _deconv1_taps(dec_tw1), jnp.tile(dec_tb1, 4).reshape(1, 4 * C1),
      _deconv2_taps(dec_tw2), jnp.tile(dec_tb2, 16).reshape(1, 48),
      jnp.asarray(_MASKQ), jnp.asarray(_MASKD))

    xr = out.reshape(B, 56, W58, 2, 2, 2, 2, 3)[:, :, :56]
    xr = xr.transpose(0, 7, 1, 3, 5, 2, 4, 6)
    x_recon = xr.reshape(B, 3, 224, 224)
    return (x_recon, perp.reshape(()))

# --- scband reference (transcript-rebuilt; emitter-appended) ---
"""Pipeline reference for scband-vqvae-nsvq-35356170780842 (READ-ONLY COPY).

The authoritative reference and input builder live on the scoring server;
editing this copy changes nothing except your own understanding.
"""

import jax, jax.numpy as jnp
import numpy as np

def _conv(x, w, b, stride, pad):
    out = jax.lax.conv_general_dilated(x, w, (stride, stride), ((pad, pad), (pad, pad)), dimension_numbers=('NCHW', 'OIHW', 'NCHW'))
    return out + b[None, :, None, None]

def _deconv(x, w, b):
    out = jax.lax.conv_transpose(x, w, (2, 2), 'SAME', dimension_numbers=('NCHW', 'IOHW', 'NCHW'))
    return out + b[None, :, None, None]

def _res_stack(x, params):
    for (w1, b1, w2, b2) in params:
        h = jax.nn.relu(x)
        h = _conv(h, w1, b1, 1, 1)
        h = jax.nn.relu(h)
        h = _conv(h, w2, b2, 1, 0)
        x = x + h
    return jax.nn.relu(x)

def setup_inputs(seed: int = 0) -> dict:
    key = jax.random.key(seed)
    ks = jax.random.split(key, 20)
    H = 128; RH = 32; D = 64; K = 512
    def w(k, shape, s=0.05):
        return jax.random.normal(k, shape, dtype=jnp.float32) * s
    return {
        'x': jax.random.normal(ks[0], (16, 3, 224, 224), dtype=jnp.float32),
        'noise': jax.random.normal(ks[1], (16 * 56 * 56, D), dtype=jnp.float32),
        'enc_w1': w(ks[2], (H // 2, 3, 4, 4)), 'enc_b1': jnp.zeros((H // 2,), jnp.float32),
        'enc_w2': w(ks[3], (H, H // 2, 4, 4)), 'enc_b2': jnp.zeros((H,), jnp.float32),
        'enc_w3': w(ks[4], (H, H, 3, 3)), 'enc_b3': jnp.zeros((H,), jnp.float32),
        'enc_r1_w1': w(ks[5], (RH, H, 3, 3)), 'enc_r1_b1': jnp.zeros((RH,), jnp.float32),
        'enc_r1_w2': w(ks[6], (H, RH, 1, 1)), 'enc_r1_b2': jnp.zeros((H,), jnp.float32),
        'enc_r2_w1': w(ks[7], (RH, H, 3, 3)), 'enc_r2_b1': jnp.zeros((RH,), jnp.float32),
        'enc_r2_w2': w(ks[8], (H, RH, 1, 1)), 'enc_r2_b2': jnp.zeros((H,), jnp.float32),
        'pre_w': w(ks[9], (D, H, 1, 1)), 'pre_b': jnp.zeros((D,), jnp.float32),
        'codebook': jax.random.normal(ks[10], (K, D), dtype=jnp.float32),
        'dec_w1': w(ks[11], (H, D, 3, 3)), 'dec_b1': jnp.zeros((H,), jnp.float32),
        'dec_r1_w1': w(ks[12], (RH, H, 3, 3)), 'dec_r1_b1': jnp.zeros((RH,), jnp.float32),
        'dec_r1_w2': w(ks[13], (H, RH, 1, 1)), 'dec_r1_b2': jnp.zeros((H,), jnp.float32),
        'dec_r2_w1': w(ks[14], (RH, H, 3, 3)), 'dec_r2_b1': jnp.zeros((RH,), jnp.float32),
        'dec_r2_w2': w(ks[15], (H, RH, 1, 1)), 'dec_r2_b2': jnp.zeros((H,), jnp.float32),
        'dec_tw1': w(ks[16], (H, H // 2, 4, 4)), 'dec_tb1': jnp.zeros((H // 2,), jnp.float32),
        'dec_tw2': w(ks[17], (H // 2, 3, 4, 4)), 'dec_tb2': jnp.zeros((3,), jnp.float32),
    }

def reference(x, noise, enc_w1, enc_b1, enc_w2, enc_b2, enc_w3, enc_b3, enc_r1_w1, enc_r1_b1, enc_r1_w2, enc_r1_b2, enc_r2_w1, enc_r2_b1, enc_r2_w2, enc_r2_b2, pre_w, pre_b, codebook, dec_w1, dec_b1, dec_r1_w1, dec_r1_b1, dec_r1_w2, dec_r1_b2, dec_r2_w1, dec_r2_b1, dec_r2_w2, dec_r2_b2, dec_tw1, dec_tb1, dec_tw2, dec_tb2):
    # Encoder
    z = jax.nn.relu(_conv(x, enc_w1, enc_b1, 2, 1))
    z = jax.nn.relu(_conv(z, enc_w2, enc_b2, 2, 1))
    z = _conv(z, enc_w3, enc_b3, 1, 1)
    z = _res_stack(z, [(enc_r1_w1, enc_r1_b1, enc_r1_w2, enc_r1_b2), (enc_r2_w1, enc_r2_b1, enc_r2_w2, enc_r2_b2)])
    # pre-VQ 1x1 conv
    z = _conv(z, pre_w, pre_b, 1, 0)
    B, D, Hh, Ww = z.shape
    # NSVQ: nearest codebook + noise-substitution quantization
    zf = jnp.transpose(z, (0, 2, 3, 1)).reshape(-1, D)
    dist = jnp.sum(zf * zf, axis=1, keepdims=True) - 2.0 * (zf @ codebook.T) + jnp.sum(codebook * codebook, axis=1)[None, :]
    idx = jnp.argmin(dist, axis=1)
    hq = jnp.take(codebook, idx, axis=0)
    nr = jnp.linalg.norm(zf - hq, axis=1, keepdims=True)
    nv = jnp.linalg.norm(noise, axis=1, keepdims=True)
    qf = zf + (nr / (nv + 1e-12)) * noise
    onehot = jax.nn.one_hot(idx, codebook.shape[0], dtype=jnp.float32)
    avg = jnp.mean(onehot, axis=0)
    perplexity = jnp.exp(-jnp.sum(avg * jnp.log(avg + 1e-10)))
    q = jnp.transpose(qf.reshape(B, Hh, Ww, D), (0, 3, 1, 2))
    # Decoder
    h = _conv(q, dec_w1, dec_b1, 1, 1)
    h = _res_stack(h, [(dec_r1_w1, dec_r1_b1, dec_r1_w2, dec_r1_b2), (dec_r2_w1, dec_r2_b1, dec_r2_w2, dec_r2_b2)])
    h = jax.nn.relu(_deconv(h, dec_tw1, dec_tb1))
    x_recon = _deconv(h, dec_tw2, dec_tb2)
    return (x_recon, perplexity)

if __name__ == "__main__":
    import jax
    _d = setup_inputs()
    print(jax.jit(kernel)(*tuple(_d.values())))

</pallas_src>

<mosaic_0001>
#map = affine_map<(d0, d1) -> (0)>
#map1 = affine_map<(d0, d1) -> (0, 0)>
module attributes {stable_mosaic.version = 14 : i64} {
  func.func @k(%arg0: i32, %arg1: i32, %arg2: memref<54272xi32, #tpu.memory_space<hbm>>, %arg3: memref<32x528xf32, #tpu.memory_space<hbm>>, %arg4: memref<1696xi32, #tpu.memory_space<vmem>>, %arg5: memref<528xf32, #tpu.memory_space<vmem>>) attributes {dimension_semantics = [#tpu.dimension_semantics<core_parallel>, #tpu.dimension_semantics<subcore_parallel>], iteration_bounds = array<i64: 2, 16>, scalar_prefetch = 0 : i64, scratch_operands = 2 : i64, tpu.core_type = #tpu.core_type<sc_vector_subcore>, window_params = [{transform_indices = #map}, {transform_indices = #map1}]} {
    %mul3A = arith.constant 2 : i32
    %mul3A_0 = arith.muli %arg1, %mul3A : i32
    %add3A = arith.addi %mul3A_0, %arg0 : i32
    %mul3A_1 = arith.constant 1696 : i32
    %mul3A_2 = arith.muli %add3A, %mul3A_1 : i32
    "tpu.region"() ({
      %run_scoped3A = tpu.sem_alloc : memref<!tpu.dma_semaphore, #tpu.memory_space<semaphore_mem>>
      %dma_start3A = tpu.memref_slice %arg2[%mul3A_2] : memref<54272xi32, #tpu.memory_space<hbm>> -> memref<1696xi32, #tpu.memory_space<hbm>>
      %dma_start3A_282 = tpu.memref_slice %arg2[%mul3A_2] : memref<54272xi32, #tpu.memory_space<hbm>> -> memref<1696xi32, #tpu.memory_space<hbm>>
      tpu.enqueue_dma source(%dma_start3A_282 : memref<1696xi32, #tpu.memory_space<hbm>>) target(%arg4 : memref<1696xi32, #tpu.memory_space<vmem>>) target_semaphore(%run_scoped3A : memref<!tpu.dma_semaphore, #tpu.memory_space<semaphore_mem>>)
      %dma_wait3A = tpu.memref_slice %arg2[%mul3A_2] : memref<54272xi32, #tpu.memory_space<hbm>> -> memref<1696xi32, #tpu.memory_space<hbm>>
      %dma_wait3A_283 = tpu.memref_slice %arg2[%mul3A_2] : memref<54272xi32, #tpu.memory_space<hbm>> -> memref<1696xi32, #tpu.memory_space<hbm>>
      tpu.wait_dma2 semaphore(%run_scoped3A : memref<!tpu.dma_semaphore, #tpu.memory_space<semaphore_mem>>) src(%dma_wait3A_283 : memref<1696xi32, #tpu.memory_space<hbm>>) dst(%arg4 : memref<1696xi32, #tpu.memory_space<vmem>>)
      tpu.yield
    }) : () -> ()
    %broadcast_in_dim3A = arith.constant 0.000000e+00 : f32
    %broadcast_in_dim3A_3 = vector.broadcast %broadcast_in_dim3A : f32 to vector<16xf32>
    %swap3A = arith.constant 0 : index
    %swap3A_4 = tpu.vector_load %arg5[%swap3A] {strides = array<i32>} : memref<528xf32, #tpu.memory_space<vmem>>, vector<16xf32>,
    tpu.vector_store %arg5[%swap3A], %broadcast_in_dim3A_3 {strides = array<i32>} : memref<528xf32, #tpu.memory_space<vmem>>, vector<16xf32>,
    %swap3A_5 = arith.constant 16 : index
    %swap3A_6 = tpu.vector_load %arg5[%swap3A_5] {strides = array<i32>} : memref<528xf32, #tpu.memory_space<vmem>>, vector<16xf32>,
    tpu.vector_store %arg5[%swap3A_5], %broadcast_in_dim3A_3 {strides = array<i32>} : memref<528xf32, #tpu.memory_space<vmem>>, vector<16xf32>,
    %swap3A_7 = arith.constant 32 : index
    %swap3A_8 = tpu.vector_load %arg5[%swap3A_7] {strides = array<i32>} : memref<528xf32, #tpu.memory_space<vmem>>, vector<16xf32>,
    tpu.vector_store %arg5[%swap3A_7], %broadcast_in_dim3A_3 {strides = array<i32>} : memref<528xf32, #tpu.memory_space<vmem>>, vector<16xf32>,
    %swap3A_9 = arith.constant 48 : index
    %swap3A_10 = tpu.vector_load %arg5[%swap3A_9] {strides = array<i32>} : memref<528xf32, #tpu.memory_space<vmem>>, vector<16xf32>,
    tpu.vector_store %arg5[%swap3A_9], %broadcast_in_dim3A_3 {strides = array<i32>} : memref<528xf32, #tpu.memory_space<vmem>>, vector<16xf32>,
    %swap3A_11 = arith.constant 64 : index
    %swap3A_12 = tpu.vector_load %arg5[%swap3A_11] {strides = array<i32>} : memref<528xf32, #tpu.memory_space<vmem>>, vector<16xf32>,
    tpu.vector_store %arg5[%swap3A_11], %broadcast_in_dim3A_3 {strides = array<i32>} : memref<528xf32, #tpu.memory_space<vmem>>, vector<16xf32>,
    %swap3A_13 = arith.constant 80 : index
    %swap3A_14 = tpu.vector_load %arg5[%swap3A_13] {strides = array<i32>} : memref<528xf32, #tpu.memory_space<vmem>>, vector<16xf32>,
    tpu.vector_store %arg5[%swap3A_13], %broadcast_in_dim3A_3 {strides = array<i32>} : memref<528xf32, #tpu.memory_space<vmem>>, vector<16xf32>,
    %swap3A_15 = arith.constant 96 : index
    %swap3A_16 = tpu.vector_load %arg5[%swap3A_15] {strides = array<i32>} : memref<528xf32, #tpu.memory_space<vmem>>, vector<16xf32>,
    tpu.vector_store %arg5[%swap3A_15], %broadcast_in_dim3A_3 {strides = array<i32>} : memref<528xf32, #tpu.memory_space<vmem>>, vector<16xf32>,
    %swap3A_17 = arith.constant 112 : index
    %swap3A_18 = tpu.vector_load %arg5[%swap3A_17] {strides = array<i32>} : memref<528xf32, #tpu.memory_space<vmem>>, vector<16xf32>,
    tpu.vector_store %arg5[%swap3A_17], %broadcast_in_dim3A_3 {strides = array<i32>} : memref<528xf32, #tpu.memory_space<vmem>>, vector<16xf32>,
    %swap3A_19 = arith.constant 128 : index
    %swap3A_20 = tpu.vector_load %arg5[%swap3A_19] {strides = array<i32>} : memref<528xf32, #tpu.memory_space<vmem>>, vector<16xf32>,
    tpu.vector_store %arg5[%swap3A_19], %broadcast_in_dim3A_3 {strides = array<i32>} : memref<528xf32, #tpu.memory_space<vmem>>, vector<16xf32>,
    %swap3A_21 = arith.constant 144 : index
    %swap3A_22 = tpu.vector_load %arg5[%swap3A_21] {strides = array<i32>} : memref<528xf32, #tpu.memory_space<vmem>>, vector<16xf32>,
    tpu.vector_store %arg5[%swap3A_21], %broadcast_in_dim3A_3 {strides = array<i32>} : memref<528xf32, #tpu.memory_space<vmem>>, vector<16xf32>,
    %swap3A_23 = arith.constant 160 : index
    %swap3A_24 = tpu.vector_load %arg5[%swap3A_23] {strides = array<i32>} : memref<528xf32, #tpu.memory_space<vmem>>, vector<16xf32>,
    tpu.vector_store %arg5[%swap3A_23], %broadcast_in_dim3A_3 {strides = array<i32>} : memref<528xf32, #tpu.memory_space<vmem>>, vector<16xf32>,
    %swap3A_25 = arith.constant 176 : index
    %swap3A_26 = tpu.vector_load %arg5[%swap3A_25] {strides = array<i32>} : memref<528xf32, #tpu.memory_space<vmem>>, vector<16xf32>,
    tpu.vector_store %arg5[%swap3A_25], %broadcast_in_dim3A_3 {strides = array<i32>} : memref<528xf32, #tpu.memory_space<vmem>>, vector<16xf32>,
    %swap3A_27 = arith.constant 192 : index
    %swap3A_28 = tpu.vector_load %arg5[%swap3A_27] {strides = array<i32>} : memref<528xf32, #tpu.memory_space<vmem>>, vector<16xf32>,
    tpu.vector_store %arg5[%swap3A_27], %broadcast_in_dim3A_3 {strides = array<i32>} : memref<528xf32, #tpu.memory_space<vmem>>, vector<16xf32>,
    %swap3A_29 = arith.constant 208 : index
    %swap3A_30 = tpu.vector_load %arg5[%swap3A_29] {strides = array<i32>} : memref<528xf32, #tpu.memory_space<vmem>>, vector<16xf32>,
    tpu.vector_store %arg5[%swap3A_29], %broadcast_in_dim3A_3 {strides = array<i32>} : memref<528xf32, #tpu.memory_space<vmem>>, vector<16xf32>,
    %swap3A_31 = arith.constant 224 : index
    %swap3A_32 = tpu.vector_load %arg5[%swap3A_31] {strides = array<i32>} : memref<528xf32, #tpu.memory_space<vmem>>, vector<16xf32>,
    tpu.vector_store %arg5[%swap3A_31], %broadcast_in_dim3A_3 {strides = array<i32>} : memref<528xf32, #tpu.memory_space<vmem>>, vector<16xf32>,
    %swap3A_33 = arith.constant 240 : index
    %swap3A_34 = tpu.vector_load %arg5[%swap3A_33] {strides = array<i32>} : memref<528xf32, #tpu.memory_space<vmem>>, vector<16xf32>,
    tpu.vector_store %arg5[%swap3A_33], %broadcast_in_dim3A_3 {strides = array<i32>} : memref<528xf32, #tpu.memory_space<vmem>>, vector<16xf32>,
    %swap3A_35 = arith.constant 256 : index
    %swap3A_36 = tpu.vector_load %arg5[%swap3A_35] {strides = array<i32>} : memref<528xf32, #tpu.memory_space<vmem>>, vector<16xf32>,
    tpu.vector_store %arg5[%swap3A_35], %broadcast_in_dim3A_3 {strides = array<i32>} : memref<528xf32, #tpu.memory_space<vmem>>, vector<16xf32>,
    %swap3A_37 = arith.constant 272 : index
    %swap3A_38 = tpu.vector_load %arg5[%swap3A_37] {strides = array<i32>} : memref<528xf32, #tpu.memory_space<vmem>>, vector<16xf32>,
    tpu.vector_store %arg5[%swap3A_37], %broadcast_in_dim3A_3 {strides = array<i32>} : memref<528xf32, #tpu.memory_space<vmem>>, vector<16xf32>,
    %swap3A_39 = arith.constant 288 : index
    %swap3A_40 = tpu.vector_load %arg5[%swap3A_39] {strides = array<i32>} : memref<528xf32, #tpu.memory_space<vmem>>, vector<16xf32>,
    tpu.vector_store %arg5[%swap3A_39], %broadcast_in_dim3A_3 {strides = array<i32>} : memref<528xf32, #tpu.memory_space<vmem>>, vector<16xf32>,
    %swap3A_41 = arith.constant 304 : index
    %swap3A_42 = tpu.vector_load %arg5[%swap3A_41] {strides = array<i32>} : memref<528xf32, #tpu.memory_space<vmem>>, vector<16xf32>,
    tpu.vector_store %arg5[%swap3A_41], %broadcast_in_dim3A_3 {strides = array<i32>} : memref<528xf32, #tpu.memory_space<vmem>>, vector<16xf32>,
    %swap3A_43 = arith.constant 320 : index
    %swap3A_44 = tpu.vector_load %arg5[%swap3A_43] {strides = array<i32>} : memref<528xf32, #tpu.memory_space<vmem>>, vector<16xf32>,
    tpu.vector_store %arg5[%swap3A_43], %broadcast_in_dim3A_3 {strides = array<i32>} : memref<528xf32, #tpu.memory_space<vmem>>, vector<16xf32>,
    %swap3A_45 = arith.constant 336 : index
    %swap3A_46 = tpu.vector_load %arg5[%swap3A_45] {strides = array<i32>} : memref<528xf32, #tpu.memory_space<vmem>>, vector<16xf32>,
    tpu.vector_store %arg5[%swap3A_45], %broadcast_in_dim3A_3 {strides = array<i32>} : memref<528xf32, #tpu.memory_space<vmem>>, vector<16xf32>,
    %swap3A_47 = arith.constant 352 : index
    %swap3A_48 = tpu.vector_load %arg5[%swap3A_47] {strides = array<i32>} : memref<528xf32, #tpu.memory_space<vmem>>, vector<16xf32>,
    tpu.vector_store %arg5[%swap3A_47], %broadcast_in_dim3A_3 {strides = array<i32>} : memref<528xf32, #tpu.memory_space<vmem>>, vector<16xf32>,
    %swap3A_49 = arith.constant 368 : index
    %swap3A_50 = tpu.vector_load %arg5[%swap3A_49] {strides = array<i32>} : memref<528xf32, #tpu.memory_space<vmem>>, vector<16xf32>,
    tpu.vector_store %arg5[%swap3A_49], %broadcast_in_dim3A_3 {strides = array<i32>} : memref<528xf32, #tpu.memory_space<vmem>>, vector<16xf32>,
    %swap3A_51 = arith.constant 384 : index
    %swap3A_52 = tpu.vector_load %arg5[%swap3A_51] {strides = array<i32>} : memref<528xf32, #tpu.memory_space<vmem>>, vector<16xf32>,
    tpu.vector_store %arg5[%swap3A_51], %broadcast_in_dim3A_3 {strides = array<i32>} : memref<528xf32, #tpu.memory_space<vmem>>, vector<16xf32>,
    %swap3A_53 = arith.constant 400 : index
    %swap3A_54 = tpu.vector_load %arg5[%swap3A_53] {strides = array<i32>} : memref<528xf32, #tpu.memory_space<vmem>>, vector<16xf32>,
    tpu.vector_store %arg5[%swap3A_53], %broadcast_in_dim3A_3 {strides = array<i32>} : memref<528xf32, #tpu.memory_space<vmem>>, vector<16xf32>,
    %swap3A_55 = arith.constant 416 : index
    %swap3A_56 = tpu.vector_load %arg5[%swap3A_55] {strides = array<i32>} : memref<528xf32, #tpu.memory_space<vmem>>, vector<16xf32>,
    tpu.vector_store %arg5[%swap3A_55], %broadcast_in_dim3A_3 {strides = array<i32>} : memref<528xf32, #tpu.memory_space<vmem>>, vector<16xf32>,
    %swap3A_57 = arith.constant 432 : index
    %swap3A_58 = tpu.vector_load %arg5[%swap3A_57] {strides = array<i32>} : memref<528xf32, #tpu.memory_space<vmem>>, vector<16xf32>,
    tpu.vector_store %arg5[%swap3A_57], %broadcast_in_dim3A_3 {strides = array<i32>} : memref<528xf32, #tpu.memory_space<vmem>>, vector<16xf32>,
    %swap3A_59 = arith.constant 448 : index
    %swap3A_60 = tpu.vector_load %arg5[%swap3A_59] {strides = array<i32>} : memref<528xf32, #tpu.memory_space<vmem>>, vector<16xf32>,
    tpu.vector_store %arg5[%swap3A_59], %broadcast_in_dim3A_3 {strides = array<i32>} : memref<528xf32, #tpu.memory_space<vmem>>, vector<16xf32>,
    %swap3A_61 = arith.constant 464 : index
    %swap3A_62 = tpu.vector_load %arg5[%swap3A_61] {strides = array<i32>} : memref<528xf32, #tpu.memory_space<vmem>>, vector<16xf32>,
    tpu.vector_store %arg5[%swap3A_61], %broadcast_in_dim3A_3 {strides = array<i32>} : memref<528xf32, #tpu.memory_space<vmem>>, vector<16xf32>,
    %swap3A_63 = arith.constant 480 : index
    %swap3A_64 = tpu.vector_load %arg5[%swap3A_63] {strides = array<i32>} : memref<528xf32, #tpu.memory_space<vmem>>, vector<16xf32>,
    tpu.vector_store %arg5[%swap3A_63], %broadcast_in_dim3A_3 {strides = array<i32>} : memref<528xf32, #tpu.memory_space<vmem>>, vector<16xf32>,
    %swap3A_65 = arith.constant 496 : index
    %swap3A_66 = tpu.vector_load %arg5[%swap3A_65] {strides = array<i32>} : memref<528xf32, #tpu.memory_space<vmem>>, vector<16xf32>,
    tpu.vector_store %arg5[%swap3A_65], %broadcast_in_dim3A_3 {strides = array<i32>} : memref<528xf32, #tpu.memory_space<vmem>>, vector<16xf32>,
    %swap3A_67 = arith.constant 512 : index
    %swap3A_68 = tpu.vector_load %arg5[%swap3A_67] {strides = array<i32>} : memref<528xf32, #tpu.memory_space<vmem>>, vector<16xf32>,
    tpu.vector_store %arg5[%swap3A_67], %broadcast_in_dim3A_3 {strides = array<i32>} : memref<528xf32, #tpu.memory_space<vmem>>, vector<16xf32>,
    %broadcast_in_dim3A_69 = arith.constant 1.000000e+00 : f32
    %broadcast_in_dim3A_70 = vector.broadcast %broadcast_in_dim3A_69 : f32 to vector<16xf32>
    %get3A = arith.constant 0 : index
    %get3A_71 = tpu.vector_load %arg4[%get3A] {strides = array<i32>} : memref<1696xi32, #tpu.memory_space<vmem>>, vector<16xi32>,
    tpu.vector_store_idx %arg5[%get3A_71], %broadcast_in_dim3A_70 {add = true} : memref<528xf32, #tpu.memory_space<vmem>>[vector<16xi32>], vector<16xf32>,
    %get3A_72 = arith.constant 16 : index
    %get3A_73 = tpu.vector_load %arg4[%get3A_72] {strides = array<i32>} : memref<1696xi32, #tpu.memory_space<vmem>>, vector<16xi32>,
    tpu.vector_store_idx %arg5[%get3A_73], %broadcast_in_dim3A_70 {add = true} : memref<528xf32, #tpu.memory_space<vmem>>[vector<16xi32>], vector<16xf32>,
    %get3A_74 = arith.constant 32 : index
    %get3A_75 = tpu.vector_load %arg4[%get3A_74] {strides = array<i32>} : memref<1696xi32, #tpu.memory_space<vmem>>, vector<16xi32>,
    tpu.vector_store_idx %arg5[%get3A_75], %broadcast_in_dim3A_70 {add = true} : memref<528xf32, #tpu.memory_space<vmem>>[vector<16xi32>], vector<16xf32>,
    %get3A_76 = arith.constant 48 : index
    %get3A_77 = tpu.vector_load %arg4[%get3A_76] {strides = array<i32>} : memref<1696xi32, #tpu.memory_space<vmem>>, vector<16xi32>,
    tpu.vector_store_idx %arg5[%get3A_77], %broadcast_in_dim3A_70 {add = true} : memref<528xf32, #tpu.memory_space<vmem>>[vector<16xi32>], vector<16xf32>,
    %get3A_78 = arith.constant 64 : index
    %get3A_79 = tpu.vector_load %arg4[%get3A_78] {strides = array<i32>} : memref<1696xi32, #tpu.memory_space<vmem>>, vector<16xi32>,
    tpu.vector_store_idx %arg5[%get3A_79], %broadcast_in_dim3A_70 {add = true} : memref<528xf32, #tpu.memory_space<vmem>>[vector<16xi32>], vector<16xf32>,
    %get3A_80 = arith.constant 80 : index
    %get3A_81 = tpu.vector_load %arg4[%get3A_80] {strides = array<i32>} : memref<1696xi32, #tpu.memory_space<vmem>>, vector<16xi32>,
    tpu.vector_store_idx %arg5[%get3A_81], %broadcast_in_dim3A_70 {add = true} : memref<528xf32, #tpu.memory_space<vmem>>[vector<16xi32>], vector<16xf32>,
    %get3A_82 = arith.constant 96 : index
    %get3A_83 = tpu.vector_load %arg4[%get3A_82] {strides = array<i32>} : memref<1696xi32, #tpu.memory_space<vmem>>, vector<16xi32>,
    tpu.vector_store_idx %arg5[%get3A_83], %broadcast_in_dim3A_70 {add = true} : memref<528xf32, #tpu.memory_space<vmem>>[vector<16xi32>], vector<16xf32>,
    %get3A_84 = arith.constant 112 : index
    %get3A_85 = tpu.vector_load %arg4[%get3A_84] {strides = array<i32>} : memref<1696xi32, #tpu.memory_space<vmem>>, vector<16xi32>,
    tpu.vector_store_idx %arg5[%get3A_85], %broadcast_in_dim3A_70 {add = true} : memref<528xf32, #tpu.memory_space<vmem>>[vector<16xi32>], vector<16xf32>,
    %get3A_86 = arith.constant 128 : index
    %get3A_87 = tpu.vector_load %arg4[%get3A_86] {strides = array<i32>} : memref<1696xi32, #tpu.memory_space<vmem>>, vector<16xi32>,
    tpu.vector_store_idx %arg5[%get3A_87], %broadcast_in_dim3A_70 {add = true} : memref<528xf32, #tpu.memory_space<vmem>>[vector<16xi32>], vector<16xf32>,
    %get3A_88 = arith.constant 144 : index
    %get3A_89 = tpu.vector_load %arg4[%get3A_88] {strides = array<i32>} : memref<1696xi32, #tpu.memory_space<vmem>>, vector<16xi32>,
    tpu.vector_store_idx %arg5[%get3A_89], %broadcast_in_dim3A_70 {add = true} : memref<528xf32, #tpu.memory_space<vmem>>[vector<16xi32>], vector<16xf32>,
    %get3A_90 = arith.constant 160 : index
    %get3A_91 = tpu.vector_load %arg4[%get3A_90] {strides = array<i32>} : memref<1696xi32, #tpu.memory_space<vmem>>, vector<16xi32>,
    tpu.vector_store_idx %arg5[%get3A_91], %broadcast_in_dim3A_70 {add = true} : memref<528xf32, #tpu.memory_space<vmem>>[vector<16xi32>], vector<16xf32>,
    %get3A_92 = arith.constant 176 : index
    %get3A_93 = tpu.vector_load %arg4[%get3A_92] {strides = array<i32>} : memref<1696xi32, #tpu.memory_space<vmem>>, vector<16xi32>,
    tpu.vector_store_idx %arg5[%get3A_93], %broadcast_in_dim3A_70 {add = true} : memref<528xf32, #tpu.memory_space<vmem>>[vector<16xi32>], vector<16xf32>,
    %get3A_94 = arith.constant 192 : index
    %get3A_95 = tpu.vector_load %arg4[%get3A_94] {strides = array<i32>} : memref<1696xi32, #tpu.memory_space<vmem>>, vector<16xi32>,
    tpu.vector_store_idx %arg5[%get3A_95], %broadcast_in_dim3A_70 {add = true} : memref<528xf32, #tpu.memory_space<vmem>>[vector<16xi32>], vector<16xf32>,
    %get3A_96 = arith.constant 208 : index
    %get3A_97 = tpu.vector_load %arg4[%get3A_96] {strides = array<i32>} : memref<1696xi32, #tpu.memory_space<vmem>>, vector<16xi32>,
    tpu.vector_store_idx %arg5[%get3A_97], %broadcast_in_dim3A_70 {add = true} : memref<528xf32, #tpu.memory_space<vmem>>[vector<16xi32>], vector<16xf32>,
    %get3A_98 = arith.constant 224 : index
    %get3A_99 = tpu.vector_load %arg4[%get3A_98] {strides = array<i32>} : memref<1696xi32, #tpu.memory_space<vmem>>, vector<16xi32>,
    tpu.vector_store_idx %arg5[%get3A_99], %broadcast_in_dim3A_70 {add = true} : memref<528xf32, #tpu.memory_space<vmem>>[vector<16xi32>], vector<16xf32>,
    %get3A_100 = arith.constant 240 : index
    %get3A_101 = tpu.vector_load %arg4[%get3A_100] {strides = array<i32>} : memref<1696xi32, #tpu.memory_space<vmem>>, vector<16xi32>,
    tpu.vector_store_idx %arg5[%get3A_101], %broadcast_in_dim3A_70 {add = true} : memref<528xf32, #tpu.memory_space<vmem>>[vector<16xi32>], vector<16xf32>,
    %get3A_102 = arith.constant 256 : index
    %get3A_103 = tpu.vector_load %arg4[%get3A_102] {strides = array<i32>} : memref<1696xi32, #tpu.memory_space<vmem>>, vector<16xi32>,
    tpu.vector_store_idx %arg5[%get3A_103], %broadcast_in_dim3A_70 {add = true} : memref<528xf32, #tpu.memory_space<vmem>>[vector<16xi32>], vector<16xf32>,
    %get3A_104 = arith.constant 272 : index
    %get3A_105 = tpu.vector_load %arg4[%get3A_104] {strides = array<i32>} : memref<1696xi32, #tpu.memory_space<vmem>>, vector<16xi32>,
    tpu.vector_store_idx %arg5[%get3A_105], %broadcast_in_dim3A_70 {add = true} : memref<528xf32, #tpu.memory_space<vmem>>[vector<16xi32>], vector<16xf32>,
    %get3A_106 = arith.constant 288 : index
    %get3A_107 = tpu.vector_load %arg4[%get3A_106] {strides = array<i32>} : memref<1696xi32, #tpu.memory_space<vmem>>, vector<16xi32>,
    tpu.vector_store_idx %arg5[%get3A_107], %broadcast_in_dim3A_70 {add = true} : memref<528xf32, #tpu.memory_space<vmem>>[vector<16xi32>], vector<16xf32>,
    %get3A_108 = arith.constant 304 : index
    %get3A_109 = tpu.vector_load %arg4[%get3A_108] {strides = array<i32>} : memref<1696xi32, #tpu.memory_space<vmem>>, vector<16xi32>,
    tpu.vector_store_idx %arg5[%get3A_109], %broadcast_in_dim3A_70 {add = true} : memref<528xf32, #tpu.memory_space<vmem>>[vector<16xi32>], vector<16xf32>,
    %get3A_110 = arith.constant 320 : index
    %get3A_111 = tpu.vector_load %arg4[%get3A_110] {strides = array<i32>} : memref<1696xi32, #tpu.memory_space<vmem>>, vector<16xi32>,
    tpu.vector_store_idx %arg5[%get3A_111], %broadcast_in_dim3A_70 {add = true} : memref<528xf32, #tpu.memory_space<vmem>>[vector<16xi32>], vector<16xf32>,
    %get3A_112 = arith.constant 336 : index
    %get3A_113 = tpu.vector_load %arg4[%get3A_112] {strides = array<i32>} : memref<1696xi32, #tpu.memory_space<vmem>>, vector<16xi32>,
    tpu.vector_store_idx %arg5[%get3A_113], %broadcast_in_dim3A_70 {add = true} : memref<528xf32, #tpu.memory_space<vmem>>[vector<16xi32>], vector<16xf32>,
    %get3A_114 = arith.constant 352 : index
    %get3A_115 = tpu.vector_load %arg4[%get3A_114] {strides = array<i32>} : memref<1696xi32, #tpu.memory_space<vmem>>, vector<16xi32>,
    tpu.vector_store_idx %arg5[%get3A_115], %broadcast_in_dim3A_70 {add = true} : memref<528xf32, #tpu.memory_space<vmem>>[vector<16xi32>], vector<16xf32>,
    %get3A_116 = arith.constant 368 : index
    %get3A_117 = tpu.vector_load %arg4[%get3A_116] {strides = array<i32>} : memref<1696xi32, #tpu.memory_space<vmem>>, vector<16xi32>,
    tpu.vector_store_idx %arg5[%get3A_117], %broadcast_in_dim3A_70 {add = true} : memref<528xf32, #tpu.memory_space<vmem>>[vector<16xi32>], vector<16xf32>,
    %get3A_118 = arith.constant 384 : index
    %get3A_119 = tpu.vector_load %arg4[%get3A_118] {strides = array<i32>} : memref<1696xi32, #tpu.memory_space<vmem>>, vector<16xi32>,
    tpu.vector_store_idx %arg5[%get3A_119], %broadcast_in_dim3A_70 {add = true} : memref<528xf32, #tpu.memory_space<vmem>>[vector<16xi32>], vector<16xf32>,
    %get3A_120 = arith.constant 400 : index
    %get3A_121 = tpu.vector_load %arg4[%get3A_120] {strides = array<i32>} : memref<1696xi32, #tpu.memory_space<vmem>>, vector<16xi32>,
    tpu.vector_store_idx %arg5[%get3A_121], %broadcast_in_dim3A_70 {add = true} : memref<528xf32, #tpu.memory_space<vmem>>[vector<16xi32>], vector<16xf32>,
    %get3A_122 = arith.constant 416 : index
    %get3A_123 = tpu.vector_load %arg4[%get3A_122] {strides = array<i32>} : memref<1696xi32, #tpu.memory_space<vmem>>, vector<16xi32>,
    tpu.vector_store_idx %arg5[%get3A_123], %broadcast_in_dim3A_70 {add = true} : memref<528xf32, #tpu.memory_space<vmem>>[vector<16xi32>], vector<16xf32>,
    %get3A_124 = arith.constant 432 : index
    %get3A_125 = tpu.vector_load %arg4[%get3A_124] {strides = array<i32>} : memref<1696xi32, #tpu.memory_space<vmem>>, vector<16xi32>,
    tpu.vector_store_idx %arg5[%get3A_125], %broadcast_in_dim3A_70 {add = true} : memref<528xf32, #tpu.memory_space<vmem>>[vector<16xi32>], vector<16xf32>,
    %get3A_126 = arith.constant 448 : index
    %get3A_127 = tpu.vector_load %arg4[%get3A_126] {strides = array<i32>} : memref<1696xi32, #tpu.memory_space<vmem>>, vector<16xi32>,
    tpu.vector_store_idx %arg5[%get3A_127], %broadcast_in_dim3A_70 {add = true} : memref<528xf32, #tpu.memory_space<vmem>>[vector<16xi32>], vector<16xf32>,
    %get3A_128 = arith.constant 464 : index
    %get3A_129 = tpu.vector_load %arg4[%get3A_128] {strides = array<i32>} : memref<1696xi32, #tpu.memory_space<vmem>>, vector<16xi32>,
    tpu.vector_store_idx %arg5[%get3A_129], %broadcast_in_dim3A_70 {add = true} : memref<528xf32, #tpu.memory_space<vmem>>[vector<16xi32>], vector<16xf32>,
    %get3A_130 = arith.constant 480 : index
    %get3A_131 = tpu.vector_load %arg4[%get3A_130] {strides = array<i32>} : memref<1696xi32, #tpu.memory_space<vmem>>, vector<16xi32>,
    tpu.vector_store_idx %arg5[%get3A_131], %broadcast_in_dim3A_70 {add = true} : memref<528xf32, #tpu.memory_space<vmem>>[vector<16xi32>], vector<16xf32>,
    %get3A_132 = arith.constant 496 : index
    %get3A_133 = tpu.vector_load %arg4[%get3A_132] {strides = array<i32>} : memref<1696xi32, #tpu.memory_space<vmem>>, vector<16xi32>,
    tpu.vector_store_idx %arg5[%get3A_133], %broadcast_in_dim3A_70 {add = true} : memref<528xf32, #tpu.memory_space<vmem>>[vector<16xi32>], vector<16xf32>,
    %get3A_134 = arith.constant 512 : index
    %get3A_135 = tpu.vector_load %arg4[%get3A_134] {strides = array<i32>} : memref<1696xi32, #tpu.memory_space<vmem>>, vector<16xi32>,
    tpu.vector_store_idx %arg5[%get3A_135], %broadcast_in_dim3A_70 {add = true} : memref<528xf32, #tpu.memory_space<vmem>>[vector<16xi32>], vector<16xf32>,
    %get3A_136 = arith.constant 528 : index
    %get3A_137 = tpu.vector_load %arg4[%get3A_136] {strides = array<i32>} : memref<1696xi32, #tpu.memory_space<vmem>>, vector<16xi32>,
    tpu.vector_store_idx %arg5[%get3A_137], %broadcast_in_dim3A_70 {add = true} : memref<528xf32, #tpu.memory_space<vmem>>[vector<16xi32>], vector<16xf32>,
    %get3A_138 = arith.constant 544 : index
    %get3A_139 = tpu.vector_load %arg4[%get3A_138] {strides = array<i32>} : memref<1696xi32, #tpu.memory_space<vmem>>, vector<16xi32>,
    tpu.vector_store_idx %arg5[%get3A_139], %broadcast_in_dim3A_70 {add = true} : memref<528xf32, #tpu.memory_space<vmem>>[vector<16xi32>], vector<16xf32>,
    %get3A_140 = arith.constant 560 : index
    %get3A_141 = tpu.vector_load %arg4[%get3A_140] {strides = array<i32>} : memref<1696xi32, #tpu.memory_space<vmem>>, vector<16xi32>,
    tpu.vector_store_idx %arg5[%get3A_141], %broadcast_in_dim3A_70 {add = true} : memref<528xf32, #tpu.memory_space<vmem>>[vector<16xi32>], vector<16xf32>,
    %get3A_142 = arith.constant 576 : index
    %get3A_143 = tpu.vector_load %arg4[%get3A_142] {strides = array<i32>} : memref<1696xi32, #tpu.memory_space<vmem>>, vector<16xi32>,
    tpu.vector_store_idx %arg5[%get3A_143], %broadcast_in_dim3A_70 {add = true} : memref<528xf32, #tpu.memory_space<vmem>>[vector<16xi32>], vector<16xf32>,
    %get3A_144 = arith.constant 592 : index
    %get3A_145 = tpu.vector_load %arg4[%get3A_144] {strides = array<i32>} : memref<1696xi32, #tpu.memory_space<vmem>>, vector<16xi32>,
    tpu.vector_store_idx %arg5[%get3A_145], %broadcast_in_dim3A_70 {add = true} : memref<528xf32, #tpu.memory_space<vmem>>[vector<16xi32>], vector<16xf32>,
    %get3A_146 = arith.constant 608 : index
    %get3A_147 = tpu.vector_load %arg4[%get3A_146] {strides = array<i32>} : memref<1696xi32, #tpu.memory_space<vmem>>, vector<16xi32>,
    tpu.vector_store_idx %arg5[%get3A_147], %broadcast_in_dim3A_70 {add = true} : memref<528xf32, #tpu.memory_space<vmem>>[vector<16xi32>], vector<16xf32>,
    %get3A_148 = arith.constant 624 : index
    %get3A_149 = tpu.vector_load %arg4[%get3A_148] {strides = array<i32>} : memref<1696xi32, #tpu.memory_space<vmem>>, vector<16xi32>,
    tpu.vector_store_idx %arg5[%get3A_149], %broadcast_in_dim3A_70 {add = true} : memref<528xf32, #tpu.memory_space<vmem>>[vector<16xi32>], vector<16xf32>,
    %get3A_150 = arith.constant 640 : index
    %get3A_151 = tpu.vector_load %arg4[%get3A_150] {strides = array<i32>} : memref<1696xi32, #tpu.memory_space<vmem>>, vector<16xi32>,
    tpu.vector_store_idx %arg5[%get3A_151], %broadcast_in_dim3A_70 {add = true} : memref<528xf32, #tpu.memory_space<vmem>>[vector<16xi32>], vector<16xf32>,
    %get3A_152 = arith.constant 656 : index
    %get3A_153 = tpu.vector_load %arg4[%get3A_152] {strides = array<i32>} : memref<1696xi32, #tpu.memory_space<vmem>>, vector<16xi32>,
    tpu.vector_store_idx %arg5[%get3A_153], %broadcast_in_dim3A_70 {add = true} : memref<528xf32, #tpu.memory_space<vmem>>[vector<16xi32>], vector<16xf32>,
    %get3A_154 = arith.constant 672 : index
    %get3A_155 = tpu.vector_load %arg4[%get3A_154] {strides = array<i32>} : memref<1696xi32, #tpu.memory_space<vmem>>, vector<16xi32>,
    tpu.vector_store_idx %arg5[%get3A_155], %broadcast_in_dim3A_70 {add = true} : memref<528xf32, #tpu.memory_space<vmem>>[vector<16xi32>], vector<16xf32>,
    %get3A_156 = arith.constant 688 : index
    %get3A_157 = tpu.vector_load %arg4[%get3A_156] {strides = array<i32>} : memref<1696xi32, #tpu.memory_space<vmem>>, vector<16xi32>,
    tpu.vector_store_idx %arg5[%get3A_157], %broadcast_in_dim3A_70 {add = true} : memref<528xf32, #tpu.memory_space<vmem>>[vector<16xi32>], vector<16xf32>,
    %get3A_158 = arith.constant 704 : index
    %get3A_159 = tpu.vector_load %arg4[%get3A_158] {strides = array<i32>} : memref<1696xi32, #tpu.memory_space<vmem>>, vector<16xi32>,
    tpu.vector_store_idx %arg5[%get3A_159], %broadcast_in_dim3A_70 {add = true} : memref<528xf32, #tpu.memory_space<vmem>>[vector<16xi32>], vector<16xf32>,
    %get3A_160 = arith.constant 720 : index
    %get3A_161 = tpu.vector_load %arg4[%get3A_160] {strides = array<i32>} : memref<1696xi32, #tpu.memory_space<vmem>>, vector<16xi32>,
    tpu.vector_store_idx %arg5[%get3A_161], %broadcast_in_dim3A_70 {add = true} : memref<528xf32, #tpu.memory_space<vmem>>[vector<16xi32>], vector<16xf32>,
    %get3A_162 = arith.constant 736 : index
    %get3A_163 = tpu.vector_load %arg4[%get3A_162] {strides = array<i32>} : memref<1696xi32, #tpu.memory_space<vmem>>, vector<16xi32>,
    tpu.vector_store_idx %arg5[%get3A_163], %broadcast_in_dim3A_70 {add = true} : memref<528xf32, #tpu.memory_space<vmem>>[vector<16xi32>], vector<16xf32>,
    %get3A_164 = arith.constant 752 : index
    %get3A_165 = tpu.vector_load %arg4[%get3A_164] {strides = array<i32>} : memref<1696xi32, #tpu.memory_space<vmem>>, vector<16xi32>,
    tpu.vector_store_idx %arg5[%get3A_165], %broadcast_in_dim3A_70 {add = true} : memref<528xf32, #tpu.memory_space<vmem>>[vector<16xi32>], vector<16xf32>,
    %get3A_166 = arith.constant 768 : index
    %get3A_167 = tpu.vector_load %arg4[%get3A_166] {strides = array<i32>} : memref<1696xi32, #tpu.memory_space<vmem>>, vector<16xi32>,
    tpu.vector_store_idx %arg5[%get3A_167], %broadcast_in_dim3A_70 {add = true} : memref<528xf32, #tpu.memory_space<vmem>>[vector<16xi32>], vector<16xf32>,
    %get3A_168 = arith.constant 784 : index
    %get3A_169 = tpu.vector_load %arg4[%get3A_168] {strides = array<i32>} : memref<1696xi32, #tpu.memory_space<vmem>>, vector<16xi32>,
    tpu.vector_store_idx %arg5[%get3A_169], %broadcast_in_dim3A_70 {add = true} : memref<528xf32, #tpu.memory_space<vmem>>[vector<16xi32>], vector<16xf32>,
    %get3A_170 = arith.constant 800 : index
    %get3A_171 = tpu.vector_load %arg4[%get3A_170] {strides = array<i32>} : memref<1696xi32, #tpu.memory_space<vmem>>, vector<16xi32>,
    tpu.vector_store_idx %arg5[%get3A_171], %broadcast_in_dim3A_70 {add = true} : memref<528xf32, #tpu.memory_space<vmem>>[vector<16xi32>], vector<16xf32>,
    %get3A_172 = arith.constant 816 : index
    %get3A_173 = tpu.vector_load %arg4[%get3A_172] {strides = array<i32>} : memref<1696xi32, #tpu.memory_space<vmem>>, vector<16xi32>,
    tpu.vector_store_idx %arg5[%get3A_173], %broadcast_in_dim3A_70 {add = true} : memref<528xf32, #tpu.memory_space<vmem>>[vector<16xi32>], vector<16xf32>,
    %get3A_174 = arith.constant 832 : index
    %get3A_175 = tpu.vector_load %arg4[%get3A_174] {strides = array<i32>} : memref<1696xi32, #tpu.memory_space<vmem>>, vector<16xi32>,
    tpu.vector_store_idx %arg5[%get3A_175], %broadcast_in_dim3A_70 {add = true} : memref<528xf32, #tpu.memory_space<vmem>>[vector<16xi32>], vector<16xf32>,
    %get3A_176 = arith.constant 848 : index
    %get3A_177 = tpu.vector_load %arg4[%get3A_176] {strides = array<i32>} : memref<1696xi32, #tpu.memory_space<vmem>>, vector<16xi32>,
    tpu.vector_store_idx %arg5[%get3A_177], %broadcast_in_dim3A_70 {add = true} : memref<528xf32, #tpu.memory_space<vmem>>[vector<16xi32>], vector<16xf32>,
    %get3A_178 = arith.constant 864 : index
    %get3A_179 = tpu.vector_load %arg4[%get3A_178] {strides = array<i32>} : memref<1696xi32, #tpu.memory_space<vmem>>, vector<16xi32>,
    tpu.vector_store_idx %arg5[%get3A_179], %broadcast_in_dim3A_70 {add = true} : memref<528xf32, #tpu.memory_space<vmem>>[vector<16xi32>], vector<16xf32>,
    %get3A_180 = arith.constant 880 : index
    %get3A_181 = tpu.vector_load %arg4[%get3A_180] {strides = array<i32>} : memref<1696xi32, #tpu.memory_space<vmem>>, vector<16xi32>,
    tpu.vector_store_idx %arg5[%get3A_181], %broadcast_in_dim3A_70 {add = true} : memref<528xf32, #tpu.memory_space<vmem>>[vector<16xi32>], vector<16xf32>,
    %get3A_182 = arith.constant 896 : index
    %get3A_183 = tpu.vector_load %arg4[%get3A_182] {strides = array<i32>} : memref<1696xi32, #tpu.memory_space<vmem>>, vector<16xi32>,
    tpu.vector_store_idx %arg5[%get3A_183], %broadcast_in_dim3A_70 {add = true} : memref<528xf32, #tpu.memory_space<vmem>>[vector<16xi32>], vector<16xf32>,
    %get3A_184 = arith.constant 912 : index
    %get3A_185 = tpu.vector_load %arg4[%get3A_184] {strides = array<i32>} : memref<1696xi32, #tpu.memory_space<vmem>>, vector<16xi32>,
    tpu.vector_store_idx %arg5[%get3A_185], %broadcast_in_dim3A_70 {add = true} : memref<528xf32, #tpu.memory_space<vmem>>[vector<16xi32>], vector<16xf32>,
    %get3A_186 = arith.constant 928 : index
    %get3A_187 = tpu.vector_load %arg4[%get3A_186] {strides = array<i32>} : memref<1696xi32, #tpu.memory_space<vmem>>, vector<16xi32>,
    tpu.vector_store_idx %arg5[%get3A_187], %broadcast_in_dim3A_70 {add = true} : memref<528xf32, #tpu.memory_space<vmem>>[vector<16xi32>], vector<16xf32>,
    %get3A_188 = arith.constant 944 : index
    %get3A_189 = tpu.vector_load %arg4[%get3A_188] {strides = array<i32>} : memref<1696xi32, #tpu.memory_space<vmem>>, vector<16xi32>,
    tpu.vector_store_idx %arg5[%get3A_189], %broadcast_in_dim3A_70 {add = true} : memref<528xf32, #tpu.memory_space<vmem>>[vector<16xi32>], vector<16xf32>,
    %get3A_190 = arith.constant 960 : index
    %get3A_191 = tpu.vector_load %arg4[%get3A_190] {strides = array<i32>} : memref<1696xi32, #tpu.memory_space<vmem>>, vector<16xi32>,
    tpu.vector_store_idx %arg5[%get3A_191], %broadcast_in_dim3A_70 {add = true} : memref<528xf32, #tpu.memory_space<vmem>>[vector<16xi32>], vector<16xf32>,
    %get3A_192 = arith.constant 976 : index
    %get3A_193 = tpu.vector_load %arg4[%get3A_192] {strides = array<i32>} : memref<1696xi32, #tpu.memory_space<vmem>>, vector<16xi32>,
    tpu.vector_store_idx %arg5[%get3A_193], %broadcast_in_dim3A_70 {add = true} : memref<528xf32, #tpu.memory_space<vmem>>[vector<16xi32>], vector<16xf32>,
    %get3A_194 = arith.constant 992 : index
    %get3A_195 = tpu.vector_load %arg4[%get3A_194] {strides = array<i32>} : memref<1696xi32, #tpu.memory_space<vmem>>, vector<16xi32>,
    tpu.vector_store_idx %arg5[%get3A_195], %broadcast_in_dim3A_70 {add = true} : memref<528xf32, #tpu.memory_space<vmem>>[vector<16xi32>], vector<16xf32>,
    %get3A_196 = arith.constant 1008 : index
    %get3A_197 = tpu.vector_load %arg4[%get3A_196] {strides = array<i32>} : memref<1696xi32, #tpu.memory_space<vmem>>, vector<16xi32>,
    tpu.vector_store_idx %arg5[%get3A_197], %broadcast_in_dim3A_70 {add = true} : memref<528xf32, #tpu.memory_space<vmem>>[vector<16xi32>], vector<16xf32>,
    %get3A_198 = arith.constant 1024 : index
    %get3A_199 = tpu.vector_load %arg4[%get3A_198] {strides = array<i32>} : memref<1696xi32, #tpu.memory_space<vmem>>, vector<16xi32>,
    tpu.vector_store_idx %arg5[%get3A_199], %broadcast_in_dim3A_70 {add = true} : memref<528xf32, #tpu.memory_space<vmem>>[vector<16xi32>], vector<16xf32>,
    %get3A_200 = arith.constant 1040 : index
    %get3A_201 = tpu.vector_load %arg4[%get3A_200] {strides = array<i32>} : memref<1696xi32, #tpu.memory_space<vmem>>, vector<16xi32>,
    tpu.vector_store_idx %arg5[%get3A_201], %broadcast_in_dim3A_70 {add = true} : memref<528xf32, #tpu.memory_space<vmem>>[vector<16xi32>], vector<16xf32>,
    %get3A_202 = arith.constant 1056 : index
    %get3A_203 = tpu.vector_load %arg4[%get3A_202] {strides = array<i32>} : memref<1696xi32, #tpu.memory_space<vmem>>, vector<16xi32>,
    tpu.vector_store_idx %arg5[%get3A_203], %broadcast_in_dim3A_70 {add = true} : memref<528xf32, #tpu.memory_space<vmem>>[vector<16xi32>], vector<16xf32>,
    %get3A_204 = arith.constant 1072 : index
    %get3A_205 = tpu.vector_load %arg4[%get3A_204] {strides = array<i32>} : memref<1696xi32, #tpu.memory_space<vmem>>, vector<16xi32>,
    tpu.vector_store_idx %arg5[%get3A_205], %broadcast_in_dim3A_70 {add = true} : memref<528xf32, #tpu.memory_space<vmem>>[vector<16xi32>], vector<16xf32>,
    %get3A_206 = arith.constant 1088 : index
    %get3A_207 = tpu.vector_load %arg4[%get3A_206] {strides = array<i32>} : memref<1696xi32, #tpu.memory_space<vmem>>, vector<16xi32>,
    tpu.vector_store_idx %arg5[%get3A_207], %broadcast_in_dim3A_70 {add = true} : memref<528xf32, #tpu.memory_space<vmem>>[vector<16xi32>], vector<16xf32>,
    %get3A_208 = arith.constant 1104 : index
    %get3A_209 = tpu.vector_load %arg4[%get3A_208] {strides = array<i32>} : memref<1696xi32, #tpu.memory_space<vmem>>, vector<16xi32>,
    tpu.vector_store_idx %arg5[%get3A_209], %broadcast_in_dim3A_70 {add = true} : memref<528xf32, #tpu.memory_space<vmem>>[vector<16xi32>], vector<16xf32>,
    %get3A_210 = arith.constant 1120 : index
    %get3A_211 = tpu.vector_load %arg4[%get3A_210] {strides = array<i32>} : memref<1696xi32, #tpu.memory_space<vmem>>, vector<16xi32>,
    tpu.vector_store_idx %arg5[%get3A_211], %broadcast_in_dim3A_70 {add = true} : memref<528xf32, #tpu.memory_space<vmem>>[vector<16xi32>], vector<16xf32>,
    %get3A_212 = arith.constant 1136 : index
    %get3A_213 = tpu.vector_load %arg4[%get3A_212] {strides = array<i32>} : memref<1696xi32, #tpu.memory_space<vmem>>, vector<16xi32>,
    tpu.vector_store_idx %arg5[%get3A_213], %broadcast_in_dim3A_70 {add = true} : memref<528xf32, #tpu.memory_space<vmem>>[vector<16xi32>], vector<16xf32>,
    %get3A_214 = arith.constant 1152 : index
    %get3A_215 = tpu.vector_load %arg4[%get3A_214] {strides = array<i32>} : memref<1696xi32, #tpu.memory_space<vmem>>, vector<16xi32>,
    tpu.vector_store_idx %arg5[%get3A_215], %broadcast_in_dim3A_70 {add = true} : memref<528xf32, #tpu.memory_space<vmem>>[vector<16xi32>], vector<16xf32>,
    %get3A_216 = arith.constant 1168 : index
    %get3A_217 = tpu.vector_load %arg4[%get3A_216] {strides = array<i32>} : memref<1696xi32, #tpu.memory_space<vmem>>, vector<16xi32>,
    tpu.vector_store_idx %arg5[%get3A_217], %broadcast_in_dim3A_70 {add = true} : memref<528xf32, #tpu.memory_space<vmem>>[vector<16xi32>], vector<16xf32>,
    %get3A_218 = arith.constant 1184 : index
    %get3A_219 = tpu.vector_load %arg4[%get3A_218] {strides = array<i32>} : memref<1696xi32, #tpu.memory_space<vmem>>, vector<16xi32>,
    tpu.vector_store_idx %arg5[%get3A_219], %broadcast_in_dim3A_70 {add = true} : memref<528xf32, #tpu.memory_space<vmem>>[vector<16xi32>], vector<16xf32>,
    %get3A_220 = arith.constant 1200 : index
    %get3A_221 = tpu.vector_load %arg4[%get3A_220] {strides = array<i32>} : memref<1696xi32, #tpu.memory_space<vmem>>, vector<16xi32>,
    tpu.vector_store_idx %arg5[%get3A_221], %broadcast_in_dim3A_70 {add = true} : memref<528xf32, #tpu.memory_space<vmem>>[vector<16xi32>], vector<16xf32>,
    %get3A_222 = arith.constant 1216 : index
    %get3A_223 = tpu.vector_load %arg4[%get3A_222] {strides = array<i32>} : memref<1696xi32, #tpu.memory_space<vmem>>, vector<16xi32>,
    tpu.vector_store_idx %arg5[%get3A_223], %broadcast_in_dim3A_70 {add = true} : memref<528xf32, #tpu.memory_space<vmem>>[vector<16xi32>], vector<16xf32>,
    %get3A_224 = arith.constant 1232 : index
    %get3A_225 = tpu.vector_load %arg4[%get3A_224] {strides = array<i32>} : memref<1696xi32, #tpu.memory_space<vmem>>, vector<16xi32>,
    tpu.vector_store_idx %arg5[%get3A_225], %broadcast_in_dim3A_70 {add = true} : memref<528xf32, #tpu.memory_space<vmem>>[vector<16xi32>], vector<16xf32>,
    %get3A_226 = arith.constant 1248 : index
    %get3A_227 = tpu.vector_load %arg4[%get3A_226] {strides = array<i32>} : memref<1696xi32, #tpu.memory_space<vmem>>, vector<16xi32>,
    tpu.vector_store_idx %arg5[%get3A_227], %broadcast_in_dim3A_70 {add = true} : memref<528xf32, #tpu.memory_space<vmem>>[vector<16xi32>], vector<16xf32>,
    %get3A_228 = arith.constant 1264 : index
    %get3A_229 = tpu.vector_load %arg4[%get3A_228] {strides = array<i32>} : memref<1696xi32, #tpu.memory_space<vmem>>, vector<16xi32>,
    tpu.vector_store_idx %arg5[%get3A_229], %broadcast_in_dim3A_70 {add = true} : memref<528xf32, #tpu.memory_space<vmem>>[vector<16xi32>], vector<16xf32>,
    %get3A_230 = arith.constant 1280 : index
    %get3A_231 = tpu.vector_load %arg4[%get3A_230] {strides = array<i32>} : memref<1696xi32, #tpu.memory_space<vmem>>, vector<16xi32>,
    tpu.vector_store_idx %arg5[%get3A_231], %broadcast_in_dim3A_70 {add = true} : memref<528xf32, #tpu.memory_space<vmem>>[vector<16xi32>], vector<16xf32>,
    %get3A_232 = arith.constant 1296 : index
    %get3A_233 = tpu.vector_load %arg4[%get3A_232] {strides = array<i32>} : memref<1696xi32, #tpu.memory_space<vmem>>, vector<16xi32>,
    tpu.vector_store_idx %arg5[%get3A_233], %broadcast_in_dim3A_70 {add = true} : memref<528xf32, #tpu.memory_space<vmem>>[vector<16xi32>], vector<16xf32>,
    %get3A_234 = arith.constant 1312 : index
    %get3A_235 = tpu.vector_load %arg4[%get3A_234] {strides = array<i32>} : memref<1696xi32, #tpu.memory_space<vmem>>, vector<16xi32>,
    tpu.vector_store_idx %arg5[%get3A_235], %broadcast_in_dim3A_70 {add = true} : memref<528xf32, #tpu.memory_space<vmem>>[vector<16xi32>], vector<16xf32>,
    %get3A_236 = arith.constant 1328 : index
    %get3A_237 = tpu.vector_load %arg4[%get3A_236] {strides = array<i32>} : memref<1696xi32, #tpu.memory_space<vmem>>, vector<16xi32>,
    tpu.vector_store_idx %arg5[%get3A_237], %broadcast_in_dim3A_70 {add = true} : memref<528xf32, #tpu.memory_space<vmem>>[vector<16xi32>], vector<16xf32>,
    %get3A_238 = arith.constant 1344 : index
    %get3A_239 = tpu.vector_load %arg4[%get3A_238] {strides = array<i32>} : memref<1696xi32, #tpu.memory_space<vmem>>, vector<16xi32>,
    tpu.vector_store_idx %arg5[%get3A_239], %broadcast_in_dim3A_70 {add = true} : memref<528xf32, #tpu.memory_space<vmem>>[vector<16xi32>], vector<16xf32>,
    %get3A_240 = arith.constant 1360 : index
    %get3A_241 = tpu.vector_load %arg4[%get3A_240] {strides = array<i32>} : memref<1696xi32, #tpu.memory_space<vmem>>, vector<16xi32>,
    tpu.vector_store_idx %arg5[%get3A_241], %broadcast_in_dim3A_70 {add = true} : memref<528xf32, #tpu.memory_space<vmem>>[vector<16xi32>], vector<16xf32>,
    %get3A_242 = arith.constant 1376 : index
    %get3A_243 = tpu.vector_load %arg4[%get3A_242] {strides = array<i32>} : memref<1696xi32, #tpu.memory_space<vmem>>, vector<16xi32>,
    tpu.vector_store_idx %arg5[%get3A_243], %broadcast_in_dim3A_70 {add = true} : memref<528xf32, #tpu.memory_space<vmem>>[vector<16xi32>], vector<16xf32>,
    %get3A_244 = arith.constant 1392 : index
    %get3A_245 = tpu.vector_load %arg4[%get3A_244] {strides = array<i32>} : memref<1696xi32, #tpu.memory_space<vmem>>, vector<16xi32>,
    tpu.vector_store_idx %arg5[%get3A_245], %broadcast_in_dim3A_70 {add = true} : memref<528xf32, #tpu.memory_space<vmem>>[vector<16xi32>], vector<16xf32>,
    %get3A_246 = arith.constant 1408 : index
    %get3A_247 = tpu.vector_load %arg4[%get3A_246] {strides = array<i32>} : memref<1696xi32, #tpu.memory_space<vmem>>, vector<16xi32>,
    tpu.vector_store_idx %arg5[%get3A_247], %broadcast_in_dim3A_70 {add = true} : memref<528xf32, #tpu.memory_space<vmem>>[vector<16xi32>], vector<16xf32>,
    %get3A_248 = arith.constant 1424 : index
    %get3A_249 = tpu.vector_load %arg4[%get3A_248] {strides = array<i32>} : memref<1696xi32, #tpu.memory_space<vmem>>, vector<16xi32>,
    tpu.vector_store_idx %arg5[%get3A_249], %broadcast_in_dim3A_70 {add = true} : memref<528xf32, #tpu.memory_space<vmem>>[vector<16xi32>], vector<16xf32>,
    %get3A_250 = arith.constant 1440 : index
    %get3A_251 = tpu.vector_load %arg4[%get3A_250] {strides = array<i32>} : memref<1696xi32, #tpu.memory_space<vmem>>, vector<16xi32>,
    tpu.vector_store_idx %arg5[%get3A_251], %broadcast_in_dim3A_70 {add = true} : memref<528xf32, #tpu.memory_space<vmem>>[vector<16xi32>], vector<16xf32>,
    %get3A_252 = arith.constant 1456 : index
    %get3A_253 = tpu.vector_load %arg4[%get3A_252] {strides = array<i32>} : memref<1696xi32, #tpu.memory_space<vmem>>, vector<16xi32>,
    tpu.vector_store_idx %arg5[%get3A_253], %broadcast_in_dim3A_70 {add = true} : memref<528xf32, #tpu.memory_space<vmem>>[vector<16xi32>], vector<16xf32>,
    %get3A_254 = arith.constant 1472 : index
    %get3A_255 = tpu.vector_load %arg4[%get3A_254] {strides = array<i32>} : memref<1696xi32, #tpu.memory_space<vmem>>, vector<16xi32>,
    tpu.vector_store_idx %arg5[%get3A_255], %broadcast_in_dim3A_70 {add = true} : memref<528xf32, #tpu.memory_space<vmem>>[vector<16xi32>], vector<16xf32>,
    %get3A_256 = arith.constant 1488 : index
    %get3A_257 = tpu.vector_load %arg4[%get3A_256] {strides = array<i32>} : memref<1696xi32, #tpu.memory_space<vmem>>, vector<16xi32>,
    tpu.vector_store_idx %arg5[%get3A_257], %broadcast_in_dim3A_70 {add = true} : memref<528xf32, #tpu.memory_space<vmem>>[vector<16xi32>], vector<16xf32>,
    %get3A_258 = arith.constant 1504 : index
    %get3A_259 = tpu.vector_load %arg4[%get3A_258] {strides = array<i32>} : memref<1696xi32, #tpu.memory_space<vmem>>, vector<16xi32>,
    tpu.vector_store_idx %arg5[%get3A_259], %broadcast_in_dim3A_70 {add = true} : memref<528xf32, #tpu.memory_space<vmem>>[vector<16xi32>], vector<16xf32>,
    %get3A_260 = arith.constant 1520 : index
    %get3A_261 = tpu.vector_load %arg4[%get3A_260] {strides = array<i32>} : memref<1696xi32, #tpu.memory_space<vmem>>, vector<16xi32>,
    tpu.vector_store_idx %arg5[%get3A_261], %broadcast_in_dim3A_70 {add = true} : memref<528xf32, #tpu.memory_space<vmem>>[vector<16xi32>], vector<16xf32>,
    %get3A_262 = arith.constant 1536 : index
    %get3A_263 = tpu.vector_load %arg4[%get3A_262] {strides = array<i32>} : memref<1696xi32, #tpu.memory_space<vmem>>, vector<16xi32>,
    tpu.vector_store_idx %arg5[%get3A_263], %broadcast_in_dim3A_70 {add = true} : memref<528xf32, #tpu.memory_space<vmem>>[vector<16xi32>], vector<16xf32>,
    %get3A_264 = arith.constant 1552 : index
    %get3A_265 = tpu.vector_load %arg4[%get3A_264] {strides = array<i32>} : memref<1696xi32, #tpu.memory_space<vmem>>, vector<16xi32>,
    tpu.vector_store_idx %arg5[%get3A_265], %broadcast_in_dim3A_70 {add = true} : memref<528xf32, #tpu.memory_space<vmem>>[vector<16xi32>], vector<16xf32>,
    %get3A_266 = arith.constant 1568 : index
    %get3A_267 = tpu.vector_load %arg4[%get3A_266] {strides = array<i32>} : memref<1696xi32, #tpu.memory_space<vmem>>, vector<16xi32>,
    tpu.vector_store_idx %arg5[%get3A_267], %broadcast_in_dim3A_70 {add = true} : memref<528xf32, #tpu.memory_space<vmem>>[vector<16xi32>], vector<16xf32>,
    %get3A_268 = arith.constant 1584 : index
    %get3A_269 = tpu.vector_load %arg4[%get3A_268] {strides = array<i32>} : memref<1696xi32, #tpu.memory_space<vmem>>, vector<16xi32>,
    tpu.vector_store_idx %arg5[%get3A_269], %broadcast_in_dim3A_70 {add = true} : memref<528xf32, #tpu.memory_space<vmem>>[vector<16xi32>], vector<16xf32>,
    %get3A_270 = arith.constant 1600 : index
    %get3A_271 = tpu.vector_load %arg4[%get3A_270] {strides = array<i32>} : memref<1696xi32, #tpu.memory_space<vmem>>, vector<16xi32>,
    tpu.vector_store_idx %arg5[%get3A_271], %broadcast_in_dim3A_70 {add = true} : memref<528xf32, #tpu.memory_space<vmem>>[vector<16xi32>], vector<16xf32>,
    %get3A_272 = arith.constant 1616 : index
    %get3A_273 = tpu.vector_load %arg4[%get3A_272] {strides = array<i32>} : memref<1696xi32, #tpu.memory_space<vmem>>, vector<16xi32>,
    tpu.vector_store_idx %arg5[%get3A_273], %broadcast_in_dim3A_70 {add = true} : memref<528xf32, #tpu.memory_space<vmem>>[vector<16xi32>], vector<16xf32>,
    %get3A_274 = arith.constant 1632 : index
    %get3A_275 = tpu.vector_load %arg4[%get3A_274] {strides = array<i32>} : memref<1696xi32, #tpu.memory_space<vmem>>, vector<16xi32>,
    tpu.vector_store_idx %arg5[%get3A_275], %broadcast_in_dim3A_70 {add = true} : memref<528xf32, #tpu.memory_space<vmem>>[vector<16xi32>], vector<16xf32>,
    %get3A_276 = arith.constant 1648 : index
    %get3A_277 = tpu.vector_load %arg4[%get3A_276] {strides = array<i32>} : memref<1696xi32, #tpu.memory_space<vmem>>, vector<16xi32>,
    tpu.vector_store_idx %arg5[%get3A_277], %broadcast_in_dim3A_70 {add = true} : memref<528xf32, #tpu.memory_space<vmem>>[vector<16xi32>], vector<16xf32>,
    %get3A_278 = arith.constant 1664 : index
    %get3A_279 = tpu.vector_load %arg4[%get3A_278] {strides = array<i32>} : memref<1696xi32, #tpu.memory_space<vmem>>, vector<16xi32>,
    tpu.vector_store_idx %arg5[%get3A_279], %broadcast_in_dim3A_70 {add = true} : memref<528xf32, #tpu.memory_space<vmem>>[vector<16xi32>], vector<16xf32>,
    %get3A_280 = arith.constant 1680 : index
    %get3A_281 = tpu.vector_load %arg4[%get3A_280] {strides = array<i32>} : memref<1696xi32, #tpu.memory_space<vmem>>, vector<16xi32>,
    tpu.vector_store_idx %arg5[%get3A_281], %broadcast_in_dim3A_70 {add = true} : memref<528xf32, #tpu.memory_space<vmem>>[vector<16xi32>], vector<16xf32>,
    "tpu.region"() ({
      %run_scoped3A = tpu.sem_alloc : memref<!tpu.dma_semaphore, #tpu.memory_space<semaphore_mem>>
      %dma_start3A = arith.constant 0 : i32
      %dma_start3A_282 = tpu.memref_slice %arg3[%add3A, %dma_start3A] : memref<32x528xf32, #tpu.memory_space<hbm>> -> memref<1x528xf32, #tpu.memory_space<hbm>>
      %dma_start3A_283 = tpu.memref_squeeze %dma_start3A_282 : memref<1x528xf32, #tpu.memory_space<hbm>> -> memref<528xf32, #tpu.memory_space<hbm>>
      %dma_start3A_284 = arith.constant 0 : i32
      %dma_start3A_285 = tpu.memref_slice %arg3[%add3A, %dma_start3A_284] : memref<32x528xf32, #tpu.memory_space<hbm>> -> memref<1x528xf32, #tpu.memory_space<hbm>>
      %dma_start3A_286 = tpu.memref_squeeze %dma_start3A_285 : memref<1x528xf32, #tpu.memory_space<hbm>> -> memref<528xf32, #tpu.memory_space<hbm>>
      tpu.enqueue_dma source(%arg5 : memref<528xf32, #tpu.memory_space<vmem>>) target(%dma_start3A_286 : memref<528xf32, #tpu.memory_space<hbm>>) target_semaphore(%run_scoped3A : memref<!tpu.dma_semaphore, #tpu.memory_space<semaphore_mem>>)
      %dma_wait3A = arith.constant 0 : i32
      %dma_wait3A_287 = tpu.memref_slice %arg3[%add3A, %dma_wait3A] : memref<32x528xf32, #tpu.memory_space<hbm>> -> memref<1x528xf32, #tpu.memory_space<hbm>>
      %dma_wait3A_288 = tpu.memref_squeeze %dma_wait3A_287 : memref<1x528xf32, #tpu.memory_space<hbm>> -> memref<528xf32, #tpu.memory_space<hbm>>
      %dma_wait3A_289 = arith.constant 0 : i32
      %dma_wait3A_290 = tpu.memref_slice %arg3[%add3A, %dma_wait3A_289] : memref<32x528xf32, #tpu.memory_space<hbm>> -> memref<1x528xf32, #tpu.memory_space<hbm>>
      %dma_wait3A_291 = tpu.memref_squeeze %dma_wait3A_290 : memref<1x528xf32, #tpu.memory_space<hbm>> -> memref<528xf32, #tpu.memory_space<hbm>>
      tpu.wait_dma2 semaphore(%run_scoped3A : memref<!tpu.dma_semaphore, #tpu.memory_space<semaphore_mem>>) src(%arg5 : memref<528xf32, #tpu.memory_space<vmem>>) dst(%dma_wait3A_291 : memref<528xf32, #tpu.memory_space<hbm>>)
      tpu.yield
    }) : () -> ()
    return
  }
}

module attributes {stable_mosaic.version = 14 : i64} {
  func.func @_l1_body(%arg0: i32, %arg1: memref<1x4x48x3312xbf16, #tpu.memory_space<vmem>>, %arg2: memref<48x64xf32, #tpu.memory_space<vmem>>, %arg3: memref<1x64xf32, #tpu.memory_space<vmem>>, %arg4: memref<4x3312x1xf32, #tpu.memory_space<vmem>>, %arg5: memref<1x4x3432x64xbf16, #tpu.memory_space<vmem>>) attributes {dimension_semantics = [#tpu.dimension_semantics<arbitrary>], iteration_bounds = array<i64: 16>, scalar_prefetch = 0 : i64, scratch_operands = 0 : i64, tpu.core_type = #tpu.core_type<tc>, window_params = [{transform_indices = @transform_0, window_bounds = array<i64: 1, 4, 48, 3312>}, {pipeline_mode = #tpu.pipeline_mode<synchronous>, transform_indices = @transform_1, window_bounds = array<i64: 48, 64>}, {pipeline_mode = #tpu.pipeline_mode<synchronous>, transform_indices = @transform_2, window_bounds = array<i64: 1, 64>}, {pipeline_mode = #tpu.pipeline_mode<synchronous>, transform_indices = @transform_3, window_bounds = array<i64: 4, 3312, 1>}, {transform_indices = @transform_4, window_bounds = array<i64: 1, 4, 3432, 64>}]} {
    %get3A = arith.constant 0 : index
    %get3A_0 = arith.constant 0 : index
    %get3A_1 = arith.constant 0 : index
    %get3A_2 = arith.constant 0 : index
    %get3A_3 = vector.load %arg1[%get3A, %get3A_0, %get3A_1, %get3A_2] : memref<1x4x48x3312xbf16, #tpu.memory_space<vmem>>, vector<1x1x48x3312xbf16>
    %get3A_4 = vector.shape_cast %get3A_3 : vector<1x1x48x3312xbf16> to vector<48x3312xbf16>
    %get3A_5 = arith.constant 0 : index
    %get3A_6 = arith.constant 0 : index
    %get3A_7 = vector.load %arg2[%get3A_5, %get3A_6] : memref<48x64xf32, #tpu.memory_space<vmem>>, vector<48x64xf32>
    %convert_element_type3A = arith.truncf %get3A_7 : vector<48x64xf32> to vector<48x64xbf16>
    %dot_general3A = arith.constant dense<0.000000e+00> : vector<3312x64xf32>
    %dot_general3A_8 = tpu.matmul %get3A_4, %convert_element_type3A, %dot_general3A {dimension_numbers = #tpu.dot_dimension_numbers<[0], [0], [1], [1], [0, 1, 1, 1], [], []>, transpose_lhs_hint = false} : vector<48x3312xbf16>, vector<48x64xbf16>, vector<3312x64xf32> -> vector<3312x64xf32>
    %get3A_9 = arith.constant 0 : index
    %get3A_10 = arith.constant 0 : index
    %get3A_11 = vector.load %arg3[%get3A_9, %get3A_10] : memref<1x64xf32, #tpu.memory_space<vmem>>, vector<1x64xf32>
    %add3A = vector.broadcast %get3A_11 : vector<1x64xf32> to vector<3312x64xf32>
    %add3A_12 = arith.addf %dot_general3A_8, %add3A : vector<3312x64xf32>
    %max3A = arith.constant 0.000000e+00 : f32
    %max3A_13 = vector.broadcast %max3A : f32 to vector<3312x64xf32>
    %max3A_14 = arith.maximumf %add3A_12, %max3A_13 : vector<3312x64xf32>
    %get3A_15 = arith.constant 0 : index
    %get3A_16 = arith.constant 0 : index
    %get3A_17 = arith.constant 0 : index
    %get3A_18 = vector.load %arg4[%get3A_15, %get3A_16, %get3A_17] : memref<4x3312x1xf32, #tpu.memory_space<vmem>>, vector<1x3312x1xf32>
    %get3A_19 = vector.shape_cast %get3A_18 : vector<1x3312x1xf32> to vector<3312x1xf32>
    %mul3A = vector.broadcast %get3A_19 : vector<3312x1xf32> to vector<3312x64xf32>
    %mul3A_20 = arith.mulf %max3A_14, %mul3A : vector<3312x64xf32>
    %convert_element_type3A_21 = arith.truncf %mul3A_20 : vector<3312x64xf32> to vector<3312x64xbf16>
    %swap3A = arith.constant 0 : index
    %swap3A_22 = arith.constant 0 : index
    %swap3A_23 = arith.constant 64 : index
    %swap3A_24 = arith.constant 0 : index
    %swap3A_25 = vector.load %arg5[%swap3A, %swap3A_22, %swap3A_23, %swap3A_24] : memref<1x4x3432x64xbf16, #tpu.memory_space<vmem>>, vector<1x1x3312x64xbf16>
    %swap3A_26 = vector.shape_cast %swap3A_25 : vector<1x1x3312x64xbf16> to vector<3312x64xbf16>
    %swap3A_27 = vector.shape_cast %convert_element_type3A_21 : vector<3312x64xbf16> to vector<1x1x3312x64xbf16>
    tpu.vector_store %arg5[%swap3A, %swap3A_22, %swap3A_23, %swap3A_24], %swap3A_27 {strides = array<i32>} : memref<1x4x3432x64xbf16, #tpu.memory_space<vmem>>, vector<1x1x3312x64xbf16>,
    %broadcast_in_dim3A = arith.constant 0.000000e+00 : bf16
    %broadcast_in_dim3A_28 = vector.broadcast %broadcast_in_dim3A : bf16 to vector<64x64xbf16>
    %swap3A_29 = arith.constant 0 : index
    %swap3A_30 = arith.constant 0 : index
    %swap3A_31 = arith.constant 0 : index
    %swap3A_32 = arith.constant 0 : index
    %swap3A_33 = vector.load %arg5[%swap3A_29, %swap3A_30, %swap3A_31, %swap3A_32] : memref<1x4x3432x64xbf16, #tpu.memory_space<vmem>>, vector<1x1x64x64xbf16>
    %swap3A_34 = vector.shape_cast %swap3A_33 : vector<1x1x64x64xbf16> to vector<64x64xbf16>
    %swap3A_35 = vector.shape_cast %broadcast_in_dim3A_28 : vector<64x64xbf16> to vector<1x1x64x64xbf16>
    tpu.vector_store %arg5[%swap3A_29, %swap3A_30, %swap3A_31, %swap3A_32], %swap3A_35 {strides = array<i32>} : memref<1x4x3432x64xbf16, #tpu.memory_space<vmem>>, vector<1x1x64x64xbf16>,
    %broadcast_in_dim3A_36 = arith.constant 0.000000e+00 : bf16
    %broadcast_in_dim3A_37 = vector.broadcast %broadcast_in_dim3A_36 : bf16 to vector<56x64xbf16>
    %swap3A_38 = arith.constant 0 : index
    %swap3A_39 = arith.constant 0 : index
    %swap3A_40 = arith.constant 3376 : index
    %swap3A_41 = arith.constant 0 : index
    %swap3A_42 = vector.load %arg5[%swap3A_38, %swap3A_39, %swap3A_40, %swap3A_41] : memref<1x4x3432x64xbf16, #tpu.memory_space<vmem>>, vector<1x1x56x64xbf16>
    %swap3A_43 = vector.shape_cast %swap3A_42 : vector<1x1x56x64xbf16> to vector<56x64xbf16>
    %swap3A_44 = vector.shape_cast %broadcast_in_dim3A_37 : vector<56x64xbf16> to vector<1x1x56x64xbf16>
    tpu.vector_store %arg5[%swap3A_38, %swap3A_39, %swap3A_40, %swap3A_41], %swap3A_44 {strides = array<i32>} : memref<1x4x3432x64xbf16, #tpu.memory_space<vmem>>, vector<1x1x56x64xbf16>,
    %get3A_45 = arith.constant 0 : index
    %get3A_46 = arith.constant 1 : index
    %get3A_47 = arith.constant 0 : index
    %get3A_48 = arith.constant 0 : index
    %get3A_49 = vector.load %arg1[%get3A_45, %get3A_46, %get3A_47, %get3A_48] : memref<1x4x48x3312xbf16, #tpu.memory_space<vmem>>, vector<1x1x48x3312xbf16>
    %get3A_50 = vector.shape_cast %get3A_49 : vector<1x1x48x3312xbf16> to vector<48x3312xbf16>
    %get3A_51 = arith.constant 0 : index
    %get3A_52 = arith.constant 0 : index
    %get3A_53 = vector.load %arg2[%get3A_51, %get3A_52] : memref<48x64xf32, #tpu.memory_space<vmem>>, vector<48x64xf32>
    %convert_element_type3A_54 = arith.truncf %get3A_53 : vector<48x64xf32> to vector<48x64xbf16>
    %dot_general3A_55 = arith.constant dense<0.000000e+00> : vector<3312x64xf32>
    %dot_general3A_56 = tpu.matmul %get3A_50, %convert_element_type3A_54, %dot_general3A_55 {dimension_numbers = #tpu.dot_dimension_numbers<[0], [0], [1], [1], [0, 1, 1, 1], [], []>, transpose_lhs_hint = false} : vector<48x3312xbf16>, vector<48x64xbf16>, vector<3312x64xf32> -> vector<3312x64xf32>
    %get3A_57 = arith.constant 0 : index
    %get3A_58 = arith.constant 0 : index
    %get3A_59 = vector.load %arg3[%get3A_57, %get3A_58] : memref<1x64xf32, #tpu.memory_space<vmem>>, vector<1x64xf32>
    %add3A_60 = vector.broadcast %get3A_59 : vector<1x64xf32> to vector<3312x64xf32>
    %add3A_61 = arith.addf %dot_general3A_56, %add3A_60 : vector<3312x64xf32>
    %max3A_62 = arith.constant 0.000000e+00 : f32
    %max3A_63 = vector.broadcast %max3A_62 : f32 to vector<3312x64xf32>
    %max3A_64 = arith.maximumf %add3A_61, %max3A_63 : vector<3312x64xf32>
    %get3A_65 = arith.constant 1 : index
    %get3A_66 = arith.constant 0 : index
    %get3A_67 = arith.constant 0 : index
    %get3A_68 = vector.load %arg4[%get3A_65, %get3A_66, %get3A_67] : memref<4x3312x1xf32, #tpu.memory_space<vmem>>, vector<1x3312x1xf32>
    %get3A_69 = vector.shape_cast %get3A_68 : vector<1x3312x1xf32> to vector<3312x1xf32>
    %mul3A_70 = vector.broadcast %get3A_69 : vector<3312x1xf32> to vector<3312x64xf32>
    %mul3A_71 = arith.mulf %max3A_64, %mul3A_70 : vector<3312x64xf32>
    %convert_element_type3A_72 = arith.truncf %mul3A_71 : vector<3312x64xf32> to vector<3312x64xbf16>
    %swap3A_73 = arith.constant 0 : index
    %swap3A_74 = arith.constant 1 : index
    %swap3A_75 = arith.constant 64 : index
    %swap3A_76 = arith.constant 0 : index
    %swap3A_77 = vector.load %arg5[%swap3A_73, %swap3A_74, %swap3A_75, %swap3A_76] : memref<1x4x3432x64xbf16, #tpu.memory_space<vmem>>, vector<1x1x3312x64xbf16>
    %swap3A_78 = vector.shape_cast %swap3A_77 : vector<1x1x3312x64xbf16> to vector<3312x64xbf16>
    %swap3A_79 = vector.shape_cast %convert_element_type3A_72 : vector<3312x64xbf16> to vector<1x1x3312x64xbf16>
    tpu.vector_store %arg5[%swap3A_73, %swap3A_74, %swap3A_75, %swap3A_76], %swap3A_79 {strides = array<i32>} : memref<1x4x3432x64xbf16, #tpu.memory_space<vmem>>, vector<1x1x3312x64xbf16>,
    %broadcast_in_dim3A_80 = arith.constant 0.000000e+00 : bf16
    %broadcast_in_dim3A_81 = vector.broadcast %broadcast_in_dim3A_80 : bf16 to vector<64x64xbf16>
    %swap3A_82 = arith.constant 0 : index
    %swap3A_83 = arith.constant 1 : index
    %swap3A_84 = arith.constant 0 : index
    %swap3A_85 = arith.constant 0 : index
    %swap3A_86 = vector.load %arg5[%swap3A_82, %swap3A_83, %swap3A_84, %swap3A_85] : memref<1x4x3432x64xbf16, #tpu.memory_space<vmem>>, vector<1x1x64x64xbf16>
    %swap3A_87 = vector.shape_cast %swap3A_86 : vector<1x1x64x64xbf16> to vector<64x64xbf16>
    %swap3A_88 = vector.shape_cast %broadcast_in_dim3A_81 : vector<64x64xbf16> to vector<1x1x64x64xbf16>
    tpu.vector_store %arg5[%swap3A_82, %swap3A_83, %swap3A_84, %swap3A_85], %swap3A_88 {strides = array<i32>} : memref<1x4x3432x64xbf16, #tpu.memory_space<vmem>>, vector<1x1x64x64xbf16>,
    %broadcast_in_dim3A_89 = arith.constant 0.000000e+00 : bf16
    %broadcast_in_dim3A_90 = vector.broadcast %broadcast_in_dim3A_89 : bf16 to vector<56x64xbf16>
    %swap3A_91 = arith.constant 0 : index
    %swap3A_92 = arith.constant 1 : index
    %swap3A_93 = arith.constant 3376 : index
    %swap3A_94 = arith.constant 0 : index
    %swap3A_95 = vector.load %arg5[%swap3A_91, %swap3A_92, %swap3A_93, %swap3A_94] : memref<1x4x3432x64xbf16, #tpu.memory_space<vmem>>, vector<1x1x56x64xbf16>
    %swap3A_96 = vector.shape_cast %swap3A_95 : vector<1x1x56x64xbf16> to vector<56x64xbf16>
    %swap3A_97 = vector.shape_cast %broadcast_in_dim3A_90 : vector<56x64xbf16> to vector<1x1x56x64xbf16>
    tpu.vector_store %arg5[%swap3A_91, %swap3A_92, %swap3A_93, %swap3A_94], %swap3A_97 {strides = array<i32>} : memref<1x4x3432x64xbf16, #tpu.memory_space<vmem>>, vector<1x1x56x64xbf16>,
    %get3A_98 = arith.constant 0 : index
    %get3A_99 = arith.constant 2 : index
    %get3A_100 = arith.constant 0 : index
    %get3A_101 = arith.constant 0 : index
    %get3A_102 = vector.load %arg1[%get3A_98, %get3A_99, %get3A_100, %get3A_101] : memref<1x4x48x3312xbf16, #tpu.memory_space<vmem>>, vector<1x1x48x3312xbf16>
    %get3A_103 = vector.shape_cast %get3A_102 : vector<1x1x48x3312xbf16> to vector<48x3312xbf16>
    %get3A_104 = arith.constant 0 : index
    %get3A_105 = arith.constant 0 : index
    %get3A_106 = vector.load %arg2[%get3A_104, %get3A_105] : memref<48x64xf32, #tpu.memory_space<vmem>>, vector<48x64xf32>
    %convert_element_type3A_107 = arith.truncf %get3A_106 : vector<48x64xf32> to vector<48x64xbf16>
    %dot_general3A_108 = arith.constant dense<0.000000e+00> : vector<3312x64xf32>
    %dot_general3A_109 = tpu.matmul %get3A_103, %convert_element_type3A_107, %dot_general3A_108 {dimension_numbers = #tpu.dot_dimension_numbers<[0], [0], [1], [1], [0, 1, 1, 1], [], []>, transpose_lhs_hint = false} : vector<48x3312xbf16>, vector<48x64xbf16>, vector<3312x64xf32> -> vector<3312x64xf32>
    %get3A_110 = arith.constant 0 : index
    %get3A_111 = arith.constant 0 : index
    %get3A_112 = vector.load %arg3[%get3A_110, %get3A_111] : memref<1x64xf32, #tpu.memory_space<vmem>>, vector<1x64xf32>
    %add3A_113 = vector.broadcast %get3A_112 : vector<1x64xf32> to vector<3312x64xf32>
    %add3A_114 = arith.addf %dot_general3A_109, %add3A_113 : vector<3312x64xf32>
    %max3A_115 = arith.constant 0.000000e+00 : f32
    %max3A_116 = vector.broadcast %max3A_115 : f32 to vector<3312x64xf32>
    %max3A_117 = arith.maximumf %add3A_114, %max3A_116 : vector<3312x64xf32>
    %get3A_118 = arith.constant 2 : index
    %get3A_119 = arith.constant 0 : index
    %get3A_120 = arith.constant 0 : index
    %get3A_121 = vector.load %arg4[%get3A_118, %get3A_119, %get3A_120] : memref<4x3312x1xf32, #tpu.memory_space<vmem>>, vector<1x3312x1xf32>
    %get3A_122 = vector.shape_cast %get3A_121 : vector<1x3312x1xf32> to vector<3312x1xf32>
    %mul3A_123 = vector.broadcast %get3A_122 : vector<3312x1xf32> to vector<3312x64xf32>
    %mul3A_124 = arith.mulf %max3A_117, %mul3A_123 : vector<3312x64xf32>
    %convert_element_type3A_125 = arith.truncf %mul3A_124 : vector<3312x64xf32> to vector<3312x64xbf16>
    %swap3A_126 = arith.constant 0 : index
    %swap3A_127 = arith.constant 2 : index
    %swap3A_128 = arith.constant 64 : index
    %swap3A_129 = arith.constant 0 : index
    %swap3A_130 = vector.load %arg5[%swap3A_126, %swap3A_127, %swap3A_128, %swap3A_129] : memref<1x4x3432x64xbf16, #tpu.memory_space<vmem>>, vector<1x1x3312x64xbf16>
    %swap3A_131 = vector.shape_cast %swap3A_130 : vector<1x1x3312x64xbf16> to vector<3312x64xbf16>
    %swap3A_132 = vector.shape_cast %convert_element_type3A_125 : vector<3312x64xbf16> to vector<1x1x3312x64xbf16>
    tpu.vector_store %arg5[%swap3A_126, %swap3A_127, %swap3A_128, %swap3A_129], %swap3A_132 {strides = array<i32>} : memref<1x4x3432x64xbf16, #tpu.memory_space<vmem>>, vector<1x1x3312x64xbf16>,
    %broadcast_in_dim3A_133 = arith.constant 0.000000e+00 : bf16
    %broadcast_in_dim3A_134 = vector.broadcast %broadcast_in_dim3A_133 : bf16 to vector<64x64xbf16>
    %swap3A_135 = arith.constant 0 : index
    %swap3A_136 = arith.constant 2 : index
    %swap3A_137 = arith.constant 0 : index
    %swap3A_138 = arith.constant 0 : index
    %swap3A_139 = vector.load %arg5[%swap3A_135, %swap3A_136, %swap3A_137, %swap3A_138] : memref<1x4x3432x64xbf16, #tpu.memory_space<vmem>>, vector<1x1x64x64xbf16>
    %swap3A_140 = vector.shape_cast %swap3A_139 : vector<1x1x64x64xbf16> to vector<64x64xbf16>
    %swap3A_141 = vector.shape_cast %broadcast_in_dim3A_134 : vector<64x64xbf16> to vector<1x1x64x64xbf16>
    tpu.vector_store %arg5[%swap3A_135, %swap3A_136, %swap3A_137, %swap3A_138], %swap3A_141 {strides = array<i32>} : memref<1x4x3432x64xbf16, #tpu.memory_space<vmem>>, vector<1x1x64x64xbf16>,
    %broadcast_in_dim3A_142 = arith.constant 0.000000e+00 : bf16
    %broadcast_in_dim3A_143 = vector.broadcast %broadcast_in_dim3A_142 : bf16 to vector<56x64xbf16>
    %swap3A_144 = arith.constant 0 : index
    %swap3A_145 = arith.constant 2 : index
    %swap3A_146 = arith.constant 3376 : index
    %swap3A_147 = arith.constant 0 : index
    %swap3A_148 = vector.load %arg5[%swap3A_144, %swap3A_145, %swap3A_146, %swap3A_147] : memref<1x4x3432x64xbf16, #tpu.memory_space<vmem>>, vector<1x1x56x64xbf16>
    %swap3A_149 = vector.shape_cast %swap3A_148 : vector<1x1x56x64xbf16> to vector<56x64xbf16>
    %swap3A_150 = vector.shape_cast %broadcast_in_dim3A_143 : vector<56x64xbf16> to vector<1x1x56x64xbf16>
    tpu.vector_store %arg5[%swap3A_144, %swap3A_145, %swap3A_146, %swap3A_147], %swap3A_150 {strides = array<i32>} : memref<1x4x3432x64xbf16, #tpu.memory_space<vmem>>, vector<1x1x56x64xbf16>,
    %get3A_151 = arith.constant 0 : index
    %get3A_152 = arith.constant 3 : index
    %get3A_153 = arith.constant 0 : index
    %get3A_154 = arith.constant 0 : index
    %get3A_155 = vector.load %arg1[%get3A_151, %get3A_152, %get3A_153, %get3A_154] : memref<1x4x48x3312xbf16, #tpu.memory_space<vmem>>, vector<1x1x48x3312xbf16>
    %get3A_156 = vector.shape_cast %get3A_155 : vector<1x1x48x3312xbf16> to vector<48x3312xbf16>
    %get3A_157 = arith.constant 0 : index
    %get3A_158 = arith.constant 0 : index
    %get3A_159 = vector.load %arg2[%get3A_157, %get3A_158] : memref<48x64xf32, #tpu.memory_space<vmem>>, vector<48x64xf32>
    %convert_element_type3A_160 = arith.truncf %get3A_159 : vector<48x64xf32> to vector<48x64xbf16>
    %dot_general3A_161 = arith.constant dense<0.000000e+00> : vector<3312x64xf32>
    %dot_general3A_162 = tpu.matmul %get3A_156, %convert_element_type3A_160, %dot_general3A_161 {dimension_numbers = #tpu.dot_dimension_numbers<[0], [0], [1], [1], [0, 1, 1, 1], [], []>, transpose_lhs_hint = false} : vector<48x3312xbf16>, vector<48x64xbf16>, vector<3312x64xf32> -> vector<3312x64xf32>
    %get3A_163 = arith.constant 0 : index
    %get3A_164 = arith.constant 0 : index
    %get3A_165 = vector.load %arg3[%get3A_163, %get3A_164] : memref<1x64xf32, #tpu.memory_space<vmem>>, vector<1x64xf32>
    %add3A_166 = vector.broadcast %get3A_165 : vector<1x64xf32> to vector<3312x64xf32>
    %add3A_167 = arith.addf %dot_general3A_162, %add3A_166 : vector<3312x64xf32>
    %max3A_168 = arith.constant 0.000000e+00 : f32
    %max3A_169 = vector.broadcast %max3A_168 : f32 to vector<3312x64xf32>
    %max3A_170 = arith.maximumf %add3A_167, %max3A_169 : vector<3312x64xf32>
    %get3A_171 = arith.constant 3 : index
    %get3A_172 = arith.constant 0 : index
    %get3A_173 = arith.constant 0 : index
    %get3A_174 = vector.load %arg4[%get3A_171, %get3A_172, %get3A_173] : memref<4x3312x1xf32, #tpu.memory_space<vmem>>, vector<1x3312x1xf32>
    %get3A_175 = vector.shape_cast %get3A_174 : vector<1x3312x1xf32> to vector<3312x1xf32>
    %mul3A_176 = vector.broadcast %get3A_175 : vector<3312x1xf32> to vector<3312x64xf32>
    %mul3A_177 = arith.mulf %max3A_170, %mul3A_176 : vector<3312x64xf32>
    %convert_element_type3A_178 = arith.truncf %mul3A_177 : vector<3312x64xf32> to vector<3312x64xbf16>
    %swap3A_179 = arith.constant 0 : index
    %swap3A_180 = arith.constant 3 : index
    %swap3A_181 = arith.constant 64 : index
    %swap3A_182 = arith.constant 0 : index
    %swap3A_183 = vector.load %arg5[%swap3A_179, %swap3A_180, %swap3A_181, %swap3A_182] : memref<1x4x3432x64xbf16, #tpu.memory_space<vmem>>, vector<1x1x3312x64xbf16>
    %swap3A_184 = vector.shape_cast %swap3A_183 : vector<1x1x3312x64xbf16> to vector<3312x64xbf16>
    %swap3A_185 = vector.shape_cast %convert_element_type3A_178 : vector<3312x64xbf16> to vector<1x1x3312x64xbf16>
    tpu.vector_store %arg5[%swap3A_179, %swap3A_180, %swap3A_181, %swap3A_182], %swap3A_185 {strides = array<i32>} : memref<1x4x3432x64xbf16, #tpu.memory_space<vmem>>, vector<1x1x3312x64xbf16>,
    %broadcast_in_dim3A_186 = arith.constant 0.000000e+00 : bf16
    %broadcast_in_dim3A_187 = vector.broadcast %broadcast_in_dim3A_186 : bf16 to vector<64x64xbf16>
    %swap3A_188 = arith.constant 0 : index
    %swap3A_189 = arith.constant 3 : index
    %swap3A_190 = arith.constant 0 : index
    %swap3A_191 = arith.constant 0 : index
    %swap3A_192 = vector.load %arg5[%swap3A_188, %swap3A_189, %swap3A_190, %swap3A_191] : memref<1x4x3432x64xbf16, #tpu.memory_space<vmem>>, vector<1x1x64x64xbf16>
    %swap3A_193 = vector.shape_cast %swap3A_192 : vector<1x1x64x64xbf16> to vector<64x64xbf16>
    %swap3A_194 = vector.shape_cast %broadcast_in_dim3A_187 : vector<64x64xbf16> to vector<1x1x64x64xbf16>
    tpu.vector_store %arg5[%swap3A_188, %swap3A_189, %swap3A_190, %swap3A_191], %swap3A_194 {strides = array<i32>} : memref<1x4x3432x64xbf16, #tpu.memory_space<vmem>>, vector<1x1x64x64xbf16>,
    %broadcast_in_dim3A_195 = arith.constant 0.000000e+00 : bf16
    %broadcast_in_dim3A_196 = vector.broadcast %broadcast_in_dim3A_195 : bf16 to vector<56x64xbf16>
    %swap3A_197 = arith.constant 0 : index
    %swap3A_198 = arith.constant 3 : index
    %swap3A_199 = arith.constant 3376 : index
    %swap3A_200 = arith.constant 0 : index
    %swap3A_201 = vector.load %arg5[%swap3A_197, %swap3A_198, %swap3A_199, %swap3A_200] : memref<1x4x3432x64xbf16, #tpu.memory_space<vmem>>, vector<1x1x56x64xbf16>
    %swap3A_202 = vector.shape_cast %swap3A_201 : vector<1x1x56x64xbf16> to vector<56x64xbf16>
    %swap3A_203 = vector.shape_cast %broadcast_in_dim3A_196 : vector<56x64xbf16> to vector<1x1x56x64xbf16>
    tpu.vector_store %arg5[%swap3A_197, %swap3A_198, %swap3A_199, %swap3A_200], %swap3A_203 {strides = array<i32>} : memref<1x4x3432x64xbf16, #tpu.memory_space<vmem>>, vector<1x1x56x64xbf16>,
    return
  }
  func.func @transform_0(%arg0: i32) -> (i32, i32, i32, i32) {
    %c0_i32 = arith.constant 0 : i32
    %c0_i32_0 = arith.constant 0 : i32
    %c0_i32_1 = arith.constant 0 : i32
    %c0_i32_2 = arith.constant 0 : i32
    return %arg0, %c0_i32, %c0_i32_0, %c0_i32_1 : i32, i32, i32, i32
  }
  func.func @transform_1(%arg0: i32) -> (i32, i32) {
    %c0_i32 = arith.constant 0 : i32
    %c0_i32_0 = arith.constant 0 : i32
    %c0_i32_1 = arith.constant 0 : i32
    return %c0_i32, %c0_i32_0 : i32, i32
  }
  func.func @transform_2(%arg0: i32) -> (i32, i32) {
    %c0_i32 = arith.constant 0 : i32
    %c0_i32_0 = arith.constant 0 : i32
    %c0_i32_1 = arith.constant 0 : i32
    return %c0_i32, %c0_i32_0 : i32, i32
  }
  func.func @transform_3(%arg0: i32) -> (i32, i32, i32) {
    %c0_i32 = arith.constant 0 : i32
    %c0_i32_0 = arith.constant 0 : i32
    %c0_i32_1 = arith.constant 0 : i32
    %c0_i32_2 = arith.constant 0 : i32
    return %c0_i32, %c0_i32_0, %c0_i32_1 : i32, i32, i32
  }
  func.func @transform_4(%arg0: i32) -> (i32, i32, i32, i32) {
    %c0_i32 = arith.constant 0 : i32
    %c0_i32_0 = arith.constant 0 : i32
    %c0_i32_1 = arith.constant 0 : i32
    %c0_i32_2 = arith.constant 0 : i32
    return %arg0, %c0_i32, %c0_i32_0, %c0_i32_1 : i32, i32, i32, i32
  }
}

module attributes {stable_mosaic.version = 14 : i64} {
  func.func @_lambda_(%arg0: i32, %arg1: memref<1x13728x64xbf16, #tpu.memory_space<vmem>>, %arg2: memref<16x64x128xf32, #tpu.memory_space<vmem>>, %arg3: memref<1x128xf32, #tpu.memory_space<vmem>>, %arg4: memref<9x128x128xf32, #tpu.memory_space<vmem>>, %arg5: memref<1x128xf32, #tpu.memory_space<vmem>>, %arg6: memref<9x128x32xf32, #tpu.memory_space<vmem>>, %arg7: memref<1x32xf32, #tpu.memory_space<vmem>>, %arg8: memref<32x128xf32, #tpu.memory_space<vmem>>, %arg9: memref<1x128xf32, #tpu.memory_space<vmem>>, %arg10: memref<9x128x32xf32, #tpu.memory_space<vmem>>, %arg11: memref<1x32xf32, #tpu.memory_space<vmem>>, %arg12: memref<32x128xf32, #tpu.memory_space<vmem>>, %arg13: memref<1x128xf32, #tpu.memory_space<vmem>>, %arg14: memref<128x64xf32, #tpu.memory_space<vmem>>, %arg15: memref<1x64xf32, #tpu.memory_space<vmem>>, %arg16: memref<64x512xf32, #tpu.memory_space<vmem>>, %arg17: memref<1x3368x64xbf16, #tpu.memory_space<vmem>>, %arg18: memref<3368x1xf32, #tpu.memory_space<vmem>>, %arg19: memref<1x3496x64xbf16, #tpu.memory_space<vmem>>, %arg20: memref<1x3392x1xi32, #tpu.memory_space<vmem>>, %arg21: memref<3496x128xbf16, #tpu.memory_space<vmem>>, %arg22: memref<3496x128xbf16, #tpu.memory_space<vmem>>) attributes {dimension_semantics = [#tpu.dimension_semantics<arbitrary>], iteration_bounds = array<i64: 16>, scalar_prefetch = 0 : i64, scratch_operands = 2 : i64, tpu.core_type = #tpu.core_type<tc>, window_params = [{transform_indices = @transform_0, window_bounds = array<i64: 1, 13728, 64>}, {pipeline_mode = #tpu.pipeline_mode<synchronous>, transform_indices = @transform_1, window_bounds = array<i64: 16, 64, 128>}, {pipeline_mode = #tpu.pipeline_mode<synchronous>, transform_indices = @transform_2, window_bounds = array<i64: 1, 128>}, {pipeline_mode = #tpu.pipeline_mode<synchronous>, transform_indices = @transform_3, window_bounds = array<i64: 9, 128, 128>}, {pipeline_mode = #tpu.pipeline_mode<synchronous>, transform_indices = @transform_4, window_bounds = array<i64: 1, 128>}, {pipeline_mode = #tpu.pipeline_mode<synchronous>, transform_indices = @transform_5, window_bounds = array<i64: 9, 128, 32>}, {pipeline_mode = #tpu.pipeline_mode<synchronous>, transform_indices = @transform_6, window_bounds = array<i64: 1, 32>}, {pipeline_mode = #tpu.pipeline_mode<synchronous>, transform_indices = @transform_7, window_bounds = array<i64: 32, 128>}, {pipeline_mode = #tpu.pipeline_mode<synchronous>, transform_indices = @transform_8, window_bounds = array<i64: 1, 128>}, {pipeline_mode = #tpu.pipeline_mode<synchronous>, transform_indices = @transform_9, window_bounds = array<i64: 9, 128, 32>}, {pipeline_mode = #tpu.pipeline_mode<synchronous>, transform_indices = @transform_10, window_bounds = array<i64: 1, 32>}, {pipeline_mode = #tpu.pipeline_mode<synchronous>, transform_indices = @transform_11, window_bounds = array<i64: 32, 128>}, {pipeline_mode = #tpu.pipeline_mode<synchronous>, transform_indices = @transform_12, window_bounds = array<i64: 1, 128>}, {pipeline_mode = #tpu.pipeline_mode<synchronous>, transform_indices = @transform_13, window_bounds = array<i64: 128, 64>}, {pipeline_mode = #tpu.pipeline_mode<synchronous>, transform_indices = @transform_14, window_bounds = array<i64: 1, 64>}, {pipeline_mode = #tpu.pipeline_mode<synchronous>, transform_indices = @transform_15, window_bounds = array<i64: 64, 512>}, {transform_indices = @transform_16, window_bounds = array<i64: 1, 3368, 64>}, {pipeline_mode = #tpu.pipeline_mode<synchronous>, transform_indices = @transform_17, window_bounds = array<i64: 3368, 1>}, {transform_indices = @transform_18, window_bounds = array<i64: 1, 3496, 64>}, {transform_indices = @transform_19, window_bounds = array<i64: 1, 3392, 1>}]} {
    %eq3A = arith.constant 0 : i32
    %eq3A_0 = arith.cmpi eq, %arg0, %eq3A : i32
    %get3A = arith.constant 0 : index
    %get3A_1 = arith.constant 0 : index
    %get3A_2 = vector.load %arg18[%get3A, %get3A_1] : memref<3368x1xf32, #tpu.memory_space<vmem>>, vector<3368x1xf32>
    %broadcast_in_dim3A = arith.constant 0.000000e+00 : f32
    %broadcast_in_dim3A_3 = vector.broadcast %broadcast_in_dim3A : f32 to vector<3368x128xf32>
    %get3A_4 = arith.constant 0 : index
    %get3A_5 = arith.constant 5 : index
    %get3A_6 = arith.constant 0 : index
    %get3A_7 = vector.load %arg1[%get3A_4, %get3A_5, %get3A_6] : memref<1x13728x64xbf16, #tpu.memory_space<vmem>>, vector<1x3368x64xbf16>
    %get3A_8 = vector.shape_cast %get3A_7 : vector<1x3368x64xbf16> to vector<3368x64xbf16>
    %get3A_9 = arith.constant 0 : index
    %get3A_10 = arith.constant 0 : index
    %get3A_11 = arith.constant 0 : index
    %get3A_12 = vector.load %arg2[%get3A_9, %get3A_10, %get3A_11] : memref<16x64x128xf32, #tpu.memory_space<vmem>>, vector<1x64x128xf32>
    %get3A_13 = vector.shape_cast %get3A_12 : vector<1x64x128xf32> to vector<64x128xf32>
    %convert_element_type3A = arith.truncf %get3A_13 : vector<64x128xf32> to vector<64x128xbf16>
    %dot_general3A = arith.constant dense<0.000000e+00> : vector<3368x128xf32>
    %dot_general3A_14 = tpu.matmul %get3A_8, %convert_element_type3A, %dot_general3A {dimension_numbers = #tpu.dot_dimension_numbers<[1], [0], [0], [1], [0, 0, 1, 1], [], []>, transpose_lhs_hint = false} : vector<3368x64xbf16>, vector<64x128xbf16>, vector<3368x128xf32> -> vector<3368x128xf32>
    %add3A = arith.addf %broadcast_in_dim3A_3, %dot_general3A_14 : vector<3368x128xf32>
    %get3A_15 = arith.constant 0 : index
    %get3A_16 = arith.constant 6 : index
    %get3A_17 = arith.constant 0 : index
    %get3A_18 = vector.load %arg1[%get3A_15, %get3A_16, %get3A_17] : memref<1x13728x64xbf16, #tpu.memory_space<vmem>>, vector<1x3368x64xbf16>
    %get3A_19 = vector.shape_cast %get3A_18 : vector<1x3368x64xbf16> to vector<3368x64xbf16>
    %get3A_20 = arith.constant 1 : index
    %get3A_21 = arith.constant 0 : index
    %get3A_22 = arith.constant 0 : index
    %get3A_23 = vector.load %arg2[%get3A_20, %get3A_21, %get3A_22] : memref<16x64x128xf32, #tpu.memory_space<vmem>>, vector<1x64x128xf32>
    %get3A_24 = vector.shape_cast %get3A_23 : vector<1x64x128xf32> to vector<64x128xf32>
    %convert_element_type3A_25 = arith.truncf %get3A_24 : vector<64x128xf32> to vector<64x128xbf16>
    %dot_general3A_26 = arith.constant dense<0.000000e+00> : vector<3368x128xf32>
    %dot_general3A_27 = tpu.matmul %get3A_19, %convert_element_type3A_25, %dot_general3A_26 {dimension_numbers = #tpu.dot_dimension_numbers<[1], [0], [0], [1], [0, 0, 1, 1], [], []>, transpose_lhs_hint = false} : vector<3368x64xbf16>, vector<64x128xbf16>, vector<3368x128xf32> -> vector<3368x128xf32>
    %add3A_28 = arith.addf %add3A, %dot_general3A_27 : vector<3368x128xf32>
    %get3A_29 = arith.constant 0 : index
    %get3A_30 = arith.constant 63 : index
    %get3A_31 = arith.constant 0 : index
    %get3A_32 = vector.load %arg1[%get3A_29, %get3A_30, %get3A_31] : memref<1x13728x64xbf16, #tpu.memory_space<vmem>>, vector<1x3368x64xbf16>
    %get3A_33 = vector.shape_cast %get3A_32 : vector<1x3368x64xbf16> to vector<3368x64xbf16>
    %get3A_34 = arith.constant 2 : index
    %get3A_35 = arith.constant 0 : index
    %get3A_36 = arith.constant 0 : index
    %get3A_37 = vector.load %arg2[%get3A_34, %get3A_35, %get3A_36] : memref<16x64x128xf32, #tpu.memory_space<vmem>>, vector<1x64x128xf32>
    %get3A_38 = vector.shape_cast %get3A_37 : vector<1x64x128xf32> to vector<64x128xf32>
    %convert_element_type3A_39 = arith.truncf %get3A_38 : vector<64x128xf32> to vector<64x128xbf16>
    %dot_general3A_40 = arith.constant dense<0.000000e+00> : vector<3368x128xf32>
    %dot_general3A_41 = tpu.matmul %get3A_33, %convert_element_type3A_39, %dot_general3A_40 {dimension_numbers = #tpu.dot_dimension_numbers<[1], [0], [0], [1], [0, 0, 1, 1], [], []>, transpose_lhs_hint = false} : vector<3368x64xbf16>, vector<64x128xbf16>, vector<3368x128xf32> -> vector<3368x128xf32>
    %add3A_42 = arith.addf %add3A_28, %dot_general3A_41 : vector<3368x128xf32>
    %get3A_43 = arith.constant 0 : index
    %get3A_44 = arith.constant 64 : index
    %get3A_45 = arith.constant 0 : index
    %get3A_46 = vector.load %arg1[%get3A_43, %get3A_44, %get3A_45] : memref<1x13728x64xbf16, #tpu.memory_space<vmem>>, vector<1x3368x64xbf16>
    %get3A_47 = vector.shape_cast %get3A_46 : vector<1x3368x64xbf16> to vector<3368x64xbf16>
    %get3A_48 = arith.constant 3 : index
    %get3A_49 = arith.constant 0 : index
    %get3A_50 = arith.constant 0 : index
    %get3A_51 = vector.load %arg2[%get3A_48, %get3A_49, %get3A_50] : memref<16x64x128xf32, #tpu.memory_space<vmem>>, vector<1x64x128xf32>
    %get3A_52 = vector.shape_cast %get3A_51 : vector<1x64x128xf32> to vector<64x128xf32>
    %convert_element_type3A_53 = arith.truncf %get3A_52 : vector<64x128xf32> to vector<64x128xbf16>
    %dot_general3A_54 = arith.constant dense<0.000000e+00> : vector<3368x128xf32>
    %dot_general3A_55 = tpu.matmul %get3A_47, %convert_element_type3A_53, %dot_general3A_54 {dimension_numbers = #tpu.dot_dimension_numbers<[1], [0], [0], [1], [0, 0, 1, 1], [], []>, transpose_lhs_hint = false} : vector<3368x64xbf16>, vector<64x128xbf16>, vector<3368x128xf32> -> vector<3368x128xf32>
    %add3A_56 = arith.addf %add3A_42, %dot_general3A_55 : vector<3368x128xf32>
    %get3A_57 = arith.constant 0 : index
    %get3A_58 = arith.constant 3437 : index
    %get3A_59 = arith.constant 0 : index
    %get3A_60 = vector.load %arg1[%get3A_57, %get3A_58, %get3A_59] : memref<1x13728x64xbf16, #tpu.memory_space<vmem>>, vector<1x3368x64xbf16>
    %get3A_61 = vector.shape_cast %get3A_60 : vector<1x3368x64xbf16> to vector<3368x64xbf16>
    %get3A_62 = arith.constant 4 : index
    %get3A_63 = arith.constant 0 : index
    %get3A_64 = arith.constant 0 : index
    %get3A_65 = vector.load %arg2[%get3A_62, %get3A_63, %get3A_64] : memref<16x64x128xf32, #tpu.memory_space<vmem>>, vector<1x64x128xf32>
    %get3A_66 = vector.shape_cast %get3A_65 : vector<1x64x128xf32> to vector<64x128xf32>
    %convert_element_type3A_67 = arith.truncf %get3A_66 : vector<64x128xf32> to vector<64x128xbf16>
    %dot_general3A_68 = arith.constant dense<0.000000e+00> : vector<3368x128xf32>
    %dot_general3A_69 = tpu.matmul %get3A_61, %convert_element_type3A_67, %dot_general3A_68 {dimension_numbers = #tpu.dot_dimension_numbers<[1], [0], [0], [1], [0, 0, 1, 1], [], []>, transpose_lhs_hint = false} : vector<3368x64xbf16>, vector<64x128xbf16>, vector<3368x128xf32> -> vector<3368x128xf32>
    %add3A_70 = arith.addf %add3A_56, %dot_general3A_69 : vector<3368x128xf32>
    %get3A_71 = arith.constant 0 : index
    %get3A_72 = arith.constant 3438 : index
    %get3A_73 = arith.constant 0 : index
    %get3A_74 = vector.load %arg1[%get3A_71, %get3A_72, %get3A_73] : memref<1x13728x64xbf16, #tpu.memory_space<vmem>>, vector<1x3368x64xbf16>
    %get3A_75 = vector.shape_cast %get3A_74 : vector<1x3368x64xbf16> to vector<3368x64xbf16>
    %get3A_76 = arith.constant 5 : index
    %get3A_77 = arith.constant 0 : index
    %get3A_78 = arith.constant 0 : index
    %get3A_79 = vector.load %arg2[%get3A_76, %get3A_77, %get3A_78] : memref<16x64x128xf32, #tpu.memory_space<vmem>>, vector<1x64x128xf32>
    %get3A_80 = vector.shape_cast %get3A_79 : vector<1x64x128xf32> to vector<64x128xf32>
    %convert_element_type3A_81 = arith.truncf %get3A_80 : vector<64x128xf32> to vector<64x128xbf16>
    %dot_general3A_82 = arith.constant dense<0.000000e+00> : vector<3368x128xf32>
    %dot_general3A_83 = tpu.matmul %get3A_75, %convert_element_type3A_81, %dot_general3A_82 {dimension_numbers = #tpu.dot_dimension_numbers<[1], [0], [0], [1], [0, 0, 1, 1], [], []>, transpose_lhs_hint = false} : vector<3368x64xbf16>, vector<64x128xbf16>, vector<3368x128xf32> -> vector<3368x128xf32>
    %add3A_84 = arith.addf %add3A_70, %dot_general3A_83 : vector<3368x128xf32>
    %get3A_85 = arith.constant 0 : index
    %get3A_86 = arith.constant 3495 : index
    %get3A_87 = arith.constant 0 : index
    %get3A_88 = vector.load %arg1[%get3A_85, %get3A_86, %get3A_87] : memref<1x13728x64xbf16, #tpu.memory_space<vmem>>, vector<1x3368x64xbf16>
    %get3A_89 = vector.shape_cast %get3A_88 : vector<1x3368x64xbf16> to vector<3368x64xbf16>
    %get3A_90 = arith.constant 6 : index
    %get3A_91 = arith.constant 0 : index
    %get3A_92 = arith.constant 0 : index
    %get3A_93 = vector.load %arg2[%get3A_90, %get3A_91, %get3A_92] : memref<16x64x128xf32, #tpu.memory_space<vmem>>, vector<1x64x128xf32>
    %get3A_94 = vector.shape_cast %get3A_93 : vector<1x64x128xf32> to vector<64x128xf32>
    %convert_element_type3A_95 = arith.truncf %get3A_94 : vector<64x128xf32> to vector<64x128xbf16>
    %dot_general3A_96 = arith.constant dense<0.000000e+00> : vector<3368x128xf32>
    %dot_general3A_97 = tpu.matmul %get3A_89, %convert_element_type3A_95, %dot_general3A_96 {dimension_numbers = #tpu.dot_dimension_numbers<[1], [0], [0], [1], [0, 0, 1, 1], [], []>, transpose_lhs_hint = false} : vector<3368x64xbf16>, vector<64x128xbf16>, vector<3368x128xf32> -> vector<3368x128xf32>
    %add3A_98 = arith.addf %add3A_84, %dot_general3A_97 : vector<3368x128xf32>
    %get3A_99 = arith.constant 0 : index
    %get3A_100 = arith.constant 3496 : index
    %get3A_101 = arith.constant 0 : index
    %get3A_102 = vector.load %arg1[%get3A_99, %get3A_100, %get3A_101] : memref<1x13728x64xbf16, #tpu.memory_space<vmem>>, vector<1x3368x64xbf16>
    %get3A_103 = vector.shape_cast %get3A_102 : vector<1x3368x64xbf16> to vector<3368x64xbf16>
    %get3A_104 = arith.constant 7 : index
    %get3A_105 = arith.constant 0 : index
    %get3A_106 = arith.constant 0 : index
    %get3A_107 = vector.load %arg2[%get3A_104, %get3A_105, %get3A_106] : memref<16x64x128xf32, #tpu.memory_space<vmem>>, vector<1x64x128xf32>
    %get3A_108 = vector.shape_cast %get3A_107 : vector<1x64x128xf32> to vector<64x128xf32>
    %convert_element_type3A_109 = arith.truncf %get3A_108 : vector<64x128xf32> to vector<64x128xbf16>
    %dot_general3A_110 = arith.constant dense<0.000000e+00> : vector<3368x128xf32>
    %dot_general3A_111 = tpu.matmul %get3A_103, %convert_element_type3A_109, %dot_general3A_110 {dimension_numbers = #tpu.dot_dimension_numbers<[1], [0], [0], [1], [0, 0, 1, 1], [], []>, transpose_lhs_hint = false} : vector<3368x64xbf16>, vector<64x128xbf16>, vector<3368x128xf32> -> vector<3368x128xf32>
    %add3A_112 = arith.addf %add3A_98, %dot_general3A_111 : vector<3368x128xf32>
    %get3A_113 = arith.constant 0 : index
    %get3A_114 = arith.constant 6869 : index
    %get3A_115 = arith.constant 0 : index
    %get3A_116 = vector.load %arg1[%get3A_113, %get3A_114, %get3A_115] : memref<1x13728x64xbf16, #tpu.memory_space<vmem>>, vector<1x3368x64xbf16>
    %get3A_117 = vector.shape_cast %get3A_116 : vector<1x3368x64xbf16> to vector<3368x64xbf16>
    %get3A_118 = arith.constant 8 : index
    %get3A_119 = arith.constant 0 : index
    %get3A_120 = arith.constant 0 : index
    %get3A_121 = vector.load %arg2[%get3A_118, %get3A_119, %get3A_120] : memref<16x64x128xf32, #tpu.memory_space<vmem>>, vector<1x64x128xf32>
    %get3A_122 = vector.shape_cast %get3A_121 : vector<1x64x128xf32> to vector<64x128xf32>
    %convert_element_type3A_123 = arith.truncf %get3A_122 : vector<64x128xf32> to vector<64x128xbf16>
    %dot_general3A_124 = arith.constant dense<0.000000e+00> : vector<3368x128xf32>
    %dot_general3A_125 = tpu.matmul %get3A_117, %convert_element_type3A_123, %dot_general3A_124 {dimension_numbers = #tpu.dot_dimension_numbers<[1], [0], [0], [1], [0, 0, 1, 1], [], []>, transpose_lhs_hint = false} : vector<3368x64xbf16>, vector<64x128xbf16>, vector<3368x128xf32> -> vector<3368x128xf32>
    %add3A_126 = arith.addf %add3A_112, %dot_general3A_125 : vector<3368x128xf32>
    %get3A_127 = arith.constant 0 : index
    %get3A_128 = arith.constant 6870 : index
    %get3A_129 = arith.constant 0 : index
    %get3A_130 = vector.load %arg1[%get3A_127, %get3A_128, %get3A_129] : memref<1x13728x64xbf16, #tpu.memory_space<vmem>>, vector<1x3368x64xbf16>
    %get3A_131 = vector.shape_cast %get3A_130 : vector<1x3368x64xbf16> to vector<3368x64xbf16>
    %get3A_132 = arith.constant 9 : index
    %get3A_133 = arith.constant 0 : index
    %get3A_134 = arith.constant 0 : index
    %get3A_135 = vector.load %arg2[%get3A_132, %get3A_133, %get3A_134] : memref<16x64x128xf32, #tpu.memory_space<vmem>>, vector<1x64x128xf32>
    %get3A_136 = vector.shape_cast %get3A_135 : vector<1x64x128xf32> to vector<64x128xf32>
    %convert_element_type3A_137 = arith.truncf %get3A_136 : vector<64x128xf32> to vector<64x128xbf16>
    %dot_general3A_138 = arith.constant dense<0.000000e+00> : vector<3368x128xf32>
    %dot_general3A_139 = tpu.matmul %get3A_131, %convert_element_type3A_137, %dot_general3A_138 {dimension_numbers = #tpu.dot_dimension_numbers<[1], [0], [0], [1], [0, 0, 1, 1], [], []>, transpose_lhs_hint = false} : vector<3368x64xbf16>, vector<64x128xbf16>, vector<3368x128xf32> -> vector<3368x128xf32>
    %add3A_140 = arith.addf %add3A_126, %dot_general3A_139 : vector<3368x128xf32>
    %get3A_141 = arith.constant 0 : index
    %get3A_142 = arith.constant 6927 : index
    %get3A_143 = arith.constant 0 : index
    %get3A_144 = vector.load %arg1[%get3A_141, %get3A_142, %get3A_143] : memref<1x13728x64xbf16, #tpu.memory_space<vmem>>, vector<1x3368x64xbf16>
    %get3A_145 = vector.shape_cast %get3A_144 : vector<1x3368x64xbf16> to vector<3368x64xbf16>
    %get3A_146 = arith.constant 10 : index
    %get3A_147 = arith.constant 0 : index
    %get3A_148 = arith.constant 0 : index
    %get3A_149 = vector.load %arg2[%get3A_146, %get3A_147, %get3A_148] : memref<16x64x128xf32, #tpu.memory_space<vmem>>, vector<1x64x128xf32>
    %get3A_150 = vector.shape_cast %get3A_149 : vector<1x64x128xf32> to vector<64x128xf32>
    %convert_element_type3A_151 = arith.truncf %get3A_150 : vector<64x128xf32> to vector<64x128xbf16>
    %dot_general3A_152 = arith.constant dense<0.000000e+00> : vector<3368x128xf32>
    %dot_general3A_153 = tpu.matmul %get3A_145, %convert_element_type3A_151, %dot_general3A_152 {dimension_numbers = #tpu.dot_dimension_numbers<[1], [0], [0], [1], [0, 0, 1, 1], [], []>, transpose_lhs_hint = false} : vector<3368x64xbf16>, vector<64x128xbf16>, vector<3368x128xf32> -> vector<3368x128xf32>
    %add3A_154 = arith.addf %add3A_140, %dot_general3A_153 : vector<3368x128xf32>
    %get3A_155 = arith.constant 0 : index
    %get3A_156 = arith.constant 6928 : index
    %get3A_157 = arith.constant 0 : index
    %get3A_158 = vector.load %arg1[%get3A_155, %get3A_156, %get3A_157] : memref<1x13728x64xbf16, #tpu.memory_space<vmem>>, vector<1x3368x64xbf16>
    %get3A_159 = vector.shape_cast %get3A_158 : vector<1x3368x64xbf16> to vector<3368x64xbf16>
    %get3A_160 = arith.constant 11 : index
    %get3A_161 = arith.constant 0 : index
    %get3A_162 = arith.constant 0 : index
    %get3A_163 = vector.load %arg2[%get3A_160, %get3A_161, %get3A_162] : memref<16x64x128xf32, #tpu.memory_space<vmem>>, vector<1x64x128xf32>
    %get3A_164 = vector.shape_cast %get3A_163 : vector<1x64x128xf32> to vector<64x128xf32>
    %convert_element_type3A_165 = arith.truncf %get3A_164 : vector<64x128xf32> to vector<64x128xbf16>
    %dot_general3A_166 = arith.constant dense<0.000000e+00> : vector<3368x128xf32>
    %dot_general3A_167 = tpu.matmul %get3A_159, %convert_element_type3A_165, %dot_general3A_166 {dimension_numbers = #tpu.dot_dimension_numbers<[1], [0], [0], [1], [0, 0, 1, 1], [], []>, transpose_lhs_hint = false} : vector<3368x64xbf16>, vector<64x128xbf16>, vector<3368x128xf32> -> vector<3368x128xf32>
    %add3A_168 = arith.addf %add3A_154, %dot_general3A_167 : vector<3368x128xf32>
    %get3A_169 = arith.constant 0 : index
    %get3A_170 = arith.constant 10301 : index
    %get3A_171 = arith.constant 0 : index
    %get3A_172 = vector.load %arg1[%get3A_169, %get3A_170, %get3A_171] : memref<1x13728x64xbf16, #tpu.memory_space<vmem>>, vector<1x3368x64xbf16>
    %get3A_173 = vector.shape_cast %get3A_172 : vector<1x3368x64xbf16> to vector<3368x64xbf16>
    %get3A_174 = arith.constant 12 : index
    %get3A_175 = arith.constant 0 : index
    %get3A_176 = arith.constant 0 : index
    %get3A_177 = vector.load %arg2[%get3A_174, %get3A_175, %get3A_176] : memref<16x64x128xf32, #tpu.memory_space<vmem>>, vector<1x64x128xf32>
    %get3A_178 = vector.shape_cast %get3A_177 : vector<1x64x128xf32> to vector<64x128xf32>
    %convert_element_type3A_179 = arith.truncf %get3A_178 : vector<64x128xf32> to vector<64x128xbf16>
    %dot_general3A_180 = arith.constant dense<0.000000e+00> : vector<3368x128xf32>
    %dot_general3A_181 = tpu.matmul %get3A_173, %convert_element_type3A_179, %dot_general3A_180 {dimension_numbers = #tpu.dot_dimension_numbers<[1], [0], [0], [1], [0, 0, 1, 1], [], []>, transpose_lhs_hint = false} : vector<3368x64xbf16>, vector<64x128xbf16>, vector<3368x128xf32> -> vector<3368x128xf32>
    %add3A_182 = arith.addf %add3A_168, %dot_general3A_181 : vector<3368x128xf32>
    %get3A_183 = arith.constant 0 : index
    %get3A_184 = arith.constant 10302 : index
    %get3A_185 = arith.constant 0 : index
    %get3A_186 = vector.load %arg1[%get3A_183, %get3A_184, %get3A_185] : memref<1x13728x64xbf16, #tpu.memory_space<vmem>>, vector<1x3368x64xbf16>
    %get3A_187 = vector.shape_cast %get3A_186 : vector<1x3368x64xbf16> to vector<3368x64xbf16>
    %get3A_188 = arith.constant 13 : index
    %get3A_189 = arith.constant 0 : index
    %get3A_190 = arith.constant 0 : index
    %get3A_191 = vector.load %arg2[%get3A_188, %get3A_189, %get3A_190] : memref<16x64x128xf32, #tpu.memory_space<vmem>>, vector<1x64x128xf32>
    %get3A_192 = vector.shape_cast %get3A_191 : vector<1x64x128xf32> to vector<64x128xf32>
    %convert_element_type3A_193 = arith.truncf %get3A_192 : vector<64x128xf32> to vector<64x128xbf16>
    %dot_general3A_194 = arith.constant dense<0.000000e+00> : vector<3368x128xf32>
    %dot_general3A_195 = tpu.matmul %get3A_187, %convert_element_type3A_193, %dot_general3A_194 {dimension_numbers = #tpu.dot_dimension_numbers<[1], [0], [0], [1], [0, 0, 1, 1], [], []>, transpose_lhs_hint = false} : vector<3368x64xbf16>, vector<64x128xbf16>, vector<3368x128xf32> -> vector<3368x128xf32>
    %add3A_196 = arith.addf %add3A_182, %dot_general3A_195 : vector<3368x128xf32>
    %get3A_197 = arith.constant 0 : index
    %get3A_198 = arith.constant 10359 : index
    %get3A_199 = arith.constant 0 : index
    %get3A_200 = vector.load %arg1[%get3A_197, %get3A_198, %get3A_199] : memref<1x13728x64xbf16, #tpu.memory_space<vmem>>, vector<1x3368x64xbf16>
    %get3A_201 = vector.shape_cast %get3A_200 : vector<1x3368x64xbf16> to vector<3368x64xbf16>
    %get3A_202 = arith.constant 14 : index
    %get3A_203 = arith.constant 0 : index
    %get3A_204 = arith.constant 0 : index
    %get3A_205 = vector.load %arg2[%get3A_202, %get3A_203, %get3A_204] : memref<16x64x128xf32, #tpu.memory_space<vmem>>, vector<1x64x128xf32>
    %get3A_206 = vector.shape_cast %get3A_205 : vector<1x64x128xf32> to vector<64x128xf32>
    %convert_element_type3A_207 = arith.truncf %get3A_206 : vector<64x128xf32> to vector<64x128xbf16>
    %dot_general3A_208 = arith.constant dense<0.000000e+00> : vector<3368x128xf32>
    %dot_general3A_209 = tpu.matmul %get3A_201, %convert_element_type3A_207, %dot_general3A_208 {dimension_numbers = #tpu.dot_dimension_numbers<[1], [0], [0], [1], [0, 0, 1, 1], [], []>, transpose_lhs_hint = false} : vector<3368x64xbf16>, vector<64x128xbf16>, vector<3368x128xf32> -> vector<3368x128xf32>
    %add3A_210 = arith.addf %add3A_196, %dot_general3A_209 : vector<3368x128xf32>
    %get3A_211 = arith.constant 0 : index
    %get3A_212 = arith.constant 10360 : index
    %get3A_213 = arith.constant 0 : index
    %get3A_214 = vector.load %arg1[%get3A_211, %get3A_212, %get3A_213] : memref<1x13728x64xbf16, #tpu.memory_space<vmem>>, vector<1x3368x64xbf16>
    %get3A_215 = vector.shape_cast %get3A_214 : vector<1x3368x64xbf16> to vector<3368x64xbf16>
    %get3A_216 = arith.constant 15 : index
    %get3A_217 = arith.constant 0 : index
    %get3A_218 = arith.constant 0 : index
    %get3A_219 = vector.load %arg2[%get3A_216, %get3A_217, %get3A_218] : memref<16x64x128xf32, #tpu.memory_space<vmem>>, vector<1x64x128xf32>
    %get3A_220 = vector.shape_cast %get3A_219 : vector<1x64x128xf32> to vector<64x128xf32>
    %convert_element_type3A_221 = arith.truncf %get3A_220 : vector<64x128xf32> to vector<64x128xbf16>
    %dot_general3A_222 = arith.constant dense<0.000000e+00> : vector<3368x128xf32>
    %dot_general3A_223 = tpu.matmul %get3A_215, %convert_element_type3A_221, %dot_general3A_222 {dimension_numbers = #tpu.dot_dimension_numbers<[1], [0], [0], [1], [0, 0, 1, 1], [], []>, transpose_lhs_hint = false} : vector<3368x64xbf16>, vector<64x128xbf16>, vector<3368x128xf32> -> vector<3368x128xf32>
    %add3A_224 = arith.addf %add3A_210, %dot_general3A_223 : vector<3368x128xf32>
    %get3A_225 = arith.constant 0 : index
    %get3A_226 = arith.constant 0 : index
    %get3A_227 = vector.load %arg3[%get3A_225, %get3A_226] : memref<1x128xf32, #tpu.memory_space<vmem>>, vector<1x128xf32>
    %add3A_228 = vector.broadcast %get3A_227 : vector<1x128xf32> to vector<3368x128xf32>
    %add3A_229 = arith.addf %add3A_224, %add3A_228 : vector<3368x128xf32>
    %max3A = arith.constant 0.000000e+00 : f32
    %max3A_230 = vector.broadcast %max3A : f32 to vector<3368x128xf32>
    %max3A_231 = arith.maximumf %add3A_229, %max3A_230 : vector<3368x128xf32>
    %mul3A = vector.broadcast %get3A_2 : vector<3368x1xf32> to vector<3368x128xf32>
    %mul3A_232 = arith.mulf %max3A_231, %mul3A : vector<3368x128xf32>
    %convert_element_type3A_233 = arith.truncf %mul3A_232 : vector<3368x128xf32> to vector<3368x128xbf16>
    %swap3A = arith.constant 64 : index
    %swap3A_234 = arith.constant 0 : index
    %swap3A_235 = vector.load %arg21[%swap3A, %swap3A_234] : memref<3496x128xbf16, #tpu.memory_space<vmem>>, vector<3368x128xbf16>
    tpu.vector_store %arg21[%swap3A, %swap3A_234], %convert_element_type3A_233 {strides = array<i32>} : memref<3496x128xbf16, #tpu.memory_space<vmem>>, vector<3368x128xbf16>,
    %convert_element_type3A_236 = arith.extui %eq3A_0 : i1 to i32
    %cond3A = arith.constant 0 : i32
    %cond3A_237 = arith.cmpi ne, %convert_element_type3A_236, %cond3A : i32
    scf.if %cond3A_237 {
      %broadcast_in_dim3A_1444 = arith.constant 0.000000e+00 : bf16
      %broadcast_in_dim3A_1445 = vector.broadcast %broadcast_in_dim3A_1444 : bf16 to vector<64x128xbf16>
      %swap3A_1446 = arith.constant 0 : index
      %swap3A_1447 = arith.constant 0 : index
      %swap3A_1448 = vector.load %arg21[%swap3A_1446, %swap3A_1447] : memref<3496x128xbf16, #tpu.memory_space<vmem>>, vector<64x128xbf16>
      tpu.vector_store %arg21[%swap3A_1446, %swap3A_1447], %broadcast_in_dim3A_1445 {strides = array<i32>} : memref<3496x128xbf16, #tpu.memory_space<vmem>>, vector<64x128xbf16>,
      %broadcast_in_dim3A_1449 = arith.constant 0.000000e+00 : bf16
      %broadcast_in_dim3A_1450 = vector.broadcast %broadcast_in_dim3A_1449 : bf16 to vector<64x128xbf16>
      %swap3A_1451 = arith.constant 3432 : index
      %swap3A_1452 = arith.constant 0 : index
      %swap3A_1453 = vector.load %arg21[%swap3A_1451, %swap3A_1452] : memref<3496x128xbf16, #tpu.memory_space<vmem>>, vector<64x128xbf16>
      tpu.vector_store %arg21[%swap3A_1451, %swap3A_1452], %broadcast_in_dim3A_1450 {strides = array<i32>} : memref<3496x128xbf16, #tpu.memory_space<vmem>>, vector<64x128xbf16>,
    } else {
    }
    %broadcast_in_dim3A_238 = arith.constant 0.000000e+00 : f32
    %broadcast_in_dim3A_239 = vector.broadcast %broadcast_in_dim3A_238 : f32 to vector<3368x128xf32>
    %get3A_240 = arith.constant 5 : index
    %get3A_241 = arith.constant 0 : index
    %get3A_242 = vector.load %arg21[%get3A_240, %get3A_241] : memref<3496x128xbf16, #tpu.memory_space<vmem>>, vector<3368x128xbf16>
    %get3A_243 = arith.constant 0 : index
    %get3A_244 = arith.constant 0 : index
    %get3A_245 = arith.constant 0 : index
    %get3A_246 = vector.load %arg4[%get3A_243, %get3A_244, %get3A_245] : memref<9x128x128xf32, #tpu.memory_space<vmem>>, vector<1x128x128xf32>
    %get3A_247 = vector.shape_cast %get3A_246 : vector<1x128x128xf32> to vector<128x128xf32>
    %convert_element_type3A_248 = arith.truncf %get3A_247 : vector<128x128xf32> to vector<128x128xbf16>
    %dot_general3A_249 = arith.constant dense<0.000000e+00> : vector<3368x128xf32>
    %dot_general3A_250 = tpu.matmul %get3A_242, %convert_element_type3A_248, %dot_general3A_249 {dimension_numbers = #tpu.dot_dimension_numbers<[1], [0], [0], [1], [0, 0, 1, 1], [], []>, transpose_lhs_hint = false} : vector<3368x128xbf16>, vector<128x128xbf16>, vector<3368x128xf32> -> vector<3368x128xf32>
    %add3A_251 = arith.addf %broadcast_in_dim3A_239, %dot_general3A_250 : vector<3368x128xf32>
    %get3A_252 = arith.constant 6 : index
    %get3A_253 = arith.constant 0 : index
    %get3A_254 = vector.load %arg21[%get3A_252, %get3A_253] : memref<3496x128xbf16, #tpu.memory_space<vmem>>, vector<3368x128xbf16>
    %get3A_255 = arith.constant 1 : index
    %get3A_256 = arith.constant 0 : index
    %get3A_257 = arith.constant 0 : index
    %get3A_258 = vector.load %arg4[%get3A_255, %get3A_256, %get3A_257] : memref<9x128x128xf32, #tpu.memory_space<vmem>>, vector<1x128x128xf32>
    %get3A_259 = vector.shape_cast %get3A_258 : vector<1x128x128xf32> to vector<128x128xf32>
    %convert_element_type3A_260 = arith.truncf %get3A_259 : vector<128x128xf32> to vector<128x128xbf16>
    %dot_general3A_261 = arith.constant dense<0.000000e+00> : vector<3368x128xf32>
    %dot_general3A_262 = tpu.matmul %get3A_254, %convert_element_type3A_260, %dot_general3A_261 {dimension_numbers = #tpu.dot_dimension_numbers<[1], [0], [0], [1], [0, 0, 1, 1], [], []>, transpose_lhs_hint = false} : vector<3368x128xbf16>, vector<128x128xbf16>, vector<3368x128xf32> -> vector<3368x128xf32>
    %add3A_263 = arith.addf %add3A_251, %dot_general3A_262 : vector<3368x128xf32>
    %get3A_264 = arith.constant 7 : index
    %get3A_265 = arith.constant 0 : index
    %get3A_266 = vector.load %arg21[%get3A_264, %get3A_265] : memref<3496x128xbf16, #tpu.memory_space<vmem>>, vector<3368x128xbf16>
    %get3A_267 = arith.constant 2 : index
    %get3A_268 = arith.constant 0 : index
    %get3A_269 = arith.constant 0 : index
    %get3A_270 = vector.load %arg4[%get3A_267, %get3A_268, %get3A_269] : memref<9x128x128xf32, #tpu.memory_space<vmem>>, vector<1x128x128xf32>
    %get3A_271 = vector.shape_cast %get3A_270 : vector<1x128x128xf32> to vector<128x128xf32>
    %convert_element_type3A_272 = arith.truncf %get3A_271 : vector<128x128xf32> to vector<128x128xbf16>
    %dot_general3A_273 = arith.constant dense<0.000000e+00> : vector<3368x128xf32>
    %dot_general3A_274 = tpu.matmul %get3A_266, %convert_element_type3A_272, %dot_general3A_273 {dimension_numbers = #tpu.dot_dimension_numbers<[1], [0], [0], [1], [0, 0, 1, 1], [], []>, transpose_lhs_hint = false} : vector<3368x128xbf16>, vector<128x128xbf16>, vector<3368x128xf32> -> vector<3368x128xf32>
    %add3A_275 = arith.addf %add3A_263, %dot_general3A_274 : vector<3368x128xf32>
    %get3A_276 = arith.constant 63 : index
    %get3A_277 = arith.constant 0 : index
    %get3A_278 = vector.load %arg21[%get3A_276, %get3A_277] : memref<3496x128xbf16, #tpu.memory_space<vmem>>, vector<3368x128xbf16>
    %get3A_279 = arith.constant 3 : index
    %get3A_280 = arith.constant 0 : index
    %get3A_281 = arith.constant 0 : index
    %get3A_282 = vector.load %arg4[%get3A_279, %get3A_280, %get3A_281] : memref<9x128x128xf32, #tpu.memory_space<vmem>>, vector<1x128x128xf32>
    %get3A_283 = vector.shape_cast %get3A_282 : vector<1x128x128xf32> to vector<128x128xf32>
    %convert_element_type3A_284 = arith.truncf %get3A_283 : vector<128x128xf32> to vector<128x128xbf16>
    %dot_general3A_285 = arith.constant dense<0.000000e+00> : vector<3368x128xf32>
    %dot_general3A_286 = tpu.matmul %get3A_278, %convert_element_type3A_284, %dot_general3A_285 {dimension_numbers = #tpu.dot_dimension_numbers<[1], [0], [0], [1], [0, 0, 1, 1], [], []>, transpose_lhs_hint = false} : vector<3368x128xbf16>, vector<128x128xbf16>, vector<3368x128xf32> -> vector<3368x128xf32>
    %add3A_287 = arith.addf %add3A_275, %dot_general3A_286 : vector<3368x128xf32>
    %get3A_288 = arith.constant 64 : index
    %get3A_289 = arith.constant 0 : index
    %get3A_290 = vector.load %arg21[%get3A_288, %get3A_289] : memref<3496x128xbf16, #tpu.memory_space<vmem>>, vector<3368x128xbf16>
    %get3A_291 = arith.constant 4 : index
    %get3A_292 = arith.constant 0 : index
    %get3A_293 = arith.constant 0 : index
    %get3A_294 = vector.load %arg4[%get3A_291, %get3A_292, %get3A_293] : memref<9x128x128xf32, #tpu.memory_space<vmem>>, vector<1x128x128xf32>
    %get3A_295 = vector.shape_cast %get3A_294 : vector<1x128x128xf32> to vector<128x128xf32>
    %convert_element_type3A_296 = arith.truncf %get3A_295 : vector<128x128xf32> to vector<128x128xbf16>
    %dot_general3A_297 = arith.constant dense<0.000000e+00> : vector<3368x128xf32>
    %dot_general3A_298 = tpu.matmul %get3A_290, %convert_element_type3A_296, %dot_general3A_297 {dimension_numbers = #tpu.dot_dimension_numbers<[1], [0], [0], [1], [0, 0, 1, 1], [], []>, transpose_lhs_hint = false} : vector<3368x128xbf16>, vector<128x128xbf16>, vector<3368x128xf32> -> vector<3368x128xf32>
    %add3A_299 = arith.addf %add3A_287, %dot_general3A_298 : vector<3368x128xf32>
    %get3A_300 = arith.constant 65 : index
    %get3A_301 = arith.constant 0 : index
    %get3A_302 = vector.load %arg21[%get3A_300, %get3A_301] : memref<3496x128xbf16, #tpu.memory_space<vmem>>, vector<3368x128xbf16>
    %get3A_303 = arith.constant 5 : index
    %get3A_304 = arith.constant 0 : index
    %get3A_305 = arith.constant 0 : index
    %get3A_306 = vector.load %arg4[%get3A_303, %get3A_304, %get3A_305] : memref<9x128x128xf32, #tpu.memory_space<vmem>>, vector<1x128x128xf32>
    %get3A_307 = vector.shape_cast %get3A_306 : vector<1x128x128xf32> to vector<128x128xf32>
    %convert_element_type3A_308 = arith.truncf %get3A_307 : vector<128x128xf32> to vector<128x128xbf16>
    %dot_general3A_309 = arith.constant dense<0.000000e+00> : vector<3368x128xf32>
    %dot_general3A_310 = tpu.matmul %get3A_302, %convert_element_type3A_308, %dot_general3A_309 {dimension_numbers = #tpu.dot_dimension_numbers<[1], [0], [0], [1], [0, 0, 1, 1], [], []>, transpose_lhs_hint = false} : vector<3368x128xbf16>, vector<128x128xbf16>, vector<3368x128xf32> -> vector<3368x128xf32>
    %add3A_311 = arith.addf %add3A_299, %dot_general3A_310 : vector<3368x128xf32>
    %get3A_312 = arith.constant 121 : index
    %get3A_313 = arith.constant 0 : index
    %get3A_314 = vector.load %arg21[%get3A_312, %get3A_313] : memref<3496x128xbf16, #tpu.memory_space<vmem>>, vector<3368x128xbf16>
    %get3A_315 = arith.constant 6 : index
    %get3A_316 = arith.constant 0 : index
    %get3A_317 = arith.constant 0 : index
    %get3A_318 = vector.load %arg4[%get3A_315, %get3A_316, %get3A_317] : memref<9x128x128xf32, #tpu.memory_space<vmem>>, vector<1x128x128xf32>
    %get3A_319 = vector.shape_cast %get3A_318 : vector<1x128x128xf32> to vector<128x128xf32>
    %convert_element_type3A_320 = arith.truncf %get3A_319 : vector<128x128xf32> to vector<128x128xbf16>
    %dot_general3A_321 = arith.constant dense<0.000000e+00> : vector<3368x128xf32>
    %dot_general3A_322 = tpu.matmul %get3A_314, %convert_element_type3A_320, %dot_general3A_321 {dimension_numbers = #tpu.dot_dimension_numbers<[1], [0], [0], [1], [0, 0, 1, 1], [], []>, transpose_lhs_hint = false} : vector<3368x128xbf16>, vector<128x128xbf16>, vector<3368x128xf32> -> vector<3368x128xf32>
    %add3A_323 = arith.addf %add3A_311, %dot_general3A_322 : vector<3368x128xf32>
    %get3A_324 = arith.constant 122 : index
    %get3A_325 = arith.constant 0 : index
    %get3A_326 = vector.load %arg21[%get3A_324, %get3A_325] : memref<3496x128xbf16, #tpu.memory_space<vmem>>, vector<3368x128xbf16>
    %get3A_327 = arith.constant 7 : index
    %get3A_328 = arith.constant 0 : index
    %get3A_329 = arith.constant 0 : index
    %get3A_330 = vector.load %arg4[%get3A_327, %get3A_328, %get3A_329] : memref<9x128x128xf32, #tpu.memory_space<vmem>>, vector<1x128x128xf32>
    %get3A_331 = vector.shape_cast %get3A_330 : vector<1x128x128xf32> to vector<128x128xf32>
    %convert_element_type3A_332 = arith.truncf %get3A_331 : vector<128x128xf32> to vector<128x128xbf16>
    %dot_general3A_333 = arith.constant dense<0.000000e+00> : vector<3368x128xf32>
    %dot_general3A_334 = tpu.matmul %get3A_326, %convert_element_type3A_332, %dot_general3A_333 {dimension_numbers = #tpu.dot_dimension_numbers<[1], [0], [0], [1], [0, 0, 1, 1], [], []>, transpose_lhs_hint = false} : vector<3368x128xbf16>, vector<128x128xbf16>, vector<3368x128xf32> -> vector<3368x128xf32>
    %add3A_335 = arith.addf %add3A_323, %dot_general3A_334 : vector<3368x128xf32>
    %get3A_336 = arith.constant 123 : index
    %get3A_337 = arith.constant 0 : index
    %get3A_338 = vector.load %arg21[%get3A_336, %get3A_337] : memref<3496x128xbf16, #tpu.memory_space<vmem>>, vector<3368x128xbf16>
    %get3A_339 = arith.constant 8 : index
    %get3A_340 = arith.constant 0 : index
    %get3A_341 = arith.constant 0 : index
    %get3A_342 = vector.load %arg4[%get3A_339, %get3A_340, %get3A_341] : memref<9x128x128xf32, #tpu.memory_space<vmem>>, vector<1x128x128xf32>
    %get3A_343 = vector.shape_cast %get3A_342 : vector<1x128x128xf32> to vector<128x128xf32>
    %convert_element_type3A_344 = arith.truncf %get3A_343 : vector<128x128xf32> to vector<128x128xbf16>
    %dot_general3A_345 = arith.constant dense<0.000000e+00> : vector<3368x128xf32>
    %dot_general3A_346 = tpu.matmul %get3A_338, %convert_element_type3A_344, %dot_general3A_345 {dimension_numbers = #tpu.dot_dimension_numbers<[1], [0], [0], [1], [0, 0, 1, 1], [], []>, transpose_lhs_hint = false} : vector<3368x128xbf16>, vector<128x128xbf16>, vector<3368x128xf32> -> vector<3368x128xf32>
    %add3A_347 = arith.addf %add3A_335, %dot_general3A_346 : vector<3368x128xf32>
    %get3A_348 = arith.constant 0 : index
    %get3A_349 = arith.constant 0 : index
    %get3A_350 = vector.load %arg5[%get3A_348, %get3A_349] : memref<1x128xf32, #tpu.memory_space<vmem>>, vector<1x128xf32>
    %add3A_351 = vector.broadcast %get3A_350 : vector<1x128xf32> to vector<3368x128xf32>
    %add3A_352 = arith.addf %add3A_347, %add3A_351 : vector<3368x128xf32>
    %mul3A_353 = vector.broadcast %get3A_2 : vector<3368x1xf32> to vector<3368x128xf32>
    %mul3A_354 = arith.mulf %add3A_352, %mul3A_353 : vector<3368x128xf32>
    %convert_element_type3A_355 = arith.truncf %mul3A_354 : vector<3368x128xf32> to vector<3368x128xbf16>
    %swap3A_356 = arith.constant 64 : index
    %swap3A_357 = arith.constant 0 : index
    %swap3A_358 = vector.load %arg22[%swap3A_356, %swap3A_357] : memref<3496x128xbf16, #tpu.memory_space<vmem>>, vector<3368x128xbf16>
    tpu.vector_store %arg22[%swap3A_356, %swap3A_357], %convert_element_type3A_355 {strides = array<i32>} : memref<3496x128xbf16, #tpu.memory_space<vmem>>, vector<3368x128xbf16>,
    %convert_element_type3A_359 = arith.extui %eq3A_0 : i1 to i32
    %cond3A_360 = arith.constant 0 : i32
    %cond3A_361 = arith.cmpi ne, %convert_element_type3A_359, %cond3A_360 : i32
    scf.if %cond3A_361 {
      %broadcast_in_dim3A_1444 = arith.constant 0.000000e+00 : bf16
      %broadcast_in_dim3A_1445 = vector.broadcast %broadcast_in_dim3A_1444 : bf16 to vector<64x128xbf16>
      %swap3A_1446 = arith.constant 0 : index
      %swap3A_1447 = arith.constant 0 : index
      %swap3A_1448 = vector.load %arg22[%swap3A_1446, %swap3A_1447] : memref<3496x128xbf16, #tpu.memory_space<vmem>>, vector<64x128xbf16>
      tpu.vector_store %arg22[%swap3A_1446, %swap3A_1447], %broadcast_in_dim3A_1445 {strides = array<i32>} : memref<3496x128xbf16, #tpu.memory_space<vmem>>, vector<64x128xbf16>,
      %broadcast_in_dim3A_1449 = arith.constant 0.000000e+00 : bf16
      %broadcast_in_dim3A_1450 = vector.broadcast %broadcast_in_dim3A_1449 : bf16 to vector<64x128xbf16>
      %swap3A_1451 = arith.constant 3432 : index
      %swap3A_1452 = arith.constant 0 : index
      %swap3A_1453 = vector.load %arg22[%swap3A_1451, %swap3A_1452] : memref<3496x128xbf16, #tpu.memory_space<vmem>>, vector<64x128xbf16>
      tpu.vector_store %arg22[%swap3A_1451, %swap3A_1452], %broadcast_in_dim3A_1450 {strides = array<i32>} : memref<3496x128xbf16, #tpu.memory_space<vmem>>, vector<64x128xbf16>,
    } else {
    }
    %broadcast_in_dim3A_362 = arith.constant 0.000000e+00 : f32
    %broadcast_in_dim3A_363 = vector.broadcast %broadcast_in_dim3A_362 : f32 to vector<3368x32xf32>
    %get3A_364 = arith.constant 5 : index
    %get3A_365 = arith.constant 0 : index
    %get3A_366 = vector.load %arg22[%get3A_364, %get3A_365] : memref<3496x128xbf16, #tpu.memory_space<vmem>>, vector<3368x128xbf16>
    %max3A_367 = arith.constant 0.000000e+00 : bf16
    %max3A_368 = vector.broadcast %max3A_367 : bf16 to vector<3368x128xbf16>
    %max3A_369 = arith.maximumf %get3A_366, %max3A_368 : vector<3368x128xbf16>
    %get3A_370 = arith.constant 0 : index
    %get3A_371 = arith.constant 0 : index
    %get3A_372 = arith.constant 0 : index
    %get3A_373 = vector.load %arg6[%get3A_370, %get3A_371, %get3A_372] : memref<9x128x32xf32, #tpu.memory_space<vmem>>, vector<1x128x32xf32>
    %get3A_374 = vector.shape_cast %get3A_373 : vector<1x128x32xf32> to vector<128x32xf32>
    %convert_element_type3A_375 = arith.truncf %get3A_374 : vector<128x32xf32> to vector<128x32xbf16>
    %dot_general3A_376 = arith.constant dense<0.000000e+00> : vector<3368x32xf32>
    %dot_general3A_377 = tpu.matmul %max3A_369, %convert_element_type3A_375, %dot_general3A_376 {dimension_numbers = #tpu.dot_dimension_numbers<[1], [0], [0], [1], [0, 0, 1, 1], [], []>, transpose_lhs_hint = false} : vector<3368x128xbf16>, vector<128x32xbf16>, vector<3368x32xf32> -> vector<3368x32xf32>
    %add3A_378 = arith.addf %broadcast_in_dim3A_363, %dot_general3A_377 : vector<3368x32xf32>
    %get3A_379 = arith.constant 6 : index
    %get3A_380 = arith.constant 0 : index
    %get3A_381 = vector.load %arg22[%get3A_379, %get3A_380] : memref<3496x128xbf16, #tpu.memory_space<vmem>>, vector<3368x128xbf16>
    %max3A_382 = arith.constant 0.000000e+00 : bf16
    %max3A_383 = vector.broadcast %max3A_382 : bf16 to vector<3368x128xbf16>
    %max3A_384 = arith.maximumf %get3A_381, %max3A_383 : vector<3368x128xbf16>
    %get3A_385 = arith.constant 1 : index
    %get3A_386 = arith.constant 0 : index
    %get3A_387 = arith.constant 0 : index
    %get3A_388 = vector.load %arg6[%get3A_385, %get3A_386, %get3A_387] : memref<9x128x32xf32, #tpu.memory_space<vmem>>, vector<1x128x32xf32>
    %get3A_389 = vector.shape_cast %get3A_388 : vector<1x128x32xf32> to vector<128x32xf32>
    %convert_element_type3A_390 = arith.truncf %get3A_389 : vector<128x32xf32> to vector<128x32xbf16>
    %dot_general3A_391 = arith.constant dense<0.000000e+00> : vector<3368x32xf32>
    %dot_general3A_392 = tpu.matmul %max3A_384, %convert_element_type3A_390, %dot_general3A_391 {dimension_numbers = #tpu.dot_dimension_numbers<[1], [0], [0], [1], [0, 0, 1, 1], [], []>, transpose_lhs_hint = false} : vector<3368x128xbf16>, vector<128x32xbf16>, vector<3368x32xf32> -> vector<3368x32xf32>
    %add3A_393 = arith.addf %add3A_378, %dot_general3A_392 : vector<3368x32xf32>
    %get3A_394 = arith.constant 7 : index
    %get3A_395 = arith.constant 0 : index
    %get3A_396 = vector.load %arg22[%get3A_394, %get3A_395] : memref<3496x128xbf16, #tpu.memory_space<vmem>>, vector<3368x128xbf16>
    %max3A_397 = arith.constant 0.000000e+00 : bf16
    %max3A_398 = vector.broadcast %max3A_397 : bf16 to vector<3368x128xbf16>
    %max3A_399 = arith.maximumf %get3A_396, %max3A_398 : vector<3368x128xbf16>
    %get3A_400 = arith.constant 2 : index
    %get3A_401 = arith.constant 0 : index
    %get3A_402 = arith.constant 0 : index
    %get3A_403 = vector.load %arg6[%get3A_400, %get3A_401, %get3A_402] : memref<9x128x32xf32, #tpu.memory_space<vmem>>, vector<1x128x32xf32>
    %get3A_404 = vector.shape_cast %get3A_403 : vector<1x128x32xf32> to vector<128x32xf32>
    %convert_element_type3A_405 = arith.truncf %get3A_404 : vector<128x32xf32> to vector<128x32xbf16>
    %dot_general3A_406 = arith.constant dense<0.000000e+00> : vector<3368x32xf32>
    %dot_general3A_407 = tpu.matmul %max3A_399, %convert_element_type3A_405, %dot_general3A_406 {dimension_numbers = #tpu.dot_dimension_numbers<[1], [0], [0], [1], [0, 0, 1, 1], [], []>, transpose_lhs_hint = false} : vector<3368x128xbf16>, vector<128x32xbf16>, vector<3368x32xf32> -> vector<3368x32xf32>
    %add3A_408 = arith.addf %add3A_393, %dot_general3A_407 : vector<3368x32xf32>
    %get3A_409 = arith.constant 63 : index
    %get3A_410 = arith.constant 0 : index
    %get3A_411 = vector.load %arg22[%get3A_409, %get3A_410] : memref<3496x128xbf16, #tpu.memory_space<vmem>>, vector<3368x128xbf16>
    %max3A_412 = arith.constant 0.000000e+00 : bf16
    %max3A_413 = vector.broadcast %max3A_412 : bf16 to vector<3368x128xbf16>
    %max3A_414 = arith.maximumf %get3A_411, %max3A_413 : vector<3368x128xbf16>
    %get3A_415 = arith.constant 3 : index
    %get3A_416 = arith.constant 0 : index
    %get3A_417 = arith.constant 0 : index
    %get3A_418 = vector.load %arg6[%get3A_415, %get3A_416, %get3A_417] : memref<9x128x32xf32, #tpu.memory_space<vmem>>, vector<1x128x32xf32>
    %get3A_419 = vector.shape_cast %get3A_418 : vector<1x128x32xf32> to vector<128x32xf32>
    %convert_element_type3A_420 = arith.truncf %get3A_419 : vector<128x32xf32> to vector<128x32xbf16>
    %dot_general3A_421 = arith.constant dense<0.000000e+00> : vector<3368x32xf32>
    %dot_general3A_422 = tpu.matmul %max3A_414, %convert_element_type3A_420, %dot_general3A_421 {dimension_numbers = #tpu.dot_dimension_numbers<[1], [0], [0], [1], [0, 0, 1, 1], [], []>, transpose_lhs_hint = false} : vector<3368x128xbf16>, vector<128x32xbf16>, vector<3368x32xf32> -> vector<3368x32xf32>
    %add3A_423 = arith.addf %add3A_408, %dot_general3A_422 : vector<3368x32xf32>
    %get3A_424 = arith.constant 64 : index
    %get3A_425 = arith.constant 0 : index
    %get3A_426 = vector.load %arg22[%get3A_424, %get3A_425] : memref<3496x128xbf16, #tpu.memory_space<vmem>>, vector<3368x128xbf16>
    %max3A_427 = arith.constant 0.000000e+00 : bf16
    %max3A_428 = vector.broadcast %max3A_427 : bf16 to vector<3368x128xbf16>
    %max3A_429 = arith.maximumf %get3A_426, %max3A_428 : vector<3368x128xbf16>
    %get3A_430 = arith.constant 4 : index
    %get3A_431 = arith.constant 0 : index
    %get3A_432 = arith.constant 0 : index
    %get3A_433 = vector.load %arg6[%get3A_430, %get3A_431, %get3A_432] : memref<9x128x32xf32, #tpu.memory_space<vmem>>, vector<1x128x32xf32>
    %get3A_434 = vector.shape_cast %get3A_433 : vector<1x128x32xf32> to vector<128x32xf32>
    %convert_element_type3A_435 = arith.truncf %get3A_434 : vector<128x32xf32> to vector<128x32xbf16>
    %dot_general3A_436 = arith.constant dense<0.000000e+00> : vector<3368x32xf32>
    %dot_general3A_437 = tpu.matmul %max3A_429, %convert_element_type3A_435, %dot_general3A_436 {dimension_numbers = #tpu.dot_dimension_numbers<[1], [0], [0], [1], [0, 0, 1, 1], [], []>, transpose_lhs_hint = false} : vector<3368x128xbf16>, vector<128x32xbf16>, vector<3368x32xf32> -> vector<3368x32xf32>
    %add3A_438 = arith.addf %add3A_423, %dot_general3A_437 : vector<3368x32xf32>
    %get3A_439 = arith.constant 65 : index
    %get3A_440 = arith.constant 0 : index
    %get3A_441 = vector.load %arg22[%get3A_439, %get3A_440] : memref<3496x128xbf16, #tpu.memory_space<vmem>>, vector<3368x128xbf16>
    %max3A_442 = arith.constant 0.000000e+00 : bf16
    %max3A_443 = vector.broadcast %max3A_442 : bf16 to vector<3368x128xbf16>
    %max3A_444 = arith.maximumf %get3A_441, %max3A_443 : vector<3368x128xbf16>
    %get3A_445 = arith.constant 5 : index
    %get3A_446 = arith.constant 0 : index
    %get3A_447 = arith.constant 0 : index
    %get3A_448 = vector.load %arg6[%get3A_445, %get3A_446, %get3A_447] : memref<9x128x32xf32, #tpu.memory_space<vmem>>, vector<1x128x32xf32>
    %get3A_449 = vector.shape_cast %get3A_448 : vector<1x128x32xf32> to vector<128x32xf32>
    %convert_element_type3A_450 = arith.truncf %get3A_449 : vector<128x32xf32> to vector<128x32xbf16>
    %dot_general3A_451 = arith.constant dense<0.000000e+00> : vector<3368x32xf32>
    %dot_general3A_452 = tpu.matmul %max3A_444, %convert_element_type3A_450, %dot_general3A_451 {dimension_numbers = #tpu.dot_dimension_numbers<[1], [0], [0], [1], [0, 0, 1, 1], [], []>, transpose_lhs_hint = false} : vector<3368x128xbf16>, vector<128x32xbf16>, vector<3368x32xf32> -> vector<3368x32xf32>
    %add3A_453 = arith.addf %add3A_438, %dot_general3A_452 : vector<3368x32xf32>
    %get3A_454 = arith.constant 121 : index
    %get3A_455 = arith.constant 0 : index
    %get3A_456 = vector.load %arg22[%get3A_454, %get3A_455] : memref<3496x128xbf16, #tpu.memory_space<vmem>>, vector<3368x128xbf16>
    %max3A_457 = arith.constant 0.000000e+00 : bf16
    %max3A_458 = vector.broadcast %max3A_457 : bf16 to vector<3368x128xbf16>
    %max3A_459 = arith.maximumf %get3A_456, %max3A_458 : vector<3368x128xbf16>
    %get3A_460 = arith.constant 6 : index
    %get3A_461 = arith.constant 0 : index
    %get3A_462 = arith.constant 0 : index
    %get3A_463 = vector.load %arg6[%get3A_460, %get3A_461, %get3A_462] : memref<9x128x32xf32, #tpu.memory_space<vmem>>, vector<1x128x32xf32>
    %get3A_464 = vector.shape_cast %get3A_463 : vector<1x128x32xf32> to vector<128x32xf32>
    %convert_element_type3A_465 = arith.truncf %get3A_464 : vector<128x32xf32> to vector<128x32xbf16>
    %dot_general3A_466 = arith.constant dense<0.000000e+00> : vector<3368x32xf32>
    %dot_general3A_467 = tpu.matmul %max3A_459, %convert_element_type3A_465, %dot_general3A_466 {dimension_numbers = #tpu.dot_dimension_numbers<[1], [0], [0], [1], [0, 0, 1, 1], [], []>, transpose_lhs_hint = false} : vector<3368x128xbf16>, vector<128x32xbf16>, vector<3368x32xf32> -> vector<3368x32xf32>
    %add3A_468 = arith.addf %add3A_453, %dot_general3A_467 : vector<3368x32xf32>
    %get3A_469 = arith.constant 122 : index
    %get3A_470 = arith.constant 0 : index
    %get3A_471 = vector.load %arg22[%get3A_469, %get3A_470] : memref<3496x128xbf16, #tpu.memory_space<vmem>>, vector<3368x128xbf16>
    %max3A_472 = arith.constant 0.000000e+00 : bf16
    %max3A_473 = vector.broadcast %max3A_472 : bf16 to vector<3368x128xbf16>
    %max3A_474 = arith.maximumf %get3A_471, %max3A_473 : vector<3368x128xbf16>
    %get3A_475 = arith.constant 7 : index
    %get3A_476 = arith.constant 0 : index
    %get3A_477 = arith.constant 0 : index
    %get3A_478 = vector.load %arg6[%get3A_475, %get3A_476, %get3A_477] : memref<9x128x32xf32, #tpu.memory_space<vmem>>, vector<1x128x32xf32>
    %get3A_479 = vector.shape_cast %get3A_478 : vector<1x128x32xf32> to vector<128x32xf32>
    %convert_element_type3A_480 = arith.truncf %get3A_479 : vector<128x32xf32> to vector<128x32xbf16>
    %dot_general3A_481 = arith.constant dense<0.000000e+00> : vector<3368x32xf32>
    %dot_general3A_482 = tpu.matmul %max3A_474, %convert_element_type3A_480, %dot_general3A_481 {dimension_numbers = #tpu.dot_dimension_numbers<[1], [0], [0], [1], [0, 0, 1, 1], [], []>, transpose_lhs_hint = false} : vector<3368x128xbf16>, vector<128x32xbf16>, vector<3368x32xf32> -> vector<3368x32xf32>
    %add3A_483 = arith.addf %add3A_468, %dot_general3A_482 : vector<3368x32xf32>
    %get3A_484 = arith.constant 123 : index
    %get3A_485 = arith.constant 0 : index
    %get3A_486 = vector.load %arg22[%get3A_484, %get3A_485] : memref<3496x128xbf16, #tpu.memory_space<vmem>>, vector<3368x128xbf16>
    %max3A_487 = arith.constant 0.000000e+00 : bf16
    %max3A_488 = vector.broadcast %max3A_487 : bf16 to vector<3368x128xbf16>
    %max3A_489 = arith.maximumf %get3A_486, %max3A_488 : vector<3368x128xbf16>
    %get3A_490 = arith.constant 8 : index
    %get3A_491 = arith.constant 0 : index
    %get3A_492 = arith.constant 0 : index
    %get3A_493 = vector.load %arg6[%get3A_490, %get3A_491, %get3A_492] : memref<9x128x32xf32, #tpu.memory_space<vmem>>, vector<1x128x32xf32>
    %get3A_494 = vector.shape_cast %get3A_493 : vector<1x128x32xf32> to vector<128x32xf32>
    %convert_element_type3A_495 = arith.truncf %get3A_494 : vector<128x32xf32> to vector<128x32xbf16>
    %dot_general3A_496 = arith.constant dense<0.000000e+00> : vector<3368x32xf32>
    %dot_general3A_497 = tpu.matmul %max3A_489, %convert_element_type3A_495, %dot_general3A_496 {dimension_numbers = #tpu.dot_dimension_numbers<[1], [0], [0], [1], [0, 0, 1, 1], [], []>, transpose_lhs_hint = false} : vector<3368x128xbf16>, vector<128x32xbf16>, vector<3368x32xf32> -> vector<3368x32xf32>
    %add3A_498 = arith.addf %add3A_483, %dot_general3A_497 : vector<3368x32xf32>
    %get3A_499 = arith.constant 0 : index
    %get3A_500 = arith.constant 0 : index
    %get3A_501 = vector.load %arg7[%get3A_499, %get3A_500] : memref<1x32xf32, #tpu.memory_space<vmem>>, vector<1x32xf32>
    %add3A_502 = vector.broadcast %get3A_501 : vector<1x32xf32> to vector<3368x32xf32>
    %add3A_503 = arith.addf %add3A_498, %add3A_502 : vector<3368x32xf32>
    %max3A_504 = arith.constant 0.000000e+00 : f32
    %max3A_505 = vector.broadcast %max3A_504 : f32 to vector<3368x32xf32>
    %max3A_506 = arith.maximumf %add3A_503, %max3A_505 : vector<3368x32xf32>
    %get3A_507 = arith.constant 64 : index
    %get3A_508 = arith.constant 0 : index
    %get3A_509 = vector.load %arg22[%get3A_507, %get3A_508] : memref<3496x128xbf16, #tpu.memory_space<vmem>>, vector<3368x128xbf16>
    %convert_element_type3A_510 = arith.truncf %max3A_506 : vector<3368x32xf32> to vector<3368x32xbf16>
    %get3A_511 = arith.constant 0 : index
    %get3A_512 = arith.constant 0 : index
    %get3A_513 = vector.load %arg8[%get3A_511, %get3A_512] : memref<32x128xf32, #tpu.memory_space<vmem>>, vector<32x128xf32>
    %convert_element_type3A_514 = arith.truncf %get3A_513 : vector<32x128xf32> to vector<32x128xbf16>
    %dot_general3A_515 = arith.constant dense<0.000000e+00> : vector<3368x128xf32>
    %dot_general3A_516 = tpu.matmul %convert_element_type3A_510, %convert_element_type3A_514, %dot_general3A_515 {dimension_numbers = #tpu.dot_dimension_numbers<[1], [0], [0], [1], [0, 0, 1, 1], [], []>, transpose_lhs_hint = false} : vector<3368x32xbf16>, vector<32x128xbf16>, vector<3368x128xf32> -> vector<3368x128xf32>
    %convert_element_type3A_517 = arith.extf %get3A_509 : vector<3368x128xbf16> to vector<3368x128xf32>
    %add3A_518 = arith.addf %convert_element_type3A_517, %dot_general3A_516 : vector<3368x128xf32>
    %get3A_519 = arith.constant 0 : index
    %get3A_520 = arith.constant 0 : index
    %get3A_521 = vector.load %arg9[%get3A_519, %get3A_520] : memref<1x128xf32, #tpu.memory_space<vmem>>, vector<1x128xf32>
    %add3A_522 = vector.broadcast %get3A_521 : vector<1x128xf32> to vector<3368x128xf32>
    %add3A_523 = arith.addf %add3A_518, %add3A_522 : vector<3368x128xf32>
    %mul3A_524 = vector.broadcast %get3A_2 : vector<3368x1xf32> to vector<3368x128xf32>
    %mul3A_525 = arith.mulf %add3A_523, %mul3A_524 : vector<3368x128xf32>
    %convert_element_type3A_526 = arith.truncf %mul3A_525 : vector<3368x128xf32> to vector<3368x128xbf16>
    %swap3A_527 = arith.constant 64 : index
    %swap3A_528 = arith.constant 0 : index
    %swap3A_529 = vector.load %arg21[%swap3A_527, %swap3A_528] : memref<3496x128xbf16, #tpu.memory_space<vmem>>, vector<3368x128xbf16>
    tpu.vector_store %arg21[%swap3A_527, %swap3A_528], %convert_element_type3A_526 {strides = array<i32>} : memref<3496x128xbf16, #tpu.memory_space<vmem>>, vector<3368x128xbf16>,
    %convert_element_type3A_530 = arith.extui %eq3A_0 : i1 to i32
    %cond3A_531 = arith.constant 0 : i32
    %cond3A_532 = arith.cmpi ne, %convert_element_type3A_530, %cond3A_531 : i32
    scf.if %cond3A_532 {
      %broadcast_in_dim3A_1444 = arith.constant 0.000000e+00 : bf16
      %broadcast_in_dim3A_1445 = vector.broadcast %broadcast_in_dim3A_1444 : bf16 to vector<64x128xbf16>
      %swap3A_1446 = arith.constant 0 : index
      %swap3A_1447 = arith.constant 0 : index
      %swap3A_1448 = vector.load %arg21[%swap3A_1446, %swap3A_1447] : memref<3496x128xbf16, #tpu.memory_space<vmem>>, vector<64x128xbf16>
      tpu.vector_store %arg21[%swap3A_1446, %swap3A_1447], %broadcast_in_dim3A_1445 {strides = array<i32>} : memref<3496x128xbf16, #tpu.memory_space<vmem>>, vector<64x128xbf16>,
      %broadcast_in_dim3A_1449 = arith.constant 0.000000e+00 : bf16
      %broadcast_in_dim3A_1450 = vector.broadcast %broadcast_in_dim3A_1449 : bf16 to vector<64x128xbf16>
      %swap3A_1451 = arith.constant 3432 : index
      %swap3A_1452 = arith.constant 0 : index
      %swap3A_1453 = vector.load %arg21[%swap3A_1451, %swap3A_1452] : memref<3496x128xbf16, #tpu.memory_space<vmem>>, vector<64x128xbf16>
      tpu.vector_store %arg21[%swap3A_1451, %swap3A_1452], %broadcast_in_dim3A_1450 {strides = array<i32>} : memref<3496x128xbf16, #tpu.memory_space<vmem>>, vector<64x128xbf16>,
    } else {
    }
    %broadcast_in_dim3A_533 = arith.constant 0.000000e+00 : f32
    %broadcast_in_dim3A_534 = vector.broadcast %broadcast_in_dim3A_533 : f32 to vector<3368x32xf32>
    %get3A_535 = arith.constant 5 : index
    %get3A_536 = arith.constant 0 : index
    %get3A_537 = vector.load %arg21[%get3A_535, %get3A_536] : memref<3496x128xbf16, #tpu.memory_space<vmem>>, vector<3368x128xbf16>
    %max3A_538 = arith.constant 0.000000e+00 : bf16
    %max3A_539 = vector.broadcast %max3A_538 : bf16 to vector<3368x128xbf16>
    %max3A_540 = arith.maximumf %get3A_537, %max3A_539 : vector<3368x128xbf16>
    %get3A_541 = arith.constant 0 : index
    %get3A_542 = arith.constant 0 : index
    %get3A_543 = arith.constant 0 : index
    %get3A_544 = vector.load %arg10[%get3A_541, %get3A_542, %get3A_543] : memref<9x128x32xf32, #tpu.memory_space<vmem>>, vector<1x128x32xf32>
    %get3A_545 = vector.shape_cast %get3A_544 : vector<1x128x32xf32> to vector<128x32xf32>
    %convert_element_type3A_546 = arith.truncf %get3A_545 : vector<128x32xf32> to vector<128x32xbf16>
    %dot_general3A_547 = arith.constant dense<0.000000e+00> : vector<3368x32xf32>
    %dot_general3A_548 = tpu.matmul %max3A_540, %convert_element_type3A_546, %dot_general3A_547 {dimension_numbers = #tpu.dot_dimension_numbers<[1], [0], [0], [1], [0, 0, 1, 1], [], []>, transpose_lhs_hint = false} : vector<3368x128xbf16>, vector<128x32xbf16>, vector<3368x32xf32> -> vector<3368x32xf32>
    %add3A_549 = arith.addf %broadcast_in_dim3A_534, %dot_general3A_548 : vector<3368x32xf32>
    %get3A_550 = arith.constant 6 : index
    %get3A_551 = arith.constant 0 : index
    %get3A_552 = vector.load %arg21[%get3A_550, %get3A_551] : memref<3496x128xbf16, #tpu.memory_space<vmem>>, vector<3368x128xbf16>
    %max3A_553 = arith.constant 0.000000e+00 : bf16
    %max3A_554 = vector.broadcast %max3A_553 : bf16 to vector<3368x128xbf16>
    %max3A_555 = arith.maximumf %get3A_552, %max3A_554 : vector<3368x128xbf16>
    %get3A_556 = arith.constant 1 : index
    %get3A_557 = arith.constant 0 : index
    %get3A_558 = arith.constant 0 : index
    %get3A_559 = vector.load %arg10[%get3A_556, %get3A_557, %get3A_558] : memref<9x128x32xf32, #tpu.memory_space<vmem>>, vector<1x128x32xf32>
    %get3A_560 = vector.shape_cast %get3A_559 : vector<1x128x32xf32> to vector<128x32xf32>
    %convert_element_type3A_561 = arith.truncf %get3A_560 : vector<128x32xf32> to vector<128x32xbf16>
    %dot_general3A_562 = arith.constant dense<0.000000e+00> : vector<3368x32xf32>
    %dot_general3A_563 = tpu.matmul %max3A_555, %convert_element_type3A_561, %dot_general3A_562 {dimension_numbers = #tpu.dot_dimension_numbers<[1], [0], [0], [1], [0, 0, 1, 1], [], []>, transpose_lhs_hint = false} : vector<3368x128xbf16>, vector<128x32xbf16>, vector<3368x32xf32> -> vector<3368x32xf32>
    %add3A_564 = arith.addf %add3A_549, %dot_general3A_563 : vector<3368x32xf32>
    %get3A_565 = arith.constant 7 : index
    %get3A_566 = arith.constant 0 : index
    %get3A_567 = vector.load %arg21[%get3A_565, %get3A_566] : memref<3496x128xbf16, #tpu.memory_space<vmem>>, vector<3368x128xbf16>
    %max3A_568 = arith.constant 0.000000e+00 : bf16
    %max3A_569 = vector.broadcast %max3A_568 : bf16 to vector<3368x128xbf16>
    %max3A_570 = arith.maximumf %get3A_567, %max3A_569 : vector<3368x128xbf16>
    %get3A_571 = arith.constant 2 : index
    %get3A_572 = arith.constant 0 : index
    %get3A_573 = arith.constant 0 : index
    %get3A_574 = vector.load %arg10[%get3A_571, %get3A_572, %get3A_573] : memref<9x128x32xf32, #tpu.memory_space<vmem>>, vector<1x128x32xf32>
    %get3A_575 = vector.shape_cast %get3A_574 : vector<1x128x32xf32> to vector<128x32xf32>
    %convert_element_type3A_576 = arith.truncf %get3A_575 : vector<128x32xf32> to vector<128x32xbf16>
    %dot_general3A_577 = arith.constant dense<0.000000e+00> : vector<3368x32xf32>
    %dot_general3A_578 = tpu.matmul %max3A_570, %convert_element_type3A_576, %dot_general3A_577 {dimension_numbers = #tpu.dot_dimension_numbers<[1], [0], [0], [1], [0, 0, 1, 1], [], []>, transpose_lhs_hint = false} : vector<3368x128xbf16>, vector<128x32xbf16>, vector<3368x32xf32> -> vector<3368x32xf32>
    %add3A_579 = arith.addf %add3A_564, %dot_general3A_578 : vector<3368x32xf32>
    %get3A_580 = arith.constant 63 : index
    %get3A_581 = arith.constant 0 : index
    %get3A_582 = vector.load %arg21[%get3A_580, %get3A_581] : memref<3496x128xbf16, #tpu.memory_space<vmem>>, vector<3368x128xbf16>
    %max3A_583 = arith.constant 0.000000e+00 : bf16
    %max3A_584 = vector.broadcast %max3A_583 : bf16 to vector<3368x128xbf16>
    %max3A_585 = arith.maximumf %get3A_582, %max3A_584 : vector<3368x128xbf16>
    %get3A_586 = arith.constant 3 : index
    %get3A_587 = arith.constant 0 : index
    %get3A_588 = arith.constant 0 : index
    %get3A_589 = vector.load %arg10[%get3A_586, %get3A_587, %get3A_588] : memref<9x128x32xf32, #tpu.memory_space<vmem>>, vector<1x128x32xf32>
    %get3A_590 = vector.shape_cast %get3A_589 : vector<1x128x32xf32> to vector<128x32xf32>
    %convert_element_type3A_591 = arith.truncf %get3A_590 : vector<128x32xf32> to vector<128x32xbf16>
    %dot_general3A_592 = arith.constant dense<0.000000e+00> : vector<3368x32xf32>
    %dot_general3A_593 = tpu.matmul %max3A_585, %convert_element_type3A_591, %dot_general3A_592 {dimension_numbers = #tpu.dot_dimension_numbers<[1], [0], [0], [1], [0, 0, 1, 1], [], []>, transpose_lhs_hint = false} : vector<3368x128xbf16>, vector<128x32xbf16>, vector<3368x32xf32> -> vector<3368x32xf32>
    %add3A_594 = arith.addf %add3A_579, %dot_general3A_593 : vector<3368x32xf32>
    %get3A_595 = arith.constant 64 : index
    %get3A_596 = arith.constant 0 : index
    %get3A_597 = vector.load %arg21[%get3A_595, %get3A_596] : memref<3496x128xbf16, #tpu.memory_space<vmem>>, vector<3368x128xbf16>
    %max3A_598 = arith.constant 0.000000e+00 : bf16
    %max3A_599 = vector.broadcast %max3A_598 : bf16 to vector<3368x128xbf16>
    %max3A_600 = arith.maximumf %get3A_597, %max3A_599 : vector<3368x128xbf16>
    %get3A_601 = arith.constant 4 : index
    %get3A_602 = arith.constant 0 : index
    %get3A_603 = arith.constant 0 : index
    %get3A_604 = vector.load %arg10[%get3A_601, %get3A_602, %get3A_603] : memref<9x128x32xf32, #tpu.memory_space<vmem>>, vector<1x128x32xf32>
    %get3A_605 = vector.shape_cast %get3A_604 : vector<1x128x32xf32> to vector<128x32xf32>
    %convert_element_type3A_606 = arith.truncf %get3A_605 : vector<128x32xf32> to vector<128x32xbf16>
    %dot_general3A_607 = arith.constant dense<0.000000e+00> : vector<3368x32xf32>
    %dot_general3A_608 = tpu.matmul %max3A_600, %convert_element_type3A_606, %dot_general3A_607 {dimension_numbers = #tpu.dot_dimension_numbers<[1], [0], [0], [1], [0, 0, 1, 1], [], []>, transpose_lhs_hint = false} : vector<3368x128xbf16>, vector<128x32xbf16>, vector<3368x32xf32> -> vector<3368x32xf32>
    %add3A_609 = arith.addf %add3A_594, %dot_general3A_608 : vector<3368x32xf32>
    %get3A_610 = arith.constant 65 : index
    %get3A_611 = arith.constant 0 : index
    %get3A_612 = vector.load %arg21[%get3A_610, %get3A_611] : memref<3496x128xbf16, #tpu.memory_space<vmem>>, vector<3368x128xbf16>
    %max3A_613 = arith.constant 0.000000e+00 : bf16
    %max3A_614 = vector.broadcast %max3A_613 : bf16 to vector<3368x128xbf16>
    %max3A_615 = arith.maximumf %get3A_612, %max3A_614 : vector<3368x128xbf16>
    %get3A_616 = arith.constant 5 : index
    %get3A_617 = arith.constant 0 : index
    %get3A_618 = arith.constant 0 : index
    %get3A_619 = vector.load %arg10[%get3A_616, %get3A_617, %get3A_618] : memref<9x128x32xf32, #tpu.memory_space<vmem>>, vector<1x128x32xf32>
    %get3A_620 = vector.shape_cast %get3A_619 : vector<1x128x32xf32> to vector<128x32xf32>
    %convert_element_type3A_621 = arith.truncf %get3A_620 : vector<128x32xf32> to vector<128x32xbf16>
    %dot_general3A_622 = arith.constant dense<0.000000e+00> : vector<3368x32xf32>
    %dot_general3A_623 = tpu.matmul %max3A_615, %convert_element_type3A_621, %dot_general3A_622 {dimension_numbers = #tpu.dot_dimension_numbers<[1], [0], [0], [1], [0, 0, 1, 1], [], []>, transpose_lhs_hint = false} : vector<3368x128xbf16>, vector<128x32xbf16>, vector<3368x32xf32> -> vector<3368x32xf32>
    %add3A_624 = arith.addf %add3A_609, %dot_general3A_623 : vector<3368x32xf32>
    %get3A_625 = arith.constant 121 : index
    %get3A_626 = arith.constant 0 : index
    %get3A_627 = vector.load %arg21[%get3A_625, %get3A_626] : memref<3496x128xbf16, #tpu.memory_space<vmem>>, vector<3368x128xbf16>
    %max3A_628 = arith.constant 0.000000e+00 : bf16
    %max3A_629 = vector.broadcast %max3A_628 : bf16 to vector<3368x128xbf16>
    %max3A_630 = arith.maximumf %get3A_627, %max3A_629 : vector<3368x128xbf16>
    %get3A_631 = arith.constant 6 : index
    %get3A_632 = arith.constant 0 : index
    %get3A_633 = arith.constant 0 : index
    %get3A_634 = vector.load %arg10[%get3A_631, %get3A_632, %get3A_633] : memref<9x128x32xf32, #tpu.memory_space<vmem>>, vector<1x128x32xf32>
    %get3A_635 = vector.shape_cast %get3A_634 : vector<1x128x32xf32> to vector<128x32xf32>
    %convert_element_type3A_636 = arith.truncf %get3A_635 : vector<128x32xf32> to vector<128x32xbf16>
    %dot_general3A_637 = arith.constant dense<0.000000e+00> : vector<3368x32xf32>
    %dot_general3A_638 = tpu.matmul %max3A_630, %convert_element_type3A_636, %dot_general3A_637 {dimension_numbers = #tpu.dot_dimension_numbers<[1], [0], [0], [1], [0, 0, 1, 1], [], []>, transpose_lhs_hint = false} : vector<3368x128xbf16>, vector<128x32xbf16>, vector<3368x32xf32> -> vector<3368x32xf32>
    %add3A_639 = arith.addf %add3A_624, %dot_general3A_638 : vector<3368x32xf32>
    %get3A_640 = arith.constant 122 : index
    %get3A_641 = arith.constant 0 : index
    %get3A_642 = vector.load %arg21[%get3A_640, %get3A_641] : memref<3496x128xbf16, #tpu.memory_space<vmem>>, vector<3368x128xbf16>
    %max3A_643 = arith.constant 0.000000e+00 : bf16
    %max3A_644 = vector.broadcast %max3A_643 : bf16 to vector<3368x128xbf16>
    %max3A_645 = arith.maximumf %get3A_642, %max3A_644 : vector<3368x128xbf16>
    %get3A_646 = arith.constant 7 : index
    %get3A_647 = arith.constant 0 : index
    %get3A_648 = arith.constant 0 : index
    %get3A_649 = vector.load %arg10[%get3A_646, %get3A_647, %get3A_648] : memref<9x128x32xf32, #tpu.memory_space<vmem>>, vector<1x128x32xf32>
    %get3A_650 = vector.shape_cast %get3A_649 : vector<1x128x32xf32> to vector<128x32xf32>
    %convert_element_type3A_651 = arith.truncf %get3A_650 : vector<128x32xf32> to vector<128x32xbf16>
    %dot_general3A_652 = arith.constant dense<0.000000e+00> : vector<3368x32xf32>
    %dot_general3A_653 = tpu.matmul %max3A_645, %convert_element_type3A_651, %dot_general3A_652 {dimension_numbers = #tpu.dot_dimension_numbers<[1], [0], [0], [1], [0, 0, 1, 1], [], []>, transpose_lhs_hint = false} : vector<3368x128xbf16>, vector<128x32xbf16>, vector<3368x32xf32> -> vector<3368x32xf32>
    %add3A_654 = arith.addf %add3A_639, %dot_general3A_653 : vector<3368x32xf32>
    %get3A_655 = arith.constant 123 : index
    %get3A_656 = arith.constant 0 : index
    %get3A_657 = vector.load %arg21[%get3A_655, %get3A_656] : memref<3496x128xbf16, #tpu.memory_space<vmem>>, vector<3368x128xbf16>
    %max3A_658 = arith.constant 0.000000e+00 : bf16
    %max3A_659 = vector.broadcast %max3A_658 : bf16 to vector<3368x128xbf16>
    %max3A_660 = arith.maximumf %get3A_657, %max3A_659 : vector<3368x128xbf16>
    %get3A_661 = arith.constant 8 : index
    %get3A_662 = arith.constant 0 : index
    %get3A_663 = arith.constant 0 : index
    %get3A_664 = vector.load %arg10[%get3A_661, %get3A_662, %get3A_663] : memref<9x128x32xf32, #tpu.memory_space<vmem>>, vector<1x128x32xf32>
    %get3A_665 = vector.shape_cast %get3A_664 : vector<1x128x32xf32> to vector<128x32xf32>
    %convert_element_type3A_666 = arith.truncf %get3A_665 : vector<128x32xf32> to vector<128x32xbf16>
    %dot_general3A_667 = arith.constant dense<0.000000e+00> : vector<3368x32xf32>
    %dot_general3A_668 = tpu.matmul %max3A_660, %convert_element_type3A_666, %dot_general3A_667 {dimension_numbers = #tpu.dot_dimension_numbers<[1], [0], [0], [1], [0, 0, 1, 1], [], []>, transpose_lhs_hint = false} : vector<3368x128xbf16>, vector<128x32xbf16>, vector<3368x32xf32> -> vector<3368x32xf32>
    %add3A_669 = arith.addf %add3A_654, %dot_general3A_668 : vector<3368x32xf32>
    %get3A_670 = arith.constant 0 : index
    %get3A_671 = arith.constant 0 : index
    %get3A_672 = vector.load %arg11[%get3A_670, %get3A_671] : memref<1x32xf32, #tpu.memory_space<vmem>>, vector<1x32xf32>
    %add3A_673 = vector.broadcast %get3A_672 : vector<1x32xf32> to vector<3368x32xf32>
    %add3A_674 = arith.addf %add3A_669, %add3A_673 : vector<3368x32xf32>
    %max3A_675 = arith.constant 0.000000e+00 : f32
    %max3A_676 = vector.broadcast %max3A_675 : f32 to vector<3368x32xf32>
    %max3A_677 = arith.maximumf %add3A_674, %max3A_676 : vector<3368x32xf32>
    %get3A_678 = arith.constant 64 : index
    %get3A_679 = arith.constant 0 : index
    %get3A_680 = vector.load %arg21[%get3A_678, %get3A_679] : memref<3496x128xbf16, #tpu.memory_space<vmem>>, vector<3368x128xbf16>
    %convert_element_type3A_681 = arith.truncf %max3A_677 : vector<3368x32xf32> to vector<3368x32xbf16>
    %get3A_682 = arith.constant 0 : index
    %get3A_683 = arith.constant 0 : index
    %get3A_684 = vector.load %arg12[%get3A_682, %get3A_683] : memref<32x128xf32, #tpu.memory_space<vmem>>, vector<32x128xf32>
    %convert_element_type3A_685 = arith.truncf %get3A_684 : vector<32x128xf32> to vector<32x128xbf16>
    %dot_general3A_686 = arith.constant dense<0.000000e+00> : vector<3368x128xf32>
    %dot_general3A_687 = tpu.matmul %convert_element_type3A_681, %convert_element_type3A_685, %dot_general3A_686 {dimension_numbers = #tpu.dot_dimension_numbers<[1], [0], [0], [1], [0, 0, 1, 1], [], []>, transpose_lhs_hint = false} : vector<3368x32xbf16>, vector<32x128xbf16>, vector<3368x128xf32> -> vector<3368x128xf32>
    %convert_element_type3A_688 = arith.extf %get3A_680 : vector<3368x128xbf16> to vector<3368x128xf32>
    %add3A_689 = arith.addf %convert_element_type3A_688, %dot_general3A_687 : vector<3368x128xf32>
    %get3A_690 = arith.constant 0 : index
    %get3A_691 = arith.constant 0 : index
    %get3A_692 = vector.load %arg13[%get3A_690, %get3A_691] : memref<1x128xf32, #tpu.memory_space<vmem>>, vector<1x128xf32>
    %add3A_693 = vector.broadcast %get3A_692 : vector<1x128xf32> to vector<3368x128xf32>
    %add3A_694 = arith.addf %add3A_689, %add3A_693 : vector<3368x128xf32>
    %max3A_695 = arith.constant 0.000000e+00 : f32
    %max3A_696 = vector.broadcast %max3A_695 : f32 to vector<3368x128xf32>
    %max3A_697 = arith.maximumf %add3A_694, %max3A_696 : vector<3368x128xf32>
    %mul3A_698 = vector.broadcast %get3A_2 : vector<3368x1xf32> to vector<3368x128xf32>
    %mul3A_699 = arith.mulf %max3A_697, %mul3A_698 : vector<3368x128xf32>
    %convert_element_type3A_700 = arith.truncf %mul3A_699 : vector<3368x128xf32> to vector<3368x128xbf16>
    %swap3A_701 = arith.constant 64 : index
    %swap3A_702 = arith.constant 0 : index
    %swap3A_703 = vector.load %arg22[%swap3A_701, %swap3A_702] : memref<3496x128xbf16, #tpu.memory_space<vmem>>, vector<3368x128xbf16>
    tpu.vector_store %arg22[%swap3A_701, %swap3A_702], %convert_element_type3A_700 {strides = array<i32>} : memref<3496x128xbf16, #tpu.memory_space<vmem>>, vector<3368x128xbf16>,
    %convert_element_type3A_704 = arith.extui %eq3A_0 : i1 to i32
    %cond3A_705 = arith.constant 0 : i32
    %cond3A_706 = arith.cmpi ne, %convert_element_type3A_704, %cond3A_705 : i32
    scf.if %cond3A_706 {
      %broadcast_in_dim3A_1444 = arith.constant 0.000000e+00 : bf16
      %broadcast_in_dim3A_1445 = vector.broadcast %broadcast_in_dim3A_1444 : bf16 to vector<64x128xbf16>
      %swap3A_1446 = arith.constant 0 : index
      %swap3A_1447 = arith.constant 0 : index
      %swap3A_1448 = vector.load %arg22[%swap3A_1446, %swap3A_1447] : memref<3496x128xbf16, #tpu.memory_space<vmem>>, vector<64x128xbf16>
      tpu.vector_store %arg22[%swap3A_1446, %swap3A_1447], %broadcast_in_dim3A_1445 {strides = array<i32>} : memref<3496x128xbf16, #tpu.memory_space<vmem>>, vector<64x128xbf16>,
      %broadcast_in_dim3A_1449 = arith.constant 0.000000e+00 : bf16
      %broadcast_in_dim3A_1450 = vector.broadcast %broadcast_in_dim3A_1449 : bf16 to vector<64x128xbf16>
      %swap3A_1451 = arith.constant 3432 : index
      %swap3A_1452 = arith.constant 0 : index
      %swap3A_1453 = vector.load %arg22[%swap3A_1451, %swap3A_1452] : memref<3496x128xbf16, #tpu.memory_space<vmem>>, vector<64x128xbf16>
      tpu.vector_store %arg22[%swap3A_1451, %swap3A_1452], %broadcast_in_dim3A_1450 {strides = array<i32>} : memref<3496x128xbf16, #tpu.memory_space<vmem>>, vector<64x128xbf16>,
    } else {
    }
    %get3A_707 = arith.constant 0 : index
    %get3A_708 = arith.constant 0 : index
    %get3A_709 = vector.load %arg16[%get3A_707, %get3A_708] : memref<64x512xf32, #tpu.memory_space<vmem>>, vector<64x512xf32>
    %get3A_710 = arith.constant 0 : index
    %get3A_711 = arith.constant 0 : index
    %get3A_712 = vector.load %arg16[%get3A_710, %get3A_711] : memref<64x512xf32, #tpu.memory_space<vmem>>, vector<64x512xf32>
    %mul3A_713 = arith.mulf %get3A_709, %get3A_712 : vector<64x512xf32>
    %reduce_sum3A = arith.constant dense<0.000000e+00> : vector<512xf32>
    %reduce_sum3A_714 = vector.multi_reduction <add>, %mul3A_713, %reduce_sum3A [0] : vector<64x512xf32> to vector<512xf32>
    %broadcast_in_dim3A_715 = vector.shape_cast %reduce_sum3A_714 : vector<512xf32> to vector<1x512xf32>
    %get3A_716 = arith.constant 64 : index
    %get3A_717 = arith.constant 0 : index
    %get3A_718 = vector.load %arg22[%get3A_716, %get3A_717] : memref<3496x128xbf16, #tpu.memory_space<vmem>>, vector<424x128xbf16>
    %get3A_719 = arith.constant 0 : index
    %get3A_720 = arith.constant 0 : index
    %get3A_721 = vector.load %arg14[%get3A_719, %get3A_720] : memref<128x64xf32, #tpu.memory_space<vmem>>, vector<128x64xf32>
    %convert_element_type3A_722 = arith.truncf %get3A_721 : vector<128x64xf32> to vector<128x64xbf16>
    %dot_general3A_723 = arith.constant dense<0.000000e+00> : vector<424x64xf32>
    %dot_general3A_724 = tpu.matmul %get3A_718, %convert_element_type3A_722, %dot_general3A_723 {dimension_numbers = #tpu.dot_dimension_numbers<[1], [0], [0], [1], [0, 0, 1, 1], [], []>, transpose_lhs_hint = false} : vector<424x128xbf16>, vector<128x64xbf16>, vector<424x64xf32> -> vector<424x64xf32>
    %get3A_725 = arith.constant 0 : index
    %get3A_726 = arith.constant 0 : index
    %get3A_727 = vector.load %arg15[%get3A_725, %get3A_726] : memref<1x64xf32, #tpu.memory_space<vmem>>, vector<1x64xf32>
    %add3A_728 = vector.broadcast %get3A_727 : vector<1x64xf32> to vector<424x64xf32>
    %add3A_729 = arith.addf %dot_general3A_724, %add3A_728 : vector<424x64xf32>
    %convert_element_type3A_730 = arith.truncf %add3A_729 : vector<424x64xf32> to vector<424x64xbf16>
    %get3A_731 = arith.constant 0 : index
    %get3A_732 = arith.constant 0 : index
    %get3A_733 = vector.load %arg16[%get3A_731, %get3A_732] : memref<64x512xf32, #tpu.memory_space<vmem>>, vector<64x512xf32>
    %convert_element_type3A_734 = arith.truncf %get3A_733 : vector<64x512xf32> to vector<64x512xbf16>
    %dot_general3A_735 = arith.constant dense<0.000000e+00> : vector<424x512xf32>
    %dot_general3A_736 = tpu.matmul %convert_element_type3A_730, %convert_element_type3A_734, %dot_general3A_735 {dimension_numbers = #tpu.dot_dimension_numbers<[1], [0], [0], [1], [0, 0, 1, 1], [], []>, transpose_lhs_hint = false} : vector<424x64xbf16>, vector<64x512xbf16>, vector<424x512xf32> -> vector<424x512xf32>
    %mul3A_737 = arith.constant 2.000000e+00 : f32
    %mul3A_738 = vector.broadcast %mul3A_737 : f32 to vector<424x512xf32>
    %mul3A_739 = arith.mulf %mul3A_738, %dot_general3A_736 : vector<424x512xf32>
    %sub3A = vector.broadcast %broadcast_in_dim3A_715 : vector<1x512xf32> to vector<424x512xf32>
    %sub3A_740 = arith.subf %sub3A, %mul3A_739 : vector<424x512xf32>
    %reduce_min3A = arith.constant dense<0x7F800000> : vector<424xf32>
    %reduce_min3A_741 = vector.multi_reduction <minimumf>, %sub3A_740, %reduce_min3A [1] : vector<424x512xf32> to vector<424xf32>
    %broadcast_in_dim3A_742 = vector.shape_cast %reduce_min3A_741 : vector<424xf32> to vector<424x1xf32>
    %iota3A = tpu.iota {dimensions = array<i32: 1>} : vector<424x512xi32>
    %eq3A_743 = vector.broadcast %broadcast_in_dim3A_742 : vector<424x1xf32> to vector<424x512xf32>
    %eq3A_744 = arith.cmpf oeq, %sub3A_740, %eq3A_743 : vector<424x512xf32>
    %jit3A = arith.constant 512 : i32
    %broadcast_in_dim3A_745 = vector.broadcast %jit3A : i32 to vector<424x512xi32>
    %select_n3A = arith.select %eq3A_744, %iota3A, %broadcast_in_dim3A_745 : vector<424x512xi1>, vector<424x512xi32>
    %reduce_min3A_746 = arith.constant dense<2147483647> : vector<424xi32>
    %reduce_min3A_747 = vector.multi_reduction <minsi>, %select_n3A, %reduce_min3A_746 [1] : vector<424x512xi32> to vector<424xi32>
    %broadcast_in_dim3A_748 = vector.shape_cast %reduce_min3A_747 : vector<424xi32> to vector<424x1xi32>
    %mul3A_749 = arith.mulf %add3A_729, %add3A_729 : vector<424x64xf32>
    %reduce_sum3A_750 = arith.constant dense<0.000000e+00> : vector<424xf32>
    %reduce_sum3A_751 = vector.multi_reduction <add>, %mul3A_749, %reduce_sum3A_750 [1] : vector<424x64xf32> to vector<424xf32>
    %broadcast_in_dim3A_752 = vector.shape_cast %reduce_sum3A_751 : vector<424xf32> to vector<424x1xf32>
    %add3A_753 = arith.addf %broadcast_in_dim3A_742, %broadcast_in_dim3A_752 : vector<424x1xf32>
    %max3A_754 = arith.constant 0.000000e+00 : f32
    %max3A_755 = vector.broadcast %max3A_754 : f32 to vector<424x1xf32>
    %max3A_756 = arith.maximumf %add3A_753, %max3A_755 : vector<424x1xf32>
    %sqrt3A = math.sqrt %max3A_756 : vector<424x1xf32>
    %get3A_757 = arith.constant 0 : index
    %get3A_758 = arith.constant 0 : index
    %get3A_759 = arith.constant 0 : index
    %get3A_760 = vector.load %arg17[%get3A_757, %get3A_758, %get3A_759] : memref<1x3368x64xbf16, #tpu.memory_space<vmem>>, vector<1x424x64xbf16>
    %get3A_761 = vector.shape_cast %get3A_760 : vector<1x424x64xbf16> to vector<424x64xbf16>
    %convert_element_type3A_762 = arith.extf %get3A_761 : vector<424x64xbf16> to vector<424x64xf32>
    %mul3A_763 = arith.mulf %convert_element_type3A_762, %convert_element_type3A_762 : vector<424x64xf32>
    %reduce_sum3A_764 = arith.constant dense<0.000000e+00> : vector<424xf32>
    %reduce_sum3A_765 = vector.multi_reduction <add>, %mul3A_763, %reduce_sum3A_764 [1] : vector<424x64xf32> to vector<424xf32>
    %broadcast_in_dim3A_766 = vector.shape_cast %reduce_sum3A_765 : vector<424xf32> to vector<424x1xf32>
    %sqrt3A_767 = math.sqrt %broadcast_in_dim3A_766 : vector<424x1xf32>
    %get3A_768 = arith.constant 0 : index
    %get3A_769 = arith.constant 0 : index
    %get3A_770 = vector.load %arg18[%get3A_768, %get3A_769] : memref<3368x1xf32, #tpu.memory_space<vmem>>, vector<424x1xf32>
    %add3A_771 = arith.constant 9.99999996E-13 : f32
    %add3A_772 = vector.broadcast %add3A_771 : f32 to vector<424x1xf32>
    %add3A_773 = arith.addf %sqrt3A_767, %add3A_772 : vector<424x1xf32>
    %div3A = arith.divf %sqrt3A, %add3A_773 : vector<424x1xf32>
    %mul3A_774 = vector.broadcast %div3A : vector<424x1xf32> to vector<424x64xf32>
    %mul3A_775 = arith.mulf %mul3A_774, %convert_element_type3A_762 : vector<424x64xf32>
    %add3A_776 = arith.addf %add3A_729, %mul3A_775 : vector<424x64xf32>
    %mul3A_777 = vector.broadcast %get3A_770 : vector<424x1xf32> to vector<424x64xf32>
    %mul3A_778 = arith.mulf %add3A_776, %mul3A_777 : vector<424x64xf32>
    %convert_element_type3A_779 = arith.truncf %mul3A_778 : vector<424x64xf32> to vector<424x64xbf16>
    %swap3A_780 = arith.constant 0 : index
    %swap3A_781 = arith.constant 64 : index
    %swap3A_782 = arith.constant 0 : index
    %swap3A_783 = vector.load %arg19[%swap3A_780, %swap3A_781, %swap3A_782] : memref<1x3496x64xbf16, #tpu.memory_space<vmem>>, vector<1x424x64xbf16>
    %swap3A_784 = vector.shape_cast %swap3A_783 : vector<1x424x64xbf16> to vector<424x64xbf16>
    %swap3A_785 = vector.shape_cast %convert_element_type3A_779 : vector<424x64xbf16> to vector<1x424x64xbf16>
    tpu.vector_store %arg19[%swap3A_780, %swap3A_781, %swap3A_782], %swap3A_785 {strides = array<i32>} : memref<1x3496x64xbf16, #tpu.memory_space<vmem>>, vector<1x424x64xbf16>,
    %gt3A = arith.constant 0.000000e+00 : f32
    %gt3A_786 = vector.broadcast %gt3A : f32 to vector<424x1xf32>
    %gt3A_787 = arith.cmpf ogt, %get3A_770, %gt3A_786 : vector<424x1xf32>
    %jit3A_788 = arith.constant 512 : i32
    %broadcast_in_dim3A_789 = vector.broadcast %jit3A_788 : i32 to vector<424x1xi32>
    %select_n3A_790 = arith.select %gt3A_787, %broadcast_in_dim3A_748, %broadcast_in_dim3A_789 : vector<424x1xi1>, vector<424x1xi32>
    %swap3A_791 = arith.constant 0 : index
    %swap3A_792 = arith.constant 0 : index
    %swap3A_793 = arith.constant 0 : index
    %swap3A_794 = vector.load %arg20[%swap3A_791, %swap3A_792, %swap3A_793] : memref<1x3392x1xi32, #tpu.memory_space<vmem>>, vector<1x424x1xi32>
    %swap3A_795 = vector.shape_cast %swap3A_794 : vector<1x424x1xi32> to vector<424x1xi32>
    %swap3A_796 = vector.shape_cast %select_n3A_790 : vector<424x1xi32> to vector<1x424x1xi32>
    tpu.vector_store %arg20[%swap3A_791, %swap3A_792, %swap3A_793], %swap3A_796 {strides = array<i32>} : memref<1x3392x1xi32, #tpu.memory_space<vmem>>, vector<1x424x1xi32>,
    %get3A_797 = arith.constant 488 : index
    %get3A_798 = arith.constant 0 : index
    %get3A_799 = vector.load %arg22[%get3A_797, %get3A_798] : memref<3496x128xbf16, #tpu.memory_space<vmem>>, vector<424x128xbf16>
    %get3A_800 = arith.constant 0 : index
    %get3A_801 = arith.constant 0 : index
    %get3A_802 = vector.load %arg14[%get3A_800, %get3A_801] : memref<128x64xf32, #tpu.memory_space<vmem>>, vector<128x64xf32>
    %convert_element_type3A_803 = arith.truncf %get3A_802 : vector<128x64xf32> to vector<128x64xbf16>
    %dot_general3A_804 = arith.constant dense<0.000000e+00> : vector<424x64xf32>
    %dot_general3A_805 = tpu.matmul %get3A_799, %convert_element_type3A_803, %dot_general3A_804 {dimension_numbers = #tpu.dot_dimension_numbers<[1], [0], [0], [1], [0, 0, 1, 1], [], []>, transpose_lhs_hint = false} : vector<424x128xbf16>, vector<128x64xbf16>, vector<424x64xf32> -> vector<424x64xf32>
    %get3A_806 = arith.constant 0 : index
    %get3A_807 = arith.constant 0 : index
    %get3A_808 = vector.load %arg15[%get3A_806, %get3A_807] : memref<1x64xf32, #tpu.memory_space<vmem>>, vector<1x64xf32>
    %add3A_809 = vector.broadcast %get3A_808 : vector<1x64xf32> to vector<424x64xf32>
    %add3A_810 = arith.addf %dot_general3A_805, %add3A_809 : vector<424x64xf32>
    %convert_element_type3A_811 = arith.truncf %add3A_810 : vector<424x64xf32> to vector<424x64xbf16>
    %get3A_812 = arith.constant 0 : index
    %get3A_813 = arith.constant 0 : index
    %get3A_814 = vector.load %arg16[%get3A_812, %get3A_813] : memref<64x512xf32, #tpu.memory_space<vmem>>, vector<64x512xf32>
    %convert_element_type3A_815 = arith.truncf %get3A_814 : vector<64x512xf32> to vector<64x512xbf16>
    %dot_general3A_816 = arith.constant dense<0.000000e+00> : vector<424x512xf32>
    %dot_general3A_817 = tpu.matmul %convert_element_type3A_811, %convert_element_type3A_815, %dot_general3A_816 {dimension_numbers = #tpu.dot_dimension_numbers<[1], [0], [0], [1], [0, 0, 1, 1], [], []>, transpose_lhs_hint = false} : vector<424x64xbf16>, vector<64x512xbf16>, vector<424x512xf32> -> vector<424x512xf32>
    %mul3A_818 = arith.constant 2.000000e+00 : f32
    %mul3A_819 = vector.broadcast %mul3A_818 : f32 to vector<424x512xf32>
    %mul3A_820 = arith.mulf %mul3A_819, %dot_general3A_817 : vector<424x512xf32>
    %sub3A_821 = vector.broadcast %broadcast_in_dim3A_715 : vector<1x512xf32> to vector<424x512xf32>
    %sub3A_822 = arith.subf %sub3A_821, %mul3A_820 : vector<424x512xf32>
    %reduce_min3A_823 = arith.constant dense<0x7F800000> : vector<424xf32>
    %reduce_min3A_824 = vector.multi_reduction <minimumf>, %sub3A_822, %reduce_min3A_823 [1] : vector<424x512xf32> to vector<424xf32>
    %broadcast_in_dim3A_825 = vector.shape_cast %reduce_min3A_824 : vector<424xf32> to vector<424x1xf32>
    %iota3A_826 = tpu.iota {dimensions = array<i32: 1>} : vector<424x512xi32>
    %eq3A_827 = vector.broadcast %broadcast_in_dim3A_825 : vector<424x1xf32> to vector<424x512xf32>
    %eq3A_828 = arith.cmpf oeq, %sub3A_822, %eq3A_827 : vector<424x512xf32>
    %jit3A_829 = arith.constant 512 : i32
    %broadcast_in_dim3A_830 = vector.broadcast %jit3A_829 : i32 to vector<424x512xi32>
    %select_n3A_831 = arith.select %eq3A_828, %iota3A_826, %broadcast_in_dim3A_830 : vector<424x512xi1>, vector<424x512xi32>
    %reduce_min3A_832 = arith.constant dense<2147483647> : vector<424xi32>
    %reduce_min3A_833 = vector.multi_reduction <minsi>, %select_n3A_831, %reduce_min3A_832 [1] : vector<424x512xi32> to vector<424xi32>
    %broadcast_in_dim3A_834 = vector.shape_cast %reduce_min3A_833 : vector<424xi32> to vector<424x1xi32>
    %mul3A_835 = arith.mulf %add3A_810, %add3A_810 : vector<424x64xf32>
    %reduce_sum3A_836 = arith.constant dense<0.000000e+00> : vector<424xf32>
    %reduce_sum3A_837 = vector.multi_reduction <add>, %mul3A_835, %reduce_sum3A_836 [1] : vector<424x64xf32> to vector<424xf32>
    %broadcast_in_dim3A_838 = vector.shape_cast %reduce_sum3A_837 : vector<424xf32> to vector<424x1xf32>
    %add3A_839 = arith.addf %broadcast_in_dim3A_825, %broadcast_in_dim3A_838 : vector<424x1xf32>
    %max3A_840 = arith.constant 0.000000e+00 : f32
    %max3A_841 = vector.broadcast %max3A_840 : f32 to vector<424x1xf32>
    %max3A_842 = arith.maximumf %add3A_839, %max3A_841 : vector<424x1xf32>
    %sqrt3A_843 = math.sqrt %max3A_842 : vector<424x1xf32>
    %get3A_844 = arith.constant 0 : index
    %get3A_845 = arith.constant 424 : index
    %get3A_846 = arith.constant 0 : index
    %get3A_847 = vector.load %arg17[%get3A_844, %get3A_845, %get3A_846] : memref<1x3368x64xbf16, #tpu.memory_space<vmem>>, vector<1x424x64xbf16>
    %get3A_848 = vector.shape_cast %get3A_847 : vector<1x424x64xbf16> to vector<424x64xbf16>
    %convert_element_type3A_849 = arith.extf %get3A_848 : vector<424x64xbf16> to vector<424x64xf32>
    %mul3A_850 = arith.mulf %convert_element_type3A_849, %convert_element_type3A_849 : vector<424x64xf32>
    %reduce_sum3A_851 = arith.constant dense<0.000000e+00> : vector<424xf32>
    %reduce_sum3A_852 = vector.multi_reduction <add>, %mul3A_850, %reduce_sum3A_851 [1] : vector<424x64xf32> to vector<424xf32>
    %broadcast_in_dim3A_853 = vector.shape_cast %reduce_sum3A_852 : vector<424xf32> to vector<424x1xf32>
    %sqrt3A_854 = math.sqrt %broadcast_in_dim3A_853 : vector<424x1xf32>
    %get3A_855 = arith.constant 424 : index
    %get3A_856 = arith.constant 0 : index
    %get3A_857 = vector.load %arg18[%get3A_855, %get3A_856] : memref<3368x1xf32, #tpu.memory_space<vmem>>, vector<424x1xf32>
    %add3A_858 = arith.constant 9.99999996E-13 : f32
    %add3A_859 = vector.broadcast %add3A_858 : f32 to vector<424x1xf32>
    %add3A_860 = arith.addf %sqrt3A_854, %add3A_859 : vector<424x1xf32>
    %div3A_861 = arith.divf %sqrt3A_843, %add3A_860 : vector<424x1xf32>
    %mul3A_862 = vector.broadcast %div3A_861 : vector<424x1xf32> to vector<424x64xf32>
    %mul3A_863 = arith.mulf %mul3A_862, %convert_element_type3A_849 : vector<424x64xf32>
    %add3A_864 = arith.addf %add3A_810, %mul3A_863 : vector<424x64xf32>
    %mul3A_865 = vector.broadcast %get3A_857 : vector<424x1xf32> to vector<424x64xf32>
    %mul3A_866 = arith.mulf %add3A_864, %mul3A_865 : vector<424x64xf32>
    %convert_element_type3A_867 = arith.truncf %mul3A_866 : vector<424x64xf32> to vector<424x64xbf16>
    %swap3A_868 = arith.constant 0 : index
    %swap3A_869 = arith.constant 488 : index
    %swap3A_870 = arith.constant 0 : index
    %swap3A_871 = vector.load %arg19[%swap3A_868, %swap3A_869, %swap3A_870] : memref<1x3496x64xbf16, #tpu.memory_space<vmem>>, vector<1x424x64xbf16>
    %swap3A_872 = vector.shape_cast %swap3A_871 : vector<1x424x64xbf16> to vector<424x64xbf16>
    %swap3A_873 = vector.shape_cast %convert_element_type3A_867 : vector<424x64xbf16> to vector<1x424x64xbf16>
    tpu.vector_store %arg19[%swap3A_868, %swap3A_869, %swap3A_870], %swap3A_873 {strides = array<i32>} : memref<1x3496x64xbf16, #tpu.memory_space<vmem>>, vector<1x424x64xbf16>,
    %gt3A_874 = arith.constant 0.000000e+00 : f32
    %gt3A_875 = vector.broadcast %gt3A_874 : f32 to vector<424x1xf32>
    %gt3A_876 = arith.cmpf ogt, %get3A_857, %gt3A_875 : vector<424x1xf32>
    %jit3A_877 = arith.constant 512 : i32
    %broadcast_in_dim3A_878 = vector.broadcast %jit3A_877 : i32 to vector<424x1xi32>
    %select_n3A_879 = arith.select %gt3A_876, %broadcast_in_dim3A_834, %broadcast_in_dim3A_878 : vector<424x1xi1>, vector<424x1xi32>
    %swap3A_880 = arith.constant 0 : index
    %swap3A_881 = arith.constant 424 : index
    %swap3A_882 = arith.constant 0 : index
    %swap3A_883 = vector.load %arg20[%swap3A_880, %swap3A_881, %swap3A_882] : memref<1x3392x1xi32, #tpu.memory_space<vmem>>, vector<1x424x1xi32>
    %swap3A_884 = vector.shape_cast %swap3A_883 : vector<1x424x1xi32> to vector<424x1xi32>
    %swap3A_885 = vector.shape_cast %select_n3A_879 : vector<424x1xi32> to vector<1x424x1xi32>
    tpu.vector_store %arg20[%swap3A_880, %swap3A_881, %swap3A_882], %swap3A_885 {strides = array<i32>} : memref<1x3392x1xi32, #tpu.memory_space<vmem>>, vector<1x424x1xi32>,
    %get3A_886 = arith.constant 912 : index
    %get3A_887 = arith.constant 0 : index
    %get3A_888 = vector.load %arg22[%get3A_886, %get3A_887] : memref<3496x128xbf16, #tpu.memory_space<vmem>>, vector<424x128xbf16>
    %get3A_889 = arith.constant 0 : index
    %get3A_890 = arith.constant 0 : index
    %get3A_891 = vector.load %arg14[%get3A_889, %get3A_890] : memref<128x64xf32, #tpu.memory_space<vmem>>, vector<128x64xf32>
    %convert_element_type3A_892 = arith.truncf %get3A_891 : vector<128x64xf32> to vector<128x64xbf16>
    %dot_general3A_893 = arith.constant dense<0.000000e+00> : vector<424x64xf32>
    %dot_general3A_894 = tpu.matmul %get3A_888, %convert_element_type3A_892, %dot_general3A_893 {dimension_numbers = #tpu.dot_dimension_numbers<[1], [0], [0], [1], [0, 0, 1, 1], [], []>, transpose_lhs_hint = false} : vector<424x128xbf16>, vector<128x64xbf16>, vector<424x64xf32> -> vector<424x64xf32>
    %get3A_895 = arith.constant 0 : index
    %get3A_896 = arith.constant 0 : index
    %get3A_897 = vector.load %arg15[%get3A_895, %get3A_896] : memref<1x64xf32, #tpu.memory_space<vmem>>, vector<1x64xf32>
    %add3A_898 = vector.broadcast %get3A_897 : vector<1x64xf32> to vector<424x64xf32>
    %add3A_899 = arith.addf %dot_general3A_894, %add3A_898 : vector<424x64xf32>
    %convert_element_type3A_900 = arith.truncf %add3A_899 : vector<424x64xf32> to vector<424x64xbf16>
    %get3A_901 = arith.constant 0 : index
    %get3A_902 = arith.constant 0 : index
    %get3A_903 = vector.load %arg16[%get3A_901, %get3A_902] : memref<64x512xf32, #tpu.memory_space<vmem>>, vector<64x512xf32>
    %convert_element_type3A_904 = arith.truncf %get3A_903 : vector<64x512xf32> to vector<64x512xbf16>
    %dot_general3A_905 = arith.constant dense<0.000000e+00> : vector<424x512xf32>
    %dot_general3A_906 = tpu.matmul %convert_element_type3A_900, %convert_element_type3A_904, %dot_general3A_905 {dimension_numbers = #tpu.dot_dimension_numbers<[1], [0], [0], [1], [0, 0, 1, 1], [], []>, transpose_lhs_hint = false} : vector<424x64xbf16>, vector<64x512xbf16>, vector<424x512xf32> -> vector<424x512xf32>
    %mul3A_907 = arith.constant 2.000000e+00 : f32
    %mul3A_908 = vector.broadcast %mul3A_907 : f32 to vector<424x512xf32>
    %mul3A_909 = arith.mulf %mul3A_908, %dot_general3A_906 : vector<424x512xf32>
    %sub3A_910 = vector.broadcast %broadcast_in_dim3A_715 : vector<1x512xf32> to vector<424x512xf32>
    %sub3A_911 = arith.subf %sub3A_910, %mul3A_909 : vector<424x512xf32>
    %reduce_min3A_912 = arith.constant dense<0x7F800000> : vector<424xf32>
    %reduce_min3A_913 = vector.multi_reduction <minimumf>, %sub3A_911, %reduce_min3A_912 [1] : vector<424x512xf32> to vector<424xf32>
    %broadcast_in_dim3A_914 = vector.shape_cast %reduce_min3A_913 : vector<424xf32> to vector<424x1xf32>
    %iota3A_915 = tpu.iota {dimensions = array<i32: 1>} : vector<424x512xi32>
    %eq3A_916 = vector.broadcast %broadcast_in_dim3A_914 : vector<424x1xf32> to vector<424x512xf32>
    %eq3A_917 = arith.cmpf oeq, %sub3A_911, %eq3A_916 : vector<424x512xf32>
    %jit3A_918 = arith.constant 512 : i32
    %broadcast_in_dim3A_919 = vector.broadcast %jit3A_918 : i32 to vector<424x512xi32>
    %select_n3A_920 = arith.select %eq3A_917, %iota3A_915, %broadcast_in_dim3A_919 : vector<424x512xi1>, vector<424x512xi32>
    %reduce_min3A_921 = arith.constant dense<2147483647> : vector<424xi32>
    %reduce_min3A_922 = vector.multi_reduction <minsi>, %select_n3A_920, %reduce_min3A_921 [1] : vector<424x512xi32> to vector<424xi32>
    %broadcast_in_dim3A_923 = vector.shape_cast %reduce_min3A_922 : vector<424xi32> to vector<424x1xi32>
    %mul3A_924 = arith.mulf %add3A_899, %add3A_899 : vector<424x64xf32>
    %reduce_sum3A_925 = arith.constant dense<0.000000e+00> : vector<424xf32>
    %reduce_sum3A_926 = vector.multi_reduction <add>, %mul3A_924, %reduce_sum3A_925 [1] : vector<424x64xf32> to vector<424xf32>
    %broadcast_in_dim3A_927 = vector.shape_cast %reduce_sum3A_926 : vector<424xf32> to vector<424x1xf32>
    %add3A_928 = arith.addf %broadcast_in_dim3A_914, %broadcast_in_dim3A_927 : vector<424x1xf32>
    %max3A_929 = arith.constant 0.000000e+00 : f32
    %max3A_930 = vector.broadcast %max3A_929 : f32 to vector<424x1xf32>
    %max3A_931 = arith.maximumf %add3A_928, %max3A_930 : vector<424x1xf32>
    %sqrt3A_932 = math.sqrt %max3A_931 : vector<424x1xf32>
    %get3A_933 = arith.constant 0 : index
    %get3A_934 = arith.constant 848 : index
    %get3A_935 = arith.constant 0 : index
    %get3A_936 = vector.load %arg17[%get3A_933, %get3A_934, %get3A_935] : memref<1x3368x64xbf16, #tpu.memory_space<vmem>>, vector<1x424x64xbf16>
    %get3A_937 = vector.shape_cast %get3A_936 : vector<1x424x64xbf16> to vector<424x64xbf16>
    %convert_element_type3A_938 = arith.extf %get3A_937 : vector<424x64xbf16> to vector<424x64xf32>
    %mul3A_939 = arith.mulf %convert_element_type3A_938, %convert_element_type3A_938 : vector<424x64xf32>
    %reduce_sum3A_940 = arith.constant dense<0.000000e+00> : vector<424xf32>
    %reduce_sum3A_941 = vector.multi_reduction <add>, %mul3A_939, %reduce_sum3A_940 [1] : vector<424x64xf32> to vector<424xf32>
    %broadcast_in_dim3A_942 = vector.shape_cast %reduce_sum3A_941 : vector<424xf32> to vector<424x1xf32>
    %sqrt3A_943 = math.sqrt %broadcast_in_dim3A_942 : vector<424x1xf32>
    %get3A_944 = arith.constant 848 : index
    %get3A_945 = arith.constant 0 : index
    %get3A_946 = vector.load %arg18[%get3A_944, %get3A_945] : memref<3368x1xf32, #tpu.memory_space<vmem>>, vector<424x1xf32>
    %add3A_947 = arith.constant 9.99999996E-13 : f32
    %add3A_948 = vector.broadcast %add3A_947 : f32 to vector<424x1xf32>
    %add3A_949 = arith.addf %sqrt3A_943, %add3A_948 : vector<424x1xf32>
    %div3A_950 = arith.divf %sqrt3A_932, %add3A_949 : vector<424x1xf32>
    %mul3A_951 = vector.broadcast %div3A_950 : vector<424x1xf32> to vector<424x64xf32>
    %mul3A_952 = arith.mulf %mul3A_951, %convert_element_type3A_938 : vector<424x64xf32>
    %add3A_953 = arith.addf %add3A_899, %mul3A_952 : vector<424x64xf32>
    %mul3A_954 = vector.broadcast %get3A_946 : vector<424x1xf32> to vector<424x64xf32>
    %mul3A_955 = arith.mulf %add3A_953, %mul3A_954 : vector<424x64xf32>
    %convert_element_type3A_956 = arith.truncf %mul3A_955 : vector<424x64xf32> to vector<424x64xbf16>
    %swap3A_957 = arith.constant 0 : index
    %swap3A_958 = arith.constant 912 : index
    %swap3A_959 = arith.constant 0 : index
    %swap3A_960 = vector.load %arg19[%swap3A_957, %swap3A_958, %swap3A_959] : memref<1x3496x64xbf16, #tpu.memory_space<vmem>>, vector<1x424x64xbf16>
    %swap3A_961 = vector.shape_cast %swap3A_960 : vector<1x424x64xbf16> to vector<424x64xbf16>
    %swap3A_962 = vector.shape_cast %convert_element_type3A_956 : vector<424x64xbf16> to vector<1x424x64xbf16>
    tpu.vector_store %arg19[%swap3A_957, %swap3A_958, %swap3A_959], %swap3A_962 {strides = array<i32>} : memref<1x3496x64xbf16, #tpu.memory_space<vmem>>, vector<1x424x64xbf16>,
    %gt3A_963 = arith.constant 0.000000e+00 : f32
    %gt3A_964 = vector.broadcast %gt3A_963 : f32 to vector<424x1xf32>
    %gt3A_965 = arith.cmpf ogt, %get3A_946, %gt3A_964 : vector<424x1xf32>
    %jit3A_966 = arith.constant 512 : i32
    %broadcast_in_dim3A_967 = vector.broadcast %jit3A_966 : i32 to vector<424x1xi32>
    %select_n3A_968 = arith.select %gt3A_965, %broadcast_in_dim3A_923, %broadcast_in_dim3A_967 : vector<424x1xi1>, vector<424x1xi32>
    %swap3A_969 = arith.constant 0 : index
    %swap3A_970 = arith.constant 848 : index
    %swap3A_971 = arith.constant 0 : index
    %swap3A_972 = vector.load %arg20[%swap3A_969, %swap3A_970, %swap3A_971] : memref<1x3392x1xi32, #tpu.memory_space<vmem>>, vector<1x424x1xi32>
    %swap3A_973 = vector.shape_cast %swap3A_972 : vector<1x424x1xi32> to vector<424x1xi32>
    %swap3A_974 = vector.shape_cast %select_n3A_968 : vector<424x1xi32> to vector<1x424x1xi32>
    tpu.vector_store %arg20[%swap3A_969, %swap3A_970, %swap3A_971], %swap3A_974 {strides = array<i32>} : memref<1x3392x1xi32, #tpu.memory_space<vmem>>, vector<1x424x1xi32>,
    %get3A_975 = arith.constant 1336 : index
    %get3A_976 = arith.constant 0 : index
    %get3A_977 = vector.load %arg22[%get3A_975, %get3A_976] : memref<3496x128xbf16, #tpu.memory_space<vmem>>, vector<424x128xbf16>
    %get3A_978 = arith.constant 0 : index
    %get3A_979 = arith.constant 0 : index
    %get3A_980 = vector.load %arg14[%get3A_978, %get3A_979] : memref<128x64xf32, #tpu.memory_space<vmem>>, vector<128x64xf32>
    %convert_element_type3A_981 = arith.truncf %get3A_980 : vector<128x64xf32> to vector<128x64xbf16>
    %dot_general3A_982 = arith.constant dense<0.000000e+00> : vector<424x64xf32>
    %dot_general3A_983 = tpu.matmul %get3A_977, %convert_element_type3A_981, %dot_general3A_982 {dimension_numbers = #tpu.dot_dimension_numbers<[1], [0], [0], [1], [0, 0, 1, 1], [], []>, transpose_lhs_hint = false} : vector<424x128xbf16>, vector<128x64xbf16>, vector<424x64xf32> -> vector<424x64xf32>
    %get3A_984 = arith.constant 0 : index
    %get3A_985 = arith.constant 0 : index
    %get3A_986 = vector.load %arg15[%get3A_984, %get3A_985] : memref<1x64xf32, #tpu.memory_space<vmem>>, vector<1x64xf32>
    %add3A_987 = vector.broadcast %get3A_986 : vector<1x64xf32> to vector<424x64xf32>
    %add3A_988 = arith.addf %dot_general3A_983, %add3A_987 : vector<424x64xf32>
    %convert_element_type3A_989 = arith.truncf %add3A_988 : vector<424x64xf32> to vector<424x64xbf16>
    %get3A_990 = arith.constant 0 : index
    %get3A_991 = arith.constant 0 : index
    %get3A_992 = vector.load %arg16[%get3A_990, %get3A_991] : memref<64x512xf32, #tpu.memory_space<vmem>>, vector<64x512xf32>
    %convert_element_type3A_993 = arith.truncf %get3A_992 : vector<64x512xf32> to vector<64x512xbf16>
    %dot_general3A_994 = arith.constant dense<0.000000e+00> : vector<424x512xf32>
    %dot_general3A_995 = tpu.matmul %convert_element_type3A_989, %convert_element_type3A_993, %dot_general3A_994 {dimension_numbers = #tpu.dot_dimension_numbers<[1], [0], [0], [1], [0, 0, 1, 1], [], []>, transpose_lhs_hint = false} : vector<424x64xbf16>, vector<64x512xbf16>, vector<424x512xf32> -> vector<424x512xf32>
    %mul3A_996 = arith.constant 2.000000e+00 : f32
    %mul3A_997 = vector.broadcast %mul3A_996 : f32 to vector<424x512xf32>
    %mul3A_998 = arith.mulf %mul3A_997, %dot_general3A_995 : vector<424x512xf32>
    %sub3A_999 = vector.broadcast %broadcast_in_dim3A_715 : vector<1x512xf32> to vector<424x512xf32>
    %sub3A_1000 = arith.subf %sub3A_999, %mul3A_998 : vector<424x512xf32>
    %reduce_min3A_1001 = arith.constant dense<0x7F800000> : vector<424xf32>
    %reduce_min3A_1002 = vector.multi_reduction <minimumf>, %sub3A_1000, %reduce_min3A_1001 [1] : vector<424x512xf32> to vector<424xf32>
    %broadcast_in_dim3A_1003 = vector.shape_cast %reduce_min3A_1002 : vector<424xf32> to vector<424x1xf32>
    %iota3A_1004 = tpu.iota {dimensions = array<i32: 1>} : vector<424x512xi32>
    %eq3A_1005 = vector.broadcast %broadcast_in_dim3A_1003 : vector<424x1xf32> to vector<424x512xf32>
    %eq3A_1006 = arith.cmpf oeq, %sub3A_1000, %eq3A_1005 : vector<424x512xf32>
    %jit3A_1007 = arith.constant 512 : i32
    %broadcast_in_dim3A_1008 = vector.broadcast %jit3A_1007 : i32 to vector<424x512xi32>
    %select_n3A_1009 = arith.select %eq3A_1006, %iota3A_1004, %broadcast_in_dim3A_1008 : vector<424x512xi1>, vector<424x512xi32>
    %reduce_min3A_1010 = arith.constant dense<2147483647> : vector<424xi32>
    %reduce_min3A_1011 = vector.multi_reduction <minsi>, %select_n3A_1009, %reduce_min3A_1010 [1] : vector<424x512xi32> to vector<424xi32>
    %broadcast_in_dim3A_1012 = vector.shape_cast %reduce_min3A_1011 : vector<424xi32> to vector<424x1xi32>
    %mul3A_1013 = arith.mulf %add3A_988, %add3A_988 : vector<424x64xf32>
    %reduce_sum3A_1014 = arith.constant dense<0.000000e+00> : vector<424xf32>
    %reduce_sum3A_1015 = vector.multi_reduction <add>, %mul3A_1013, %reduce_sum3A_1014 [1] : vector<424x64xf32> to vector<424xf32>
    %broadcast_in_dim3A_1016 = vector.shape_cast %reduce_sum3A_1015 : vector<424xf32> to vector<424x1xf32>
    %add3A_1017 = arith.addf %broadcast_in_dim3A_1003, %broadcast_in_dim3A_1016 : vector<424x1xf32>
    %max3A_1018 = arith.constant 0.000000e+00 : f32
    %max3A_1019 = vector.broadcast %max3A_1018 : f32 to vector<424x1xf32>
    %max3A_1020 = arith.maximumf %add3A_1017, %max3A_1019 : vector<424x1xf32>
    %sqrt3A_1021 = math.sqrt %max3A_1020 : vector<424x1xf32>
    %get3A_1022 = arith.constant 0 : index
    %get3A_1023 = arith.constant 1272 : index
    %get3A_1024 = arith.constant 0 : index
    %get3A_1025 = vector.load %arg17[%get3A_1022, %get3A_1023, %get3A_1024] : memref<1x3368x64xbf16, #tpu.memory_space<vmem>>, vector<1x424x64xbf16>
    %get3A_1026 = vector.shape_cast %get3A_1025 : vector<1x424x64xbf16> to vector<424x64xbf16>
    %convert_element_type3A_1027 = arith.extf %get3A_1026 : vector<424x64xbf16> to vector<424x64xf32>
    %mul3A_1028 = arith.mulf %convert_element_type3A_1027, %convert_element_type3A_1027 : vector<424x64xf32>
    %reduce_sum3A_1029 = arith.constant dense<0.000000e+00> : vector<424xf32>
    %reduce_sum3A_1030 = vector.multi_reduction <add>, %mul3A_1028, %reduce_sum3A_1029 [1] : vector<424x64xf32> to vector<424xf32>
    %broadcast_in_dim3A_1031 = vector.shape_cast %reduce_sum3A_1030 : vector<424xf32> to vector<424x1xf32>
    %sqrt3A_1032 = math.sqrt %broadcast_in_dim3A_1031 : vector<424x1xf32>
    %get3A_1033 = arith.constant 1272 : index
    %get3A_1034 = arith.constant 0 : index
    %get3A_1035 = vector.load %arg18[%get3A_1033, %get3A_1034] : memref<3368x1xf32, #tpu.memory_space<vmem>>, vector<424x1xf32>
    %add3A_1036 = arith.constant 9.99999996E-13 : f32
    %add3A_1037 = vector.broadcast %add3A_1036 : f32 to vector<424x1xf32>
    %add3A_1038 = arith.addf %sqrt3A_1032, %add3A_1037 : vector<424x1xf32>
    %div3A_1039 = arith.divf %sqrt3A_1021, %add3A_1038 : vector<424x1xf32>
    %mul3A_1040 = vector.broadcast %div3A_1039 : vector<424x1xf32> to vector<424x64xf32>
    %mul3A_1041 = arith.mulf %mul3A_1040, %convert_element_type3A_1027 : vector<424x64xf32>
    %add3A_1042 = arith.addf %add3A_988, %mul3A_1041 : vector<424x64xf32>
    %mul3A_1043 = vector.broadcast %get3A_1035 : vector<424x1xf32> to vector<424x64xf32>
    %mul3A_1044 = arith.mulf %add3A_1042, %mul3A_1043 : vector<424x64xf32>
    %convert_element_type3A_1045 = arith.truncf %mul3A_1044 : vector<424x64xf32> to vector<424x64xbf16>
    %swap3A_1046 = arith.constant 0 : index
    %swap3A_1047 = arith.constant 1336 : index
    %swap3A_1048 = arith.constant 0 : index
    %swap3A_1049 = vector.load %arg19[%swap3A_1046, %swap3A_1047, %swap3A_1048] : memref<1x3496x64xbf16, #tpu.memory_space<vmem>>, vector<1x424x64xbf16>
    %swap3A_1050 = vector.shape_cast %swap3A_1049 : vector<1x424x64xbf16> to vector<424x64xbf16>
    %swap3A_1051 = vector.shape_cast %convert_element_type3A_1045 : vector<424x64xbf16> to vector<1x424x64xbf16>
    tpu.vector_store %arg19[%swap3A_1046, %swap3A_1047, %swap3A_1048], %swap3A_1051 {strides = array<i32>} : memref<1x3496x64xbf16, #tpu.memory_space<vmem>>, vector<1x424x64xbf16>,
    %gt3A_1052 = arith.constant 0.000000e+00 : f32
    %gt3A_1053 = vector.broadcast %gt3A_1052 : f32 to vector<424x1xf32>
    %gt3A_1054 = arith.cmpf ogt, %get3A_1035, %gt3A_1053 : vector<424x1xf32>
    %jit3A_1055 = arith.constant 512 : i32
    %broadcast_in_dim3A_1056 = vector.broadcast %jit3A_1055 : i32 to vector<424x1xi32>
    %select_n3A_1057 = arith.select %gt3A_1054, %broadcast_in_dim3A_1012, %broadcast_in_dim3A_1056 : vector<424x1xi1>, vector<424x1xi32>
    %swap3A_1058 = arith.constant 0 : index
    %swap3A_1059 = arith.constant 1272 : index
    %swap3A_1060 = arith.constant 0 : index
    %swap3A_1061 = vector.load %arg20[%swap3A_1058, %swap3A_1059, %swap3A_1060] : memref<1x3392x1xi32, #tpu.memory_space<vmem>>, vector<1x424x1xi32>
    %swap3A_1062 = vector.shape_cast %swap3A_1061 : vector<1x424x1xi32> to vector<424x1xi32>
    %swap3A_1063 = vector.shape_cast %select_n3A_1057 : vector<424x1xi32> to vector<1x424x1xi32>
    tpu.vector_store %arg20[%swap3A_1058, %swap3A_1059, %swap3A_1060], %swap3A_1063 {strides = array<i32>} : memref<1x3392x1xi32, #tpu.memory_space<vmem>>, vector<1x424x1xi32>,
    %get3A_1064 = arith.constant 1760 : index
    %get3A_1065 = arith.constant 0 : index
    %get3A_1066 = vector.load %arg22[%get3A_1064, %get3A_1065] : memref<3496x128xbf16, #tpu.memory_space<vmem>>, vector<424x128xbf16>
    %get3A_1067 = arith.constant 0 : index
    %get3A_1068 = arith.constant 0 : index
    %get3A_1069 = vector.load %arg14[%get3A_1067, %get3A_1068] : memref<128x64xf32, #tpu.memory_space<vmem>>, vector<128x64xf32>
    %convert_element_type3A_1070 = arith.truncf %get3A_1069 : vector<128x64xf32> to vector<128x64xbf16>
    %dot_general3A_1071 = arith.constant dense<0.000000e+00> : vector<424x64xf32>
    %dot_general3A_1072 = tpu.matmul %get3A_1066, %convert_element_type3A_1070, %dot_general3A_1071 {dimension_numbers = #tpu.dot_dimension_numbers<[1], [0], [0], [1], [0, 0, 1, 1], [], []>, transpose_lhs_hint = false} : vector<424x128xbf16>, vector<128x64xbf16>, vector<424x64xf32> -> vector<424x64xf32>
    %get3A_1073 = arith.constant 0 : index
    %get3A_1074 = arith.constant 0 : index
    %get3A_1075 = vector.load %arg15[%get3A_1073, %get3A_1074] : memref<1x64xf32, #tpu.memory_space<vmem>>, vector<1x64xf32>
    %add3A_1076 = vector.broadcast %get3A_1075 : vector<1x64xf32> to vector<424x64xf32>
    %add3A_1077 = arith.addf %dot_general3A_1072, %add3A_1076 : vector<424x64xf32>
    %convert_element_type3A_1078 = arith.truncf %add3A_1077 : vector<424x64xf32> to vector<424x64xbf16>
    %get3A_1079 = arith.constant 0 : index
    %get3A_1080 = arith.constant 0 : index
    %get3A_1081 = vector.load %arg16[%get3A_1079, %get3A_1080] : memref<64x512xf32, #tpu.memory_space<vmem>>, vector<64x512xf32>
    %convert_element_type3A_1082 = arith.truncf %get3A_1081 : vector<64x512xf32> to vector<64x512xbf16>
    %dot_general3A_1083 = arith.constant dense<0.000000e+00> : vector<424x512xf32>
    %dot_general3A_1084 = tpu.matmul %convert_element_type3A_1078, %convert_element_type3A_1082, %dot_general3A_1083 {dimension_numbers = #tpu.dot_dimension_numbers<[1], [0], [0], [1], [0, 0, 1, 1], [], []>, transpose_lhs_hint = false} : vector<424x64xbf16>, vector<64x512xbf16>, vector<424x512xf32> -> vector<424x512xf32>
    %mul3A_1085 = arith.constant 2.000000e+00 : f32
    %mul3A_1086 = vector.broadcast %mul3A_1085 : f32 to vector<424x512xf32>
    %mul3A_1087 = arith.mulf %mul3A_1086, %dot_general3A_1084 : vector<424x512xf32>
    %sub3A_1088 = vector.broadcast %broadcast_in_dim3A_715 : vector<1x512xf32> to vector<424x512xf32>
    %sub3A_1089 = arith.subf %sub3A_1088, %mul3A_1087 : vector<424x512xf32>
    %reduce_min3A_1090 = arith.constant dense<0x7F800000> : vector<424xf32>
    %reduce_min3A_1091 = vector.multi_reduction <minimumf>, %sub3A_1089, %reduce_min3A_1090 [1] : vector<424x512xf32> to vector<424xf32>
    %broadcast_in_dim3A_1092 = vector.shape_cast %reduce_min3A_1091 : vector<424xf32> to vector<424x1xf32>
    %iota3A_1093 = tpu.iota {dimensions = array<i32: 1>} : vector<424x512xi32>
    %eq3A_1094 = vector.broadcast %broadcast_in_dim3A_1092 : vector<424x1xf32> to vector<424x512xf32>
    %eq3A_1095 = arith.cmpf oeq, %sub3A_1089, %eq3A_1094 : vector<424x512xf32>
    %jit3A_1096 = arith.constant 512 : i32
    %broadcast_in_dim3A_1097 = vector.broadcast %jit3A_1096 : i32 to vector<424x512xi32>
    %select_n3A_1098 = arith.select %eq3A_1095, %iota3A_1093, %broadcast_in_dim3A_1097 : vector<424x512xi1>, vector<424x512xi32>
    %reduce_min3A_1099 = arith.constant dense<2147483647> : vector<424xi32>
    %reduce_min3A_1100 = vector.multi_reduction <minsi>, %select_n3A_1098, %reduce_min3A_1099 [1] : vector<424x512xi32> to vector<424xi32>
    %broadcast_in_dim3A_1101 = vector.shape_cast %reduce_min3A_1100 : vector<424xi32> to vector<424x1xi32>
    %mul3A_1102 = arith.mulf %add3A_1077, %add3A_1077 : vector<424x64xf32>
    %reduce_sum3A_1103 = arith.constant dense<0.000000e+00> : vector<424xf32>
    %reduce_sum3A_1104 = vector.multi_reduction <add>, %mul3A_1102, %reduce_sum3A_1103 [1] : vector<424x64xf32> to vector<424xf32>
    %broadcast_in_dim3A_1105 = vector.shape_cast %reduce_sum3A_1104 : vector<424xf32> to vector<424x1xf32>
    %add3A_1106 = arith.addf %broadcast_in_dim3A_1092, %broadcast_in_dim3A_1105 : vector<424x1xf32>
    %max3A_1107 = arith.constant 0.000000e+00 : f32
    %max3A_1108 = vector.broadcast %max3A_1107 : f32 to vector<424x1xf32>
    %max3A_1109 = arith.maximumf %add3A_1106, %max3A_1108 : vector<424x1xf32>
    %sqrt3A_1110 = math.sqrt %max3A_1109 : vector<424x1xf32>
    %get3A_1111 = arith.constant 0 : index
    %get3A_1112 = arith.constant 1696 : index
    %get3A_1113 = arith.constant 0 : index
    %get3A_1114 = vector.load %arg17[%get3A_1111, %get3A_1112, %get3A_1113] : memref<1x3368x64xbf16, #tpu.memory_space<vmem>>, vector<1x424x64xbf16>
    %get3A_1115 = vector.shape_cast %get3A_1114 : vector<1x424x64xbf16> to vector<424x64xbf16>
    %convert_element_type3A_1116 = arith.extf %get3A_1115 : vector<424x64xbf16> to vector<424x64xf32>
    %mul3A_1117 = arith.mulf %convert_element_type3A_1116, %convert_element_type3A_1116 : vector<424x64xf32>
    %reduce_sum3A_1118 = arith.constant dense<0.000000e+00> : vector<424xf32>
    %reduce_sum3A_1119 = vector.multi_reduction <add>, %mul3A_1117, %reduce_sum3A_1118 [1] : vector<424x64xf32> to vector<424xf32>
    %broadcast_in_dim3A_1120 = vector.shape_cast %reduce_sum3A_1119 : vector<424xf32> to vector<424x1xf32>
    %sqrt3A_1121 = math.sqrt %broadcast_in_dim3A_1120 : vector<424x1xf32>
    %get3A_1122 = arith.constant 1696 : index
    %get3A_1123 = arith.constant 0 : index
    %get3A_1124 = vector.load %arg18[%get3A_1122, %get3A_1123] : memref<3368x1xf32, #tpu.memory_space<vmem>>, vector<424x1xf32>
    %add3A_1125 = arith.constant 9.99999996E-13 : f32
    %add3A_1126 = vector.broadcast %add3A_1125 : f32 to vector<424x1xf32>
    %add3A_1127 = arith.addf %sqrt3A_1121, %add3A_1126 : vector<424x1xf32>
    %div3A_1128 = arith.divf %sqrt3A_1110, %add3A_1127 : vector<424x1xf32>
    %mul3A_1129 = vector.broadcast %div3A_1128 : vector<424x1xf32> to vector<424x64xf32>
    %mul3A_1130 = arith.mulf %mul3A_1129, %convert_element_type3A_1116 : vector<424x64xf32>
    %add3A_1131 = arith.addf %add3A_1077, %mul3A_1130 : vector<424x64xf32>
    %mul3A_1132 = vector.broadcast %get3A_1124 : vector<424x1xf32> to vector<424x64xf32>
    %mul3A_1133 = arith.mulf %add3A_1131, %mul3A_1132 : vector<424x64xf32>
    %convert_element_type3A_1134 = arith.truncf %mul3A_1133 : vector<424x64xf32> to vector<424x64xbf16>
    %swap3A_1135 = arith.constant 0 : index
    %swap3A_1136 = arith.constant 1760 : index
    %swap3A_1137 = arith.constant 0 : index
    %swap3A_1138 = vector.load %arg19[%swap3A_1135, %swap3A_1136, %swap3A_1137] : memref<1x3496x64xbf16, #tpu.memory_space<vmem>>, vector<1x424x64xbf16>
    %swap3A_1139 = vector.shape_cast %swap3A_1138 : vector<1x424x64xbf16> to vector<424x64xbf16>
    %swap3A_1140 = vector.shape_cast %convert_element_type3A_1134 : vector<424x64xbf16> to vector<1x424x64xbf16>
    tpu.vector_store %arg19[%swap3A_1135, %swap3A_1136, %swap3A_1137], %swap3A_1140 {strides = array<i32>} : memref<1x3496x64xbf16, #tpu.memory_space<vmem>>, vector<1x424x64xbf16>,
    %gt3A_1141 = arith.constant 0.000000e+00 : f32
    %gt3A_1142 = vector.broadcast %gt3A_1141 : f32 to vector<424x1xf32>
    %gt3A_1143 = arith.cmpf ogt, %get3A_1124, %gt3A_1142 : vector<424x1xf32>
    %jit3A_1144 = arith.constant 512 : i32
    %broadcast_in_dim3A_1145 = vector.broadcast %jit3A_1144 : i32 to vector<424x1xi32>
    %select_n3A_1146 = arith.select %gt3A_1143, %broadcast_in_dim3A_1101, %broadcast_in_dim3A_1145 : vector<424x1xi1>, vector<424x1xi32>
    %swap3A_1147 = arith.constant 0 : index
    %swap3A_1148 = arith.constant 1696 : index
    %swap3A_1149 = arith.constant 0 : index
    %swap3A_1150 = vector.load %arg20[%swap3A_1147, %swap3A_1148, %swap3A_1149] : memref<1x3392x1xi32, #tpu.memory_space<vmem>>, vector<1x424x1xi32>
    %swap3A_1151 = vector.shape_cast %swap3A_1150 : vector<1x424x1xi32> to vector<424x1xi32>
    %swap3A_1152 = vector.shape_cast %select_n3A_1146 : vector<424x1xi32> to vector<1x424x1xi32>
    tpu.vector_store %arg20[%swap3A_1147, %swap3A_1148, %swap3A_1149], %swap3A_1152 {strides = array<i32>} : memref<1x3392x1xi32, #tpu.memory_space<vmem>>, vector<1x424x1xi32>,
    %get3A_1153 = arith.constant 2184 : index
    %get3A_1154 = arith.constant 0 : index
    %get3A_1155 = vector.load %arg22[%get3A_1153, %get3A_1154] : memref<3496x128xbf16, #tpu.memory_space<vmem>>, vector<424x128xbf16>
    %get3A_1156 = arith.constant 0 : index
    %get3A_1157 = arith.constant 0 : index
    %get3A_1158 = vector.load %arg14[%get3A_1156, %get3A_1157] : memref<128x64xf32, #tpu.memory_space<vmem>>, vector<128x64xf32>
    %convert_element_type3A_1159 = arith.truncf %get3A_1158 : vector<128x64xf32> to vector<128x64xbf16>
    %dot_general3A_1160 = arith.constant dense<0.000000e+00> : vector<424x64xf32>
    %dot_general3A_1161 = tpu.matmul %get3A_1155, %convert_element_type3A_1159, %dot_general3A_1160 {dimension_numbers = #tpu.dot_dimension_numbers<[1], [0], [0], [1], [0, 0, 1, 1], [], []>, transpose_lhs_hint = false} : vector<424x128xbf16>, vector<128x64xbf16>, vector<424x64xf32> -> vector<424x64xf32>
    %get3A_1162 = arith.constant 0 : index
    %get3A_1163 = arith.constant 0 : index
    %get3A_1164 = vector.load %arg15[%get3A_1162, %get3A_1163] : memref<1x64xf32, #tpu.memory_space<vmem>>, vector<1x64xf32>
    %add3A_1165 = vector.broadcast %get3A_1164 : vector<1x64xf32> to vector<424x64xf32>
    %add3A_1166 = arith.addf %dot_general3A_1161, %add3A_1165 : vector<424x64xf32>
    %convert_element_type3A_1167 = arith.truncf %add3A_1166 : vector<424x64xf32> to vector<424x64xbf16>
    %get3A_1168 = arith.constant 0 : index
    %get3A_1169 = arith.constant 0 : index
    %get3A_1170 = vector.load %arg16[%get3A_1168, %get3A_1169] : memref<64x512xf32, #tpu.memory_space<vmem>>, vector<64x512xf32>
    %convert_element_type3A_1171 = arith.truncf %get3A_1170 : vector<64x512xf32> to vector<64x512xbf16>
    %dot_general3A_1172 = arith.constant dense<0.000000e+00> : vector<424x512xf32>
    %dot_general3A_1173 = tpu.matmul %convert_element_type3A_1167, %convert_element_type3A_1171, %dot_general3A_1172 {dimension_numbers = #tpu.dot_dimension_numbers<[1], [0], [0], [1], [0, 0, 1, 1], [], []>, transpose_lhs_hint = false} : vector<424x64xbf16>, vector<64x512xbf16>, vector<424x512xf32> -> vector<424x512xf32>
    %mul3A_1174 = arith.constant 2.000000e+00 : f32
    %mul3A_1175 = vector.broadcast %mul3A_1174 : f32 to vector<424x512xf32>
    %mul3A_1176 = arith.mulf %mul3A_1175, %dot_general3A_1173 : vector<424x512xf32>
    %sub3A_1177 = vector.broadcast %broadcast_in_dim3A_715 : vector<1x512xf32> to vector<424x512xf32>
    %sub3A_1178 = arith.subf %sub3A_1177, %mul3A_1176 : vector<424x512xf32>
    %reduce_min3A_1179 = arith.constant dense<0x7F800000> : vector<424xf32>
    %reduce_min3A_1180 = vector.multi_reduction <minimumf>, %sub3A_1178, %reduce_min3A_1179 [1] : vector<424x512xf32> to vector<424xf32>
    %broadcast_in_dim3A_1181 = vector.shape_cast %reduce_min3A_1180 : vector<424xf32> to vector<424x1xf32>
    %iota3A_1182 = tpu.iota {dimensions = array<i32: 1>} : vector<424x512xi32>
    %eq3A_1183 = vector.broadcast %broadcast_in_dim3A_1181 : vector<424x1xf32> to vector<424x512xf32>
    %eq3A_1184 = arith.cmpf oeq, %sub3A_1178, %eq3A_1183 : vector<424x512xf32>
    %jit3A_1185 = arith.constant 512 : i32
    %broadcast_in_dim3A_1186 = vector.broadcast %jit3A_1185 : i32 to vector<424x512xi32>
    %select_n3A_1187 = arith.select %eq3A_1184, %iota3A_1182, %broadcast_in_dim3A_1186 : vector<424x512xi1>, vector<424x512xi32>
    %reduce_min3A_1188 = arith.constant dense<2147483647> : vector<424xi32>
    %reduce_min3A_1189 = vector.multi_reduction <minsi>, %select_n3A_1187, %reduce_min3A_1188 [1] : vector<424x512xi32> to vector<424xi32>
    %broadcast_in_dim3A_1190 = vector.shape_cast %reduce_min3A_1189 : vector<424xi32> to vector<424x1xi32>
    %mul3A_1191 = arith.mulf %add3A_1166, %add3A_1166 : vector<424x64xf32>
    %reduce_sum3A_1192 = arith.constant dense<0.000000e+00> : vector<424xf32>
    %reduce_sum3A_1193 = vector.multi_reduction <add>, %mul3A_1191, %reduce_sum3A_1192 [1] : vector<424x64xf32> to vector<424xf32>
    %broadcast_in_dim3A_1194 = vector.shape_cast %reduce_sum3A_1193 : vector<424xf32> to vector<424x1xf32>
    %add3A_1195 = arith.addf %broadcast_in_dim3A_1181, %broadcast_in_dim3A_1194 : vector<424x1xf32>
    %max3A_1196 = arith.constant 0.000000e+00 : f32
    %max3A_1197 = vector.broadcast %max3A_1196 : f32 to vector<424x1xf32>
    %max3A_1198 = arith.maximumf %add3A_1195, %max3A_1197 : vector<424x1xf32>
    %sqrt3A_1199 = math.sqrt %max3A_1198 : vector<424x1xf32>
    %get3A_1200 = arith.constant 0 : index
    %get3A_1201 = arith.constant 2120 : index
    %get3A_1202 = arith.constant 0 : index
    %get3A_1203 = vector.load %arg17[%get3A_1200, %get3A_1201, %get3A_1202] : memref<1x3368x64xbf16, #tpu.memory_space<vmem>>, vector<1x424x64xbf16>
    %get3A_1204 = vector.shape_cast %get3A_1203 : vector<1x424x64xbf16> to vector<424x64xbf16>
    %convert_element_type3A_1205 = arith.extf %get3A_1204 : vector<424x64xbf16> to vector<424x64xf32>
    %mul3A_1206 = arith.mulf %convert_element_type3A_1205, %convert_element_type3A_1205 : vector<424x64xf32>
    %reduce_sum3A_1207 = arith.constant dense<0.000000e+00> : vector<424xf32>
    %reduce_sum3A_1208 = vector.multi_reduction <add>, %mul3A_1206, %reduce_sum3A_1207 [1] : vector<424x64xf32> to vector<424xf32>
    %broadcast_in_dim3A_1209 = vector.shape_cast %reduce_sum3A_1208 : vector<424xf32> to vector<424x1xf32>
    %sqrt3A_1210 = math.sqrt %broadcast_in_dim3A_1209 : vector<424x1xf32>
    %get3A_1211 = arith.constant 2120 : index
    %get3A_1212 = arith.constant 0 : index
    %get3A_1213 = vector.load %arg18[%get3A_1211, %get3A_1212] : memref<3368x1xf32, #tpu.memory_space<vmem>>, vector<424x1xf32>
    %add3A_1214 = arith.constant 9.99999996E-13 : f32
    %add3A_1215 = vector.broadcast %add3A_1214 : f32 to vector<424x1xf32>
    %add3A_1216 = arith.addf %sqrt3A_1210, %add3A_1215 : vector<424x1xf32>
    %div3A_1217 = arith.divf %sqrt3A_1199, %add3A_1216 : vector<424x1xf32>
    %mul3A_1218 = vector.broadcast %div3A_1217 : vector<424x1xf32> to vector<424x64xf32>
    %mul3A_1219 = arith.mulf %mul3A_1218, %convert_element_type3A_1205 : vector<424x64xf32>
    %add3A_1220 = arith.addf %add3A_1166, %mul3A_1219 : vector<424x64xf32>
    %mul3A_1221 = vector.broadcast %get3A_1213 : vector<424x1xf32> to vector<424x64xf32>
    %mul3A_1222 = arith.mulf %add3A_1220, %mul3A_1221 : vector<424x64xf32>
    %convert_element_type3A_1223 = arith.truncf %mul3A_1222 : vector<424x64xf32> to vector<424x64xbf16>
    %swap3A_1224 = arith.constant 0 : index
    %swap3A_1225 = arith.constant 2184 : index
    %swap3A_1226 = arith.constant 0 : index
    %swap3A_1227 = vector.load %arg19[%swap3A_1224, %swap3A_1225, %swap3A_1226] : memref<1x3496x64xbf16, #tpu.memory_space<vmem>>, vector<1x424x64xbf16>
    %swap3A_1228 = vector.shape_cast %swap3A_1227 : vector<1x424x64xbf16> to vector<424x64xbf16>
    %swap3A_1229 = vector.shape_cast %convert_element_type3A_1223 : vector<424x64xbf16> to vector<1x424x64xbf16>
    tpu.vector_store %arg19[%swap3A_1224, %swap3A_1225, %swap3A_1226], %swap3A_1229 {strides = array<i32>} : memref<1x3496x64xbf16, #tpu.memory_space<vmem>>, vector<1x424x64xbf16>,
    %gt3A_1230 = arith.constant 0.000000e+00 : f32
    %gt3A_1231 = vector.broadcast %gt3A_1230 : f32 to vector<424x1xf32>
    %gt3A_1232 = arith.cmpf ogt, %get3A_1213, %gt3A_1231 : vector<424x1xf32>
    %jit3A_1233 = arith.constant 512 : i32
    %broadcast_in_dim3A_1234 = vector.broadcast %jit3A_1233 : i32 to vector<424x1xi32>
    %select_n3A_1235 = arith.select %gt3A_1232, %broadcast_in_dim3A_1190, %broadcast_in_dim3A_1234 : vector<424x1xi1>, vector<424x1xi32>
    %swap3A_1236 = arith.constant 0 : index
    %swap3A_1237 = arith.constant 2120 : index
    %swap3A_1238 = arith.constant 0 : index
    %swap3A_1239 = vector.load %arg20[%swap3A_1236, %swap3A_1237, %swap3A_1238] : memref<1x3392x1xi32, #tpu.memory_space<vmem>>, vector<1x424x1xi32>
    %swap3A_1240 = vector.shape_cast %swap3A_1239 : vector<1x424x1xi32> to vector<424x1xi32>
    %swap3A_1241 = vector.shape_cast %select_n3A_1235 : vector<424x1xi32> to vector<1x424x1xi32>
    tpu.vector_store %arg20[%swap3A_1236, %swap3A_1237, %swap3A_1238], %swap3A_1241 {strides = array<i32>} : memref<1x3392x1xi32, #tpu.memory_space<vmem>>, vector<1x424x1xi32>,
    %get3A_1242 = arith.constant 2608 : index
    %get3A_1243 = arith.constant 0 : index
    %get3A_1244 = vector.load %arg22[%get3A_1242, %get3A_1243] : memref<3496x128xbf16, #tpu.memory_space<vmem>>, vector<424x128xbf16>
    %get3A_1245 = arith.constant 0 : index
    %get3A_1246 = arith.constant 0 : index
    %get3A_1247 = vector.load %arg14[%get3A_1245, %get3A_1246] : memref<128x64xf32, #tpu.memory_space<vmem>>, vector<128x64xf32>
    %convert_element_type3A_1248 = arith.truncf %get3A_1247 : vector<128x64xf32> to vector<128x64xbf16>
    %dot_general3A_1249 = arith.constant dense<0.000000e+00> : vector<424x64xf32>
    %dot_general3A_1250 = tpu.matmul %get3A_1244, %convert_element_type3A_1248, %dot_general3A_1249 {dimension_numbers = #tpu.dot_dimension_numbers<[1], [0], [0], [1], [0, 0, 1, 1], [], []>, transpose_lhs_hint = false} : vector<424x128xbf16>, vector<128x64xbf16>, vector<424x64xf32> -> vector<424x64xf32>
    %get3A_1251 = arith.constant 0 : index
    %get3A_1252 = arith.constant 0 : index
    %get3A_1253 = vector.load %arg15[%get3A_1251, %get3A_1252] : memref<1x64xf32, #tpu.memory_space<vmem>>, vector<1x64xf32>
    %add3A_1254 = vector.broadcast %get3A_1253 : vector<1x64xf32> to vector<424x64xf32>
    %add3A_1255 = arith.addf %dot_general3A_1250, %add3A_1254 : vector<424x64xf32>
    %convert_element_type3A_1256 = arith.truncf %add3A_1255 : vector<424x64xf32> to vector<424x64xbf16>
    %get3A_1257 = arith.constant 0 : index
    %get3A_1258 = arith.constant 0 : index
    %get3A_1259 = vector.load %arg16[%get3A_1257, %get3A_1258] : memref<64x512xf32, #tpu.memory_space<vmem>>, vector<64x512xf32>
    %convert_element_type3A_1260 = arith.truncf %get3A_1259 : vector<64x512xf32> to vector<64x512xbf16>
    %dot_general3A_1261 = arith.constant dense<0.000000e+00> : vector<424x512xf32>
    %dot_general3A_1262 = tpu.matmul %convert_element_type3A_1256, %convert_element_type3A_1260, %dot_general3A_1261 {dimension_numbers = #tpu.dot_dimension_numbers<[1], [0], [0], [1], [0, 0, 1, 1], [], []>, transpose_lhs_hint = false} : vector<424x64xbf16>, vector<64x512xbf16>, vector<424x512xf32> -> vector<424x512xf32>
    %mul3A_1263 = arith.constant 2.000000e+00 : f32
    %mul3A_1264 = vector.broadcast %mul3A_1263 : f32 to vector<424x512xf32>
    %mul3A_1265 = arith.mulf %mul3A_1264, %dot_general3A_1262 : vector<424x512xf32>
    %sub3A_1266 = vector.broadcast %broadcast_in_dim3A_715 : vector<1x512xf32> to vector<424x512xf32>
    %sub3A_1267 = arith.subf %sub3A_1266, %mul3A_1265 : vector<424x512xf32>
    %reduce_min3A_1268 = arith.constant dense<0x7F800000> : vector<424xf32>
    %reduce_min3A_1269 = vector.multi_reduction <minimumf>, %sub3A_1267, %reduce_min3A_1268 [1] : vector<424x512xf32> to vector<424xf32>
    %broadcast_in_dim3A_1270 = vector.shape_cast %reduce_min3A_1269 : vector<424xf32> to vector<424x1xf32>
    %iota3A_1271 = tpu.iota {dimensions = array<i32: 1>} : vector<424x512xi32>
    %eq3A_1272 = vector.broadcast %broadcast_in_dim3A_1270 : vector<424x1xf32> to vector<424x512xf32>
    %eq3A_1273 = arith.cmpf oeq, %sub3A_1267, %eq3A_1272 : vector<424x512xf32>
    %jit3A_1274 = arith.constant 512 : i32
    %broadcast_in_dim3A_1275 = vector.broadcast %jit3A_1274 : i32 to vector<424x512xi32>
    %select_n3A_1276 = arith.select %eq3A_1273, %iota3A_1271, %broadcast_in_dim3A_1275 : vector<424x512xi1>, vector<424x512xi32>
    %reduce_min3A_1277 = arith.constant dense<2147483647> : vector<424xi32>
    %reduce_min3A_1278 = vector.multi_reduction <minsi>, %select_n3A_1276, %reduce_min3A_1277 [1] : vector<424x512xi32> to vector<424xi32>
    %broadcast_in_dim3A_1279 = vector.shape_cast %reduce_min3A_1278 : vector<424xi32> to vector<424x1xi32>
    %mul3A_1280 = arith.mulf %add3A_1255, %add3A_1255 : vector<424x64xf32>
    %reduce_sum3A_1281 = arith.constant dense<0.000000e+00> : vector<424xf32>
    %reduce_sum3A_1282 = vector.multi_reduction <add>, %mul3A_1280, %reduce_sum3A_1281 [1] : vector<424x64xf32> to vector<424xf32>
    %broadcast_in_dim3A_1283 = vector.shape_cast %reduce_sum3A_1282 : vector<424xf32> to vector<424x1xf32>
    %add3A_1284 = arith.addf %broadcast_in_dim3A_1270, %broadcast_in_dim3A_1283 : vector<424x1xf32>
    %max3A_1285 = arith.constant 0.000000e+00 : f32
    %max3A_1286 = vector.broadcast %max3A_1285 : f32 to vector<424x1xf32>
    %max3A_1287 = arith.maximumf %add3A_1284, %max3A_1286 : vector<424x1xf32>
    %sqrt3A_1288 = math.sqrt %max3A_1287 : vector<424x1xf32>
    %get3A_1289 = arith.constant 0 : index
    %get3A_1290 = arith.constant 2544 : index
    %get3A_1291 = arith.constant 0 : index
    %get3A_1292 = vector.load %arg17[%get3A_1289, %get3A_1290, %get3A_1291] : memref<1x3368x64xbf16, #tpu.memory_space<vmem>>, vector<1x424x64xbf16>
    %get3A_1293 = vector.shape_cast %get3A_1292 : vector<1x424x64xbf16> to vector<424x64xbf16>
    %convert_element_type3A_1294 = arith.extf %get3A_1293 : vector<424x64xbf16> to vector<424x64xf32>
    %mul3A_1295 = arith.mulf %convert_element_type3A_1294, %convert_element_type3A_1294 : vector<424x64xf32>
    %reduce_sum3A_1296 = arith.constant dense<0.000000e+00> : vector<424xf32>
    %reduce_sum3A_1297 = vector.multi_reduction <add>, %mul3A_1295, %reduce_sum3A_1296 [1] : vector<424x64xf32> to vector<424xf32>
    %broadcast_in_dim3A_1298 = vector.shape_cast %reduce_sum3A_1297 : vector<424xf32> to vector<424x1xf32>
    %sqrt3A_1299 = math.sqrt %broadcast_in_dim3A_1298 : vector<424x1xf32>
    %get3A_1300 = arith.constant 2544 : index
    %get3A_1301 = arith.constant 0 : index
    %get3A_1302 = vector.load %arg18[%get3A_1300, %get3A_1301] : memref<3368x1xf32, #tpu.memory_space<vmem>>, vector<424x1xf32>
    %add3A_1303 = arith.constant 9.99999996E-13 : f32
    %add3A_1304 = vector.broadcast %add3A_1303 : f32 to vector<424x1xf32>
    %add3A_1305 = arith.addf %sqrt3A_1299, %add3A_1304 : vector<424x1xf32>
    %div3A_1306 = arith.divf %sqrt3A_1288, %add3A_1305 : vector<424x1xf32>
    %mul3A_1307 = vector.broadcast %div3A_1306 : vector<424x1xf32> to vector<424x64xf32>
    %mul3A_1308 = arith.mulf %mul3A_1307, %convert_element_type3A_1294 : vector<424x64xf32>
    %add3A_1309 = arith.addf %add3A_1255, %mul3A_1308 : vector<424x64xf32>
    %mul3A_1310 = vector.broadcast %get3A_1302 : vector<424x1xf32> to vector<424x64xf32>
    %mul3A_1311 = arith.mulf %add3A_1309, %mul3A_1310 : vector<424x64xf32>
    %convert_element_type3A_1312 = arith.truncf %mul3A_1311 : vector<424x64xf32> to vector<424x64xbf16>
    %swap3A_1313 = arith.constant 0 : index
    %swap3A_1314 = arith.constant 2608 : index
    %swap3A_1315 = arith.constant 0 : index
    %swap3A_1316 = vector.load %arg19[%swap3A_1313, %swap3A_1314, %swap3A_1315] : memref<1x3496x64xbf16, #tpu.memory_space<vmem>>, vector<1x424x64xbf16>
    %swap3A_1317 = vector.shape_cast %swap3A_1316 : vector<1x424x64xbf16> to vector<424x64xbf16>
    %swap3A_1318 = vector.shape_cast %convert_element_type3A_1312 : vector<424x64xbf16> to vector<1x424x64xbf16>
    tpu.vector_store %arg19[%swap3A_1313, %swap3A_1314, %swap3A_1315], %swap3A_1318 {strides = array<i32>} : memref<1x3496x64xbf16, #tpu.memory_space<vmem>>, vector<1x424x64xbf16>,
    %gt3A_1319 = arith.constant 0.000000e+00 : f32
    %gt3A_1320 = vector.broadcast %gt3A_1319 : f32 to vector<424x1xf32>
    %gt3A_1321 = arith.cmpf ogt, %get3A_1302, %gt3A_1320 : vector<424x1xf32>
    %jit3A_1322 = arith.constant 512 : i32
    %broadcast_in_dim3A_1323 = vector.broadcast %jit3A_1322 : i32 to vector<424x1xi32>
    %select_n3A_1324 = arith.select %gt3A_1321, %broadcast_in_dim3A_1279, %broadcast_in_dim3A_1323 : vector<424x1xi1>, vector<424x1xi32>
    %swap3A_1325 = arith.constant 0 : index
    %swap3A_1326 = arith.constant 2544 : index
    %swap3A_1327 = arith.constant 0 : index
    %swap3A_1328 = vector.load %arg20[%swap3A_1325, %swap3A_1326, %swap3A_1327] : memref<1x3392x1xi32, #tpu.memory_space<vmem>>, vector<1x424x1xi32>
    %swap3A_1329 = vector.shape_cast %swap3A_1328 : vector<1x424x1xi32> to vector<424x1xi32>
    %swap3A_1330 = vector.shape_cast %select_n3A_1324 : vector<424x1xi32> to vector<1x424x1xi32>
    tpu.vector_store %arg20[%swap3A_1325, %swap3A_1326, %swap3A_1327], %swap3A_1330 {strides = array<i32>} : memref<1x3392x1xi32, #tpu.memory_space<vmem>>, vector<1x424x1xi32>,
    %get3A_1331 = arith.constant 3032 : index
    %get3A_1332 = arith.constant 0 : index
    %get3A_1333 = vector.load %arg22[%get3A_1331, %get3A_1332] : memref<3496x128xbf16, #tpu.memory_space<vmem>>, vector<400x128xbf16>
    %get3A_1334 = arith.constant 0 : index
    %get3A_1335 = arith.constant 0 : index
    %get3A_1336 = vector.load %arg14[%get3A_1334, %get3A_1335] : memref<128x64xf32, #tpu.memory_space<vmem>>, vector<128x64xf32>
    %convert_element_type3A_1337 = arith.truncf %get3A_1336 : vector<128x64xf32> to vector<128x64xbf16>
    %dot_general3A_1338 = arith.constant dense<0.000000e+00> : vector<400x64xf32>
    %dot_general3A_1339 = tpu.matmul %get3A_1333, %convert_element_type3A_1337, %dot_general3A_1338 {dimension_numbers = #tpu.dot_dimension_numbers<[1], [0], [0], [1], [0, 0, 1, 1], [], []>, transpose_lhs_hint = false} : vector<400x128xbf16>, vector<128x64xbf16>, vector<400x64xf32> -> vector<400x64xf32>
    %get3A_1340 = arith.constant 0 : index
    %get3A_1341 = arith.constant 0 : index
    %get3A_1342 = vector.load %arg15[%get3A_1340, %get3A_1341] : memref<1x64xf32, #tpu.memory_space<vmem>>, vector<1x64xf32>
    %add3A_1343 = vector.broadcast %get3A_1342 : vector<1x64xf32> to vector<400x64xf32>
    %add3A_1344 = arith.addf %dot_general3A_1339, %add3A_1343 : vector<400x64xf32>
    %convert_element_type3A_1345 = arith.truncf %add3A_1344 : vector<400x64xf32> to vector<400x64xbf16>
    %get3A_1346 = arith.constant 0 : index
    %get3A_1347 = arith.constant 0 : index
    %get3A_1348 = vector.load %arg16[%get3A_1346, %get3A_1347] : memref<64x512xf32, #tpu.memory_space<vmem>>, vector<64x512xf32>
    %convert_element_type3A_1349 = arith.truncf %get3A_1348 : vector<64x512xf32> to vector<64x512xbf16>
    %dot_general3A_1350 = arith.constant dense<0.000000e+00> : vector<400x512xf32>
    %dot_general3A_1351 = tpu.matmul %convert_element_type3A_1345, %convert_element_type3A_1349, %dot_general3A_1350 {dimension_numbers = #tpu.dot_dimension_numbers<[1], [0], [0], [1], [0, 0, 1, 1], [], []>, transpose_lhs_hint = false} : vector<400x64xbf16>, vector<64x512xbf16>, vector<400x512xf32> -> vector<400x512xf32>
    %mul3A_1352 = arith.constant 2.000000e+00 : f32
    %mul3A_1353 = vector.broadcast %mul3A_1352 : f32 to vector<400x512xf32>
    %mul3A_1354 = arith.mulf %mul3A_1353, %dot_general3A_1351 : vector<400x512xf32>
    %sub3A_1355 = vector.broadcast %broadcast_in_dim3A_715 : vector<1x512xf32> to vector<400x512xf32>
    %sub3A_1356 = arith.subf %sub3A_1355, %mul3A_1354 : vector<400x512xf32>
    %reduce_min3A_1357 = arith.constant dense<0x7F800000> : vector<400xf32>
    %reduce_min3A_1358 = vector.multi_reduction <minimumf>, %sub3A_1356, %reduce_min3A_1357 [1] : vector<400x512xf32> to vector<400xf32>
    %broadcast_in_dim3A_1359 = vector.shape_cast %reduce_min3A_1358 : vector<400xf32> to vector<400x1xf32>
    %iota3A_1360 = tpu.iota {dimensions = array<i32: 1>} : vector<400x512xi32>
    %eq3A_1361 = vector.broadcast %broadcast_in_dim3A_1359 : vector<400x1xf32> to vector<400x512xf32>
    %eq3A_1362 = arith.cmpf oeq, %sub3A_1356, %eq3A_1361 : vector<400x512xf32>
    %jit3A_1363 = arith.constant 512 : i32
    %broadcast_in_dim3A_1364 = vector.broadcast %jit3A_1363 : i32 to vector<400x512xi32>
    %select_n3A_1365 = arith.select %eq3A_1362, %iota3A_1360, %broadcast_in_dim3A_1364 : vector<400x512xi1>, vector<400x512xi32>
    %reduce_min3A_1366 = arith.constant dense<2147483647> : vector<400xi32>
    %reduce_min3A_1367 = vector.multi_reduction <minsi>, %select_n3A_1365, %reduce_min3A_1366 [1] : vector<400x512xi32> to vector<400xi32>
    %broadcast_in_dim3A_1368 = vector.shape_cast %reduce_min3A_1367 : vector<400xi32> to vector<400x1xi32>
    %mul3A_1369 = arith.mulf %add3A_1344, %add3A_1344 : vector<400x64xf32>
    %reduce_sum3A_1370 = arith.constant dense<0.000000e+00> : vector<400xf32>
    %reduce_sum3A_1371 = vector.multi_reduction <add>, %mul3A_1369, %reduce_sum3A_1370 [1] : vector<400x64xf32> to vector<400xf32>
    %broadcast_in_dim3A_1372 = vector.shape_cast %reduce_sum3A_1371 : vector<400xf32> to vector<400x1xf32>
    %add3A_1373 = arith.addf %broadcast_in_dim3A_1359, %broadcast_in_dim3A_1372 : vector<400x1xf32>
    %max3A_1374 = arith.constant 0.000000e+00 : f32
    %max3A_1375 = vector.broadcast %max3A_1374 : f32 to vector<400x1xf32>
    %max3A_1376 = arith.maximumf %add3A_1373, %max3A_1375 : vector<400x1xf32>
    %sqrt3A_1377 = math.sqrt %max3A_1376 : vector<400x1xf32>
    %get3A_1378 = arith.constant 0 : index
    %get3A_1379 = arith.constant 2968 : index
    %get3A_1380 = arith.constant 0 : index
    %get3A_1381 = vector.load %arg17[%get3A_1378, %get3A_1379, %get3A_1380] : memref<1x3368x64xbf16, #tpu.memory_space<vmem>>, vector<1x400x64xbf16>
    %get3A_1382 = vector.shape_cast %get3A_1381 : vector<1x400x64xbf16> to vector<400x64xbf16>
    %convert_element_type3A_1383 = arith.extf %get3A_1382 : vector<400x64xbf16> to vector<400x64xf32>
    %mul3A_1384 = arith.mulf %convert_element_type3A_1383, %convert_element_type3A_1383 : vector<400x64xf32>
    %reduce_sum3A_1385 = arith.constant dense<0.000000e+00> : vector<400xf32>
    %reduce_sum3A_1386 = vector.multi_reduction <add>, %mul3A_1384, %reduce_sum3A_1385 [1] : vector<400x64xf32> to vector<400xf32>
    %broadcast_in_dim3A_1387 = vector.shape_cast %reduce_sum3A_1386 : vector<400xf32> to vector<400x1xf32>
    %sqrt3A_1388 = math.sqrt %broadcast_in_dim3A_1387 : vector<400x1xf32>
    %get3A_1389 = arith.constant 2968 : index
    %get3A_1390 = arith.constant 0 : index
    %get3A_1391 = vector.load %arg18[%get3A_1389, %get3A_1390] : memref<3368x1xf32, #tpu.memory_space<vmem>>, vector<400x1xf32>
    %add3A_1392 = arith.constant 9.99999996E-13 : f32
    %add3A_1393 = vector.broadcast %add3A_1392 : f32 to vector<400x1xf32>
    %add3A_1394 = arith.addf %sqrt3A_1388, %add3A_1393 : vector<400x1xf32>
    %div3A_1395 = arith.divf %sqrt3A_1377, %add3A_1394 : vector<400x1xf32>
    %mul3A_1396 = vector.broadcast %div3A_1395 : vector<400x1xf32> to vector<400x64xf32>
    %mul3A_1397 = arith.mulf %mul3A_1396, %convert_element_type3A_1383 : vector<400x64xf32>
    %add3A_1398 = arith.addf %add3A_1344, %mul3A_1397 : vector<400x64xf32>
    %mul3A_1399 = vector.broadcast %get3A_1391 : vector<400x1xf32> to vector<400x64xf32>
    %mul3A_1400 = arith.mulf %add3A_1398, %mul3A_1399 : vector<400x64xf32>
    %convert_element_type3A_1401 = arith.truncf %mul3A_1400 : vector<400x64xf32> to vector<400x64xbf16>
    %swap3A_1402 = arith.constant 0 : index
    %swap3A_1403 = arith.constant 3032 : index
    %swap3A_1404 = arith.constant 0 : index
    %swap3A_1405 = vector.load %arg19[%swap3A_1402, %swap3A_1403, %swap3A_1404] : memref<1x3496x64xbf16, #tpu.memory_space<vmem>>, vector<1x400x64xbf16>
    %swap3A_1406 = vector.shape_cast %swap3A_1405 : vector<1x400x64xbf16> to vector<400x64xbf16>
    %swap3A_1407 = vector.shape_cast %convert_element_type3A_1401 : vector<400x64xbf16> to vector<1x400x64xbf16>
    tpu.vector_store %arg19[%swap3A_1402, %swap3A_1403, %swap3A_1404], %swap3A_1407 {strides = array<i32>} : memref<1x3496x64xbf16, #tpu.memory_space<vmem>>, vector<1x400x64xbf16>,
    %gt3A_1408 = arith.constant 0.000000e+00 : f32
    %gt3A_1409 = vector.broadcast %gt3A_1408 : f32 to vector<400x1xf32>
    %gt3A_1410 = arith.cmpf ogt, %get3A_1391, %gt3A_1409 : vector<400x1xf32>
    %jit3A_1411 = arith.constant 512 : i32
    %broadcast_in_dim3A_1412 = vector.broadcast %jit3A_1411 : i32 to vector<400x1xi32>
    %select_n3A_1413 = arith.select %gt3A_1410, %broadcast_in_dim3A_1368, %broadcast_in_dim3A_1412 : vector<400x1xi1>, vector<400x1xi32>
    %swap3A_1414 = arith.constant 0 : index
    %swap3A_1415 = arith.constant 2968 : index
    %swap3A_1416 = arith.constant 0 : index
    %swap3A_1417 = vector.load %arg20[%swap3A_1414, %swap3A_1415, %swap3A_1416] : memref<1x3392x1xi32, #tpu.memory_space<vmem>>, vector<1x400x1xi32>
    %swap3A_1418 = vector.shape_cast %swap3A_1417 : vector<1x400x1xi32> to vector<400x1xi32>
    %swap3A_1419 = vector.shape_cast %select_n3A_1413 : vector<400x1xi32> to vector<1x400x1xi32>
    tpu.vector_store %arg20[%swap3A_1414, %swap3A_1415, %swap3A_1416], %swap3A_1419 {strides = array<i32>} : memref<1x3392x1xi32, #tpu.memory_space<vmem>>, vector<1x400x1xi32>,
    %broadcast_in_dim3A_1420 = arith.constant 0.000000e+00 : bf16
    %broadcast_in_dim3A_1421 = vector.broadcast %broadcast_in_dim3A_1420 : bf16 to vector<64x64xbf16>
    %swap3A_1422 = arith.constant 0 : index
    %swap3A_1423 = arith.constant 0 : index
    %swap3A_1424 = arith.constant 0 : index
    %swap3A_1425 = vector.load %arg19[%swap3A_1422, %swap3A_1423, %swap3A_1424] : memref<1x3496x64xbf16, #tpu.memory_space<vmem>>, vector<1x64x64xbf16>
    %swap3A_1426 = vector.shape_cast %swap3A_1425 : vector<1x64x64xbf16> to vector<64x64xbf16>
    %swap3A_1427 = vector.shape_cast %broadcast_in_dim3A_1421 : vector<64x64xbf16> to vector<1x64x64xbf16>
    tpu.vector_store %arg19[%swap3A_1422, %swap3A_1423, %swap3A_1424], %swap3A_1427 {strides = array<i32>} : memref<1x3496x64xbf16, #tpu.memory_space<vmem>>, vector<1x64x64xbf16>,
    %broadcast_in_dim3A_1428 = arith.constant 0.000000e+00 : bf16
    %broadcast_in_dim3A_1429 = vector.broadcast %broadcast_in_dim3A_1428 : bf16 to vector<64x64xbf16>
    %swap3A_1430 = arith.constant 0 : index
    %swap3A_1431 = arith.constant 3432 : index
    %swap3A_1432 = arith.constant 0 : index
    %swap3A_1433 = vector.load %arg19[%swap3A_1430, %swap3A_1431, %swap3A_1432] : memref<1x3496x64xbf16, #tpu.memory_space<vmem>>, vector<1x64x64xbf16>
    %swap3A_1434 = vector.shape_cast %swap3A_1433 : vector<1x64x64xbf16> to vector<64x64xbf16>
    %swap3A_1435 = vector.shape_cast %broadcast_in_dim3A_1429 : vector<64x64xbf16> to vector<1x64x64xbf16>
    tpu.vector_store %arg19[%swap3A_1430, %swap3A_1431, %swap3A_1432], %swap3A_1435 {strides = array<i32>} : memref<1x3496x64xbf16, #tpu.memory_space<vmem>>, vector<1x64x64xbf16>,
    %broadcast_in_dim3A_1436 = arith.constant 512 : i32
    %broadcast_in_dim3A_1437 = vector.broadcast %broadcast_in_dim3A_1436 : i32 to vector<24x1xi32>
    %swap3A_1438 = arith.constant 0 : index
    %swap3A_1439 = arith.constant 3368 : index
    %swap3A_1440 = arith.constant 0 : index
    %swap3A_1441 = vector.load %arg20[%swap3A_1438, %swap3A_1439, %swap3A_1440] : memref<1x3392x1xi32, #tpu.memory_space<vmem>>, vector<1x24x1xi32>
    %swap3A_1442 = vector.shape_cast %swap3A_1441 : vector<1x24x1xi32> to vector<24x1xi32>
    %swap3A_1443 = vector.shape_cast %broadcast_in_dim3A_1437 : vector<24x1xi32> to vector<1x24x1xi32>
    tpu.vector_store %arg20[%swap3A_1438, %swap3A_1439, %swap3A_1440], %swap3A_1443 {strides = array<i32>} : memref<1x3392x1xi32, #tpu.memory_space<vmem>>, vector<1x24x1xi32>,
    return
  }
  func.func @transform_0(%arg0: i32) -> (i32, i32, i32) {
    %c0_i32 = arith.constant 0 : i32
    %c0_i32_0 = arith.constant 0 : i32
    %c0_i32_1 = arith.constant 0 : i32
    return %arg0, %c0_i32, %c0_i32_0 : i32, i32, i32
  }
  func.func @transform_1(%arg0: i32) -> (i32, i32, i32) {
    %c0_i32 = arith.constant 0 : i32
    %c0_i32_0 = arith.constant 0 : i32
    %c0_i32_1 = arith.constant 0 : i32
    %c0_i32_2 = arith.constant 0 : i32
    return %c0_i32, %c0_i32_0, %c0_i32_1 : i32, i32, i32
  }
  func.func @transform_2(%arg0: i32) -> (i32, i32) {
    %c0_i32 = arith.constant 0 : i32
    %c0_i32_0 = arith.constant 0 : i32
    %c0_i32_1 = arith.constant 0 : i32
    return %c0_i32, %c0_i32_0 : i32, i32
  }
  func.func @transform_3(%arg0: i32) -> (i32, i32, i32) {
    %c0_i32 = arith.constant 0 : i32
    %c0_i32_0 = arith.constant 0 : i32
    %c0_i32_1 = arith.constant 0 : i32
    %c0_i32_2 = arith.constant 0 : i32
    return %c0_i32, %c0_i32_0, %c0_i32_1 : i32, i32, i32
  }
  func.func @transform_4(%arg0: i32) -> (i32, i32) {
    %c0_i32 = arith.constant 0 : i32
    %c0_i32_0 = arith.constant 0 : i32
    %c0_i32_1 = arith.constant 0 : i32
    return %c0_i32, %c0_i32_0 : i32, i32
  }
  func.func @transform_5(%arg0: i32) -> (i32, i32, i32) {
    %c0_i32 = arith.constant 0 : i32
    %c0_i32_0 = arith.constant 0 : i32
    %c0_i32_1 = arith.constant 0 : i32
    %c0_i32_2 = arith.constant 0 : i32
    return %c0_i32, %c0_i32_0, %c0_i32_1 : i32, i32, i32
  }
  func.func @transform_6(%arg0: i32) -> (i32, i32) {
    %c0_i32 = arith.constant 0 : i32
    %c0_i32_0 = arith.constant 0 : i32
    %c0_i32_1 = arith.constant 0 : i32
    return %c0_i32, %c0_i32_0 : i32, i32
  }
  func.func @transform_7(%arg0: i32) -> (i32, i32) {
    %c0_i32 = arith.constant 0 : i32
    %c0_i32_0 = arith.constant 0 : i32
    %c0_i32_1 = arith.constant 0 : i32
    return %c0_i32, %c0_i32_0 : i32, i32
  }
  func.func @transform_8(%arg0: i32) -> (i32, i32) {
    %c0_i32 = arith.constant 0 : i32
    %c0_i32_0 = arith.constant 0 : i32
    %c0_i32_1 = arith.constant 0 : i32
    return %c0_i32, %c0_i32_0 : i32, i32
  }
  func.func @transform_9(%arg0: i32) -> (i32, i32, i32) {
    %c0_i32 = arith.constant 0 : i32
    %c0_i32_0 = arith.constant 0 : i32
    %c0_i32_1 = arith.constant 0 : i32
    %c0_i32_2 = arith.constant 0 : i32
    return %c0_i32, %c0_i32_0, %c0_i32_1 : i32, i32, i32
  }
  func.func @transform_10(%arg0: i32) -> (i32, i32) {
    %c0_i32 = arith.constant 0 : i32
    %c0_i32_0 = arith.constant 0 : i32
    %c0_i32_1 = arith.constant 0 : i32
    return %c0_i32, %c0_i32_0 : i32, i32
  }
  func.func @transform_11(%arg0: i32) -> (i32, i32) {
    %c0_i32 = arith.constant 0 : i32
    %c0_i32_0 = arith.constant 0 : i32
    %c0_i32_1 = arith.constant 0 : i32
    return %c0_i32, %c0_i32_0 : i32, i32
  }
  func.func @transform_12(%arg0: i32) -> (i32, i32) {
    %c0_i32 = arith.constant 0 : i32
    %c0_i32_0 = arith.constant 0 : i32
    %c0_i32_1 = arith.constant 0 : i32
    return %c0_i32, %c0_i32_0 : i32, i32
  }
  func.func @transform_13(%arg0: i32) -> (i32, i32) {
    %c0_i32 = arith.constant 0 : i32
    %c0_i32_0 = arith.constant 0 : i32
    %c0_i32_1 = arith.constant 0 : i32
    return %c0_i32, %c0_i32_0 : i32, i32
  }
  func.func @transform_14(%arg0: i32) -> (i32, i32) {
    %c0_i32 = arith.constant 0 : i32
    %c0_i32_0 = arith.constant 0 : i32
    %c0_i32_1 = arith.constant 0 : i32
    return %c0_i32, %c0_i32_0 : i32, i32
  }
  func.func @transform_15(%arg0: i32) -> (i32, i32) {
    %c0_i32 = arith.constant 0 : i32
    %c0_i32_0 = arith.constant 0 : i32
    %c0_i32_1 = arith.constant 0 : i32
    return %c0_i32, %c0_i32_0 : i32, i32
  }
  func.func @transform_16(%arg0: i32) -> (i32, i32, i32) {
    %c0_i32 = arith.constant 0 : i32
    %c0_i32_0 = arith.constant 0 : i32
    %c0_i32_1 = arith.constant 0 : i32
    return %arg0, %c0_i32, %c0_i32_0 : i32, i32, i32
  }
  func.func @transform_17(%arg0: i32) -> (i32, i32) {
    %c0_i32 = arith.constant 0 : i32
    %c0_i32_0 = arith.constant 0 : i32
    %c0_i32_1 = arith.constant 0 : i32
    return %c0_i32, %c0_i32_0 : i32, i32
  }
  func.func @transform_18(%arg0: i32) -> (i32, i32, i32) {
    %c0_i32 = arith.constant 0 : i32
    %c0_i32_0 = arith.constant 0 : i32
    %c0_i32_1 = arith.constant 0 : i32
    return %arg0, %c0_i32, %c0_i32_0 : i32, i32, i32
  }
  func.func @transform_19(%arg0: i32) -> (i32, i32, i32) {
    %c0_i32 = arith.constant 0 : i32
    %c0_i32_0 = arith.constant 0 : i32
    %c0_i32_1 = arith.constant 0 : i32
    return %arg0, %c0_i32, %c0_i32_0 : i32, i32, i32
  }
}

module attributes {stable_mosaic.version = 14 : i64} {
  func.func @_dec_body(%arg0: i32, %arg1: memref<1x3496x64xbf16, #tpu.memory_space<vmem>>, %arg2: memref<9x64x128xf32, #tpu.memory_space<vmem>>, %arg3: memref<1x128xf32, #tpu.memory_space<vmem>>, %arg4: memref<9x128x32xf32, #tpu.memory_space<vmem>>, %arg5: memref<1x32xf32, #tpu.memory_space<vmem>>, %arg6: memref<32x128xf32, #tpu.memory_space<vmem>>, %arg7: memref<1x128xf32, #tpu.memory_space<vmem>>, %arg8: memref<9x128x32xf32, #tpu.memory_space<vmem>>, %arg9: memref<1x32xf32, #tpu.memory_space<vmem>>, %arg10: memref<32x128xf32, #tpu.memory_space<vmem>>, %arg11: memref<1x128xf32, #tpu.memory_space<vmem>>, %arg12: memref<9x128x256xf32, #tpu.memory_space<vmem>>, %arg13: memref<1x256xf32, #tpu.memory_space<vmem>>, %arg14: memref<9x256x48xf32, #tpu.memory_space<vmem>>, %arg15: memref<1x48xf32, #tpu.memory_space<vmem>>, %arg16: memref<3368x1xf32, #tpu.memory_space<vmem>>, %arg17: memref<3248x1xf32, #tpu.memory_space<vmem>>, %arg18: memref<1x3248x48xf32, #tpu.memory_space<vmem>>, %arg19: memref<3496x128xbf16, #tpu.memory_space<vmem>>, %arg20: memref<3496x128xbf16, #tpu.memory_space<vmem>>, %arg21: memref<3376x256xbf16, #tpu.memory_space<vmem>>) attributes {dimension_semantics = [#tpu.dimension_semantics<arbitrary>], iteration_bounds = array<i64: 16>, scalar_prefetch = 0 : i64, scratch_operands = 3 : i64, tpu.core_type = #tpu.core_type<tc>, window_params = [{transform_indices = @transform_0, window_bounds = array<i64: 1, 3496, 64>}, {pipeline_mode = #tpu.pipeline_mode<synchronous>, transform_indices = @transform_1, window_bounds = array<i64: 9, 64, 128>}, {pipeline_mode = #tpu.pipeline_mode<synchronous>, transform_indices = @transform_2, window_bounds = array<i64: 1, 128>}, {pipeline_mode = #tpu.pipeline_mode<synchronous>, transform_indices = @transform_3, window_bounds = array<i64: 9, 128, 32>}, {pipeline_mode = #tpu.pipeline_mode<synchronous>, transform_indices = @transform_4, window_bounds = array<i64: 1, 32>}, {pipeline_mode = #tpu.pipeline_mode<synchronous>, transform_indices = @transform_5, window_bounds = array<i64: 32, 128>}, {pipeline_mode = #tpu.pipeline_mode<synchronous>, transform_indices = @transform_6, window_bounds = array<i64: 1, 128>}, {pipeline_mode = #tpu.pipeline_mode<synchronous>, transform_indices = @transform_7, window_bounds = array<i64: 9, 128, 32>}, {pipeline_mode = #tpu.pipeline_mode<synchronous>, transform_indices = @transform_8, window_bounds = array<i64: 1, 32>}, {pipeline_mode = #tpu.pipeline_mode<synchronous>, transform_indices = @transform_9, window_bounds = array<i64: 32, 128>}, {pipeline_mode = #tpu.pipeline_mode<synchronous>, transform_indices = @transform_10, window_bounds = array<i64: 1, 128>}, {pipeline_mode = #tpu.pipeline_mode<synchronous>, transform_indices = @transform_11, window_bounds = array<i64: 9, 128, 256>}, {pipeline_mode = #tpu.pipeline_mode<synchronous>, transform_indices = @transform_12, window_bounds = array<i64: 1, 256>}, {pipeline_mode = #tpu.pipeline_mode<synchronous>, transform_indices = @transform_13, window_bounds = array<i64: 9, 256, 48>}, {pipeline_mode = #tpu.pipeline_mode<synchronous>, transform_indices = @transform_14, window_bounds = array<i64: 1, 48>}, {pipeline_mode = #tpu.pipeline_mode<synchronous>, transform_indices = @transform_15, window_bounds = array<i64: 3368, 1>}, {pipeline_mode = #tpu.pipeline_mode<synchronous>, transform_indices = @transform_16, window_bounds = array<i64: 3248, 1>}, {transform_indices = @transform_17, window_bounds = array<i64: 1, 3248, 48>}]} {
    %eq3A = arith.constant 0 : i32
    %eq3A_0 = arith.cmpi eq, %arg0, %eq3A : i32
    %get3A = arith.constant 0 : index
    %get3A_1 = arith.constant 0 : index
    %get3A_2 = vector.load %arg16[%get3A, %get3A_1] : memref<3368x1xf32, #tpu.memory_space<vmem>>, vector<3368x1xf32>
    %broadcast_in_dim3A = arith.constant 0.000000e+00 : f32
    %broadcast_in_dim3A_3 = vector.broadcast %broadcast_in_dim3A : f32 to vector<3368x128xf32>
    %get3A_4 = arith.constant 0 : index
    %get3A_5 = arith.constant 5 : index
    %get3A_6 = arith.constant 0 : index
    %get3A_7 = vector.load %arg1[%get3A_4, %get3A_5, %get3A_6] : memref<1x3496x64xbf16, #tpu.memory_space<vmem>>, vector<1x3368x64xbf16>
    %get3A_8 = vector.shape_cast %get3A_7 : vector<1x3368x64xbf16> to vector<3368x64xbf16>
    %get3A_9 = arith.constant 0 : index
    %get3A_10 = arith.constant 0 : index
    %get3A_11 = arith.constant 0 : index
    %get3A_12 = vector.load %arg2[%get3A_9, %get3A_10, %get3A_11] : memref<9x64x128xf32, #tpu.memory_space<vmem>>, vector<1x64x128xf32>
    %get3A_13 = vector.shape_cast %get3A_12 : vector<1x64x128xf32> to vector<64x128xf32>
    %convert_element_type3A = arith.truncf %get3A_13 : vector<64x128xf32> to vector<64x128xbf16>
    %dot_general3A = arith.constant dense<0.000000e+00> : vector<3368x128xf32>
    %dot_general3A_14 = tpu.matmul %get3A_8, %convert_element_type3A, %dot_general3A {dimension_numbers = #tpu.dot_dimension_numbers<[1], [0], [0], [1], [0, 0, 1, 1], [], []>, transpose_lhs_hint = false} : vector<3368x64xbf16>, vector<64x128xbf16>, vector<3368x128xf32> -> vector<3368x128xf32>
    %add3A = arith.addf %broadcast_in_dim3A_3, %dot_general3A_14 : vector<3368x128xf32>
    %get3A_15 = arith.constant 0 : index
    %get3A_16 = arith.constant 6 : index
    %get3A_17 = arith.constant 0 : index
    %get3A_18 = vector.load %arg1[%get3A_15, %get3A_16, %get3A_17] : memref<1x3496x64xbf16, #tpu.memory_space<vmem>>, vector<1x3368x64xbf16>
    %get3A_19 = vector.shape_cast %get3A_18 : vector<1x3368x64xbf16> to vector<3368x64xbf16>
    %get3A_20 = arith.constant 1 : index
    %get3A_21 = arith.constant 0 : index
    %get3A_22 = arith.constant 0 : index
    %get3A_23 = vector.load %arg2[%get3A_20, %get3A_21, %get3A_22] : memref<9x64x128xf32, #tpu.memory_space<vmem>>, vector<1x64x128xf32>
    %get3A_24 = vector.shape_cast %get3A_23 : vector<1x64x128xf32> to vector<64x128xf32>
    %convert_element_type3A_25 = arith.truncf %get3A_24 : vector<64x128xf32> to vector<64x128xbf16>
    %dot_general3A_26 = arith.constant dense<0.000000e+00> : vector<3368x128xf32>
    %dot_general3A_27 = tpu.matmul %get3A_19, %convert_element_type3A_25, %dot_general3A_26 {dimension_numbers = #tpu.dot_dimension_numbers<[1], [0], [0], [1], [0, 0, 1, 1], [], []>, transpose_lhs_hint = false} : vector<3368x64xbf16>, vector<64x128xbf16>, vector<3368x128xf32> -> vector<3368x128xf32>
    %add3A_28 = arith.addf %add3A, %dot_general3A_27 : vector<3368x128xf32>
    %get3A_29 = arith.constant 0 : index
    %get3A_30 = arith.constant 7 : index
    %get3A_31 = arith.constant 0 : index
    %get3A_32 = vector.load %arg1[%get3A_29, %get3A_30, %get3A_31] : memref<1x3496x64xbf16, #tpu.memory_space<vmem>>, vector<1x3368x64xbf16>
    %get3A_33 = vector.shape_cast %get3A_32 : vector<1x3368x64xbf16> to vector<3368x64xbf16>
    %get3A_34 = arith.constant 2 : index
    %get3A_35 = arith.constant 0 : index
    %get3A_36 = arith.constant 0 : index
    %get3A_37 = vector.load %arg2[%get3A_34, %get3A_35, %get3A_36] : memref<9x64x128xf32, #tpu.memory_space<vmem>>, vector<1x64x128xf32>
    %get3A_38 = vector.shape_cast %get3A_37 : vector<1x64x128xf32> to vector<64x128xf32>
    %convert_element_type3A_39 = arith.truncf %get3A_38 : vector<64x128xf32> to vector<64x128xbf16>
    %dot_general3A_40 = arith.constant dense<0.000000e+00> : vector<3368x128xf32>
    %dot_general3A_41 = tpu.matmul %get3A_33, %convert_element_type3A_39, %dot_general3A_40 {dimension_numbers = #tpu.dot_dimension_numbers<[1], [0], [0], [1], [0, 0, 1, 1], [], []>, transpose_lhs_hint = false} : vector<3368x64xbf16>, vector<64x128xbf16>, vector<3368x128xf32> -> vector<3368x128xf32>
    %add3A_42 = arith.addf %add3A_28, %dot_general3A_41 : vector<3368x128xf32>
    %get3A_43 = arith.constant 0 : index
    %get3A_44 = arith.constant 63 : index
    %get3A_45 = arith.constant 0 : index
    %get3A_46 = vector.load %arg1[%get3A_43, %get3A_44, %get3A_45] : memref<1x3496x64xbf16, #tpu.memory_space<vmem>>, vector<1x3368x64xbf16>
    %get3A_47 = vector.shape_cast %get3A_46 : vector<1x3368x64xbf16> to vector<3368x64xbf16>
    %get3A_48 = arith.constant 3 : index
    %get3A_49 = arith.constant 0 : index
    %get3A_50 = arith.constant 0 : index
    %get3A_51 = vector.load %arg2[%get3A_48, %get3A_49, %get3A_50] : memref<9x64x128xf32, #tpu.memory_space<vmem>>, vector<1x64x128xf32>
    %get3A_52 = vector.shape_cast %get3A_51 : vector<1x64x128xf32> to vector<64x128xf32>
    %convert_element_type3A_53 = arith.truncf %get3A_52 : vector<64x128xf32> to vector<64x128xbf16>
    %dot_general3A_54 = arith.constant dense<0.000000e+00> : vector<3368x128xf32>
    %dot_general3A_55 = tpu.matmul %get3A_47, %convert_element_type3A_53, %dot_general3A_54 {dimension_numbers = #tpu.dot_dimension_numbers<[1], [0], [0], [1], [0, 0, 1, 1], [], []>, transpose_lhs_hint = false} : vector<3368x64xbf16>, vector<64x128xbf16>, vector<3368x128xf32> -> vector<3368x128xf32>
    %add3A_56 = arith.addf %add3A_42, %dot_general3A_55 : vector<3368x128xf32>
    %get3A_57 = arith.constant 0 : index
    %get3A_58 = arith.constant 64 : index
    %get3A_59 = arith.constant 0 : index
    %get3A_60 = vector.load %arg1[%get3A_57, %get3A_58, %get3A_59] : memref<1x3496x64xbf16, #tpu.memory_space<vmem>>, vector<1x3368x64xbf16>
    %get3A_61 = vector.shape_cast %get3A_60 : vector<1x3368x64xbf16> to vector<3368x64xbf16>
    %get3A_62 = arith.constant 4 : index
    %get3A_63 = arith.constant 0 : index
    %get3A_64 = arith.constant 0 : index
    %get3A_65 = vector.load %arg2[%get3A_62, %get3A_63, %get3A_64] : memref<9x64x128xf32, #tpu.memory_space<vmem>>, vector<1x64x128xf32>
    %get3A_66 = vector.shape_cast %get3A_65 : vector<1x64x128xf32> to vector<64x128xf32>
    %convert_element_type3A_67 = arith.truncf %get3A_66 : vector<64x128xf32> to vector<64x128xbf16>
    %dot_general3A_68 = arith.constant dense<0.000000e+00> : vector<3368x128xf32>
    %dot_general3A_69 = tpu.matmul %get3A_61, %convert_element_type3A_67, %dot_general3A_68 {dimension_numbers = #tpu.dot_dimension_numbers<[1], [0], [0], [1], [0, 0, 1, 1], [], []>, transpose_lhs_hint = false} : vector<3368x64xbf16>, vector<64x128xbf16>, vector<3368x128xf32> -> vector<3368x128xf32>
    %add3A_70 = arith.addf %add3A_56, %dot_general3A_69 : vector<3368x128xf32>
    %get3A_71 = arith.constant 0 : index
    %get3A_72 = arith.constant 65 : index
    %get3A_73 = arith.constant 0 : index
    %get3A_74 = vector.load %arg1[%get3A_71, %get3A_72, %get3A_73] : memref<1x3496x64xbf16, #tpu.memory_space<vmem>>, vector<1x3368x64xbf16>
    %get3A_75 = vector.shape_cast %get3A_74 : vector<1x3368x64xbf16> to vector<3368x64xbf16>
    %get3A_76 = arith.constant 5 : index
    %get3A_77 = arith.constant 0 : index
    %get3A_78 = arith.constant 0 : index
    %get3A_79 = vector.load %arg2[%get3A_76, %get3A_77, %get3A_78] : memref<9x64x128xf32, #tpu.memory_space<vmem>>, vector<1x64x128xf32>
    %get3A_80 = vector.shape_cast %get3A_79 : vector<1x64x128xf32> to vector<64x128xf32>
    %convert_element_type3A_81 = arith.truncf %get3A_80 : vector<64x128xf32> to vector<64x128xbf16>
    %dot_general3A_82 = arith.constant dense<0.000000e+00> : vector<3368x128xf32>
    %dot_general3A_83 = tpu.matmul %get3A_75, %convert_element_type3A_81, %dot_general3A_82 {dimension_numbers = #tpu.dot_dimension_numbers<[1], [0], [0], [1], [0, 0, 1, 1], [], []>, transpose_lhs_hint = false} : vector<3368x64xbf16>, vector<64x128xbf16>, vector<3368x128xf32> -> vector<3368x128xf32>
    %add3A_84 = arith.addf %add3A_70, %dot_general3A_83 : vector<3368x128xf32>
    %get3A_85 = arith.constant 0 : index
    %get3A_86 = arith.constant 121 : index
    %get3A_87 = arith.constant 0 : index
    %get3A_88 = vector.load %arg1[%get3A_85, %get3A_86, %get3A_87] : memref<1x3496x64xbf16, #tpu.memory_space<vmem>>, vector<1x3368x64xbf16>
    %get3A_89 = vector.shape_cast %get3A_88 : vector<1x3368x64xbf16> to vector<3368x64xbf16>
    %get3A_90 = arith.constant 6 : index
    %get3A_91 = arith.constant 0 : index
    %get3A_92 = arith.constant 0 : index
    %get3A_93 = vector.load %arg2[%get3A_90, %get3A_91, %get3A_92] : memref<9x64x128xf32, #tpu.memory_space<vmem>>, vector<1x64x128xf32>
    %get3A_94 = vector.shape_cast %get3A_93 : vector<1x64x128xf32> to vector<64x128xf32>
    %convert_element_type3A_95 = arith.truncf %get3A_94 : vector<64x128xf32> to vector<64x128xbf16>
    %dot_general3A_96 = arith.constant dense<0.000000e+00> : vector<3368x128xf32>
    %dot_general3A_97 = tpu.matmul %get3A_89, %convert_element_type3A_95, %dot_general3A_96 {dimension_numbers = #tpu.dot_dimension_numbers<[1], [0], [0], [1], [0, 0, 1, 1], [], []>, transpose_lhs_hint = false} : vector<3368x64xbf16>, vector<64x128xbf16>, vector<3368x128xf32> -> vector<3368x128xf32>
    %add3A_98 = arith.addf %add3A_84, %dot_general3A_97 : vector<3368x128xf32>
    %get3A_99 = arith.constant 0 : index
    %get3A_100 = arith.constant 122 : index
    %get3A_101 = arith.constant 0 : index
    %get3A_102 = vector.load %arg1[%get3A_99, %get3A_100, %get3A_101] : memref<1x3496x64xbf16, #tpu.memory_space<vmem>>, vector<1x3368x64xbf16>
    %get3A_103 = vector.shape_cast %get3A_102 : vector<1x3368x64xbf16> to vector<3368x64xbf16>
    %get3A_104 = arith.constant 7 : index
    %get3A_105 = arith.constant 0 : index
    %get3A_106 = arith.constant 0 : index
    %get3A_107 = vector.load %arg2[%get3A_104, %get3A_105, %get3A_106] : memref<9x64x128xf32, #tpu.memory_space<vmem>>, vector<1x64x128xf32>
    %get3A_108 = vector.shape_cast %get3A_107 : vector<1x64x128xf32> to vector<64x128xf32>
    %convert_element_type3A_109 = arith.truncf %get3A_108 : vector<64x128xf32> to vector<64x128xbf16>
    %dot_general3A_110 = arith.constant dense<0.000000e+00> : vector<3368x128xf32>
    %dot_general3A_111 = tpu.matmul %get3A_103, %convert_element_type3A_109, %dot_general3A_110 {dimension_numbers = #tpu.dot_dimension_numbers<[1], [0], [0], [1], [0, 0, 1, 1], [], []>, transpose_lhs_hint = false} : vector<3368x64xbf16>, vector<64x128xbf16>, vector<3368x128xf32> -> vector<3368x128xf32>
    %add3A_112 = arith.addf %add3A_98, %dot_general3A_111 : vector<3368x128xf32>
    %get3A_113 = arith.constant 0 : index
    %get3A_114 = arith.constant 123 : index
    %get3A_115 = arith.constant 0 : index
    %get3A_116 = vector.load %arg1[%get3A_113, %get3A_114, %get3A_115] : memref<1x3496x64xbf16, #tpu.memory_space<vmem>>, vector<1x3368x64xbf16>
    %get3A_117 = vector.shape_cast %get3A_116 : vector<1x3368x64xbf16> to vector<3368x64xbf16>
    %get3A_118 = arith.constant 8 : index
    %get3A_119 = arith.constant 0 : index
    %get3A_120 = arith.constant 0 : index
    %get3A_121 = vector.load %arg2[%get3A_118, %get3A_119, %get3A_120] : memref<9x64x128xf32, #tpu.memory_space<vmem>>, vector<1x64x128xf32>
    %get3A_122 = vector.shape_cast %get3A_121 : vector<1x64x128xf32> to vector<64x128xf32>
    %convert_element_type3A_123 = arith.truncf %get3A_122 : vector<64x128xf32> to vector<64x128xbf16>
    %dot_general3A_124 = arith.constant dense<0.000000e+00> : vector<3368x128xf32>
    %dot_general3A_125 = tpu.matmul %get3A_117, %convert_element_type3A_123, %dot_general3A_124 {dimension_numbers = #tpu.dot_dimension_numbers<[1], [0], [0], [1], [0, 0, 1, 1], [], []>, transpose_lhs_hint = false} : vector<3368x64xbf16>, vector<64x128xbf16>, vector<3368x128xf32> -> vector<3368x128xf32>
    %add3A_126 = arith.addf %add3A_112, %dot_general3A_125 : vector<3368x128xf32>
    %get3A_127 = arith.constant 0 : index
    %get3A_128 = arith.constant 0 : index
    %get3A_129 = vector.load %arg3[%get3A_127, %get3A_128] : memref<1x128xf32, #tpu.memory_space<vmem>>, vector<1x128xf32>
    %add3A_130 = vector.broadcast %get3A_129 : vector<1x128xf32> to vector<3368x128xf32>
    %add3A_131 = arith.addf %add3A_126, %add3A_130 : vector<3368x128xf32>
    %mul3A = vector.broadcast %get3A_2 : vector<3368x1xf32> to vector<3368x128xf32>
    %mul3A_132 = arith.mulf %add3A_131, %mul3A : vector<3368x128xf32>
    %convert_element_type3A_133 = arith.truncf %mul3A_132 : vector<3368x128xf32> to vector<3368x128xbf16>
    %swap3A = arith.constant 64 : index
    %swap3A_134 = arith.constant 0 : index
    %swap3A_135 = vector.load %arg19[%swap3A, %swap3A_134] : memref<3496x128xbf16, #tpu.memory_space<vmem>>, vector<3368x128xbf16>
    tpu.vector_store %arg19[%swap3A, %swap3A_134], %convert_element_type3A_133 {strides = array<i32>} : memref<3496x128xbf16, #tpu.memory_space<vmem>>, vector<3368x128xbf16>,
    %convert_element_type3A_136 = arith.extui %eq3A_0 : i1 to i32
    %cond3A = arith.constant 0 : i32
    %cond3A_137 = arith.cmpi ne, %convert_element_type3A_136, %cond3A : i32
    scf.if %cond3A_137 {
      %broadcast_in_dim3A_733 = arith.constant 0.000000e+00 : bf16
      %broadcast_in_dim3A_734 = vector.broadcast %broadcast_in_dim3A_733 : bf16 to vector<64x128xbf16>
      %swap3A_735 = arith.constant 0 : index
      %swap3A_736 = arith.constant 0 : index
      %swap3A_737 = vector.load %arg19[%swap3A_735, %swap3A_736] : memref<3496x128xbf16, #tpu.memory_space<vmem>>, vector<64x128xbf16>
      tpu.vector_store %arg19[%swap3A_735, %swap3A_736], %broadcast_in_dim3A_734 {strides = array<i32>} : memref<3496x128xbf16, #tpu.memory_space<vmem>>, vector<64x128xbf16>,
      %broadcast_in_dim3A_738 = arith.constant 0.000000e+00 : bf16
      %broadcast_in_dim3A_739 = vector.broadcast %broadcast_in_dim3A_738 : bf16 to vector<64x128xbf16>
      %swap3A_740 = arith.constant 3432 : index
      %swap3A_741 = arith.constant 0 : index
      %swap3A_742 = vector.load %arg19[%swap3A_740, %swap3A_741] : memref<3496x128xbf16, #tpu.memory_space<vmem>>, vector<64x128xbf16>
      tpu.vector_store %arg19[%swap3A_740, %swap3A_741], %broadcast_in_dim3A_739 {strides = array<i32>} : memref<3496x128xbf16, #tpu.memory_space<vmem>>, vector<64x128xbf16>,
    } else {
    }
    %broadcast_in_dim3A_138 = arith.constant 0.000000e+00 : f32
    %broadcast_in_dim3A_139 = vector.broadcast %broadcast_in_dim3A_138 : f32 to vector<3368x32xf32>
    %get3A_140 = arith.constant 5 : index
    %get3A_141 = arith.constant 0 : index
    %get3A_142 = vector.load %arg19[%get3A_140, %get3A_141] : memref<3496x128xbf16, #tpu.memory_space<vmem>>, vector<3368x128xbf16>
    %max3A = arith.constant 0.000000e+00 : bf16
    %max3A_143 = vector.broadcast %max3A : bf16 to vector<3368x128xbf16>
    %max3A_144 = arith.maximumf %get3A_142, %max3A_143 : vector<3368x128xbf16>
    %get3A_145 = arith.constant 0 : index
    %get3A_146 = arith.constant 0 : index
    %get3A_147 = arith.constant 0 : index
    %get3A_148 = vector.load %arg4[%get3A_145, %get3A_146, %get3A_147] : memref<9x128x32xf32, #tpu.memory_space<vmem>>, vector<1x128x32xf32>
    %get3A_149 = vector.shape_cast %get3A_148 : vector<1x128x32xf32> to vector<128x32xf32>
    %convert_element_type3A_150 = arith.truncf %get3A_149 : vector<128x32xf32> to vector<128x32xbf16>
    %dot_general3A_151 = arith.constant dense<0.000000e+00> : vector<3368x32xf32>
    %dot_general3A_152 = tpu.matmul %max3A_144, %convert_element_type3A_150, %dot_general3A_151 {dimension_numbers = #tpu.dot_dimension_numbers<[1], [0], [0], [1], [0, 0, 1, 1], [], []>, transpose_lhs_hint = false} : vector<3368x128xbf16>, vector<128x32xbf16>, vector<3368x32xf32> -> vector<3368x32xf32>
    %add3A_153 = arith.addf %broadcast_in_dim3A_139, %dot_general3A_152 : vector<3368x32xf32>
    %get3A_154 = arith.constant 6 : index
    %get3A_155 = arith.constant 0 : index
    %get3A_156 = vector.load %arg19[%get3A_154, %get3A_155] : memref<3496x128xbf16, #tpu.memory_space<vmem>>, vector<3368x128xbf16>
    %max3A_157 = arith.constant 0.000000e+00 : bf16
    %max3A_158 = vector.broadcast %max3A_157 : bf16 to vector<3368x128xbf16>
    %max3A_159 = arith.maximumf %get3A_156, %max3A_158 : vector<3368x128xbf16>
    %get3A_160 = arith.constant 1 : index
    %get3A_161 = arith.constant 0 : index
    %get3A_162 = arith.constant 0 : index
    %get3A_163 = vector.load %arg4[%get3A_160, %get3A_161, %get3A_162] : memref<9x128x32xf32, #tpu.memory_space<vmem>>, vector<1x128x32xf32>
    %get3A_164 = vector.shape_cast %get3A_163 : vector<1x128x32xf32> to vector<128x32xf32>
    %convert_element_type3A_165 = arith.truncf %get3A_164 : vector<128x32xf32> to vector<128x32xbf16>
    %dot_general3A_166 = arith.constant dense<0.000000e+00> : vector<3368x32xf32>
    %dot_general3A_167 = tpu.matmul %max3A_159, %convert_element_type3A_165, %dot_general3A_166 {dimension_numbers = #tpu.dot_dimension_numbers<[1], [0], [0], [1], [0, 0, 1, 1], [], []>, transpose_lhs_hint = false} : vector<3368x128xbf16>, vector<128x32xbf16>, vector<3368x32xf32> -> vector<3368x32xf32>
    %add3A_168 = arith.addf %add3A_153, %dot_general3A_167 : vector<3368x32xf32>
    %get3A_169 = arith.constant 7 : index
    %get3A_170 = arith.constant 0 : index
    %get3A_171 = vector.load %arg19[%get3A_169, %get3A_170] : memref<3496x128xbf16, #tpu.memory_space<vmem>>, vector<3368x128xbf16>
    %max3A_172 = arith.constant 0.000000e+00 : bf16
    %max3A_173 = vector.broadcast %max3A_172 : bf16 to vector<3368x128xbf16>
    %max3A_174 = arith.maximumf %get3A_171, %max3A_173 : vector<3368x128xbf16>
    %get3A_175 = arith.constant 2 : index
    %get3A_176 = arith.constant 0 : index
    %get3A_177 = arith.constant 0 : index
    %get3A_178 = vector.load %arg4[%get3A_175, %get3A_176, %get3A_177] : memref<9x128x32xf32, #tpu.memory_space<vmem>>, vector<1x128x32xf32>
    %get3A_179 = vector.shape_cast %get3A_178 : vector<1x128x32xf32> to vector<128x32xf32>
    %convert_element_type3A_180 = arith.truncf %get3A_179 : vector<128x32xf32> to vector<128x32xbf16>
    %dot_general3A_181 = arith.constant dense<0.000000e+00> : vector<3368x32xf32>
    %dot_general3A_182 = tpu.matmul %max3A_174, %convert_element_type3A_180, %dot_general3A_181 {dimension_numbers = #tpu.dot_dimension_numbers<[1], [0], [0], [1], [0, 0, 1, 1], [], []>, transpose_lhs_hint = false} : vector<3368x128xbf16>, vector<128x32xbf16>, vector<3368x32xf32> -> vector<3368x32xf32>
    %add3A_183 = arith.addf %add3A_168, %dot_general3A_182 : vector<3368x32xf32>
    %get3A_184 = arith.constant 63 : index
    %get3A_185 = arith.constant 0 : index
    %get3A_186 = vector.load %arg19[%get3A_184, %get3A_185] : memref<3496x128xbf16, #tpu.memory_space<vmem>>, vector<3368x128xbf16>
    %max3A_187 = arith.constant 0.000000e+00 : bf16
    %max3A_188 = vector.broadcast %max3A_187 : bf16 to vector<3368x128xbf16>
    %max3A_189 = arith.maximumf %get3A_186, %max3A_188 : vector<3368x128xbf16>
    %get3A_190 = arith.constant 3 : index
    %get3A_191 = arith.constant 0 : index
    %get3A_192 = arith.constant 0 : index
    %get3A_193 = vector.load %arg4[%get3A_190, %get3A_191, %get3A_192] : memref<9x128x32xf32, #tpu.memory_space<vmem>>, vector<1x128x32xf32>
    %get3A_194 = vector.shape_cast %get3A_193 : vector<1x128x32xf32> to vector<128x32xf32>
    %convert_element_type3A_195 = arith.truncf %get3A_194 : vector<128x32xf32> to vector<128x32xbf16>
    %dot_general3A_196 = arith.constant dense<0.000000e+00> : vector<3368x32xf32>
    %dot_general3A_197 = tpu.matmul %max3A_189, %convert_element_type3A_195, %dot_general3A_196 {dimension_numbers = #tpu.dot_dimension_numbers<[1], [0], [0], [1], [0, 0, 1, 1], [], []>, transpose_lhs_hint = false} : vector<3368x128xbf16>, vector<128x32xbf16>, vector<3368x32xf32> -> vector<3368x32xf32>
    %add3A_198 = arith.addf %add3A_183, %dot_general3A_197 : vector<3368x32xf32>
    %get3A_199 = arith.constant 64 : index
    %get3A_200 = arith.constant 0 : index
    %get3A_201 = vector.load %arg19[%get3A_199, %get3A_200] : memref<3496x128xbf16, #tpu.memory_space<vmem>>, vector<3368x128xbf16>
    %max3A_202 = arith.constant 0.000000e+00 : bf16
    %max3A_203 = vector.broadcast %max3A_202 : bf16 to vector<3368x128xbf16>
    %max3A_204 = arith.maximumf %get3A_201, %max3A_203 : vector<3368x128xbf16>
    %get3A_205 = arith.constant 4 : index
    %get3A_206 = arith.constant 0 : index
    %get3A_207 = arith.constant 0 : index
    %get3A_208 = vector.load %arg4[%get3A_205, %get3A_206, %get3A_207] : memref<9x128x32xf32, #tpu.memory_space<vmem>>, vector<1x128x32xf32>
    %get3A_209 = vector.shape_cast %get3A_208 : vector<1x128x32xf32> to vector<128x32xf32>
    %convert_element_type3A_210 = arith.truncf %get3A_209 : vector<128x32xf32> to vector<128x32xbf16>
    %dot_general3A_211 = arith.constant dense<0.000000e+00> : vector<3368x32xf32>
    %dot_general3A_212 = tpu.matmul %max3A_204, %convert_element_type3A_210, %dot_general3A_211 {dimension_numbers = #tpu.dot_dimension_numbers<[1], [0], [0], [1], [0, 0, 1, 1], [], []>, transpose_lhs_hint = false} : vector<3368x128xbf16>, vector<128x32xbf16>, vector<3368x32xf32> -> vector<3368x32xf32>
    %add3A_213 = arith.addf %add3A_198, %dot_general3A_212 : vector<3368x32xf32>
    %get3A_214 = arith.constant 65 : index
    %get3A_215 = arith.constant 0 : index
    %get3A_216 = vector.load %arg19[%get3A_214, %get3A_215] : memref<3496x128xbf16, #tpu.memory_space<vmem>>, vector<3368x128xbf16>
    %max3A_217 = arith.constant 0.000000e+00 : bf16
    %max3A_218 = vector.broadcast %max3A_217 : bf16 to vector<3368x128xbf16>
    %max3A_219 = arith.maximumf %get3A_216, %max3A_218 : vector<3368x128xbf16>
    %get3A_220 = arith.constant 5 : index
    %get3A_221 = arith.constant 0 : index
    %get3A_222 = arith.constant 0 : index
    %get3A_223 = vector.load %arg4[%get3A_220, %get3A_221, %get3A_222] : memref<9x128x32xf32, #tpu.memory_space<vmem>>, vector<1x128x32xf32>
    %get3A_224 = vector.shape_cast %get3A_223 : vector<1x128x32xf32> to vector<128x32xf32>
    %convert_element_type3A_225 = arith.truncf %get3A_224 : vector<128x32xf32> to vector<128x32xbf16>
    %dot_general3A_226 = arith.constant dense<0.000000e+00> : vector<3368x32xf32>
    %dot_general3A_227 = tpu.matmul %max3A_219, %convert_element_type3A_225, %dot_general3A_226 {dimension_numbers = #tpu.dot_dimension_numbers<[1], [0], [0], [1], [0, 0, 1, 1], [], []>, transpose_lhs_hint = false} : vector<3368x128xbf16>, vector<128x32xbf16>, vector<3368x32xf32> -> vector<3368x32xf32>
    %add3A_228 = arith.addf %add3A_213, %dot_general3A_227 : vector<3368x32xf32>
    %get3A_229 = arith.constant 121 : index
    %get3A_230 = arith.constant 0 : index
    %get3A_231 = vector.load %arg19[%get3A_229, %get3A_230] : memref<3496x128xbf16, #tpu.memory_space<vmem>>, vector<3368x128xbf16>
    %max3A_232 = arith.constant 0.000000e+00 : bf16
    %max3A_233 = vector.broadcast %max3A_232 : bf16 to vector<3368x128xbf16>
    %max3A_234 = arith.maximumf %get3A_231, %max3A_233 : vector<3368x128xbf16>
    %get3A_235 = arith.constant 6 : index
    %get3A_236 = arith.constant 0 : index
    %get3A_237 = arith.constant 0 : index
    %get3A_238 = vector.load %arg4[%get3A_235, %get3A_236, %get3A_237] : memref<9x128x32xf32, #tpu.memory_space<vmem>>, vector<1x128x32xf32>
    %get3A_239 = vector.shape_cast %get3A_238 : vector<1x128x32xf32> to vector<128x32xf32>
    %convert_element_type3A_240 = arith.truncf %get3A_239 : vector<128x32xf32> to vector<128x32xbf16>
    %dot_general3A_241 = arith.constant dense<0.000000e+00> : vector<3368x32xf32>
    %dot_general3A_242 = tpu.matmul %max3A_234, %convert_element_type3A_240, %dot_general3A_241 {dimension_numbers = #tpu.dot_dimension_numbers<[1], [0], [0], [1], [0, 0, 1, 1], [], []>, transpose_lhs_hint = false} : vector<3368x128xbf16>, vector<128x32xbf16>, vector<3368x32xf32> -> vector<3368x32xf32>
    %add3A_243 = arith.addf %add3A_228, %dot_general3A_242 : vector<3368x32xf32>
    %get3A_244 = arith.constant 122 : index
    %get3A_245 = arith.constant 0 : index
    %get3A_246 = vector.load %arg19[%get3A_244, %get3A_245] : memref<3496x128xbf16, #tpu.memory_space<vmem>>, vector<3368x128xbf16>
    %max3A_247 = arith.constant 0.000000e+00 : bf16
    %max3A_248 = vector.broadcast %max3A_247 : bf16 to vector<3368x128xbf16>
    %max3A_249 = arith.maximumf %get3A_246, %max3A_248 : vector<3368x128xbf16>
    %get3A_250 = arith.constant 7 : index
    %get3A_251 = arith.constant 0 : index
    %get3A_252 = arith.constant 0 : index
    %get3A_253 = vector.load %arg4[%get3A_250, %get3A_251, %get3A_252] : memref<9x128x32xf32, #tpu.memory_space<vmem>>, vector<1x128x32xf32>
    %get3A_254 = vector.shape_cast %get3A_253 : vector<1x128x32xf32> to vector<128x32xf32>
    %convert_element_type3A_255 = arith.truncf %get3A_254 : vector<128x32xf32> to vector<128x32xbf16>
    %dot_general3A_256 = arith.constant dense<0.000000e+00> : vector<3368x32xf32>
    %dot_general3A_257 = tpu.matmul %max3A_249, %convert_element_type3A_255, %dot_general3A_256 {dimension_numbers = #tpu.dot_dimension_numbers<[1], [0], [0], [1], [0, 0, 1, 1], [], []>, transpose_lhs_hint = false} : vector<3368x128xbf16>, vector<128x32xbf16>, vector<3368x32xf32> -> vector<3368x32xf32>
    %add3A_258 = arith.addf %add3A_243, %dot_general3A_257 : vector<3368x32xf32>
    %get3A_259 = arith.constant 123 : index
    %get3A_260 = arith.constant 0 : index
    %get3A_261 = vector.load %arg19[%get3A_259, %get3A_260] : memref<3496x128xbf16, #tpu.memory_space<vmem>>, vector<3368x128xbf16>
    %max3A_262 = arith.constant 0.000000e+00 : bf16
    %max3A_263 = vector.broadcast %max3A_262 : bf16 to vector<3368x128xbf16>
    %max3A_264 = arith.maximumf %get3A_261, %max3A_263 : vector<3368x128xbf16>
    %get3A_265 = arith.constant 8 : index
    %get3A_266 = arith.constant 0 : index
    %get3A_267 = arith.constant 0 : index
    %get3A_268 = vector.load %arg4[%get3A_265, %get3A_266, %get3A_267] : memref<9x128x32xf32, #tpu.memory_space<vmem>>, vector<1x128x32xf32>
    %get3A_269 = vector.shape_cast %get3A_268 : vector<1x128x32xf32> to vector<128x32xf32>
    %convert_element_type3A_270 = arith.truncf %get3A_269 : vector<128x32xf32> to vector<128x32xbf16>
    %dot_general3A_271 = arith.constant dense<0.000000e+00> : vector<3368x32xf32>
    %dot_general3A_272 = tpu.matmul %max3A_264, %convert_element_type3A_270, %dot_general3A_271 {dimension_numbers = #tpu.dot_dimension_numbers<[1], [0], [0], [1], [0, 0, 1, 1], [], []>, transpose_lhs_hint = false} : vector<3368x128xbf16>, vector<128x32xbf16>, vector<3368x32xf32> -> vector<3368x32xf32>
    %add3A_273 = arith.addf %add3A_258, %dot_general3A_272 : vector<3368x32xf32>
    %get3A_274 = arith.constant 0 : index
    %get3A_275 = arith.constant 0 : index
    %get3A_276 = vector.load %arg5[%get3A_274, %get3A_275] : memref<1x32xf32, #tpu.memory_space<vmem>>, vector<1x32xf32>
    %add3A_277 = vector.broadcast %get3A_276 : vector<1x32xf32> to vector<3368x32xf32>
    %add3A_278 = arith.addf %add3A_273, %add3A_277 : vector<3368x32xf32>
    %max3A_279 = arith.constant 0.000000e+00 : f32
    %max3A_280 = vector.broadcast %max3A_279 : f32 to vector<3368x32xf32>
    %max3A_281 = arith.maximumf %add3A_278, %max3A_280 : vector<3368x32xf32>
    %get3A_282 = arith.constant 64 : index
    %get3A_283 = arith.constant 0 : index
    %get3A_284 = vector.load %arg19[%get3A_282, %get3A_283] : memref<3496x128xbf16, #tpu.memory_space<vmem>>, vector<3368x128xbf16>
    %convert_element_type3A_285 = arith.truncf %max3A_281 : vector<3368x32xf32> to vector<3368x32xbf16>
    %get3A_286 = arith.constant 0 : index
    %get3A_287 = arith.constant 0 : index
    %get3A_288 = vector.load %arg6[%get3A_286, %get3A_287] : memref<32x128xf32, #tpu.memory_space<vmem>>, vector<32x128xf32>
    %convert_element_type3A_289 = arith.truncf %get3A_288 : vector<32x128xf32> to vector<32x128xbf16>
    %dot_general3A_290 = arith.constant dense<0.000000e+00> : vector<3368x128xf32>
    %dot_general3A_291 = tpu.matmul %convert_element_type3A_285, %convert_element_type3A_289, %dot_general3A_290 {dimension_numbers = #tpu.dot_dimension_numbers<[1], [0], [0], [1], [0, 0, 1, 1], [], []>, transpose_lhs_hint = false} : vector<3368x32xbf16>, vector<32x128xbf16>, vector<3368x128xf32> -> vector<3368x128xf32>
    %convert_element_type3A_292 = arith.extf %get3A_284 : vector<3368x128xbf16> to vector<3368x128xf32>
    %add3A_293 = arith.addf %convert_element_type3A_292, %dot_general3A_291 : vector<3368x128xf32>
    %get3A_294 = arith.constant 0 : index
    %get3A_295 = arith.constant 0 : index
    %get3A_296 = vector.load %arg7[%get3A_294, %get3A_295] : memref<1x128xf32, #tpu.memory_space<vmem>>, vector<1x128xf32>
    %add3A_297 = vector.broadcast %get3A_296 : vector<1x128xf32> to vector<3368x128xf32>
    %add3A_298 = arith.addf %add3A_293, %add3A_297 : vector<3368x128xf32>
    %mul3A_299 = vector.broadcast %get3A_2 : vector<3368x1xf32> to vector<3368x128xf32>
    %mul3A_300 = arith.mulf %add3A_298, %mul3A_299 : vector<3368x128xf32>
    %convert_element_type3A_301 = arith.truncf %mul3A_300 : vector<3368x128xf32> to vector<3368x128xbf16>
    %swap3A_302 = arith.constant 64 : index
    %swap3A_303 = arith.constant 0 : index
    %swap3A_304 = vector.load %arg20[%swap3A_302, %swap3A_303] : memref<3496x128xbf16, #tpu.memory_space<vmem>>, vector<3368x128xbf16>
    tpu.vector_store %arg20[%swap3A_302, %swap3A_303], %convert_element_type3A_301 {strides = array<i32>} : memref<3496x128xbf16, #tpu.memory_space<vmem>>, vector<3368x128xbf16>,
    %convert_element_type3A_305 = arith.extui %eq3A_0 : i1 to i32
    %cond3A_306 = arith.constant 0 : i32
    %cond3A_307 = arith.cmpi ne, %convert_element_type3A_305, %cond3A_306 : i32
    scf.if %cond3A_307 {
      %broadcast_in_dim3A_733 = arith.constant 0.000000e+00 : bf16
      %broadcast_in_dim3A_734 = vector.broadcast %broadcast_in_dim3A_733 : bf16 to vector<64x128xbf16>
      %swap3A_735 = arith.constant 0 : index
      %swap3A_736 = arith.constant 0 : index
      %swap3A_737 = vector.load %arg20[%swap3A_735, %swap3A_736] : memref<3496x128xbf16, #tpu.memory_space<vmem>>, vector<64x128xbf16>
      tpu.vector_store %arg20[%swap3A_735, %swap3A_736], %broadcast_in_dim3A_734 {strides = array<i32>} : memref<3496x128xbf16, #tpu.memory_space<vmem>>, vector<64x128xbf16>,
      %broadcast_in_dim3A_738 = arith.constant 0.000000e+00 : bf16
      %broadcast_in_dim3A_739 = vector.broadcast %broadcast_in_dim3A_738 : bf16 to vector<64x128xbf16>
      %swap3A_740 = arith.constant 3432 : index
      %swap3A_741 = arith.constant 0 : index
      %swap3A_742 = vector.load %arg20[%swap3A_740, %swap3A_741] : memref<3496x128xbf16, #tpu.memory_space<vmem>>, vector<64x128xbf16>
      tpu.vector_store %arg20[%swap3A_740, %swap3A_741], %broadcast_in_dim3A_739 {strides = array<i32>} : memref<3496x128xbf16, #tpu.memory_space<vmem>>, vector<64x128xbf16>,
    } else {
    }
    %broadcast_in_dim3A_308 = arith.constant 0.000000e+00 : f32
    %broadcast_in_dim3A_309 = vector.broadcast %broadcast_in_dim3A_308 : f32 to vector<3368x32xf32>
    %get3A_310 = arith.constant 5 : index
    %get3A_311 = arith.constant 0 : index
    %get3A_312 = vector.load %arg20[%get3A_310, %get3A_311] : memref<3496x128xbf16, #tpu.memory_space<vmem>>, vector<3368x128xbf16>
    %max3A_313 = arith.constant 0.000000e+00 : bf16
    %max3A_314 = vector.broadcast %max3A_313 : bf16 to vector<3368x128xbf16>
    %max3A_315 = arith.maximumf %get3A_312, %max3A_314 : vector<3368x128xbf16>
    %get3A_316 = arith.constant 0 : index
    %get3A_317 = arith.constant 0 : index
    %get3A_318 = arith.constant 0 : index
    %get3A_319 = vector.load %arg8[%get3A_316, %get3A_317, %get3A_318] : memref<9x128x32xf32, #tpu.memory_space<vmem>>, vector<1x128x32xf32>
    %get3A_320 = vector.shape_cast %get3A_319 : vector<1x128x32xf32> to vector<128x32xf32>
    %convert_element_type3A_321 = arith.truncf %get3A_320 : vector<128x32xf32> to vector<128x32xbf16>
    %dot_general3A_322 = arith.constant dense<0.000000e+00> : vector<3368x32xf32>
    %dot_general3A_323 = tpu.matmul %max3A_315, %convert_element_type3A_321, %dot_general3A_322 {dimension_numbers = #tpu.dot_dimension_numbers<[1], [0], [0], [1], [0, 0, 1, 1], [], []>, transpose_lhs_hint = false} : vector<3368x128xbf16>, vector<128x32xbf16>, vector<3368x32xf32> -> vector<3368x32xf32>
    %add3A_324 = arith.addf %broadcast_in_dim3A_309, %dot_general3A_323 : vector<3368x32xf32>
    %get3A_325 = arith.constant 6 : index
    %get3A_326 = arith.constant 0 : index
    %get3A_327 = vector.load %arg20[%get3A_325, %get3A_326] : memref<3496x128xbf16, #tpu.memory_space<vmem>>, vector<3368x128xbf16>
    %max3A_328 = arith.constant 0.000000e+00 : bf16
    %max3A_329 = vector.broadcast %max3A_328 : bf16 to vector<3368x128xbf16>
    %max3A_330 = arith.maximumf %get3A_327, %max3A_329 : vector<3368x128xbf16>
    %get3A_331 = arith.constant 1 : index
    %get3A_332 = arith.constant 0 : index
    %get3A_333 = arith.constant 0 : index
    %get3A_334 = vector.load %arg8[%get3A_331, %get3A_332, %get3A_333] : memref<9x128x32xf32, #tpu.memory_space<vmem>>, vector<1x128x32xf32>
    %get3A_335 = vector.shape_cast %get3A_334 : vector<1x128x32xf32> to vector<128x32xf32>
    %convert_element_type3A_336 = arith.truncf %get3A_335 : vector<128x32xf32> to vector<128x32xbf16>
    %dot_general3A_337 = arith.constant dense<0.000000e+00> : vector<3368x32xf32>
    %dot_general3A_338 = tpu.matmul %max3A_330, %convert_element_type3A_336, %dot_general3A_337 {dimension_numbers = #tpu.dot_dimension_numbers<[1], [0], [0], [1], [0, 0, 1, 1], [], []>, transpose_lhs_hint = false} : vector<3368x128xbf16>, vector<128x32xbf16>, vector<3368x32xf32> -> vector<3368x32xf32>
    %add3A_339 = arith.addf %add3A_324, %dot_general3A_338 : vector<3368x32xf32>
    %get3A_340 = arith.constant 7 : index
    %get3A_341 = arith.constant 0 : index
    %get3A_342 = vector.load %arg20[%get3A_340, %get3A_341] : memref<3496x128xbf16, #tpu.memory_space<vmem>>, vector<3368x128xbf16>
    %max3A_343 = arith.constant 0.000000e+00 : bf16
    %max3A_344 = vector.broadcast %max3A_343 : bf16 to vector<3368x128xbf16>
    %max3A_345 = arith.maximumf %get3A_342, %max3A_344 : vector<3368x128xbf16>
    %get3A_346 = arith.constant 2 : index
    %get3A_347 = arith.constant 0 : index
    %get3A_348 = arith.constant 0 : index
    %get3A_349 = vector.load %arg8[%get3A_346, %get3A_347, %get3A_348] : memref<9x128x32xf32, #tpu.memory_space<vmem>>, vector<1x128x32xf32>
    %get3A_350 = vector.shape_cast %get3A_349 : vector<1x128x32xf32> to vector<128x32xf32>
    %convert_element_type3A_351 = arith.truncf %get3A_350 : vector<128x32xf32> to vector<128x32xbf16>
    %dot_general3A_352 = arith.constant dense<0.000000e+00> : vector<3368x32xf32>
    %dot_general3A_353 = tpu.matmul %max3A_345, %convert_element_type3A_351, %dot_general3A_352 {dimension_numbers = #tpu.dot_dimension_numbers<[1], [0], [0], [1], [0, 0, 1, 1], [], []>, transpose_lhs_hint = false} : vector<3368x128xbf16>, vector<128x32xbf16>, vector<3368x32xf32> -> vector<3368x32xf32>
    %add3A_354 = arith.addf %add3A_339, %dot_general3A_353 : vector<3368x32xf32>
    %get3A_355 = arith.constant 63 : index
    %get3A_356 = arith.constant 0 : index
    %get3A_357 = vector.load %arg20[%get3A_355, %get3A_356] : memref<3496x128xbf16, #tpu.memory_space<vmem>>, vector<3368x128xbf16>
    %max3A_358 = arith.constant 0.000000e+00 : bf16
    %max3A_359 = vector.broadcast %max3A_358 : bf16 to vector<3368x128xbf16>
    %max3A_360 = arith.maximumf %get3A_357, %max3A_359 : vector<3368x128xbf16>
    %get3A_361 = arith.constant 3 : index
    %get3A_362 = arith.constant 0 : index
    %get3A_363 = arith.constant 0 : index
    %get3A_364 = vector.load %arg8[%get3A_361, %get3A_362, %get3A_363] : memref<9x128x32xf32, #tpu.memory_space<vmem>>, vector<1x128x32xf32>
    %get3A_365 = vector.shape_cast %get3A_364 : vector<1x128x32xf32> to vector<128x32xf32>
    %convert_element_type3A_366 = arith.truncf %get3A_365 : vector<128x32xf32> to vector<128x32xbf16>
    %dot_general3A_367 = arith.constant dense<0.000000e+00> : vector<3368x32xf32>
    %dot_general3A_368 = tpu.matmul %max3A_360, %convert_element_type3A_366, %dot_general3A_367 {dimension_numbers = #tpu.dot_dimension_numbers<[1], [0], [0], [1], [0, 0, 1, 1], [], []>, transpose_lhs_hint = false} : vector<3368x128xbf16>, vector<128x32xbf16>, vector<3368x32xf32> -> vector<3368x32xf32>
    %add3A_369 = arith.addf %add3A_354, %dot_general3A_368 : vector<3368x32xf32>
    %get3A_370 = arith.constant 64 : index
    %get3A_371 = arith.constant 0 : index
    %get3A_372 = vector.load %arg20[%get3A_370, %get3A_371] : memref<3496x128xbf16, #tpu.memory_space<vmem>>, vector<3368x128xbf16>
    %max3A_373 = arith.constant 0.000000e+00 : bf16
    %max3A_374 = vector.broadcast %max3A_373 : bf16 to vector<3368x128xbf16>
    %max3A_375 = arith.maximumf %get3A_372, %max3A_374 : vector<3368x128xbf16>
    %get3A_376 = arith.constant 4 : index
    %get3A_377 = arith.constant 0 : index
    %get3A_378 = arith.constant 0 : index
    %get3A_379 = vector.load %arg8[%get3A_376, %get3A_377, %get3A_378] : memref<9x128x32xf32, #tpu.memory_space<vmem>>, vector<1x128x32xf32>
    %get3A_380 = vector.shape_cast %get3A_379 : vector<1x128x32xf32> to vector<128x32xf32>
    %convert_element_type3A_381 = arith.truncf %get3A_380 : vector<128x32xf32> to vector<128x32xbf16>
    %dot_general3A_382 = arith.constant dense<0.000000e+00> : vector<3368x32xf32>
    %dot_general3A_383 = tpu.matmul %max3A_375, %convert_element_type3A_381, %dot_general3A_382 {dimension_numbers = #tpu.dot_dimension_numbers<[1], [0], [0], [1], [0, 0, 1, 1], [], []>, transpose_lhs_hint = false} : vector<3368x128xbf16>, vector<128x32xbf16>, vector<3368x32xf32> -> vector<3368x32xf32>
    %add3A_384 = arith.addf %add3A_369, %dot_general3A_383 : vector<3368x32xf32>
    %get3A_385 = arith.constant 65 : index
    %get3A_386 = arith.constant 0 : index
    %get3A_387 = vector.load %arg20[%get3A_385, %get3A_386] : memref<3496x128xbf16, #tpu.memory_space<vmem>>, vector<3368x128xbf16>
    %max3A_388 = arith.constant 0.000000e+00 : bf16
    %max3A_389 = vector.broadcast %max3A_388 : bf16 to vector<3368x128xbf16>
    %max3A_390 = arith.maximumf %get3A_387, %max3A_389 : vector<3368x128xbf16>
    %get3A_391 = arith.constant 5 : index
    %get3A_392 = arith.constant 0 : index
    %get3A_393 = arith.constant 0 : index
    %get3A_394 = vector.load %arg8[%get3A_391, %get3A_392, %get3A_393] : memref<9x128x32xf32, #tpu.memory_space<vmem>>, vector<1x128x32xf32>
    %get3A_395 = vector.shape_cast %get3A_394 : vector<1x128x32xf32> to vector<128x32xf32>
    %convert_element_type3A_396 = arith.truncf %get3A_395 : vector<128x32xf32> to vector<128x32xbf16>
    %dot_general3A_397 = arith.constant dense<0.000000e+00> : vector<3368x32xf32>
    %dot_general3A_398 = tpu.matmul %max3A_390, %convert_element_type3A_396, %dot_general3A_397 {dimension_numbers = #tpu.dot_dimension_numbers<[1], [0], [0], [1], [0, 0, 1, 1], [], []>, transpose_lhs_hint = false} : vector<3368x128xbf16>, vector<128x32xbf16>, vector<3368x32xf32> -> vector<3368x32xf32>
    %add3A_399 = arith.addf %add3A_384, %dot_general3A_398 : vector<3368x32xf32>
    %get3A_400 = arith.constant 121 : index
    %get3A_401 = arith.constant 0 : index
    %get3A_402 = vector.load %arg20[%get3A_400, %get3A_401] : memref<3496x128xbf16, #tpu.memory_space<vmem>>, vector<3368x128xbf16>
    %max3A_403 = arith.constant 0.000000e+00 : bf16
    %max3A_404 = vector.broadcast %max3A_403 : bf16 to vector<3368x128xbf16>
    %max3A_405 = arith.maximumf %get3A_402, %max3A_404 : vector<3368x128xbf16>
    %get3A_406 = arith.constant 6 : index
    %get3A_407 = arith.constant 0 : index
    %get3A_408 = arith.constant 0 : index
    %get3A_409 = vector.load %arg8[%get3A_406, %get3A_407, %get3A_408] : memref<9x128x32xf32, #tpu.memory_space<vmem>>, vector<1x128x32xf32>
    %get3A_410 = vector.shape_cast %get3A_409 : vector<1x128x32xf32> to vector<128x32xf32>
    %convert_element_type3A_411 = arith.truncf %get3A_410 : vector<128x32xf32> to vector<128x32xbf16>
    %dot_general3A_412 = arith.constant dense<0.000000e+00> : vector<3368x32xf32>
    %dot_general3A_413 = tpu.matmul %max3A_405, %convert_element_type3A_411, %dot_general3A_412 {dimension_numbers = #tpu.dot_dimension_numbers<[1], [0], [0], [1], [0, 0, 1, 1], [], []>, transpose_lhs_hint = false} : vector<3368x128xbf16>, vector<128x32xbf16>, vector<3368x32xf32> -> vector<3368x32xf32>
    %add3A_414 = arith.addf %add3A_399, %dot_general3A_413 : vector<3368x32xf32>
    %get3A_415 = arith.constant 122 : index
    %get3A_416 = arith.constant 0 : index
    %get3A_417 = vector.load %arg20[%get3A_415, %get3A_416] : memref<3496x128xbf16, #tpu.memory_space<vmem>>, vector<3368x128xbf16>
    %max3A_418 = arith.constant 0.000000e+00 : bf16
    %max3A_419 = vector.broadcast %max3A_418 : bf16 to vector<3368x128xbf16>
    %max3A_420 = arith.maximumf %get3A_417, %max3A_419 : vector<3368x128xbf16>
    %get3A_421 = arith.constant 7 : index
    %get3A_422 = arith.constant 0 : index
    %get3A_423 = arith.constant 0 : index
    %get3A_424 = vector.load %arg8[%get3A_421, %get3A_422, %get3A_423] : memref<9x128x32xf32, #tpu.memory_space<vmem>>, vector<1x128x32xf32>
    %get3A_425 = vector.shape_cast %get3A_424 : vector<1x128x32xf32> to vector<128x32xf32>
    %convert_element_type3A_426 = arith.truncf %get3A_425 : vector<128x32xf32> to vector<128x32xbf16>
    %dot_general3A_427 = arith.constant dense<0.000000e+00> : vector<3368x32xf32>
    %dot_general3A_428 = tpu.matmul %max3A_420, %convert_element_type3A_426, %dot_general3A_427 {dimension_numbers = #tpu.dot_dimension_numbers<[1], [0], [0], [1], [0, 0, 1, 1], [], []>, transpose_lhs_hint = false} : vector<3368x128xbf16>, vector<128x32xbf16>, vector<3368x32xf32> -> vector<3368x32xf32>
    %add3A_429 = arith.addf %add3A_414, %dot_general3A_428 : vector<3368x32xf32>
    %get3A_430 = arith.constant 123 : index
    %get3A_431 = arith.constant 0 : index
    %get3A_432 = vector.load %arg20[%get3A_430, %get3A_431] : memref<3496x128xbf16, #tpu.memory_space<vmem>>, vector<3368x128xbf16>
    %max3A_433 = arith.constant 0.000000e+00 : bf16
    %max3A_434 = vector.broadcast %max3A_433 : bf16 to vector<3368x128xbf16>
    %max3A_435 = arith.maximumf %get3A_432, %max3A_434 : vector<3368x128xbf16>
    %get3A_436 = arith.constant 8 : index
    %get3A_437 = arith.constant 0 : index
    %get3A_438 = arith.constant 0 : index
    %get3A_439 = vector.load %arg8[%get3A_436, %get3A_437, %get3A_438] : memref<9x128x32xf32, #tpu.memory_space<vmem>>, vector<1x128x32xf32>
    %get3A_440 = vector.shape_cast %get3A_439 : vector<1x128x32xf32> to vector<128x32xf32>
    %convert_element_type3A_441 = arith.truncf %get3A_440 : vector<128x32xf32> to vector<128x32xbf16>
    %dot_general3A_442 = arith.constant dense<0.000000e+00> : vector<3368x32xf32>
    %dot_general3A_443 = tpu.matmul %max3A_435, %convert_element_type3A_441, %dot_general3A_442 {dimension_numbers = #tpu.dot_dimension_numbers<[1], [0], [0], [1], [0, 0, 1, 1], [], []>, transpose_lhs_hint = false} : vector<3368x128xbf16>, vector<128x32xbf16>, vector<3368x32xf32> -> vector<3368x32xf32>
    %add3A_444 = arith.addf %add3A_429, %dot_general3A_443 : vector<3368x32xf32>
    %get3A_445 = arith.constant 0 : index
    %get3A_446 = arith.constant 0 : index
    %get3A_447 = vector.load %arg9[%get3A_445, %get3A_446] : memref<1x32xf32, #tpu.memory_space<vmem>>, vector<1x32xf32>
    %add3A_448 = vector.broadcast %get3A_447 : vector<1x32xf32> to vector<3368x32xf32>
    %add3A_449 = arith.addf %add3A_444, %add3A_448 : vector<3368x32xf32>
    %max3A_450 = arith.constant 0.000000e+00 : f32
    %max3A_451 = vector.broadcast %max3A_450 : f32 to vector<3368x32xf32>
    %max3A_452 = arith.maximumf %add3A_449, %max3A_451 : vector<3368x32xf32>
    %get3A_453 = arith.constant 64 : index
    %get3A_454 = arith.constant 0 : index
    %get3A_455 = vector.load %arg20[%get3A_453, %get3A_454] : memref<3496x128xbf16, #tpu.memory_space<vmem>>, vector<3368x128xbf16>
    %convert_element_type3A_456 = arith.truncf %max3A_452 : vector<3368x32xf32> to vector<3368x32xbf16>
    %get3A_457 = arith.constant 0 : index
    %get3A_458 = arith.constant 0 : index
    %get3A_459 = vector.load %arg10[%get3A_457, %get3A_458] : memref<32x128xf32, #tpu.memory_space<vmem>>, vector<32x128xf32>
    %convert_element_type3A_460 = arith.truncf %get3A_459 : vector<32x128xf32> to vector<32x128xbf16>
    %dot_general3A_461 = arith.constant dense<0.000000e+00> : vector<3368x128xf32>
    %dot_general3A_462 = tpu.matmul %convert_element_type3A_456, %convert_element_type3A_460, %dot_general3A_461 {dimension_numbers = #tpu.dot_dimension_numbers<[1], [0], [0], [1], [0, 0, 1, 1], [], []>, transpose_lhs_hint = false} : vector<3368x32xbf16>, vector<32x128xbf16>, vector<3368x128xf32> -> vector<3368x128xf32>
    %convert_element_type3A_463 = arith.extf %get3A_455 : vector<3368x128xbf16> to vector<3368x128xf32>
    %add3A_464 = arith.addf %convert_element_type3A_463, %dot_general3A_462 : vector<3368x128xf32>
    %get3A_465 = arith.constant 0 : index
    %get3A_466 = arith.constant 0 : index
    %get3A_467 = vector.load %arg11[%get3A_465, %get3A_466] : memref<1x128xf32, #tpu.memory_space<vmem>>, vector<1x128xf32>
    %add3A_468 = vector.broadcast %get3A_467 : vector<1x128xf32> to vector<3368x128xf32>
    %add3A_469 = arith.addf %add3A_464, %add3A_468 : vector<3368x128xf32>
    %max3A_470 = arith.constant 0.000000e+00 : f32
    %max3A_471 = vector.broadcast %max3A_470 : f32 to vector<3368x128xf32>
    %max3A_472 = arith.maximumf %add3A_469, %max3A_471 : vector<3368x128xf32>
    %mul3A_473 = vector.broadcast %get3A_2 : vector<3368x1xf32> to vector<3368x128xf32>
    %mul3A_474 = arith.mulf %max3A_472, %mul3A_473 : vector<3368x128xf32>
    %convert_element_type3A_475 = arith.truncf %mul3A_474 : vector<3368x128xf32> to vector<3368x128xbf16>
    %swap3A_476 = arith.constant 64 : index
    %swap3A_477 = arith.constant 0 : index
    %swap3A_478 = vector.load %arg19[%swap3A_476, %swap3A_477] : memref<3496x128xbf16, #tpu.memory_space<vmem>>, vector<3368x128xbf16>
    tpu.vector_store %arg19[%swap3A_476, %swap3A_477], %convert_element_type3A_475 {strides = array<i32>} : memref<3496x128xbf16, #tpu.memory_space<vmem>>, vector<3368x128xbf16>,
    %convert_element_type3A_479 = arith.extui %eq3A_0 : i1 to i32
    %cond3A_480 = arith.constant 0 : i32
    %cond3A_481 = arith.cmpi ne, %convert_element_type3A_479, %cond3A_480 : i32
    scf.if %cond3A_481 {
      %broadcast_in_dim3A_733 = arith.constant 0.000000e+00 : bf16
      %broadcast_in_dim3A_734 = vector.broadcast %broadcast_in_dim3A_733 : bf16 to vector<64x128xbf16>
      %swap3A_735 = arith.constant 0 : index
      %swap3A_736 = arith.constant 0 : index
      %swap3A_737 = vector.load %arg19[%swap3A_735, %swap3A_736] : memref<3496x128xbf16, #tpu.memory_space<vmem>>, vector<64x128xbf16>
      tpu.vector_store %arg19[%swap3A_735, %swap3A_736], %broadcast_in_dim3A_734 {strides = array<i32>} : memref<3496x128xbf16, #tpu.memory_space<vmem>>, vector<64x128xbf16>,
      %broadcast_in_dim3A_738 = arith.constant 0.000000e+00 : bf16
      %broadcast_in_dim3A_739 = vector.broadcast %broadcast_in_dim3A_738 : bf16 to vector<64x128xbf16>
      %swap3A_740 = arith.constant 3432 : index
      %swap3A_741 = arith.constant 0 : index
      %swap3A_742 = vector.load %arg19[%swap3A_740, %swap3A_741] : memref<3496x128xbf16, #tpu.memory_space<vmem>>, vector<64x128xbf16>
      tpu.vector_store %arg19[%swap3A_740, %swap3A_741], %broadcast_in_dim3A_739 {strides = array<i32>} : memref<3496x128xbf16, #tpu.memory_space<vmem>>, vector<64x128xbf16>,
    } else {
    }
    %broadcast_in_dim3A_482 = arith.constant 0.000000e+00 : f32
    %broadcast_in_dim3A_483 = vector.broadcast %broadcast_in_dim3A_482 : f32 to vector<3248x256xf32>
    %get3A_484 = arith.constant 64 : index
    %get3A_485 = arith.constant 0 : index
    %get3A_486 = vector.load %arg19[%get3A_484, %get3A_485] : memref<3496x128xbf16, #tpu.memory_space<vmem>>, vector<3248x128xbf16>
    %get3A_487 = arith.constant 0 : index
    %get3A_488 = arith.constant 0 : index
    %get3A_489 = arith.constant 0 : index
    %get3A_490 = vector.load %arg12[%get3A_487, %get3A_488, %get3A_489] : memref<9x128x256xf32, #tpu.memory_space<vmem>>, vector<1x128x256xf32>
    %get3A_491 = vector.shape_cast %get3A_490 : vector<1x128x256xf32> to vector<128x256xf32>
    %convert_element_type3A_492 = arith.truncf %get3A_491 : vector<128x256xf32> to vector<128x256xbf16>
    %dot_general3A_493 = arith.constant dense<0.000000e+00> : vector<3248x256xf32>
    %dot_general3A_494 = tpu.matmul %get3A_486, %convert_element_type3A_492, %dot_general3A_493 {dimension_numbers = #tpu.dot_dimension_numbers<[1], [0], [0], [1], [0, 0, 1, 1], [], []>, transpose_lhs_hint = false} : vector<3248x128xbf16>, vector<128x256xbf16>, vector<3248x256xf32> -> vector<3248x256xf32>
    %add3A_495 = arith.addf %broadcast_in_dim3A_483, %dot_general3A_494 : vector<3248x256xf32>
    %get3A_496 = arith.constant 65 : index
    %get3A_497 = arith.constant 0 : index
    %get3A_498 = vector.load %arg19[%get3A_496, %get3A_497] : memref<3496x128xbf16, #tpu.memory_space<vmem>>, vector<3248x128xbf16>
    %get3A_499 = arith.constant 1 : index
    %get3A_500 = arith.constant 0 : index
    %get3A_501 = arith.constant 0 : index
    %get3A_502 = vector.load %arg12[%get3A_499, %get3A_500, %get3A_501] : memref<9x128x256xf32, #tpu.memory_space<vmem>>, vector<1x128x256xf32>
    %get3A_503 = vector.shape_cast %get3A_502 : vector<1x128x256xf32> to vector<128x256xf32>
    %convert_element_type3A_504 = arith.truncf %get3A_503 : vector<128x256xf32> to vector<128x256xbf16>
    %dot_general3A_505 = arith.constant dense<0.000000e+00> : vector<3248x256xf32>
    %dot_general3A_506 = tpu.matmul %get3A_498, %convert_element_type3A_504, %dot_general3A_505 {dimension_numbers = #tpu.dot_dimension_numbers<[1], [0], [0], [1], [0, 0, 1, 1], [], []>, transpose_lhs_hint = false} : vector<3248x128xbf16>, vector<128x256xbf16>, vector<3248x256xf32> -> vector<3248x256xf32>
    %add3A_507 = arith.addf %add3A_495, %dot_general3A_506 : vector<3248x256xf32>
    %get3A_508 = arith.constant 66 : index
    %get3A_509 = arith.constant 0 : index
    %get3A_510 = vector.load %arg19[%get3A_508, %get3A_509] : memref<3496x128xbf16, #tpu.memory_space<vmem>>, vector<3248x128xbf16>
    %get3A_511 = arith.constant 2 : index
    %get3A_512 = arith.constant 0 : index
    %get3A_513 = arith.constant 0 : index
    %get3A_514 = vector.load %arg12[%get3A_511, %get3A_512, %get3A_513] : memref<9x128x256xf32, #tpu.memory_space<vmem>>, vector<1x128x256xf32>
    %get3A_515 = vector.shape_cast %get3A_514 : vector<1x128x256xf32> to vector<128x256xf32>
    %convert_element_type3A_516 = arith.truncf %get3A_515 : vector<128x256xf32> to vector<128x256xbf16>
    %dot_general3A_517 = arith.constant dense<0.000000e+00> : vector<3248x256xf32>
    %dot_general3A_518 = tpu.matmul %get3A_510, %convert_element_type3A_516, %dot_general3A_517 {dimension_numbers = #tpu.dot_dimension_numbers<[1], [0], [0], [1], [0, 0, 1, 1], [], []>, transpose_lhs_hint = false} : vector<3248x128xbf16>, vector<128x256xbf16>, vector<3248x256xf32> -> vector<3248x256xf32>
    %add3A_519 = arith.addf %add3A_507, %dot_general3A_518 : vector<3248x256xf32>
    %get3A_520 = arith.constant 122 : index
    %get3A_521 = arith.constant 0 : index
    %get3A_522 = vector.load %arg19[%get3A_520, %get3A_521] : memref<3496x128xbf16, #tpu.memory_space<vmem>>, vector<3248x128xbf16>
    %get3A_523 = arith.constant 3 : index
    %get3A_524 = arith.constant 0 : index
    %get3A_525 = arith.constant 0 : index
    %get3A_526 = vector.load %arg12[%get3A_523, %get3A_524, %get3A_525] : memref<9x128x256xf32, #tpu.memory_space<vmem>>, vector<1x128x256xf32>
    %get3A_527 = vector.shape_cast %get3A_526 : vector<1x128x256xf32> to vector<128x256xf32>
    %convert_element_type3A_528 = arith.truncf %get3A_527 : vector<128x256xf32> to vector<128x256xbf16>
    %dot_general3A_529 = arith.constant dense<0.000000e+00> : vector<3248x256xf32>
    %dot_general3A_530 = tpu.matmul %get3A_522, %convert_element_type3A_528, %dot_general3A_529 {dimension_numbers = #tpu.dot_dimension_numbers<[1], [0], [0], [1], [0, 0, 1, 1], [], []>, transpose_lhs_hint = false} : vector<3248x128xbf16>, vector<128x256xbf16>, vector<3248x256xf32> -> vector<3248x256xf32>
    %add3A_531 = arith.addf %add3A_519, %dot_general3A_530 : vector<3248x256xf32>
    %get3A_532 = arith.constant 123 : index
    %get3A_533 = arith.constant 0 : index
    %get3A_534 = vector.load %arg19[%get3A_532, %get3A_533] : memref<3496x128xbf16, #tpu.memory_space<vmem>>, vector<3248x128xbf16>
    %get3A_535 = arith.constant 4 : index
    %get3A_536 = arith.constant 0 : index
    %get3A_537 = arith.constant 0 : index
    %get3A_538 = vector.load %arg12[%get3A_535, %get3A_536, %get3A_537] : memref<9x128x256xf32, #tpu.memory_space<vmem>>, vector<1x128x256xf32>
    %get3A_539 = vector.shape_cast %get3A_538 : vector<1x128x256xf32> to vector<128x256xf32>
    %convert_element_type3A_540 = arith.truncf %get3A_539 : vector<128x256xf32> to vector<128x256xbf16>
    %dot_general3A_541 = arith.constant dense<0.000000e+00> : vector<3248x256xf32>
    %dot_general3A_542 = tpu.matmul %get3A_534, %convert_element_type3A_540, %dot_general3A_541 {dimension_numbers = #tpu.dot_dimension_numbers<[1], [0], [0], [1], [0, 0, 1, 1], [], []>, transpose_lhs_hint = false} : vector<3248x128xbf16>, vector<128x256xbf16>, vector<3248x256xf32> -> vector<3248x256xf32>
    %add3A_543 = arith.addf %add3A_531, %dot_general3A_542 : vector<3248x256xf32>
    %get3A_544 = arith.constant 124 : index
    %get3A_545 = arith.constant 0 : index
    %get3A_546 = vector.load %arg19[%get3A_544, %get3A_545] : memref<3496x128xbf16, #tpu.memory_space<vmem>>, vector<3248x128xbf16>
    %get3A_547 = arith.constant 5 : index
    %get3A_548 = arith.constant 0 : index
    %get3A_549 = arith.constant 0 : index
    %get3A_550 = vector.load %arg12[%get3A_547, %get3A_548, %get3A_549] : memref<9x128x256xf32, #tpu.memory_space<vmem>>, vector<1x128x256xf32>
    %get3A_551 = vector.shape_cast %get3A_550 : vector<1x128x256xf32> to vector<128x256xf32>
    %convert_element_type3A_552 = arith.truncf %get3A_551 : vector<128x256xf32> to vector<128x256xbf16>
    %dot_general3A_553 = arith.constant dense<0.000000e+00> : vector<3248x256xf32>
    %dot_general3A_554 = tpu.matmul %get3A_546, %convert_element_type3A_552, %dot_general3A_553 {dimension_numbers = #tpu.dot_dimension_numbers<[1], [0], [0], [1], [0, 0, 1, 1], [], []>, transpose_lhs_hint = false} : vector<3248x128xbf16>, vector<128x256xbf16>, vector<3248x256xf32> -> vector<3248x256xf32>
    %add3A_555 = arith.addf %add3A_543, %dot_general3A_554 : vector<3248x256xf32>
    %get3A_556 = arith.constant 180 : index
    %get3A_557 = arith.constant 0 : index
    %get3A_558 = vector.load %arg19[%get3A_556, %get3A_557] : memref<3496x128xbf16, #tpu.memory_space<vmem>>, vector<3248x128xbf16>
    %get3A_559 = arith.constant 6 : index
    %get3A_560 = arith.constant 0 : index
    %get3A_561 = arith.constant 0 : index
    %get3A_562 = vector.load %arg12[%get3A_559, %get3A_560, %get3A_561] : memref<9x128x256xf32, #tpu.memory_space<vmem>>, vector<1x128x256xf32>
    %get3A_563 = vector.shape_cast %get3A_562 : vector<1x128x256xf32> to vector<128x256xf32>
    %convert_element_type3A_564 = arith.truncf %get3A_563 : vector<128x256xf32> to vector<128x256xbf16>
    %dot_general3A_565 = arith.constant dense<0.000000e+00> : vector<3248x256xf32>
    %dot_general3A_566 = tpu.matmul %get3A_558, %convert_element_type3A_564, %dot_general3A_565 {dimension_numbers = #tpu.dot_dimension_numbers<[1], [0], [0], [1], [0, 0, 1, 1], [], []>, transpose_lhs_hint = false} : vector<3248x128xbf16>, vector<128x256xbf16>, vector<3248x256xf32> -> vector<3248x256xf32>
    %add3A_567 = arith.addf %add3A_555, %dot_general3A_566 : vector<3248x256xf32>
    %get3A_568 = arith.constant 181 : index
    %get3A_569 = arith.constant 0 : index
    %get3A_570 = vector.load %arg19[%get3A_568, %get3A_569] : memref<3496x128xbf16, #tpu.memory_space<vmem>>, vector<3248x128xbf16>
    %get3A_571 = arith.constant 7 : index
    %get3A_572 = arith.constant 0 : index
    %get3A_573 = arith.constant 0 : index
    %get3A_574 = vector.load %arg12[%get3A_571, %get3A_572, %get3A_573] : memref<9x128x256xf32, #tpu.memory_space<vmem>>, vector<1x128x256xf32>
    %get3A_575 = vector.shape_cast %get3A_574 : vector<1x128x256xf32> to vector<128x256xf32>
    %convert_element_type3A_576 = arith.truncf %get3A_575 : vector<128x256xf32> to vector<128x256xbf16>
    %dot_general3A_577 = arith.constant dense<0.000000e+00> : vector<3248x256xf32>
    %dot_general3A_578 = tpu.matmul %get3A_570, %convert_element_type3A_576, %dot_general3A_577 {dimension_numbers = #tpu.dot_dimension_numbers<[1], [0], [0], [1], [0, 0, 1, 1], [], []>, transpose_lhs_hint = false} : vector<3248x128xbf16>, vector<128x256xbf16>, vector<3248x256xf32> -> vector<3248x256xf32>
    %add3A_579 = arith.addf %add3A_567, %dot_general3A_578 : vector<3248x256xf32>
    %get3A_580 = arith.constant 182 : index
    %get3A_581 = arith.constant 0 : index
    %get3A_582 = vector.load %arg19[%get3A_580, %get3A_581] : memref<3496x128xbf16, #tpu.memory_space<vmem>>, vector<3248x128xbf16>
    %get3A_583 = arith.constant 8 : index
    %get3A_584 = arith.constant 0 : index
    %get3A_585 = arith.constant 0 : index
    %get3A_586 = vector.load %arg12[%get3A_583, %get3A_584, %get3A_585] : memref<9x128x256xf32, #tpu.memory_space<vmem>>, vector<1x128x256xf32>
    %get3A_587 = vector.shape_cast %get3A_586 : vector<1x128x256xf32> to vector<128x256xf32>
    %convert_element_type3A_588 = arith.truncf %get3A_587 : vector<128x256xf32> to vector<128x256xbf16>
    %dot_general3A_589 = arith.constant dense<0.000000e+00> : vector<3248x256xf32>
    %dot_general3A_590 = tpu.matmul %get3A_582, %convert_element_type3A_588, %dot_general3A_589 {dimension_numbers = #tpu.dot_dimension_numbers<[1], [0], [0], [1], [0, 0, 1, 1], [], []>, transpose_lhs_hint = false} : vector<3248x128xbf16>, vector<128x256xbf16>, vector<3248x256xf32> -> vector<3248x256xf32>
    %add3A_591 = arith.addf %add3A_579, %dot_general3A_590 : vector<3248x256xf32>
    %get3A_592 = arith.constant 0 : index
    %get3A_593 = arith.constant 0 : index
    %get3A_594 = vector.load %arg13[%get3A_592, %get3A_593] : memref<1x256xf32, #tpu.memory_space<vmem>>, vector<1x256xf32>
    %add3A_595 = vector.broadcast %get3A_594 : vector<1x256xf32> to vector<3248x256xf32>
    %add3A_596 = arith.addf %add3A_591, %add3A_595 : vector<3248x256xf32>
    %max3A_597 = arith.constant 0.000000e+00 : f32
    %max3A_598 = vector.broadcast %max3A_597 : f32 to vector<3248x256xf32>
    %max3A_599 = arith.maximumf %add3A_596, %max3A_598 : vector<3248x256xf32>
    %get3A_600 = arith.constant 0 : index
    %get3A_601 = arith.constant 0 : index
    %get3A_602 = vector.load %arg17[%get3A_600, %get3A_601] : memref<3248x1xf32, #tpu.memory_space<vmem>>, vector<3248x1xf32>
    %mul3A_603 = vector.broadcast %get3A_602 : vector<3248x1xf32> to vector<3248x256xf32>
    %mul3A_604 = arith.mulf %max3A_599, %mul3A_603 : vector<3248x256xf32>
    %convert_element_type3A_605 = arith.truncf %mul3A_604 : vector<3248x256xf32> to vector<3248x256xbf16>
    %swap3A_606 = arith.constant 64 : index
    %swap3A_607 = arith.constant 0 : index
    %swap3A_608 = vector.load %arg21[%swap3A_606, %swap3A_607] : memref<3376x256xbf16, #tpu.memory_space<vmem>>, vector<3248x256xbf16>
    tpu.vector_store %arg21[%swap3A_606, %swap3A_607], %convert_element_type3A_605 {strides = array<i32>} : memref<3376x256xbf16, #tpu.memory_space<vmem>>, vector<3248x256xbf16>,
    %convert_element_type3A_609 = arith.extui %eq3A_0 : i1 to i32
    %cond3A_610 = arith.constant 0 : i32
    %cond3A_611 = arith.cmpi ne, %convert_element_type3A_609, %cond3A_610 : i32
    scf.if %cond3A_611 {
      %broadcast_in_dim3A_733 = arith.constant 0.000000e+00 : bf16
      %broadcast_in_dim3A_734 = vector.broadcast %broadcast_in_dim3A_733 : bf16 to vector<64x256xbf16>
      %swap3A_735 = arith.constant 0 : index
      %swap3A_736 = arith.constant 0 : index
      %swap3A_737 = vector.load %arg21[%swap3A_735, %swap3A_736] : memref<3376x256xbf16, #tpu.memory_space<vmem>>, vector<64x256xbf16>
      tpu.vector_store %arg21[%swap3A_735, %swap3A_736], %broadcast_in_dim3A_734 {strides = array<i32>} : memref<3376x256xbf16, #tpu.memory_space<vmem>>, vector<64x256xbf16>,
      %broadcast_in_dim3A_738 = arith.constant 0.000000e+00 : bf16
      %broadcast_in_dim3A_739 = vector.broadcast %broadcast_in_dim3A_738 : bf16 to vector<64x256xbf16>
      %swap3A_740 = arith.constant 3312 : index
      %swap3A_741 = arith.constant 0 : index
      %swap3A_742 = vector.load %arg21[%swap3A_740, %swap3A_741] : memref<3376x256xbf16, #tpu.memory_space<vmem>>, vector<64x256xbf16>
      tpu.vector_store %arg21[%swap3A_740, %swap3A_741], %broadcast_in_dim3A_739 {strides = array<i32>} : memref<3376x256xbf16, #tpu.memory_space<vmem>>, vector<64x256xbf16>,
    } else {
    }
    %broadcast_in_dim3A_612 = arith.constant 0.000000e+00 : f32
    %broadcast_in_dim3A_613 = vector.broadcast %broadcast_in_dim3A_612 : f32 to vector<3248x48xf32>
    %get3A_614 = arith.constant 5 : index
    %get3A_615 = arith.constant 0 : index
    %get3A_616 = vector.load %arg21[%get3A_614, %get3A_615] : memref<3376x256xbf16, #tpu.memory_space<vmem>>, vector<3248x256xbf16>
    %get3A_617 = arith.constant 0 : index
    %get3A_618 = arith.constant 0 : index
    %get3A_619 = arith.constant 0 : index
    %get3A_620 = vector.load %arg14[%get3A_617, %get3A_618, %get3A_619] : memref<9x256x48xf32, #tpu.memory_space<vmem>>, vector<1x256x48xf32>
    %get3A_621 = vector.shape_cast %get3A_620 : vector<1x256x48xf32> to vector<256x48xf32>
    %convert_element_type3A_622 = arith.truncf %get3A_621 : vector<256x48xf32> to vector<256x48xbf16>
    %dot_general3A_623 = arith.constant dense<0.000000e+00> : vector<3248x48xf32>
    %dot_general3A_624 = tpu.matmul %get3A_616, %convert_element_type3A_622, %dot_general3A_623 {dimension_numbers = #tpu.dot_dimension_numbers<[1], [0], [0], [1], [0, 0, 1, 1], [], []>, transpose_lhs_hint = false} : vector<3248x256xbf16>, vector<256x48xbf16>, vector<3248x48xf32> -> vector<3248x48xf32>
    %add3A_625 = arith.addf %broadcast_in_dim3A_613, %dot_general3A_624 : vector<3248x48xf32>
    %get3A_626 = arith.constant 6 : index
    %get3A_627 = arith.constant 0 : index
    %get3A_628 = vector.load %arg21[%get3A_626, %get3A_627] : memref<3376x256xbf16, #tpu.memory_space<vmem>>, vector<3248x256xbf16>
    %get3A_629 = arith.constant 1 : index
    %get3A_630 = arith.constant 0 : index
    %get3A_631 = arith.constant 0 : index
    %get3A_632 = vector.load %arg14[%get3A_629, %get3A_630, %get3A_631] : memref<9x256x48xf32, #tpu.memory_space<vmem>>, vector<1x256x48xf32>
    %get3A_633 = vector.shape_cast %get3A_632 : vector<1x256x48xf32> to vector<256x48xf32>
    %convert_element_type3A_634 = arith.truncf %get3A_633 : vector<256x48xf32> to vector<256x48xbf16>
    %dot_general3A_635 = arith.constant dense<0.000000e+00> : vector<3248x48xf32>
    %dot_general3A_636 = tpu.matmul %get3A_628, %convert_element_type3A_634, %dot_general3A_635 {dimension_numbers = #tpu.dot_dimension_numbers<[1], [0], [0], [1], [0, 0, 1, 1], [], []>, transpose_lhs_hint = false} : vector<3248x256xbf16>, vector<256x48xbf16>, vector<3248x48xf32> -> vector<3248x48xf32>
    %add3A_637 = arith.addf %add3A_625, %dot_general3A_636 : vector<3248x48xf32>
    %get3A_638 = arith.constant 7 : index
    %get3A_639 = arith.constant 0 : index
    %get3A_640 = vector.load %arg21[%get3A_638, %get3A_639] : memref<3376x256xbf16, #tpu.memory_space<vmem>>, vector<3248x256xbf16>
    %get3A_641 = arith.constant 2 : index
    %get3A_642 = arith.constant 0 : index
    %get3A_643 = arith.constant 0 : index
    %get3A_644 = vector.load %arg14[%get3A_641, %get3A_642, %get3A_643] : memref<9x256x48xf32, #tpu.memory_space<vmem>>, vector<1x256x48xf32>
    %get3A_645 = vector.shape_cast %get3A_644 : vector<1x256x48xf32> to vector<256x48xf32>
    %convert_element_type3A_646 = arith.truncf %get3A_645 : vector<256x48xf32> to vector<256x48xbf16>
    %dot_general3A_647 = arith.constant dense<0.000000e+00> : vector<3248x48xf32>
    %dot_general3A_648 = tpu.matmul %get3A_640, %convert_element_type3A_646, %dot_general3A_647 {dimension_numbers = #tpu.dot_dimension_numbers<[1], [0], [0], [1], [0, 0, 1, 1], [], []>, transpose_lhs_hint = false} : vector<3248x256xbf16>, vector<256x48xbf16>, vector<3248x48xf32> -> vector<3248x48xf32>
    %add3A_649 = arith.addf %add3A_637, %dot_general3A_648 : vector<3248x48xf32>
    %get3A_650 = arith.constant 63 : index
    %get3A_651 = arith.constant 0 : index
    %get3A_652 = vector.load %arg21[%get3A_650, %get3A_651] : memref<3376x256xbf16, #tpu.memory_space<vmem>>, vector<3248x256xbf16>
    %get3A_653 = arith.constant 3 : index
    %get3A_654 = arith.constant 0 : index
    %get3A_655 = arith.constant 0 : index
    %get3A_656 = vector.load %arg14[%get3A_653, %get3A_654, %get3A_655] : memref<9x256x48xf32, #tpu.memory_space<vmem>>, vector<1x256x48xf32>
    %get3A_657 = vector.shape_cast %get3A_656 : vector<1x256x48xf32> to vector<256x48xf32>
    %convert_element_type3A_658 = arith.truncf %get3A_657 : vector<256x48xf32> to vector<256x48xbf16>
    %dot_general3A_659 = arith.constant dense<0.000000e+00> : vector<3248x48xf32>
    %dot_general3A_660 = tpu.matmul %get3A_652, %convert_element_type3A_658, %dot_general3A_659 {dimension_numbers = #tpu.dot_dimension_numbers<[1], [0], [0], [1], [0, 0, 1, 1], [], []>, transpose_lhs_hint = false} : vector<3248x256xbf16>, vector<256x48xbf16>, vector<3248x48xf32> -> vector<3248x48xf32>
    %add3A_661 = arith.addf %add3A_649, %dot_general3A_660 : vector<3248x48xf32>
    %get3A_662 = arith.constant 64 : index
    %get3A_663 = arith.constant 0 : index
    %get3A_664 = vector.load %arg21[%get3A_662, %get3A_663] : memref<3376x256xbf16, #tpu.memory_space<vmem>>, vector<3248x256xbf16>
    %get3A_665 = arith.constant 4 : index
    %get3A_666 = arith.constant 0 : index
    %get3A_667 = arith.constant 0 : index
    %get3A_668 = vector.load %arg14[%get3A_665, %get3A_666, %get3A_667] : memref<9x256x48xf32, #tpu.memory_space<vmem>>, vector<1x256x48xf32>
    %get3A_669 = vector.shape_cast %get3A_668 : vector<1x256x48xf32> to vector<256x48xf32>
    %convert_element_type3A_670 = arith.truncf %get3A_669 : vector<256x48xf32> to vector<256x48xbf16>
    %dot_general3A_671 = arith.constant dense<0.000000e+00> : vector<3248x48xf32>
    %dot_general3A_672 = tpu.matmul %get3A_664, %convert_element_type3A_670, %dot_general3A_671 {dimension_numbers = #tpu.dot_dimension_numbers<[1], [0], [0], [1], [0, 0, 1, 1], [], []>, transpose_lhs_hint = false} : vector<3248x256xbf16>, vector<256x48xbf16>, vector<3248x48xf32> -> vector<3248x48xf32>
    %add3A_673 = arith.addf %add3A_661, %dot_general3A_672 : vector<3248x48xf32>
    %get3A_674 = arith.constant 65 : index
    %get3A_675 = arith.constant 0 : index
    %get3A_676 = vector.load %arg21[%get3A_674, %get3A_675] : memref<3376x256xbf16, #tpu.memory_space<vmem>>, vector<3248x256xbf16>
    %get3A_677 = arith.constant 5 : index
    %get3A_678 = arith.constant 0 : index
    %get3A_679 = arith.constant 0 : index
    %get3A_680 = vector.load %arg14[%get3A_677, %get3A_678, %get3A_679] : memref<9x256x48xf32, #tpu.memory_space<vmem>>, vector<1x256x48xf32>
    %get3A_681 = vector.shape_cast %get3A_680 : vector<1x256x48xf32> to vector<256x48xf32>
    %convert_element_type3A_682 = arith.truncf %get3A_681 : vector<256x48xf32> to vector<256x48xbf16>
    %dot_general3A_683 = arith.constant dense<0.000000e+00> : vector<3248x48xf32>
    %dot_general3A_684 = tpu.matmul %get3A_676, %convert_element_type3A_682, %dot_general3A_683 {dimension_numbers = #tpu.dot_dimension_numbers<[1], [0], [0], [1], [0, 0, 1, 1], [], []>, transpose_lhs_hint = false} : vector<3248x256xbf16>, vector<256x48xbf16>, vector<3248x48xf32> -> vector<3248x48xf32>
    %add3A_685 = arith.addf %add3A_673, %dot_general3A_684 : vector<3248x48xf32>
    %get3A_686 = arith.constant 121 : index
    %get3A_687 = arith.constant 0 : index
    %get3A_688 = vector.load %arg21[%get3A_686, %get3A_687] : memref<3376x256xbf16, #tpu.memory_space<vmem>>, vector<3248x256xbf16>
    %get3A_689 = arith.constant 6 : index
    %get3A_690 = arith.constant 0 : index
    %get3A_691 = arith.constant 0 : index
    %get3A_692 = vector.load %arg14[%get3A_689, %get3A_690, %get3A_691] : memref<9x256x48xf32, #tpu.memory_space<vmem>>, vector<1x256x48xf32>
    %get3A_693 = vector.shape_cast %get3A_692 : vector<1x256x48xf32> to vector<256x48xf32>
    %convert_element_type3A_694 = arith.truncf %get3A_693 : vector<256x48xf32> to vector<256x48xbf16>
    %dot_general3A_695 = arith.constant dense<0.000000e+00> : vector<3248x48xf32>
    %dot_general3A_696 = tpu.matmul %get3A_688, %convert_element_type3A_694, %dot_general3A_695 {dimension_numbers = #tpu.dot_dimension_numbers<[1], [0], [0], [1], [0, 0, 1, 1], [], []>, transpose_lhs_hint = false} : vector<3248x256xbf16>, vector<256x48xbf16>, vector<3248x48xf32> -> vector<3248x48xf32>
    %add3A_697 = arith.addf %add3A_685, %dot_general3A_696 : vector<3248x48xf32>
    %get3A_698 = arith.constant 122 : index
    %get3A_699 = arith.constant 0 : index
    %get3A_700 = vector.load %arg21[%get3A_698, %get3A_699] : memref<3376x256xbf16, #tpu.memory_space<vmem>>, vector<3248x256xbf16>
    %get3A_701 = arith.constant 7 : index
    %get3A_702 = arith.constant 0 : index
    %get3A_703 = arith.constant 0 : index
    %get3A_704 = vector.load %arg14[%get3A_701, %get3A_702, %get3A_703] : memref<9x256x48xf32, #tpu.memory_space<vmem>>, vector<1x256x48xf32>
    %get3A_705 = vector.shape_cast %get3A_704 : vector<1x256x48xf32> to vector<256x48xf32>
    %convert_element_type3A_706 = arith.truncf %get3A_705 : vector<256x48xf32> to vector<256x48xbf16>
    %dot_general3A_707 = arith.constant dense<0.000000e+00> : vector<3248x48xf32>
    %dot_general3A_708 = tpu.matmul %get3A_700, %convert_element_type3A_706, %dot_general3A_707 {dimension_numbers = #tpu.dot_dimension_numbers<[1], [0], [0], [1], [0, 0, 1, 1], [], []>, transpose_lhs_hint = false} : vector<3248x256xbf16>, vector<256x48xbf16>, vector<3248x48xf32> -> vector<3248x48xf32>
    %add3A_709 = arith.addf %add3A_697, %dot_general3A_708 : vector<3248x48xf32>
    %get3A_710 = arith.constant 123 : index
    %get3A_711 = arith.constant 0 : index
    %get3A_712 = vector.load %arg21[%get3A_710, %get3A_711] : memref<3376x256xbf16, #tpu.memory_space<vmem>>, vector<3248x256xbf16>
    %get3A_713 = arith.constant 8 : index
    %get3A_714 = arith.constant 0 : index
    %get3A_715 = arith.constant 0 : index
    %get3A_716 = vector.load %arg14[%get3A_713, %get3A_714, %get3A_715] : memref<9x256x48xf32, #tpu.memory_space<vmem>>, vector<1x256x48xf32>
    %get3A_717 = vector.shape_cast %get3A_716 : vector<1x256x48xf32> to vector<256x48xf32>
    %convert_element_type3A_718 = arith.truncf %get3A_717 : vector<256x48xf32> to vector<256x48xbf16>
    %dot_general3A_719 = arith.constant dense<0.000000e+00> : vector<3248x48xf32>
    %dot_general3A_720 = tpu.matmul %get3A_712, %convert_element_type3A_718, %dot_general3A_719 {dimension_numbers = #tpu.dot_dimension_numbers<[1], [0], [0], [1], [0, 0, 1, 1], [], []>, transpose_lhs_hint = false} : vector<3248x256xbf16>, vector<256x48xbf16>, vector<3248x48xf32> -> vector<3248x48xf32>
    %add3A_721 = arith.addf %add3A_709, %dot_general3A_720 : vector<3248x48xf32>
    %get3A_722 = arith.constant 0 : index
    %get3A_723 = arith.constant 0 : index
    %get3A_724 = vector.load %arg15[%get3A_722, %get3A_723] : memref<1x48xf32, #tpu.memory_space<vmem>>, vector<1x48xf32>
    %add3A_725 = vector.broadcast %get3A_724 : vector<1x48xf32> to vector<3248x48xf32>
    %add3A_726 = arith.addf %add3A_721, %add3A_725 : vector<3248x48xf32>
    %swap3A_727 = arith.constant 0 : index
    %swap3A_728 = arith.constant 0 : index
    %swap3A_729 = arith.constant 0 : index
    %swap3A_730 = vector.load %arg18[%swap3A_727, %swap3A_728, %swap3A_729] : memref<1x3248x48xf32, #tpu.memory_space<vmem>>, vector<1x3248x48xf32>
    %swap3A_731 = vector.shape_cast %swap3A_730 : vector<1x3248x48xf32> to vector<3248x48xf32>
    %swap3A_732 = vector.shape_cast %add3A_726 : vector<3248x48xf32> to vector<1x3248x48xf32>
    tpu.vector_store %arg18[%swap3A_727, %swap3A_728, %swap3A_729], %swap3A_732 {strides = array<i32>} : memref<1x3248x48xf32, #tpu.memory_space<vmem>>, vector<1x3248x48xf32>,
    return
  }
  func.func @transform_0(%arg0: i32) -> (i32, i32, i32) {
    %c0_i32 = arith.constant 0 : i32
    %c0_i32_0 = arith.constant 0 : i32
    %c0_i32_1 = arith.constant 0 : i32
    return %arg0, %c0_i32, %c0_i32_0 : i32, i32, i32
  }
  func.func @transform_1(%arg0: i32) -> (i32, i32, i32) {
    %c0_i32 = arith.constant 0 : i32
    %c0_i32_0 = arith.constant 0 : i32
    %c0_i32_1 = arith.constant 0 : i32
    %c0_i32_2 = arith.constant 0 : i32
    return %c0_i32, %c0_i32_0, %c0_i32_1 : i32, i32, i32
  }
  func.func @transform_2(%arg0: i32) -> (i32, i32) {
    %c0_i32 = arith.constant 0 : i32
    %c0_i32_0 = arith.constant 0 : i32
    %c0_i32_1 = arith.constant 0 : i32
    return %c0_i32, %c0_i32_0 : i32, i32
  }
  func.func @transform_3(%arg0: i32) -> (i32, i32, i32) {
    %c0_i32 = arith.constant 0 : i32
    %c0_i32_0 = arith.constant 0 : i32
    %c0_i32_1 = arith.constant 0 : i32
    %c0_i32_2 = arith.constant 0 : i32
    return %c0_i32, %c0_i32_0, %c0_i32_1 : i32, i32, i32
  }
  func.func @transform_4(%arg0: i32) -> (i32, i32) {
    %c0_i32 = arith.constant 0 : i32
    %c0_i32_0 = arith.constant 0 : i32
    %c0_i32_1 = arith.constant 0 : i32
    return %c0_i32, %c0_i32_0 : i32, i32
  }
  func.func @transform_5(%arg0: i32) -> (i32, i32) {
    %c0_i32 = arith.constant 0 : i32
    %c0_i32_0 = arith.constant 0 : i32
    %c0_i32_1 = arith.constant 0 : i32
    return %c0_i32, %c0_i32_0 : i32, i32
  }
  func.func @transform_6(%arg0: i32) -> (i32, i32) {
    %c0_i32 = arith.constant 0 : i32
    %c0_i32_0 = arith.constant 0 : i32
    %c0_i32_1 = arith.constant 0 : i32
    return %c0_i32, %c0_i32_0 : i32, i32
  }
  func.func @transform_7(%arg0: i32) -> (i32, i32, i32) {
    %c0_i32 = arith.constant 0 : i32
    %c0_i32_0 = arith.constant 0 : i32
    %c0_i32_1 = arith.constant 0 : i32
    %c0_i32_2 = arith.constant 0 : i32
    return %c0_i32, %c0_i32_0, %c0_i32_1 : i32, i32, i32
  }
  func.func @transform_8(%arg0: i32) -> (i32, i32) {
    %c0_i32 = arith.constant 0 : i32
    %c0_i32_0 = arith.constant 0 : i32
    %c0_i32_1 = arith.constant 0 : i32
    return %c0_i32, %c0_i32_0 : i32, i32
  }
  func.func @transform_9(%arg0: i32) -> (i32, i32) {
    %c0_i32 = arith.constant 0 : i32
    %c0_i32_0 = arith.constant 0 : i32
    %c0_i32_1 = arith.constant 0 : i32
    return %c0_i32, %c0_i32_0 : i32, i32
  }
  func.func @transform_10(%arg0: i32) -> (i32, i32) {
    %c0_i32 = arith.constant 0 : i32
    %c0_i32_0 = arith.constant 0 : i32
    %c0_i32_1 = arith.constant 0 : i32
    return %c0_i32, %c0_i32_0 : i32, i32
  }
  func.func @transform_11(%arg0: i32) -> (i32, i32, i32) {
    %c0_i32 = arith.constant 0 : i32
    %c0_i32_0 = arith.constant 0 : i32
    %c0_i32_1 = arith.constant 0 : i32
    %c0_i32_2 = arith.constant 0 : i32
    return %c0_i32, %c0_i32_0, %c0_i32_1 : i32, i32, i32
  }
  func.func @transform_12(%arg0: i32) -> (i32, i32) {
    %c0_i32 = arith.constant 0 : i32
    %c0_i32_0 = arith.constant 0 : i32
    %c0_i32_1 = arith.constant 0 : i32
    return %c0_i32, %c0_i32_0 : i32, i32
  }
  func.func @transform_13(%arg0: i32) -> (i32, i32, i32) {
    %c0_i32 = arith.constant 0 : i32
    %c0_i32_0 = arith.constant 0 : i32
    %c0_i32_1 = arith.constant 0 : i32
    %c0_i32_2 = arith.constant 0 : i32
    return %c0_i32, %c0_i32_0, %c0_i32_1 : i32, i32, i32
  }
  func.func @transform_14(%arg0: i32) -> (i32, i32) {
    %c0_i32 = arith.constant 0 : i32
    %c0_i32_0 = arith.constant 0 : i32
    %c0_i32_1 = arith.constant 0 : i32
    return %c0_i32, %c0_i32_0 : i32, i32
  }
  func.func @transform_15(%arg0: i32) -> (i32, i32) {
    %c0_i32 = arith.constant 0 : i32
    %c0_i32_0 = arith.constant 0 : i32
    %c0_i32_1 = arith.constant 0 : i32
    return %c0_i32, %c0_i32_0 : i32, i32
  }
  func.func @transform_16(%arg0: i32) -> (i32, i32) {
    %c0_i32 = arith.constant 0 : i32
    %c0_i32_0 = arith.constant 0 : i32
    %c0_i32_1 = arith.constant 0 : i32
    return %c0_i32, %c0_i32_0 : i32, i32
  }
  func.func @transform_17(%arg0: i32) -> (i32, i32, i32) {
    %c0_i32 = arith.constant 0 : i32
    %c0_i32_0 = arith.constant 0 : i32
    %c0_i32_1 = arith.constant 0 : i32
    return %arg0, %c0_i32, %c0_i32_0 : i32, i32, i32
  }
}

module attributes {stable_mosaic.version = 14 : i64} {
  func.func @_lambda_(%arg0: i32, %arg1: memref<32x528xf32, #tpu.memory_space<vmem>>, %arg2: memref<1x1xf32, #tpu.memory_space<vmem>>) attributes {dimension_semantics = [#tpu.dimension_semantics<arbitrary>], iteration_bounds = array<i64: 1>, scalar_prefetch = 0 : i64, scratch_operands = 0 : i64, tpu.core_type = #tpu.core_type<tc>, window_params = [{pipeline_mode = #tpu.pipeline_mode<synchronous>, transform_indices = @transform_0, window_bounds = array<i64: 32, 528>}, {pipeline_mode = #tpu.pipeline_mode<synchronous>, transform_indices = @transform_1, window_bounds = array<i64: 1, 1>}]} {
    %get3A = arith.constant 0 : index
    %get3A_0 = arith.constant 0 : index
    %get3A_1 = vector.load %arg1[%get3A, %get3A_0] : memref<32x528xf32, #tpu.memory_space<vmem>>, vector<32x528xf32>
    %reduce_sum3A = arith.constant dense<0.000000e+00> : vector<528xf32>
    %reduce_sum3A_2 = vector.multi_reduction <add>, %get3A_1, %reduce_sum3A [0] : vector<32x528xf32> to vector<528xf32>
    %broadcast_in_dim3A = vector.shape_cast %reduce_sum3A_2 : vector<528xf32> to vector<1x528xf32>
    %slice3A = vector.extract_strided_slice %broadcast_in_dim3A {offsets = [0, 0], sizes = [1, 512], strides = [1, 1]} : vector<1x528xf32> to vector<1x512xf32>
    %div3A = arith.constant 5.017600e+04 : f32
    %div3A_3 = vector.broadcast %div3A : f32 to vector<1x512xf32>
    %div3A_4 = arith.divf %slice3A, %div3A_3 : vector<1x512xf32>
    %add3A = arith.constant 1.000000e-10 : f32
    %add3A_5 = vector.broadcast %add3A : f32 to vector<1x512xf32>
    %add3A_6 = arith.addf %div3A_4, %add3A_5 : vector<1x512xf32>
    %log3A = math.log %add3A_6 : vector<1x512xf32>
    %mul3A = arith.mulf %div3A_4, %log3A : vector<1x512xf32>
    %reduce_sum3A_7 = arith.constant dense<0.000000e+00> : vector<1xf32>
    %reduce_sum3A_8 = vector.multi_reduction <add>, %mul3A, %reduce_sum3A_7 [1] : vector<1x512xf32> to vector<1xf32>
    %broadcast_in_dim3A_9 = vector.shape_cast %reduce_sum3A_8 : vector<1xf32> to vector<1x1xf32>
    %neg3A = arith.constant 0.000000e+00 : f32
    %neg3A_10 = vector.broadcast %neg3A : f32 to vector<1x1xf32>
    %neg3A_11 = arith.subf %neg3A_10, %broadcast_in_dim3A_9 : vector<1x1xf32>
    %exp3A = math.exp %neg3A_11 : vector<1x1xf32>
    %swap3A = arith.constant 0 : index
    %swap3A_12 = arith.constant 0 : index
    %swap3A_13 = vector.load %arg2[%swap3A, %swap3A_12] : memref<1x1xf32, #tpu.memory_space<vmem>>, vector<1x1xf32>
    tpu.vector_store %arg2[%swap3A, %swap3A_12], %exp3A {strides = array<i32>} : memref<1x1xf32, #tpu.memory_space<vmem>>, vector<1x1xf32>,
    return
  }
  func.func @transform_0(%arg0: i32) -> (i32, i32) {
    %c0_i32 = arith.constant 0 : i32
    %c0_i32_0 = arith.constant 0 : i32
    %c0_i32_1 = arith.constant 0 : i32
    return %c0_i32, %c0_i32_0 : i32, i32
  }
  func.func @transform_1(%arg0: i32) -> (i32, i32) {
    %c0_i32 = arith.constant 0 : i32
    %c0_i32_0 = arith.constant 0 : i32
    %c0_i32_1 = arith.constant 0 : i32
    return %c0_i32, %c0_i32_0 : i32, i32
  }
}

</mosaic_0001>

<sc_bundles>
// kernel: kernel.7.cloned.1.call-start
scs
__scs_entry_jumppad:
0x0: {  	(pc) =	sbr.rel $0x88, $3  }
0x1: {  	(tag) =	ssettag $0x0;
	lr =	simm.s32 $0x1  }
0x2: {  	[smem:$0x3F80] =	sst lr;
	_ =	strace $0xD0000000  }
0x3: {  	_ = 	snop  }
0x4: {  	_ = 	snop  }
0x5: {  	_ = 	snop  }
0x6: {  	_ = 	snop  }
0x7: {  	_ = 	snop  }
__scs_overlays_trampoline_lowered:
0x8: {  	[smem:$0x3F8F] =	sst s0  }
0x9: {  	[smem:$0x3F90] =	sst s1  }
0xa: {  	[smem:$0x3F91] =	sst s2  }
0xb: {  	[smem:$0x3F92] =	sst s3  }
0xc: {  	[smem:$0x3F93] =	sst s4  }
0xd: {  	[smem:$0x3F94] =	sst s5  }
0xe: {  	[smem:$0x3F95] =	sst s6  }
0xf: {  	[smem:$0x3F96] =	sst s7  }
0x10: {  	[smem:$0x3F97] =	sst s8  }
0x11: {  	[smem:$0x3F98] =	sst s9;
	s0 =	simm.s32 @!p0 $0x0  }
0x12: {  	s1 =	sld [smem:$0x3F7E];
	s0 =	simm.s32 @p0 $0x1  }
0x13: {  	[smem:$0x3F99] =	sst s0;
	s0 =	simm.s32 @!p1 $0x0  }
0x14: {  	s2 =	sld [smem:$0x3F7D];
	s0 =	simm.s32 @p1 $0x1  }
0x15: {  	[smem:$0x3F9A] =	sst s0;
	s0 =	simm.s32 @!p2 $0x0  }
0x16: {  	s3 =	sld [smem:$0x3FDB];
	s0 =	simm.s32 @p2 $0x1  }
0x17: {  	s4 =	simm.s32 $0x1BF5;
	[smem:$0x3F9C] =	sst s0  }
0x18: {  	s0 =	sld [smem:$0x3F7F];
	_ =	swait.ge [sflag:s4], $0x0  }
0x19: {  	s7 =	sld [smem:$0x3F80]  }
0x1a: {  	s8 =	sadd.s32 $0xFFFFE003, lr  }
0x1b: {  	s9 =	sadd.s32 $0xFFFFFEF7, lr;
	s5 =	simm.s32 $0xFFFFFFFF;
	p2 =	slt.u32 s8, $0xFFFFF086  }
0x1c: {  	p1 =	slt.u32 s9, $0xF7A;
	s5 =	simm.s32 @!p2 $0x0  }
0x1d: {  	s5 =	simm.s32 @p1 $0x1;
	p0 =	seq.s32 s7, s2  }
0x1e: {  	s7 =	smul.u32 @!p0 $0xF7A, s2;
	p2 =	seq.s32 @!p0 s5, $0x0  }
0x1f: {  	s9 =	smul.u32 $0xF7A, s1;
	s8 =	simm.s32 @!p0 $0x1BF5;
	p2 =	por !p2, p0  }
0x20: {  	[sflag:s8] =	ssyncset.s32 @!p0 $0xFFFFF086;
	s6 =	sadd.s32 @!p0 s3, s7;
	s7 =	simm.s32 @!p0 $0x108  }
0x21: {  	s3 =	sadd.s32 s3, s9;
	s6 =	sadd.s32 @!p0 $0x88, s6;
	s7 =	simm.s32 @p2 $0x1082  }
0x22: {  	[simem:s7], [sflag:s8] =	dma.local @!p0 [hbm:s6], $0xF7A  }
0x23: {  	s9 =	sor.u32 $0xD0000000, s2;
	s6 =	simm.s32 $0x108;
	_ =	swait.ge @!p0 [sflag:s8], $0x0  }
0x24: {  	s3 =	sadd.s32 $0x88, s3;
	s6 =	simm.s32 @!p1 $0x1082;
	[sflag:s4] =	ssyncset.s32 $0xFFFFF086  }
0x25: {  	[simem:s6], [sflag:s4] =	dma.local [hbm:s3], $0xF7A  }
0x26: {  	[smem:$0x3F80] =	sst s1;
	(tag) =	ssettag s2;
	_ =	strace s9  }
0x27: {  	s1 =	sld [smem:$0x3F90]  }
0x28: {  	s2 =	sld [smem:$0x3F91]  }
0x29: {  	s4 =	sld [smem:$0x3F93]  }
0x2a: {  	p0 =	seq.s32 s5, $0x0;
	s5 =	sld [smem:$0x3F94]  }
0x2b: {  	s6 =	sld [smem:$0x3F95]  }
0x2c: {  	s7 =	sld [smem:$0x3F96]  }
0x2d: {  	s3 =	simm.s32 $0x108;
	s8 =	sld [smem:$0x3F97]  }
0x2e: {  	s3 =	simm.s32 @!p0 $0x1082;
	s9 =	sld [smem:$0x3F98]  }
0x2f: {  	lr =	sadd.s32 s0, s3;
	s0 =	sld [smem:$0x3F8F]  }
0x30: {  	s3 =	sld [smem:$0x3F92]  }
0x31: {  	[smem:$0x3F9B] =	sst s10  }
0x32: {  	s10 =	sld [smem:$0x3F99];
	_ =	sdelay $0x3  }
0x33: {  	p0 =	seq.s32 s10, $0x1;
	s10 =	sld [smem:$0x3F9B];
	_ =	sdelay $0x3  }
0x34: {  	[smem:$0x3F9B] =	sst s10  }
0x35: {  	s10 =	sld [smem:$0x3F9A];
	_ =	sdelay $0x3  }
0x36: {  	p1 =	seq.s32 s10, $0x1;
	s10 =	sld [smem:$0x3F9B];
	_ =	sdelay $0x3  }
0x37: {  	[smem:$0x3F9B] =	sst s10  }
0x38: {  	s10 =	sld [smem:$0x3F9C]  }
0x39: {  	_ = 	snop;
	(pc) =	sbr.ind lr, $3  }
0x3a: {  	_ = 	snop  }
0x3b: {  	_ = 	snop  }
0x3c: {  	p2 =	seq.s32 s10, $0x1;
	s10 =	sld [smem:$0x3F9B]  }
0x3d: {  	_ =	shalt  }
0x3e: {  	_ =	shalt  }
0x3f: {  	_ =	shalt  }
0x40: {  	_ =	shalt  }
0x41: {  	_ =	shalt  }
0x42: {  	_ =	shalt  }
0x43: {  	_ =	shalt  }
0x44: {  	_ =	shalt  }
0x45: {  	_ =	shalt  }
0x46: {  	_ =	shalt  }
0x47: {  	_ =	shalt  }
0x48: {  	_ =	shalt  }
0x49: {  	_ =	shalt  }
0x4a: {  	_ =	shalt  }
0x4b: {  	_ =	shalt  }
0x4c: {  	_ =	shalt  }
0x4d: {  	_ =	shalt  }
0x4e: {  	_ =	shalt  }
0x4f: {  	_ =	shalt  }
0x50: {  	_ =	shalt  }
0x51: {  	_ =	shalt  }
0x52: {  	_ =	shalt  }
0x53: {  	_ =	shalt  }
0x54: {  	_ =	shalt  }
0x55: {  	_ =	shalt  }
0x56: {  	_ =	shalt  }
0x57: {  	_ =	shalt  }
0x58: {  	_ =	shalt  }
0x59: {  	_ =	shalt  }
0x5a: {  	_ =	shalt  }
0x5b: {  	_ =	shalt  }
0x5c: {  	_ =	shalt  }
0x5d: {  	_ =	shalt  }
0x5e: {  	_ =	shalt  }
0x5f: {  	_ =	shalt  }
0x60: {  	_ =	shalt  }
0x61: {  	_ =	shalt  }
0x62: {  	_ =	shalt  }
0x63: {  	_ =	shalt  }
0x64: {  	_ =	shalt  }
0x65: {  	_ =	shalt  }
0x66: {  	_ =	shalt  }
0x67: {  	_ =	shalt  }
0x68: {  	_ =	shalt  }
0x69: {  	_ =	shalt  }
0x6a: {  	_ =	shalt  }
0x6b: {  	_ =	shalt  }
0x6c: {  	_ =	shalt  }
0x6d: {  	_ =	shalt  }
0x6e: {  	_ =	shalt  }
0x6f: {  	_ =	shalt  }
0x70: {  	_ =	shalt  }
0x71: {  	_ =	shalt  }
0x72: {  	_ =	shalt  }
0x73: {  	_ =	shalt  }
0x74: {  	_ =	shalt  }
0x75: {  	_ =	shalt  }
0x76: {  	_ =	shalt  }
0x77: {  	_ =	shalt  }
0x78: {  	_ =	shalt  }
0x79: {  	_ =	shalt  }
0x7a: {  	_ =	shalt  }
0x7b: {  	_ =	shalt  }
0x7c: {  	_ =	shalt  }
0x7d: {  	_ =	shalt  }
0x7e: {  	_ =	shalt  }
0x7f: {  	_ =	shalt  }
0x80: {  	_ =	shalt  }
0x81: {  	_ =	shalt  }
0x82: {  	_ =	shalt  }
0x83: {  	_ =	shalt  }
0x84: {  	_ =	shalt  }
0x85: {  	_ =	shalt  }
0x86: {  	_ =	shalt  }
0x87: {  	_ =	shalt  }
.Lfunc_end0:
.L_simem_size_0:
called_computation_lowered:
.L_overlay_start_0:
0x88: {  	s2 =	sld [smem:$0x3FD9]  }
0x89: {  	s3 =	sld [smem:$0x3FFE];
	_ =	sdelay $0x1  }
0x8a: {  	s1 =	srdreg.scid  }
0x8b: {  	s0 =	sand.u32 $0x1, s1  }
0x8c: {  	s16 =	sshll.u32 s0, $0xA;
	s2 =	sadd.s32 s3, s2  }
0x8d: {  	s2 =	sadd.s32 s2, s16  }
0x8e: {  	[smem:$0x3FA7] =	sst s2  }
0x8f: {  	_ = 	snop  }
0x90: {  	(tm) =	ssettm $0x1  }
0x91: {  	s17 =	sld [smem:$0x3FFB];
	_ =	sdelay $0x3  }
0x92: {  	_ =	strace s17  }
0x93: {  	s2 =	sld [smem:$0x3FFC];
	_ =	sdelay $0x3  }
0x94: {  	_ =	strace s2  }
0x95: {  	s2 =	sld [smem:$0x3FFD];
	_ =	sdelay $0x3  }
0x96: {  	_ =	strace s2  }
0x97: {  	_ =	strace $0x8FFFFFFF  }
0x98: {  	s18 =	sld [smem:$0x3FDB];
	_ =	sdelay $0x1  }
0x99: {  	s19 =	simm.s32 $_scs_section_size  }
0x9a: {  	s4 =	simm.s32 $_size__tile_overlayer_lowered;
	s5 =	simm.s32 $_tile_overlayer_lowered  }
0x9b: {  	s22 =	simm.s32 $0x1BFF;
	s21 =	sshll.u32 s5, $0x1;
	s2 =	sadd.s32 s19, s18  }
0x9c: {  	s6 =	simm.s32 $0x0;
	s20 =	sshll.u32 s4, $0x1;
	s4 =	sadd.s32 s21, s2  }
0x9d: {  	[timem:s6], [sflag:s22] =	dma.local [hbm:s4], s20  }
0x9e: {  	_ =	swait.ge [sflag:s22], s20  }
0x9f: {  	s3 =	ssub.s32 $0x0, s20;
	[sflag:s22] =	ssyncset.done $0x0  }
0xa0: {  	[sflag:s22] =	ssyncadd.s32 s3;
	_ =	sdelay $0x1  }
0xa1: {  	s23 =	simm.s32 $0x1B8B  }
0xa2: {  	_ =	swait.ge [sflag:s23], $0x1  }
0xa3: {  	[sflag:s23] =	ssyncset.done $0x0  }
0xa4: {  	s25 =	simm.s32 $0x1B8E;
	s24 =	sld [smem:$0x3FFE];
	[sflag:s23] =	ssyncadd.s32 $0xFFFFFFFF  }
0xa5: {  	s26 =	simm.s32 $execute0_lowered;
	[smem:$0x3FD2] =	sst s25  }
0xa6: {  	s4 =	sshll.u32 s26, $0x1;
	_ =	strace $0x80000046;
	[dreg:$0x1] =	wrdreg $0xFFFFFFFF  }
0xa7: {  	s28 =	simm.s32 $_size_execute0_lowered;
	s2 =	sadd.s32 s2, s4;
	[dreg:$0x0] =	wrdreg $0x0  }
0xa8: {  	s4 =	sshll.u32 s28, $0x1;
	[dreg:$0x2] =	wrdreg s2  }
0xa9: {  	[dreg:$0x3] =	wrdreg s4  }
0xaa: {  	[dreg:$0x4] =	wrdreg $0xC0  }
0xab: {  	_ =	task [dreg:s6], $0x5FFFF  }
0xac: {  	[dreg:$0x1] =	wrdreg $0xFFFFFFFF  }
0xad: {  	[dreg:$0x0] =	wrdreg $0x60  }
0xae: {  	[dreg:$0x2] =	wrdreg s24  }
0xaf: {  	[dreg:$0x3] =	wrdreg $0x9  }
0xb0: {  	_ =	task.clear_ibuf [dreg:s6], $0x4FFFF;
	_ =	strace $0x90000046  }
0xb1: {  	s29 =	simm.s32 $0x9;
	_ =	strace $0x80000048  }
0xb2: {  	_ =	swait.ge [sflag:s29], $0x1  }
0xb3: {  	[sflag:s29] =	ssyncadd.s32 $0xFFFFFFFF  }
0xb4: {  	_ =	strace $0x90000048  }
0xb5: {  	_ =	sfence  }
0xb6: {  	s30 =	sld [smem:$0x0];
	_ =	sdelay $0x2  }
0xb7: {  	s31 =	sshll.u32 s1, $0xD;
	s1 =	sshrl.u32 s1, $0x2  }
0xb8: {  	s3 =	sand.u32 $0x4000, s31;
	s1 =	sadd.s32 s1, s30  }
0xb9: {  	s0 =	sor.u32 s3, s0;
	s1 =	sshll.u32 s1, $0x11  }
0xba: {  	s0 =	sor.u32 s1, s0  }
0xbb: {  	s0 =	sadd.s32 $0x8F2B, s0  }
0xbc: {  	[sflag:s0] =	ssyncadd.remote.s32 $0x1  }
0xbd: {  	_ =	sfence.sel $0xFFFF  }
0xbe: {  	[dreg:$0x0] =	wrdreg $0xFFFFFFFF;
	(pc) =	sbr.abs _section_cstart, $3  }
0xbf: {  	[dreg:$0x1] =	wrdreg $0xFFFFFFFF  }
0xc0: {  	_ =	task.clear_ibuf [dreg:s6], $0x2FFFF;
	_ =	strace $0x9FFFFFFF  }
0xc1: {  	(tm) =	ssettm $0x7FFFFFFF  }
tec
execute0_lowered:
.L_overlay_start_1:
0x0: {  	(tag) =	ssettag $0x1  }
0x1: {  	s1 =	srdreg.scid;
	s0 =	stileid.u32  }
0x2: {  	s3 =	rddreg [dreg:$0x0];
	s8 =	simm.s32 $0x80;
	s9 =	simm.s32 $0x400  }
0x3: {  	s4 =	sand.u32 $0x1, s1;
	s2 =	sshll.u32 s0, $0x1;
	s1 =	rddreg [dreg:$0x1]  }
0x4: {  	s6 =	sshrl.u32 s0, $0x2;
	s5 =	sor.u32 s4, s2;
	s2 =	simm.s32 $0x0  }
0x5: {  	s6 =	smul.u32 $0x1400, s6;
	s4 =	ssub.s32 $0x2, s4;
	s7 =	sshll.u32 s5, $0x7  }
0x6: {  	[smem:$0x7FF] =	sst s2;
	s5 =	smul.u32 $0xD4, s5;
	s7 =	sand.u32 $0x380, s7  }
0x7: {  	s31 =	sshrl.u32 s4, $0x1;
	_ =	strace $0x80000047;
	s6 =	sor.u32 s6, s7  }
0x8: {  	s5 =	sadd.s32 s5, s3;
	s7 =	ssub.s32 s4, s31;
	s6 =	sshrl.u32 s6, $0x3  }
0x9: {  	s6 =	sadd.s32 s6, s3;
	s3 =	sadd.s32 $0x10A00, s5;
	s5 =	smax.u32 s7, $0x1  }
0xa: {  	v0 =	vimm.f32 $0.0e+00;
	v1 =	vimm.f32 $1.000000000e+00;
	s7 =	simm.s32 $0x700;
	s4 =	sadd.s32 $0x12600, s6;
	s6 =	simm.s32 $0x1  }
.LBB2_1:
0xb: {  	[tilespmem:s2], [sflag:$0x1] =	stream.linear.gather [hbm4b:s3+s2], $0x6A0, $0x38;
	[tilespmem:$0x980] =	vst v63  }
0xc: {  	_ =	swait.ge [sflag:s6], $0x6A0  }
0xd: {  	[sflag:s6] =	ssyncset.done $0x0  }
0xe: {  	[sflag:s6] =	ssyncadd.s32 $0xFFFFF960  }
0xf: {  	[tilespmem:$0x700] =	vst v0  }
0x10: {  	[tilespmem:$0x710] =	vst v0  }
0x11: {  	[tilespmem:$0x720] =	vst v0  }
0x12: {  	[tilespmem:$0x730] =	vst v0  }
0x13: {  	[tilespmem:$0x740] =	vst v0  }
0x14: {  	[tilespmem:$0x750] =	vst v0  }
0x15: {  	[tilespmem:$0x760] =	vst v0  }
0x16: {  	[tilespmem:$0x770] =	vst v0  }
0x17: {  	[tilespmem:$0x780] =	vst v0  }
0x18: {  	[tilespmem:$0x790] =	vst v0  }
0x19: {  	[tilespmem:$0x7A0] =	vst v0  }
0x1a: {  	[tilespmem:$0x7B0] =	vst v0  }
0x1b: {  	[tilespmem:$0x7C0] =	vst v0  }
0x1c: {  	[tilespmem:$0x7D0] =	vst v0  }
0x1d: {  	[tilespmem:$0x7E0] =	vst v0  }
0x1e: {  	[tilespmem:$0x7F0] =	vst v0  }
0x1f: {  	[tilespmem:$0x800] =	vst v0  }
0x20: {  	[tilespmem:$0x810] =	vst v0  }
0x21: {  	[tilespmem:$0x820] =	vst v0  }
0x22: {  	[tilespmem:$0x830] =	vst v0  }
0x23: {  	[tilespmem:$0x840] =	vst v0  }
0x24: {  	[tilespmem:$0x850] =	vst v0  }
0x25: {  	[tilespmem:$0x860] =	vst v0  }
0x26: {  	[tilespmem:$0x870] =	vst v0  }
0x27: {  	[tilespmem:$0x880] =	vst v0  }
0x28: {  	[tilespmem:$0x890] =	vst v0;
	v2 =	vld [tilespmem:$0x0]  }
0x29: {  	[tilespmem:$0x8A0] =	vst v0  }
0x2a: {  	[tilespmem:$0x8B0] =	vst v0  }
0x2b: {  	[tilespmem:$0x8C0] =	vst v0  }
0x2c: {  	[tilespmem:$0x8D0] =	vst v0  }
0x2d: {  	[tilespmem:$0x8E0] =	vst v0  }
0x2e: {  	[tilespmem:$0x8F0] =	vst v0  }
0x2f: {  	[tilespmem:$0x900] =	vst v0  }
0x30: {  	[tilespmem:v2+s7+$0x0] =	vst.idx.add.f32.msk $0xffff, v1  }
0x31: {  	v2 =	vld [tilespmem:$0x10];
	_ =	sdelay $0x7  }
0x32: {  	[tilespmem:v2+s7+$0x0] =	vst.idx.add.f32.msk $0xffff, v1  }
0x33: {  	v2 =	vld [tilespmem:$0x20];
	_ =	sdelay $0x7  }
0x34: {  	[tilespmem:v2+s7+$0x0] =	vst.idx.add.f32.msk $0xffff, v1  }
0x35: {  	v2 =	vld [tilespmem:$0x30];
	_ =	sdelay $0x7  }
0x36: {  	[tilespmem:v2+s7+$0x0] =	vst.idx.add.f32.msk $0xffff, v1  }
0x37: {  	v2 =	vld [tilespmem:$0x40];
	_ =	sdelay $0x7  }
0x38: {  	[tilespmem:v2+s7+$0x0] =	vst.idx.add.f32.msk $0xffff, v1  }
0x39: {  	v2 =	vld [tilespmem:$0x50];
	_ =	sdelay $0x7  }
0x3a: {  	[tilespmem:v2+s7+$0x0] =	vst.idx.add.f32.msk $0xffff, v1  }
0x3b: {  	v2 =	vld [tilespmem:$0x60];
	_ =	sdelay $0x7  }
0x3c: {  	[tilespmem:v2+s7+$0x0] =	vst.idx.add.f32.msk $0xffff, v1  }
0x3d: {  	v2 =	vld [tilespmem:$0x70];
	_ =	sdelay $0x7  }
0x3e: {  	[tilespmem:v2+s7+$0x0] =	vst.idx.add.f32.msk $0xffff, v1  }
0x3f: {  	v2 =	vld [tilespmem:$0x80];
	_ =	sdelay $0x7  }
0x40: {  	[tilespmem:v2+s7+$0x0] =	vst.idx.add.f32.msk $0xffff, v1  }
0x41: {  	v2 =	vld [tilespmem:$0x90];
	_ =	sdelay $0x7  }
0x42: {  	[tilespmem:v2+s7+$0x0] =	vst.idx.add.f32.msk $0xffff, v1  }
0x43: {  	v2 =	vld [tilespmem:$0xA0];
	_ =	sdelay $0x7  }
0x44: {  	[tilespmem:v2+s7+$0x0] =	vst.idx.add.f32.msk $0xffff, v1  }
0x45: {  	v2 =	vld [tilespmem:$0xB0];
	_ =	sdelay $0x7  }
0x46: {  	[tilespmem:v2+s7+$0x0] =	vst.idx.add.f32.msk $0xffff, v1  }
0x47: {  	v2 =	vld [tilespmem:$0xC0];
	_ =	sdelay $0x7  }
0x48: {  	[tilespmem:v2+s7+$0x0] =	vst.idx.add.f32.msk $0xffff, v1  }
0x49: {  	v2 =	vld [tilespmem:$0xD0];
	_ =	sdelay $0x7  }
0x4a: {  	[tilespmem:v2+s7+$0x0] =	vst.idx.add.f32.msk $0xffff, v1  }
0x4b: {  	v2 =	vld [tilespmem:$0xE0];
	_ =	sdelay $0x7  }
0x4c: {  	[tilespmem:v2+s7+$0x0] =	vst.idx.add.f32.msk $0xffff, v1  }
0x4d: {  	v2 =	vld [tilespmem:$0xF0];
	_ =	sdelay $0x7  }
0x4e: {  	[tilespmem:v2+s7+$0x0] =	vst.idx.add.f32.msk $0xffff, v1  }
0x4f: {  	v2 =	vld [tilespmem:$0x100];
	_ =	sdelay $0x7  }
0x50: {  	[tilespmem:v2+s7+$0x0] =	vst.idx.add.f32.msk $0xffff, v1  }
0x51: {  	v2 =	vld [tilespmem:$0x110];
	_ =	sdelay $0x7  }
0x52: {  	[tilespmem:v2+s7+$0x0] =	vst.idx.add.f32.msk $0xffff, v1  }
0x53: {  	v2 =	vld [tilespmem:$0x120];
	_ =	sdelay $0x7  }
0x54: {  	[tilespmem:v2+s7+$0x0] =	vst.idx.add.f32.msk $0xffff, v1  }
0x55: {  	v2 =	vld [tilespmem:$0x130];
	_ =	sdelay $0x7  }
0x56: {  	[tilespmem:v2+s7+$0x0] =	vst.idx.add.f32.msk $0xffff, v1  }
0x57: {  	v2 =	vld [tilespmem:$0x140];
	_ =	sdelay $0x7  }
0x58: {  	[tilespmem:v2+s7+$0x0] =	vst.idx.add.f32.msk $0xffff, v1  }
0x59: {  	v2 =	vld [tilespmem:$0x150];
	_ =	sdelay $0x7  }
0x5a: {  	[tilespmem:v2+s7+$0x0] =	vst.idx.add.f32.msk $0xffff, v1  }
0x5b: {  	v2 =	vld [tilespmem:$0x160];
	_ =	sdelay $0x7  }
0x5c: {  	[tilespmem:v2+s7+$0x0] =	vst.idx.add.f32.msk $0xffff, v1  }
0x5d: {  	v2 =	vld [tilespmem:$0x170];
	_ =	sdelay $0x7  }
0x5e: {  	[tilespmem:v2+s7+$0x0] =	vst.idx.add.f32.msk $0xffff, v1  }
0x5f: {  	v2 =	vld [tilespmem:$0x180];
	_ =	sdelay $0x7  }
0x60: {  	[tilespmem:v2+s7+$0x0] =	vst.idx.add.f32.msk $0xffff, v1  }
0x61: {  	v2 =	vld [tilespmem:$0x190];
	_ =	sdelay $0x7  }
0x62: {  	[tilespmem:v2+s7+$0x0] =	vst.idx.add.f32.msk $0xffff, v1  }
0x63: {  	v2 =	vld [tilespmem:$0x1A0];
	_ =	sdelay $0x7  }
0x64: {  	[tilespmem:v2+s7+$0x0] =	vst.idx.add.f32.msk $0xffff, v1  }
0x65: {  	v2 =	vld [tilespmem:$0x1B0];
	_ =	sdelay $0x7  }
0x66: {  	[tilespmem:v2+s7+$0x0] =	vst.idx.add.f32.msk $0xffff, v1  }
0x67: {  	v2 =	vld [tilespmem:$0x1C0];
	_ =	sdelay $0x7  }
0x68: {  	[tilespmem:v2+s7+$0x0] =	vst.idx.add.f32.msk $0xffff, v1  }
0x69: {  	v2 =	vld [tilespmem:$0x1D0];
	_ =	sdelay $0x7  }
0x6a: {  	[tilespmem:v2+s7+$0x0] =	vst.idx.add.f32.msk $0xffff, v1  }
0x6b: {  	v2 =	vld [tilespmem:$0x1E0];
	_ =	sdelay $0x7  }
0x6c: {  	[tilespmem:v2+s7+$0x0] =	vst.idx.add.f32.msk $0xffff, v1  }
0x6d: {  	v2 =	vld [tilespmem:$0x1F0];
	_ =	sdelay $0x7  }
0x6e: {  	[tilespmem:v2+s7+$0x0] =	vst.idx.add.f32.msk $0xffff, v1  }
0x6f: {  	v2 =	vld [tilespmem:$0x200];
	_ =	sdelay $0x7  }
0x70: {  	[tilespmem:v2+s7+$0x0] =	vst.idx.add.f32.msk $0xffff, v1  }
0x71: {  	v2 =	vld [tilespmem:$0x210];
	_ =	sdelay $0x7  }
0x72: {  	[tilespmem:v2+s7+$0x0] =	vst.idx.add.f32.msk $0xffff, v1  }
0x73: {  	v2 =	vld [tilespmem:$0x220];
	_ =	sdelay $0x7  }
0x74: {  	[tilespmem:v2+s7+$0x0] =	vst.idx.add.f32.msk $0xffff, v1  }
0x75: {  	v2 =	vld [tilespmem:$0x230];
	_ =	sdelay $0x7  }
0x76: {  	[tilespmem:v2+s7+$0x0] =	vst.idx.add.f32.msk $0xffff, v1  }
0x77: {  	v2 =	vld [tilespmem:$0x240];
	_ =	sdelay $0x7  }
0x78: {  	[tilespmem:v2+s7+$0x0] =	vst.idx.add.f32.msk $0xffff, v1  }
0x79: {  	v2 =	vld [tilespmem:$0x250];
	_ =	sdelay $0x7  }
0x7a: {  	[tilespmem:v2+s7+$0x0] =	vst.idx.add.f32.msk $0xffff, v1  }
0x7b: {  	v2 =	vld [tilespmem:$0x260];
	_ =	sdelay $0x7  }
0x7c: {  	[tilespmem:v2+s7+$0x0] =	vst.idx.add.f32.msk $0xffff, v1  }
0x7d: {  	v2 =	vld [tilespmem:$0x270];
	_ =	sdelay $0x7  }
0x7e: {  	[tilespmem:v2+s7+$0x0] =	vst.idx.add.f32.msk $0xffff, v1  }
0x7f: {  	v2 =	vld [tilespmem:$0x280];
	_ =	sdelay $0x7  }
0x80: {  	[tilespmem:v2+s7+$0x0] =	vst.idx.add.f32.msk $0xffff, v1  }
0x81: {  	v2 =	vld [tilespmem:$0x290];
	_ =	sdelay $0x7  }
0x82: {  	[tilespmem:v2+s7+$0x0] =	vst.idx.add.f32.msk $0xffff, v1  }
0x83: {  	v2 =	vld [tilespmem:$0x2A0];
	_ =	sdelay $0x7  }
0x84: {  	[tilespmem:v2+s7+$0x0] =	vst.idx.add.f32.msk $0xffff, v1  }
0x85: {  	v2 =	vld [tilespmem:$0x2B0];
	_ =	sdelay $0x7  }
0x86: {  	[tilespmem:v2+s7+$0x0] =	vst.idx.add.f32.msk $0xffff, v1  }
0x87: {  	v2 =	vld [tilespmem:$0x2C0];
	_ =	sdelay $0x7  }
0x88: {  	[tilespmem:v2+s7+$0x0] =	vst.idx.add.f32.msk $0xffff, v1  }
0x89: {  	v2 =	vld [tilespmem:$0x2D0];
	_ =	sdelay $0x7  }
0x8a: {  	[tilespmem:v2+s7+$0x0] =	vst.idx.add.f32.msk $0xffff, v1  }
0x8b: {  	v2 =	vld [tilespmem:$0x2E0];
	_ =	sdelay $0x7  }
0x8c: {  	[tilespmem:v2+s7+$0x0] =	vst.idx.add.f32.msk $0xffff, v1  }
0x8d: {  	v2 =	vld [tilespmem:$0x2F0];
	_ =	sdelay $0x7  }
0x8e: {  	[tilespmem:v2+s7+$0x0] =	vst.idx.add.f32.msk $0xffff, v1  }
0x8f: {  	v2 =	vld [tilespmem:$0x300];
	_ =	sdelay $0x7  }
0x90: {  	[tilespmem:v2+s7+$0x0] =	vst.idx.add.f32.msk $0xffff, v1  }
0x91: {  	v2 =	vld [tilespmem:$0x310];
	_ =	sdelay $0x7  }
0x92: {  	[tilespmem:v2+s7+$0x0] =	vst.idx.add.f32.msk $0xffff, v1  }
0x93: {  	v2 =	vld [tilespmem:$0x320];
	_ =	sdelay $0x7  }
0x94: {  	[tilespmem:v2+s7+$0x0] =	vst.idx.add.f32.msk $0xffff, v1  }
0x95: {  	v2 =	vld [tilespmem:$0x330];
	_ =	sdelay $0x7  }
0x96: {  	[tilespmem:v2+s7+$0x0] =	vst.idx.add.f32.msk $0xffff, v1  }
0x97: {  	v2 =	vld [tilespmem:$0x340];
	_ =	sdelay $0x7  }
0x98: {  	[tilespmem:v2+s7+$0x0] =	vst.idx.add.f32.msk $0xffff, v1  }
0x99: {  	v2 =	vld [tilespmem:$0x350];
	_ =	sdelay $0x7  }
0x9a: {  	[tilespmem:v2+s7+$0x0] =	vst.idx.add.f32.msk $0xffff, v1  }
0x9b: {  	v2 =	vld [tilespmem:$0x360];
	_ =	sdelay $0x7  }
0x9c: {  	[tilespmem:v2+s7+$0x0] =	vst.idx.add.f32.msk $0xffff, v1  }
0x9d: {  	v2 =	vld [tilespmem:$0x370];
	_ =	sdelay $0x7  }
0x9e: {  	[tilespmem:v2+s7+$0x0] =	vst.idx.add.f32.msk $0xffff, v1  }
0x9f: {  	v2 =	vld [tilespmem:$0x380];
	_ =	sdelay $0x7  }
0xa0: {  	[tilespmem:v2+s7+$0x0] =	vst.idx.add.f32.msk $0xffff, v1  }
0xa1: {  	v2 =	vld [tilespmem:$0x390];
	_ =	sdelay $0x7  }
0xa2: {  	[tilespmem:v2+s7+$0x0] =	vst.idx.add.f32.msk $0xffff, v1  }
0xa3: {  	v2 =	vld [tilespmem:$0x3A0];
	_ =	sdelay $0x7  }
0xa4: {  	[tilespmem:v2+s7+$0x0] =	vst.idx.add.f32.msk $0xffff, v1  }
0xa5: {  	v2 =	vld [tilespmem:$0x3B0];
	_ =	sdelay $0x7  }
0xa6: {  	[tilespmem:v2+s7+$0x0] =	vst.idx.add.f32.msk $0xffff, v1  }
0xa7: {  	v2 =	vld [tilespmem:$0x3C0];
	_ =	sdelay $0x7  }
0xa8: {  	[tilespmem:v2+s7+$0x0] =	vst.idx.add.f32.msk $0xffff, v1  }
0xa9: {  	v2 =	vld [tilespmem:$0x3D0];
	_ =	sdelay $0x7  }
0xaa: {  	[tilespmem:v2+s7+$0x0] =	vst.idx.add.f32.msk $0xffff, v1  }
0xab: {  	v2 =	vld [tilespmem:$0x3E0];
	_ =	sdelay $0x7  }
0xac: {  	[tilespmem:v2+s7+$0x0] =	vst.idx.add.f32.msk $0xffff, v1  }
0xad: {  	v2 =	vld [tilespmem:$0x3F0];
	_ =	sdelay $0x7  }
0xae: {  	[tilespmem:v2+s7+$0x0] =	vst.idx.add.f32.msk $0xffff, v1  }
0xaf: {  	v2 =	vld [tilespmem:$0x400];
	_ =	sdelay $0x7  }
0xb0: {  	[tilespmem:v2+s7+$0x0] =	vst.idx.add.f32.msk $0xffff, v1  }
0xb1: {  	v2 =	vld [tilespmem:$0x410];
	_ =	sdelay $0x7  }
0xb2: {  	[tilespmem:v2+s7+$0x0] =	vst.idx.add.f32.msk $0xffff, v1  }
0xb3: {  	v2 =	vld [tilespmem:$0x420];
	_ =	sdelay $0x7  }
0xb4: {  	[tilespmem:v2+s7+$0x0] =	vst.idx.add.f32.msk $0xffff, v1  }
0xb5: {  	v2 =	vld [tilespmem:$0x430];
	_ =	sdelay $0x7  }
0xb6: {  	[tilespmem:v2+s7+$0x0] =	vst.idx.add.f32.msk $0xffff, v1  }
0xb7: {  	v2 =	vld [tilespmem:$0x440];
	_ =	sdelay $0x7  }
0xb8: {  	[tilespmem:v2+s7+$0x0] =	vst.idx.add.f32.msk $0xffff, v1  }
0xb9: {  	v2 =	vld [tilespmem:$0x450];
	_ =	sdelay $0x7  }
0xba: {  	[tilespmem:v2+s7+$0x0] =	vst.idx.add.f32.msk $0xffff, v1  }
0xbb: {  	v2 =	vld [tilespmem:$0x460];
	_ =	sdelay $0x7  }
0xbc: {  	[tilespmem:v2+s7+$0x0] =	vst.idx.add.f32.msk $0xffff, v1  }
0xbd: {  	v2 =	vld [tilespmem:$0x470];
	_ =	sdelay $0x7  }
0xbe: {  	[tilespmem:v2+s7+$0x0] =	vst.idx.add.f32.msk $0xffff, v1  }
0xbf: {  	v2 =	vld [tilespmem:$0x480];
	_ =	sdelay $0x7  }
0xc0: {  	[tilespmem:v2+s7+$0x0] =	vst.idx.add.f32.msk $0xffff, v1  }
0xc1: {  	v2 =	vld [tilespmem:$0x490];
	_ =	sdelay $0x7  }
0xc2: {  	[tilespmem:v2+s7+$0x0] =	vst.idx.add.f32.msk $0xffff, v1  }
0xc3: {  	v2 =	vld [tilespmem:$0x4A0];
	_ =	sdelay $0x7  }
0xc4: {  	[tilespmem:v2+s7+$0x0] =	vst.idx.add.f32.msk $0xffff, v1  }
0xc5: {  	v2 =	vld [tilespmem:$0x4B0];
	_ =	sdelay $0x7  }
0xc6: {  	[tilespmem:v2+s7+$0x0] =	vst.idx.add.f32.msk $0xffff, v1  }
0xc7: {  	v2 =	vld [tilespmem:$0x4C0];
	_ =	sdelay $0x7  }
0xc8: {  	[tilespmem:v2+s7+$0x0] =	vst.idx.add.f32.msk $0xffff, v1  }
0xc9: {  	v2 =	vld [tilespmem:$0x4D0];
	_ =	sdelay $0x7  }
0xca: {  	[tilespmem:v2+s7+$0x0] =	vst.idx.add.f32.msk $0xffff, v1  }
0xcb: {  	v2 =	vld [tilespmem:$0x4E0];
	_ =	sdelay $0x7  }
0xcc: {  	[tilespmem:v2+s7+$0x0] =	vst.idx.add.f32.msk $0xffff, v1  }
0xcd: {  	v2 =	vld [tilespmem:$0x4F0];
	_ =	sdelay $0x7  }
0xce: {  	[tilespmem:v2+s7+$0x0] =	vst.idx.add.f32.msk $0xffff, v1  }
0xcf: {  	v2 =	vld [tilespmem:$0x500];
	_ =	sdelay $0x7  }
0xd0: {  	[tilespmem:v2+s7+$0x0] =	vst.idx.add.f32.msk $0xffff, v1  }
0xd1: {  	v2 =	vld [tilespmem:$0x510];
	_ =	sdelay $0x7  }
0xd2: {  	[tilespmem:v2+s7+$0x0] =	vst.idx.add.f32.msk $0xffff, v1  }
0xd3: {  	v2 =	vld [tilespmem:$0x520];
	_ =	sdelay $0x7  }
0xd4: {  	[tilespmem:v2+s7+$0x0] =	vst.idx.add.f32.msk $0xffff, v1  }
0xd5: {  	v2 =	vld [tilespmem:$0x530];
	_ =	sdelay $0x7  }
0xd6: {  	[tilespmem:v2+s7+$0x0] =	vst.idx.add.f32.msk $0xffff, v1  }
0xd7: {  	v2 =	vld [tilespmem:$0x540];
	_ =	sdelay $0x7  }
0xd8: {  	[tilespmem:v2+s7+$0x0] =	vst.idx.add.f32.msk $0xffff, v1  }
0xd9: {  	v2 =	vld [tilespmem:$0x550];
	_ =	sdelay $0x7  }
0xda: {  	[tilespmem:v2+s7+$0x0] =	vst.idx.add.f32.msk $0xffff, v1  }
0xdb: {  	v2 =	vld [tilespmem:$0x560];
	_ =	sdelay $0x7  }
0xdc: {  	[tilespmem:v2+s7+$0x0] =	vst.idx.add.f32.msk $0xffff, v1  }
0xdd: {  	v2 =	vld [tilespmem:$0x570];
	_ =	sdelay $0x7  }
0xde: {  	[tilespmem:v2+s7+$0x0] =	vst.idx.add.f32.msk $0xffff, v1  }
0xdf: {  	v2 =	vld [tilespmem:$0x580];
	_ =	sdelay $0x7  }
0xe0: {  	[tilespmem:v2+s7+$0x0] =	vst.idx.add.f32.msk $0xffff, v1  }
0xe1: {  	v2 =	vld [tilespmem:$0x590];
	_ =	sdelay $0x7  }
0xe2: {  	[tilespmem:v2+s7+$0x0] =	vst.idx.add.f32.msk $0xffff, v1  }
0xe3: {  	v2 =	vld [tilespmem:$0x5A0];
	_ =	sdelay $0x7  }
0xe4: {  	[tilespmem:v2+s7+$0x0] =	vst.idx.add.f32.msk $0xffff, v1  }
0xe5: {  	v2 =	vld [tilespmem:$0x5B0];
	_ =	sdelay $0x7  }
0xe6: {  	[tilespmem:v2+s7+$0x0] =	vst.idx.add.f32.msk $0xffff, v1  }
0xe7: {  	v2 =	vld [tilespmem:$0x5C0];
	_ =	sdelay $0x7  }
0xe8: {  	[tilespmem:v2+s7+$0x0] =	vst.idx.add.f32.msk $0xffff, v1  }
0xe9: {  	v2 =	vld [tilespmem:$0x5D0];
	_ =	sdelay $0x7  }
0xea: {  	[tilespmem:v2+s7+$0x0] =	vst.idx.add.f32.msk $0xffff, v1  }
0xeb: {  	v2 =	vld [tilespmem:$0x5E0];
	_ =	sdelay $0x7  }
0xec: {  	[tilespmem:v2+s7+$0x0] =	vst.idx.add.f32.msk $0xffff, v1  }
0xed: {  	v2 =	vld [tilespmem:$0x5F0];
	_ =	sdelay $0x7  }
0xee: {  	[tilespmem:v2+s7+$0x0] =	vst.idx.add.f32.msk $0xffff, v1  }
0xef: {  	v2 =	vld [tilespmem:$0x600];
	_ =	sdelay $0x7  }
0xf0: {  	[tilespmem:v2+s7+$0x0] =	vst.idx.add.f32.msk $0xffff, v1  }
0xf1: {  	v2 =	vld [tilespmem:$0x610];
	_ =	sdelay $0x7  }
0xf2: {  	[tilespmem:v2+s7+$0x0] =	vst.idx.add.f32.msk $0xffff, v1  }
0xf3: {  	v2 =	vld [tilespmem:$0x620];
	_ =	sdelay $0x7  }
0xf4: {  	[tilespmem:v2+s7+$0x0] =	vst.idx.add.f32.msk $0xffff, v1  }
0xf5: {  	v2 =	vld [tilespmem:$0x630];
	_ =	sdelay $0x7  }
0xf6: {  	[tilespmem:v2+s7+$0x0] =	vst.idx.add.f32.msk $0xffff, v1  }
0xf7: {  	v2 =	vld [tilespmem:$0x640];
	_ =	sdelay $0x7  }
0xf8: {  	[tilespmem:v2+s7+$0x0] =	vst.idx.add.f32.msk $0xffff, v1  }
0xf9: {  	v2 =	vld [tilespmem:$0x650];
	_ =	sdelay $0x7  }
0xfa: {  	[tilespmem:v2+s7+$0x0] =	vst.idx.add.f32.msk $0xffff, v1  }
0xfb: {  	v2 =	vld [tilespmem:$0x660];
	_ =	sdelay $0x7  }
0xfc: {  	[tilespmem:v2+s7+$0x0] =	vst.idx.add.f32.msk $0xffff, v1  }
0xfd: {  	v2 =	vld [tilespmem:$0x670];
	_ =	sdelay $0x7  }
0xfe: {  	[tilespmem:v2+s7+$0x0] =	vst.idx.add.f32.msk $0xffff, v1  }
0xff: {  	v2 =	vld [tilespmem:$0x680];
	_ =	sdelay $0x7  }
0x100: {  	[tilespmem:v2+s7+$0x0] =	vst.idx.add.f32.msk $0xffff, v1  }
0x101: {  	v2 =	vld [tilespmem:$0x690];
	_ =	sdelay $0x6  }
0x102: {  	p0 =	sne.s32 s5, $0x1  }
.Ltmp0:
0x103: {  	[tilespmem:v2+s7+$0x0] =	vst.idx.add.f32.msk $0xffff, v1;
	(pc) =	sbr.rel @p0 .LBB2_1-.Ltmp0, $4  }
0x104: {  	[hbm4b:s4+s8] =	stream.strided.scatter [tilespmem:s7], [sflag:$0x1], $0x280, s9, s8, $0x38;
	[tilespmem:$0x980] =	vst v63  }
0x105: {  	_ =	swait.ge [sflag:s6], $0x280  }
0x106: {  	[sflag:s6] =	ssyncset.done $0x0  }
0x107: {  	s5 =	sadd.s32 $0xFFFFFFFF, s5;
	[sflag:s6] =	ssyncadd.s32 $0xFFFFFD80  }
0x108: {  	_ =	sfence.sel $0x180000  }
0x109: {  	[bflag:$0x0] =	sbarrier.arrive $0xFFFF  }
0x10a: {  	p0 =	sne.s32 s0, $0x0;
	_ =	strace $0x90000047  }
0x10b: {  	s0 =	sadd.s32 @!p0 $0x100000, s1;
	[bflag:$0x2] =	sbarrier.arrive $0xFFFF  }
0x10c: {  	[sflag:s0] =	ssyncadd.tile.s32 @!p0 $0x1;
	_ =	shalt  }
.Lfunc_end2:
_tile_overlayer_lowered:
.L_overlay_start_2:
0x10d: {  	(tag) =	ssettag $0x2  }
0x10e: {  	s0 =	rddreg [dreg:$0x0];
	s2 =	stileid.u32  }
0x10f: {  	s1 =	rddreg [dreg:$0x1];
	p0 =	sne.s32 s2, $0x0  }
0x110: {  	s3 =	rddreg [dreg:$0x2];
	[bflag:$0x3] =	sbarrier.arrive $0xFFFF;
	s2 =	simm.s32 @!p0 $0x1C01  }
0x111: {  	[timem:s3], [sflag:s2] =	dma.local @!p0 [hbm:s0], s1  }
0x112: {  	s0 =	simm.s32 @!p0 $0x1  }
0x113: {  	_ =	swait.ge @!p0 [sflag:s0], s1  }
0x114: {  	s1 =	ssub.s32 @!p0 $0x0, s1;
	[sflag:s0] =	ssyncset.done @!p0 $0x0  }
0x115: {  	[sflag:s0] =	ssyncadd.s32 @!p0 s1  }
0x116: {  	[bflag:$0x3] =	sbarrier.arrive $0xFFFF  }
0x117: {  	_ =	shalt  }

</sc_bundles>
